<compile_context>
chip_gen: v7x
topology: tpu7x:2x2x1
jax: 0.10.2.dev20260603
libtpu: 0.0.44.dev20260713+nightly
codegen_flags: <defaults>
</compile_context>

<pallas_src>
import functools

import jax
import jax.numpy as jnp
from jax import lax
from jax.experimental import pallas as pl
from jax.experimental.pallas import tpu as pltpu
from jax.experimental.pallas import tpu_sc as plsc

N_NODES = 10000
N_PAD = 10240
N_EDGES = 320000
D = 128
DEGW = 16

NC = 2
NS = 16
NW = NC * NS
CHUNK = 128
NCHUNK = 80
EPW = NCHUNK * CHUNK
E_PAD = NW * EPW
CPP = 8
NPHASE = NCHUNK // CPP
RPS = N_PAD // NS


def _sc_aggregate(x, src3d, dst3d):
    mesh = plsc.VectorSubcoreMesh(core_axis_name="c", subcore_axis_name="s")

    @functools.partial(
        pl.kernel,
        mesh=mesh,
        out_type=jax.ShapeDtypeStruct((NC, N_PAD, D), jnp.float32),
        scratch_types=[
            pltpu.VMEM((CPP, CHUNK), jnp.int32),
            pltpu.VMEM((CPP, CHUNK), jnp.int32),
            pltpu.VMEM((CPP, CHUNK), jnp.int32),
            pltpu.VMEM((CPP, CHUNK), jnp.int32),
            pltpu.VMEM((CHUNK, D), jnp.float32),
            pltpu.VMEM((CHUNK, D), jnp.float32),
            pltpu.VMEM_SHARED((N_PAD, D), jnp.float32),
            pltpu.SemaphoreType.DMA,
            pltpu.SemaphoreType.DMA,
            pltpu.SemaphoreType.DMA,
        ],
        compiler_params=pltpu.CompilerParams(use_tc_tiling_on_sc=True),
    )
    def body(x_hbm, src_hbm, dst_hbm, agg_out, src_v0, dst_v0, src_v1,
             dst_v1, rows_a, rows_b, agg_sh, sem_a, sem_b, sem_i):
        c = lax.axis_index("c")
        s = lax.axis_index("s")
        wid = c * NS + s
        slabs = ((src_v0, dst_v0), (src_v1, dst_v1))

        pltpu.async_copy(src_hbm.at[wid, pl.ds(0, CPP)], src_v0, sem_i)
        pltpu.async_copy(dst_hbm.at[wid, pl.ds(0, CPP)], dst_v0, sem_i)

        def zero_rows(i, carry):
            for k in range(D // 16):
                rows_a[i, pl.ds(k * 16, 16)] = jnp.zeros((16,), jnp.float32)
            return carry
        lax.fori_loop(0, CHUNK, zero_rows, 0)
        for b in range(RPS // CHUNK):
            pltpu.sync_copy(rows_a,
                            agg_sh.at[pl.ds(s * RPS + b * CHUNK, CHUNK)])

        def iwait(sv, dv):
            pltpu.make_async_copy(src_hbm.at[wid, pl.ds(0, CPP)], sv,
                                  sem_i).wait()
            pltpu.make_async_copy(dst_hbm.at[wid, pl.ds(0, CPP)], dv,
                                  sem_i).wait()

        def gwait(buf, sem):
            pltpu.make_async_copy(x_hbm.at[pl.ds(0, CHUNK)], buf, sem).wait()

        iwait(src_v0, dst_v0)
        pltpu.async_copy(x_hbm.at[src_v0.at[0]], rows_a, sem_a)

        plsc.subcore_barrier()

        for p in range(NPHASE):
            sv, dv = slabs[p % 2]
            nsv, ndv = slabs[(p + 1) % 2]
            if p + 1 < NPHASE:
                pltpu.async_copy(
                    src_hbm.at[wid, pl.ds((p + 1) * CPP, CPP)], nsv, sem_i)
                pltpu.async_copy(
                    dst_hbm.at[wid, pl.ds((p + 1) * CPP, CPP)], ndv, sem_i)

            def pair(g, carry2, sv=sv, dv=dv):
                j0 = 2 * g
                gwait(rows_a, sem_a)
                pltpu.async_copy(x_hbm.at[sv.at[j0 + 1]], rows_b, sem_b)
                pltpu.sync_copy(rows_a, agg_sh.at[dv.at[j0]], add=True)
                gwait(rows_b, sem_b)
                pltpu.async_copy(x_hbm.at[sv.at[j0 + 2]], rows_a, sem_a)
                pltpu.sync_copy(rows_b, agg_sh.at[dv.at[j0 + 1]], add=True)
                return carry2
            lax.fori_loop(0, CPP // 2 - 1, pair, 0)

            j0 = CPP - 2
            gwait(rows_a, sem_a)
            pltpu.async_copy(x_hbm.at[sv.at[j0 + 1]], rows_b, sem_b)
            pltpu.sync_copy(rows_a, agg_sh.at[dv.at[j0]], add=True)
            gwait(rows_b, sem_b)
            if p + 1 < NPHASE:
                iwait(nsv, ndv)
                pltpu.async_copy(x_hbm.at[nsv.at[0]], rows_a, sem_a)
            pltpu.sync_copy(rows_b, agg_sh.at[dv.at[j0 + 1]], add=True)

        plsc.subcore_barrier()

        pltpu.sync_copy(agg_sh.at[pl.ds(s * RPS, RPS)],
                        agg_out.at[c, pl.ds(s * RPS, RPS)])

    return body(x, src3d, dst3d)


def _sc_degrees(dst3d):
    mesh = plsc.VectorSubcoreMesh(core_axis_name="c", subcore_axis_name="s")

    @functools.partial(
        pl.kernel,
        mesh=mesh,
        out_type=jax.ShapeDtypeStruct((NC, N_PAD, DEGW), jnp.float32),
        scratch_types=[
            pltpu.VMEM((NCHUNK, CHUNK), jnp.int32),
            pltpu.VMEM((CHUNK, DEGW), jnp.float32),
            pltpu.VMEM((CHUNK, DEGW), jnp.float32),
            pltpu.VMEM_SHARED((N_PAD, DEGW), jnp.float32),
        ],
        compiler_params=pltpu.CompilerParams(use_tc_tiling_on_sc=False),
    )
    def body(dst_hbm, deg_out, dst_v, ones_v, zer_v, deg_sh):
        c = lax.axis_index("c")
        s = lax.axis_index("s")
        wid = c * NS + s

        def fill(i, carry):
            ones_v[i, pl.ds(0, 16)] = jnp.ones((16,), jnp.float32)
            zer_v[i, pl.ds(0, 16)] = jnp.zeros((16,), jnp.float32)
            return carry
        lax.fori_loop(0, CHUNK, fill, 0)
        for b in range(RPS // CHUNK):
            pltpu.sync_copy(zer_v,
                            deg_sh.at[pl.ds(s * RPS + b * CHUNK, CHUNK)])

        pltpu.sync_copy(dst_hbm.at[wid], dst_v)

        plsc.subcore_barrier()

        def chunk(j, carry):
            pltpu.sync_copy(ones_v, deg_sh.at[dst_v.at[j]], add=True)
            return carry
        lax.fori_loop(0, NCHUNK, chunk, 0)

        plsc.subcore_barrier()

        pltpu.sync_copy(deg_sh.at[pl.ds(s * RPS, RPS)],
                        deg_out.at[c, pl.ds(s * RPS, RPS)])

    return body(dst3d)


def _tc_body(agg_ref, x_ref, deg_ref, w_ref, b_ref, out_ref):
    aggs = agg_ref[0] + agg_ref[1] + x_ref[...]
    deg = deg_ref[0, :, 0:1] + deg_ref[1, :, 0:1] + 1.0
    h = aggs / deg
    out_ref[...] = (
        jnp.dot(h, w_ref[...], preferred_element_type=jnp.float32) + b_ref[...]
    )


def _tc_finish(agg_part, x, deg_part, w, bias2d):
    blk = 2000
    grid = (N_NODES // blk,)
    return pl.pallas_call(
        _tc_body,
        grid=grid,
        in_specs=[
            pl.BlockSpec((NC, blk, D), lambda i: (0, i, 0)),
            pl.BlockSpec((blk, D), lambda i: (i, 0)),
            pl.BlockSpec((NC, blk, DEGW), lambda i: (0, i, 0)),
            pl.BlockSpec((D, D), lambda i: (0, 0)),
            pl.BlockSpec((1, D), lambda i: (0, 0)),
        ],
        out_specs=pl.BlockSpec((blk, D), lambda i: (i, 0)),
        out_shape=jax.ShapeDtypeStruct((N_NODES, D), jnp.float32),
    )(agg_part, x, deg_part, w, bias2d)


def kernel(x, edge_index, W_neigh, bias):
    npad = E_PAD - N_EDGES
    iota = lax.iota(jnp.int32, npad)
    src3d = jnp.concatenate(
        [edge_index[0], iota % N_NODES]).reshape(NW, NCHUNK, CHUNK)
    dst3d = jnp.concatenate(
        [edge_index[1], N_NODES + iota % (N_PAD - N_NODES)]).reshape(
            NW, NCHUNK, CHUNK)
    agg_part = _sc_aggregate(x, src3d, dst3d)
    deg_part = _sc_degrees(dst3d)
    return _tc_finish(agg_part, x, deg_part, W_neigh, bias.reshape(1, D))

# --- scband reference (transcript-rebuilt; emitter-appended) ---
"""Pipeline reference for scband-dist-sage-conv-43860206027424 (READ-ONLY COPY).

The authoritative reference and input builder live on the scoring server;
editing this copy changes nothing except your own understanding.
"""

import jax, jax.numpy as jnp
import numpy as np

N_NODES = 10000
N_EDGES = 320000
D_IN = 128
D_OUT = 128


def _xavier_uniform(key, shape, gain):
    fan_in, fan_out = shape[1], shape[0]
    bound = gain * np.sqrt(6.0 / (fan_in + fan_out))
    return jax.random.uniform(key, shape, minval=-bound, maxval=bound, dtype=jnp.float32)


def setup_inputs(seed: int = 0) -> dict:
    key = jax.random.key(seed)
    k1, k2, k3 = jax.random.split(key, 3)
    x = jax.random.normal(k1, (N_NODES, D_IN), dtype=jnp.float32)
    edge_index = jax.random.randint(k2, (2, N_EDGES), 0, N_NODES, dtype=jnp.int32)
    gain = np.sqrt(2.0)  # calculate_gain('relu')
    # fc_neigh.weight has shape [out_feats, in_feats] in torch; store transposed for matmul
    W_neigh = _xavier_uniform(k3, (D_OUT, D_IN), gain).T
    bias = jnp.zeros((D_OUT,), dtype=jnp.float32)
    return {"x": x, "edge_index": edge_index, "W_neigh": W_neigh, "bias": bias}


def reference(x, edge_index, W_neigh, bias):
    # DistSageConv with aggregator_type='gcn', feat_drop=0.0 (identity):
    # h_neigh[v] = (sum_{u in N(v)} x[u] + x[v]) / (deg(v) + 1)
    # out = h_neigh @ W_neigh + bias
    src = edge_index[0]
    dst = edge_index[1]
    msg = jnp.take(x, src, axis=0)                      # gather over source nodes
    agg = jnp.zeros_like(x).at[dst].add(msg) + x        # scatter-add into dst + self
    deg = jnp.zeros((x.shape[0],), dtype=x.dtype).at[dst].add(1.0) + 1.0
    h_neigh = agg / deg[:, None]
    out = h_neigh @ W_neigh + bias
    return out

if __name__ == "__main__":
    import jax
    _d = setup_inputs()
    print(jax.jit(kernel)(*tuple(_d.values())))

</pallas_src>

<mosaic_0001>
#map = affine_map<(d0, d1) -> (0, 0, 0)>
module attributes {stable_mosaic.version = 14 : i64} {
  func.func @body(%arg0: i32, %arg1: i32, %arg2: memref<32x80x128xi32, #tpu.memory_space<hbm>>, %arg3: memref<2x10240x16xf32, #tpu.memory_space<hbm>>, %arg4: memref<80x128xi32, #tpu.memory_space<vmem>>, %arg5: memref<128x16xf32, #tpu.memory_space<vmem>>, %arg6: memref<128x16xf32, #tpu.memory_space<vmem>>, %arg7: memref<10240x16xf32, #tpu.memory_space<vmem_shared>>) attributes {dimension_semantics = [#tpu.dimension_semantics<core_parallel>, #tpu.dimension_semantics<subcore_parallel>], iteration_bounds = array<i64: 2, 16>, scalar_prefetch = 0 : i64, scratch_operands = 4 : i64, tpu.core_type = #tpu.core_type<sc_vector_subcore>, window_params = [{transform_indices = #map}, {transform_indices = #map}]} {
    %mul3A = arith.constant 16 : i32
    %mul3A_0 = arith.muli %arg0, %mul3A : i32
    %add3A = arith.addi %mul3A_0, %arg1 : i32
    %scan3A = arith.constant 0 : i32
    %scan3A_1 = arith.constant 0 : i32
    %scan3A_2 = arith.constant 128 : i32
    %scan3A_3 = arith.addi %scan3A_1, %scan3A_2 : i32
    %scan3A_4 = arith.constant 1 : i32
    scf.for %scan3A_37 = %scan3A_1 to %scan3A_3 step %scan3A_4  : i32 {
      %broadcast_in_dim3A = arith.constant 1.000000e+00 : f32
      %broadcast_in_dim3A_38 = vector.broadcast %broadcast_in_dim3A : f32 to vector<16xf32>
      %swap3A = arith.index_cast %scan3A_37 : i32 to index
      %swap3A_39 = arith.constant 0 : index
      %swap3A_40 = tpu.vector_load %arg5[%swap3A, %swap3A_39] {strides = array<i32>} : memref<128x16xf32, #tpu.memory_space<vmem>>, vector<1x16xf32>,
      %swap3A_41 = vector.shape_cast %swap3A_40 : vector<1x16xf32> to vector<16xf32>
      %swap3A_42 = vector.shape_cast %broadcast_in_dim3A_38 : vector<16xf32> to vector<1x16xf32>
      tpu.vector_store %arg5[%swap3A, %swap3A_39], %swap3A_42 {strides = array<i32>} : memref<128x16xf32, #tpu.memory_space<vmem>>, vector<1x16xf32>,
      %broadcast_in_dim3A_43 = arith.constant 0.000000e+00 : f32
      %broadcast_in_dim3A_44 = vector.broadcast %broadcast_in_dim3A_43 : f32 to vector<16xf32>
      %swap3A_45 = arith.index_cast %scan3A_37 : i32 to index
      %swap3A_46 = arith.constant 0 : index
      %swap3A_47 = tpu.vector_load %arg6[%swap3A_45, %swap3A_46] {strides = array<i32>} : memref<128x16xf32, #tpu.memory_space<vmem>>, vector<1x16xf32>,
      %swap3A_48 = vector.shape_cast %swap3A_47 : vector<1x16xf32> to vector<16xf32>
      %swap3A_49 = vector.shape_cast %broadcast_in_dim3A_44 : vector<16xf32> to vector<1x16xf32>
      tpu.vector_store %arg6[%swap3A_45, %swap3A_46], %swap3A_49 {strides = array<i32>} : memref<128x16xf32, #tpu.memory_space<vmem>>, vector<1x16xf32>,
    }
    %scan3A_5 = arith.constant 128 : i32
    %mul3A_6 = arith.constant 640 : i32
    %mul3A_7 = arith.muli %arg1, %mul3A_6 : i32
    %add3A_8 = arith.constant 0 : i32
    %add3A_9 = arith.addi %mul3A_7, %add3A_8 : i32
    "tpu.region"() ({
      %run_scoped3A = tpu.sem_alloc : memref<!tpu.dma_semaphore, #tpu.memory_space<semaphore_mem>>
      %dma_start3A = arith.constant 0 : i32
      %dma_start3A_37 = tpu.memref_slice %arg7[%add3A_9, %dma_start3A] : memref<10240x16xf32, #tpu.memory_space<vmem_shared>> -> memref<128x16xf32, #tpu.memory_space<vmem_shared>>
      %dma_start3A_38 = arith.constant 0 : i32
      %dma_start3A_39 = tpu.memref_slice %arg7[%add3A_9, %dma_start3A_38] : memref<10240x16xf32, #tpu.memory_space<vmem_shared>> -> memref<128x16xf32, #tpu.memory_space<vmem_shared>>
      tpu.enqueue_dma source(%arg6 : memref<128x16xf32, #tpu.memory_space<vmem>>) target(%dma_start3A_39 : memref<128x16xf32, #tpu.memory_space<vmem_shared>>) target_semaphore(%run_scoped3A : memref<!tpu.dma_semaphore, #tpu.memory_space<semaphore_mem>>)
      %dma_wait3A = arith.constant 0 : i32
      %dma_wait3A_40 = tpu.memref_slice %arg7[%add3A_9, %dma_wait3A] : memref<10240x16xf32, #tpu.memory_space<vmem_shared>> -> memref<128x16xf32, #tpu.memory_space<vmem_shared>>
      %dma_wait3A_41 = arith.constant 0 : i32
      %dma_wait3A_42 = tpu.memref_slice %arg7[%add3A_9, %dma_wait3A_41] : memref<10240x16xf32, #tpu.memory_space<vmem_shared>> -> memref<128x16xf32, #tpu.memory_space<vmem_shared>>
      tpu.wait_dma2 semaphore(%run_scoped3A : memref<!tpu.dma_semaphore, #tpu.memory_space<semaphore_mem>>) src(%arg6 : memref<128x16xf32, #tpu.memory_space<vmem>>) dst(%dma_wait3A_42 : memref<128x16xf32, #tpu.memory_space<vmem_shared>>)
      tpu.yield
    }) : () -> ()
    %mul3A_10 = arith.constant 640 : i32
    %mul3A_11 = arith.muli %arg1, %mul3A_10 : i32
    %add3A_12 = arith.constant 128 : i32
    %add3A_13 = arith.addi %mul3A_11, %add3A_12 : i32
    "tpu.region"() ({
      %run_scoped3A = tpu.sem_alloc : memref<!tpu.dma_semaphore, #tpu.memory_space<semaphore_mem>>
      %dma_start3A = arith.constant 0 : i32
      %dma_start3A_37 = tpu.memref_slice %arg7[%add3A_13, %dma_start3A] : memref<10240x16xf32, #tpu.memory_space<vmem_shared>> -> memref<128x16xf32, #tpu.memory_space<vmem_shared>>
      %dma_start3A_38 = arith.constant 0 : i32
      %dma_start3A_39 = tpu.memref_slice %arg7[%add3A_13, %dma_start3A_38] : memref<10240x16xf32, #tpu.memory_space<vmem_shared>> -> memref<128x16xf32, #tpu.memory_space<vmem_shared>>
      tpu.enqueue_dma source(%arg6 : memref<128x16xf32, #tpu.memory_space<vmem>>) target(%dma_start3A_39 : memref<128x16xf32, #tpu.memory_space<vmem_shared>>) target_semaphore(%run_scoped3A : memref<!tpu.dma_semaphore, #tpu.memory_space<semaphore_mem>>)
      %dma_wait3A = arith.constant 0 : i32
      %dma_wait3A_40 = tpu.memref_slice %arg7[%add3A_13, %dma_wait3A] : memref<10240x16xf32, #tpu.memory_space<vmem_shared>> -> memref<128x16xf32, #tpu.memory_space<vmem_shared>>
      %dma_wait3A_41 = arith.constant 0 : i32
      %dma_wait3A_42 = tpu.memref_slice %arg7[%add3A_13, %dma_wait3A_41] : memref<10240x16xf32, #tpu.memory_space<vmem_shared>> -> memref<128x16xf32, #tpu.memory_space<vmem_shared>>
      tpu.wait_dma2 semaphore(%run_scoped3A : memref<!tpu.dma_semaphore, #tpu.memory_space<semaphore_mem>>) src(%arg6 : memref<128x16xf32, #tpu.memory_space<vmem>>) dst(%dma_wait3A_42 : memref<128x16xf32, #tpu.memory_space<vmem_shared>>)
      tpu.yield
    }) : () -> ()
    %mul3A_14 = arith.constant 640 : i32
    %mul3A_15 = arith.muli %arg1, %mul3A_14 : i32
    %add3A_16 = arith.constant 256 : i32
    %add3A_17 = arith.addi %mul3A_15, %add3A_16 : i32
    "tpu.region"() ({
      %run_scoped3A = tpu.sem_alloc : memref<!tpu.dma_semaphore, #tpu.memory_space<semaphore_mem>>
      %dma_start3A = arith.constant 0 : i32
      %dma_start3A_37 = tpu.memref_slice %arg7[%add3A_17, %dma_start3A] : memref<10240x16xf32, #tpu.memory_space<vmem_shared>> -> memref<128x16xf32, #tpu.memory_space<vmem_shared>>
      %dma_start3A_38 = arith.constant 0 : i32
      %dma_start3A_39 = tpu.memref_slice %arg7[%add3A_17, %dma_start3A_38] : memref<10240x16xf32, #tpu.memory_space<vmem_shared>> -> memref<128x16xf32, #tpu.memory_space<vmem_shared>>
      tpu.enqueue_dma source(%arg6 : memref<128x16xf32, #tpu.memory_space<vmem>>) target(%dma_start3A_39 : memref<128x16xf32, #tpu.memory_space<vmem_shared>>) target_semaphore(%run_scoped3A : memref<!tpu.dma_semaphore, #tpu.memory_space<semaphore_mem>>)
      %dma_wait3A = arith.constant 0 : i32
      %dma_wait3A_40 = tpu.memref_slice %arg7[%add3A_17, %dma_wait3A] : memref<10240x16xf32, #tpu.memory_space<vmem_shared>> -> memref<128x16xf32, #tpu.memory_space<vmem_shared>>
      %dma_wait3A_41 = arith.constant 0 : i32
      %dma_wait3A_42 = tpu.memref_slice %arg7[%add3A_17, %dma_wait3A_41] : memref<10240x16xf32, #tpu.memory_space<vmem_shared>> -> memref<128x16xf32, #tpu.memory_space<vmem_shared>>
      tpu.wait_dma2 semaphore(%run_scoped3A : memref<!tpu.dma_semaphore, #tpu.memory_space<semaphore_mem>>) src(%arg6 : memref<128x16xf32, #tpu.memory_space<vmem>>) dst(%dma_wait3A_42 : memref<128x16xf32, #tpu.memory_space<vmem_shared>>)
      tpu.yield
    }) : () -> ()
    %mul3A_18 = arith.constant 640 : i32
    %mul3A_19 = arith.muli %arg1, %mul3A_18 : i32
    %add3A_20 = arith.constant 384 : i32
    %add3A_21 = arith.addi %mul3A_19, %add3A_20 : i32
    "tpu.region"() ({
      %run_scoped3A = tpu.sem_alloc : memref<!tpu.dma_semaphore, #tpu.memory_space<semaphore_mem>>
      %dma_start3A = arith.constant 0 : i32
      %dma_start3A_37 = tpu.memref_slice %arg7[%add3A_21, %dma_start3A] : memref<10240x16xf32, #tpu.memory_space<vmem_shared>> -> memref<128x16xf32, #tpu.memory_space<vmem_shared>>
      %dma_start3A_38 = arith.constant 0 : i32
      %dma_start3A_39 = tpu.memref_slice %arg7[%add3A_21, %dma_start3A_38] : memref<10240x16xf32, #tpu.memory_space<vmem_shared>> -> memref<128x16xf32, #tpu.memory_space<vmem_shared>>
      tpu.enqueue_dma source(%arg6 : memref<128x16xf32, #tpu.memory_space<vmem>>) target(%dma_start3A_39 : memref<128x16xf32, #tpu.memory_space<vmem_shared>>) target_semaphore(%run_scoped3A : memref<!tpu.dma_semaphore, #tpu.memory_space<semaphore_mem>>)
      %dma_wait3A = arith.constant 0 : i32
      %dma_wait3A_40 = tpu.memref_slice %arg7[%add3A_21, %dma_wait3A] : memref<10240x16xf32, #tpu.memory_space<vmem_shared>> -> memref<128x16xf32, #tpu.memory_space<vmem_shared>>
      %dma_wait3A_41 = arith.constant 0 : i32
      %dma_wait3A_42 = tpu.memref_slice %arg7[%add3A_21, %dma_wait3A_41] : memref<10240x16xf32, #tpu.memory_space<vmem_shared>> -> memref<128x16xf32, #tpu.memory_space<vmem_shared>>
      tpu.wait_dma2 semaphore(%run_scoped3A : memref<!tpu.dma_semaphore, #tpu.memory_space<semaphore_mem>>) src(%arg6 : memref<128x16xf32, #tpu.memory_space<vmem>>) dst(%dma_wait3A_42 : memref<128x16xf32, #tpu.memory_space<vmem_shared>>)
      tpu.yield
    }) : () -> ()
    %mul3A_22 = arith.constant 640 : i32
    %mul3A_23 = arith.muli %arg1, %mul3A_22 : i32
    %add3A_24 = arith.constant 512 : i32
    %add3A_25 = arith.addi %mul3A_23, %add3A_24 : i32
    "tpu.region"() ({
      %run_scoped3A = tpu.sem_alloc : memref<!tpu.dma_semaphore, #tpu.memory_space<semaphore_mem>>
      %dma_start3A = arith.constant 0 : i32
      %dma_start3A_37 = tpu.memref_slice %arg7[%add3A_25, %dma_start3A] : memref<10240x16xf32, #tpu.memory_space<vmem_shared>> -> memref<128x16xf32, #tpu.memory_space<vmem_shared>>
      %dma_start3A_38 = arith.constant 0 : i32
      %dma_start3A_39 = tpu.memref_slice %arg7[%add3A_25, %dma_start3A_38] : memref<10240x16xf32, #tpu.memory_space<vmem_shared>> -> memref<128x16xf32, #tpu.memory_space<vmem_shared>>
      tpu.enqueue_dma source(%arg6 : memref<128x16xf32, #tpu.memory_space<vmem>>) target(%dma_start3A_39 : memref<128x16xf32, #tpu.memory_space<vmem_shared>>) target_semaphore(%run_scoped3A : memref<!tpu.dma_semaphore, #tpu.memory_space<semaphore_mem>>)
      %dma_wait3A = arith.constant 0 : i32
      %dma_wait3A_40 = tpu.memref_slice %arg7[%add3A_25, %dma_wait3A] : memref<10240x16xf32, #tpu.memory_space<vmem_shared>> -> memref<128x16xf32, #tpu.memory_space<vmem_shared>>
      %dma_wait3A_41 = arith.constant 0 : i32
      %dma_wait3A_42 = tpu.memref_slice %arg7[%add3A_25, %dma_wait3A_41] : memref<10240x16xf32, #tpu.memory_space<vmem_shared>> -> memref<128x16xf32, #tpu.memory_space<vmem_shared>>
      tpu.wait_dma2 semaphore(%run_scoped3A : memref<!tpu.dma_semaphore, #tpu.memory_space<semaphore_mem>>) src(%arg6 : memref<128x16xf32, #tpu.memory_space<vmem>>) dst(%dma_wait3A_42 : memref<128x16xf32, #tpu.memory_space<vmem_shared>>)
      tpu.yield
    }) : () -> ()
    "tpu.region"() ({
      %run_scoped3A = tpu.sem_alloc : memref<!tpu.dma_semaphore, #tpu.memory_space<semaphore_mem>>
      %dma_start3A = arith.constant 0 : i32
      %dma_start3A_37 = arith.constant 0 : i32
      %dma_start3A_38 = tpu.memref_slice %arg2[%add3A, %dma_start3A, %dma_start3A_37] : memref<32x80x128xi32, #tpu.memory_space<hbm>> -> memref<1x80x128xi32, #tpu.memory_space<hbm>>
      %dma_start3A_39 = tpu.memref_squeeze %dma_start3A_38 : memref<1x80x128xi32, #tpu.memory_space<hbm>> -> memref<80x128xi32, #tpu.memory_space<hbm>>
      %dma_start3A_40 = arith.constant 0 : i32
      %dma_start3A_41 = arith.constant 0 : i32
      %dma_start3A_42 = tpu.memref_slice %arg2[%add3A, %dma_start3A_40, %dma_start3A_41] : memref<32x80x128xi32, #tpu.memory_space<hbm>> -> memref<1x80x128xi32, #tpu.memory_space<hbm>>
      %dma_start3A_43 = tpu.memref_squeeze %dma_start3A_42 : memref<1x80x128xi32, #tpu.memory_space<hbm>> -> memref<80x128xi32, #tpu.memory_space<hbm>>
      tpu.enqueue_dma source(%dma_start3A_43 : memref<80x128xi32, #tpu.memory_space<hbm>>) target(%arg4 : memref<80x128xi32, #tpu.memory_space<vmem>>) target_semaphore(%run_scoped3A : memref<!tpu.dma_semaphore, #tpu.memory_space<semaphore_mem>>)
      %dma_wait3A = arith.constant 0 : i32
      %dma_wait3A_44 = arith.constant 0 : i32
      %dma_wait3A_45 = tpu.memref_slice %arg2[%add3A, %dma_wait3A, %dma_wait3A_44] : memref<32x80x128xi32, #tpu.memory_space<hbm>> -> memref<1x80x128xi32, #tpu.memory_space<hbm>>
      %dma_wait3A_46 = tpu.memref_squeeze %dma_wait3A_45 : memref<1x80x128xi32, #tpu.memory_space<hbm>> -> memref<80x128xi32, #tpu.memory_space<hbm>>
      %dma_wait3A_47 = arith.constant 0 : i32
      %dma_wait3A_48 = arith.constant 0 : i32
      %dma_wait3A_49 = tpu.memref_slice %arg2[%add3A, %dma_wait3A_47, %dma_wait3A_48] : memref<32x80x128xi32, #tpu.memory_space<hbm>> -> memref<1x80x128xi32, #tpu.memory_space<hbm>>
      %dma_wait3A_50 = tpu.memref_squeeze %dma_wait3A_49 : memref<1x80x128xi32, #tpu.memory_space<hbm>> -> memref<80x128xi32, #tpu.memory_space<hbm>>
      tpu.wait_dma2 semaphore(%run_scoped3A : memref<!tpu.dma_semaphore, #tpu.memory_space<semaphore_mem>>) src(%dma_wait3A_50 : memref<80x128xi32, #tpu.memory_space<hbm>>) dst(%arg4 : memref<80x128xi32, #tpu.memory_space<vmem>>)
      tpu.yield
    }) : () -> ()
    %barrier3A = arith.constant 0 : index
    tpu.barrier barrier_id(%barrier3A)
    %scan3A_26 = arith.constant 0 : i32
    %scan3A_27 = arith.constant 0 : i32
    %scan3A_28 = arith.constant 80 : i32
    %scan3A_29 = arith.addi %scan3A_27, %scan3A_28 : i32
    %scan3A_30 = arith.constant 1 : i32
    scf.for %scan3A_37 = %scan3A_27 to %scan3A_29 step %scan3A_30  : i32 {
      "tpu.region"() ({
        %run_scoped3A = tpu.sem_alloc : memref<!tpu.dma_semaphore, #tpu.memory_space<semaphore_mem>>
        %dma_start3A = arith.constant 0 : i32
        %dma_start3A_38 = tpu.memref_slice %arg4[%scan3A_37, %dma_start3A] : memref<80x128xi32, #tpu.memory_space<vmem>> -> memref<1x128xi32, #tpu.memory_space<vmem>>
        %dma_start3A_39 = tpu.memref_squeeze %dma_start3A_38 : memref<1x128xi32, #tpu.memory_space<vmem>> -> memref<128xi32, #tpu.memory_space<vmem>>
        %dma_start3A_40 = arith.constant 0 : i32
        %dma_start3A_41 = arith.constant 0 : i32
        %dma_start3A_42 = tpu.memref_slice %arg7[%dma_start3A_40, %dma_start3A_41] : memref<10240x16xf32, #tpu.memory_space<vmem_shared>> -> memref<10240x16xf32, #tpu.memory_space<vmem_shared>>
        tpu.enqueue_indirect_dma source(%arg5 : memref<128x16xf32, #tpu.memory_space<vmem>>) target(%dma_start3A_42 : memref<10240x16xf32, #tpu.memory_space<vmem_shared>>) offsets(%dma_start3A_39 : memref<128xi32, #tpu.memory_space<vmem>>) semaphore(%run_scoped3A : memref<!tpu.dma_semaphore, #tpu.memory_space<semaphore_mem>>) {add = true}
        %dma_wait3A = arith.constant 0 : i32
        %dma_wait3A_43 = tpu.memref_slice %arg4[%scan3A_37, %dma_wait3A] : memref<80x128xi32, #tpu.memory_space<vmem>> -> memref<1x128xi32, #tpu.memory_space<vmem>>
        %dma_wait3A_44 = tpu.memref_squeeze %dma_wait3A_43 : memref<1x128xi32, #tpu.memory_space<vmem>> -> memref<128xi32, #tpu.memory_space<vmem>>
        %dma_wait3A_45 = arith.constant 0 : i32
        %dma_wait3A_46 = arith.constant 0 : i32
        %dma_wait3A_47 = tpu.memref_slice %arg7[%dma_wait3A_45, %dma_wait3A_46] : memref<10240x16xf32, #tpu.memory_space<vmem_shared>> -> memref<10240x16xf32, #tpu.memory_space<vmem_shared>>
        tpu.wait_indirect_dma semaphore(%run_scoped3A : memref<!tpu.dma_semaphore, #tpu.memory_space<semaphore_mem>>) src(%arg5 : memref<128x16xf32, #tpu.memory_space<vmem>>) dst(%dma_wait3A_47 : memref<10240x16xf32, #tpu.memory_space<vmem_shared>>)
        tpu.yield
      }) : () -> ()
    }
    %scan3A_31 = arith.constant 80 : i32
    %barrier3A_32 = arith.constant 0 : index
    tpu.barrier barrier_id(%barrier3A_32)
    %mul3A_33 = arith.constant 640 : i32
    %mul3A_34 = arith.muli %arg1, %mul3A_33 : i32
    %mul3A_35 = arith.constant 640 : i32
    %mul3A_36 = arith.muli %arg1, %mul3A_35 : i32
    "tpu.region"() ({
      %run_scoped3A = tpu.sem_alloc : memref<!tpu.dma_semaphore, #tpu.memory_space<semaphore_mem>>
      %dma_start3A = arith.constant 0 : i32
      %dma_start3A_37 = tpu.memref_slice %arg3[%arg0, %mul3A_36, %dma_start3A] : memref<2x10240x16xf32, #tpu.memory_space<hbm>> -> memref<1x640x16xf32, #tpu.memory_space<hbm>>
      %dma_start3A_38 = tpu.memref_squeeze %dma_start3A_37 : memref<1x640x16xf32, #tpu.memory_space<hbm>> -> memref<640x16xf32, #tpu.memory_space<hbm>>
      %dma_start3A_39 = arith.constant 0 : i32
      %dma_start3A_40 = tpu.memref_slice %arg7[%mul3A_34, %dma_start3A_39] : memref<10240x16xf32, #tpu.memory_space<vmem_shared>> -> memref<640x16xf32, #tpu.memory_space<vmem_shared>>
      tpu.enqueue_dma source(%dma_start3A_40 : memref<640x16xf32, #tpu.memory_space<vmem_shared>>) target(%dma_start3A_38 : memref<640x16xf32, #tpu.memory_space<hbm>>) target_semaphore(%run_scoped3A : memref<!tpu.dma_semaphore, #tpu.memory_space<semaphore_mem>>)
      %dma_wait3A = arith.constant 0 : i32
      %dma_wait3A_41 = tpu.memref_slice %arg3[%arg0, %mul3A_36, %dma_wait3A] : memref<2x10240x16xf32, #tpu.memory_space<hbm>> -> memref<1x640x16xf32, #tpu.memory_space<hbm>>
      %dma_wait3A_42 = tpu.memref_squeeze %dma_wait3A_41 : memref<1x640x16xf32, #tpu.memory_space<hbm>> -> memref<640x16xf32, #tpu.memory_space<hbm>>
      %dma_wait3A_43 = arith.constant 0 : i32
      %dma_wait3A_44 = tpu.memref_slice %arg7[%mul3A_34, %dma_wait3A_43] : memref<10240x16xf32, #tpu.memory_space<vmem_shared>> -> memref<640x16xf32, #tpu.memory_space<vmem_shared>>
      tpu.wait_dma2 semaphore(%run_scoped3A : memref<!tpu.dma_semaphore, #tpu.memory_space<semaphore_mem>>) src(%dma_wait3A_44 : memref<640x16xf32, #tpu.memory_space<vmem_shared>>) dst(%dma_wait3A_42 : memref<640x16xf32, #tpu.memory_space<hbm>>)
      tpu.yield
    }) : () -> ()
    return
  }
}

#map = affine_map<(d0, d1) -> (0, 0)>
#map1 = affine_map<(d0, d1) -> (0, 0, 0)>
module attributes {stable_mosaic.version = 14 : i64} {
  func.func @body(%arg0: i32, %arg1: i32, %arg2: memref<10000x128xf32, #tpu.memory_space<hbm>>, %arg3: memref<32x80x128xi32, #tpu.memory_space<hbm>>, %arg4: memref<32x80x128xi32, #tpu.memory_space<hbm>>, %arg5: memref<2x10240x128xf32, #tpu.memory_space<hbm>>, %arg6: memref<8x128xi32, #tpu.memory_space<vmem>>, %arg7: memref<8x128xi32, #tpu.memory_space<vmem>>, %arg8: memref<8x128xi32, #tpu.memory_space<vmem>>, %arg9: memref<8x128xi32, #tpu.memory_space<vmem>>, %arg10: memref<128x128xf32, #tpu.memory_space<vmem>>, %arg11: memref<128x128xf32, #tpu.memory_space<vmem>>, %arg12: memref<10240x128xf32, #tpu.memory_space<vmem_shared>>, %arg13: memref<!tpu.dma_semaphore, #tpu.memory_space<semaphore_mem>>, %arg14: memref<!tpu.dma_semaphore, #tpu.memory_space<semaphore_mem>>, %arg15: memref<!tpu.dma_semaphore, #tpu.memory_space<semaphore_mem>>) attributes {dimension_semantics = [#tpu.dimension_semantics<core_parallel>, #tpu.dimension_semantics<subcore_parallel>], iteration_bounds = array<i64: 2, 16>, scalar_prefetch = 0 : i64, scratch_operands = 10 : i64, tpu.core_type = #tpu.core_type<sc_vector_subcore>, window_params = [{transform_indices = #map}, {transform_indices = #map1}, {transform_indices = #map1}, {transform_indices = #map1}]} {
    %mul3A = arith.constant 16 : i32
    %mul3A_0 = arith.muli %arg0, %mul3A : i32
    %add3A = arith.addi %mul3A_0, %arg1 : i32
    %dma_start3A = arith.constant 0 : i32
    %dma_start3A_1 = arith.constant 0 : i32
    %dma_start3A_2 = tpu.memref_slice %arg3[%add3A, %dma_start3A, %dma_start3A_1] : memref<32x80x128xi32, #tpu.memory_space<hbm>> -> memref<1x8x128xi32, #tpu.memory_space<hbm>>
    %dma_start3A_3 = tpu.memref_squeeze %dma_start3A_2 : memref<1x8x128xi32, #tpu.memory_space<hbm>> -> memref<8x128xi32, #tpu.memory_space<hbm>>
    %dma_start3A_4 = arith.constant 0 : i32
    %dma_start3A_5 = arith.constant 0 : i32
    %dma_start3A_6 = tpu.memref_slice %arg3[%add3A, %dma_start3A_4, %dma_start3A_5] : memref<32x80x128xi32, #tpu.memory_space<hbm>> -> memref<1x8x128xi32, #tpu.memory_space<hbm>>
    %dma_start3A_7 = tpu.memref_squeeze %dma_start3A_6 : memref<1x8x128xi32, #tpu.memory_space<hbm>> -> memref<8x128xi32, #tpu.memory_space<hbm>>
    tpu.enqueue_dma source(%dma_start3A_7 : memref<8x128xi32, #tpu.memory_space<hbm>>) target(%arg6 : memref<8x128xi32, #tpu.memory_space<vmem>>) target_semaphore(%arg15 : memref<!tpu.dma_semaphore, #tpu.memory_space<semaphore_mem>>)
    %dma_start3A_8 = arith.constant 0 : i32
    %dma_start3A_9 = arith.constant 0 : i32
    %dma_start3A_10 = tpu.memref_slice %arg4[%add3A, %dma_start3A_8, %dma_start3A_9] : memref<32x80x128xi32, #tpu.memory_space<hbm>> -> memref<1x8x128xi32, #tpu.memory_space<hbm>>
    %dma_start3A_11 = tpu.memref_squeeze %dma_start3A_10 : memref<1x8x128xi32, #tpu.memory_space<hbm>> -> memref<8x128xi32, #tpu.memory_space<hbm>>
    %dma_start3A_12 = arith.constant 0 : i32
    %dma_start3A_13 = arith.constant 0 : i32
    %dma_start3A_14 = tpu.memref_slice %arg4[%add3A, %dma_start3A_12, %dma_start3A_13] : memref<32x80x128xi32, #tpu.memory_space<hbm>> -> memref<1x8x128xi32, #tpu.memory_space<hbm>>
    %dma_start3A_15 = tpu.memref_squeeze %dma_start3A_14 : memref<1x8x128xi32, #tpu.memory_space<hbm>> -> memref<8x128xi32, #tpu.memory_space<hbm>>
    tpu.enqueue_dma source(%dma_start3A_15 : memref<8x128xi32, #tpu.memory_space<hbm>>) target(%arg7 : memref<8x128xi32, #tpu.memory_space<vmem>>) target_semaphore(%arg15 : memref<!tpu.dma_semaphore, #tpu.memory_space<semaphore_mem>>)
    %scan3A = arith.constant 0 : i32
    %scan3A_16 = arith.constant 0 : i32
    %scan3A_17 = arith.constant 128 : i32
    %scan3A_18 = arith.addi %scan3A_16, %scan3A_17 : i32
    %scan3A_19 = arith.constant 1 : i32
    scf.for %scan3A_688 = %scan3A_16 to %scan3A_18 step %scan3A_19  : i32 {
      %broadcast_in_dim3A = arith.constant 0.000000e+00 : f32
      %broadcast_in_dim3A_689 = vector.broadcast %broadcast_in_dim3A : f32 to vector<16xf32>
      %swap3A = arith.index_cast %scan3A_688 : i32 to index
      %swap3A_690 = arith.constant 0 : index
      %swap3A_691 = tpu.vector_load %arg10[%swap3A, %swap3A_690] {strides = array<i32>} : memref<128x128xf32, #tpu.memory_space<vmem>>, vector<1x16xf32>,
      %swap3A_692 = vector.shape_cast %swap3A_691 : vector<1x16xf32> to vector<16xf32>
      %swap3A_693 = vector.shape_cast %broadcast_in_dim3A_689 : vector<16xf32> to vector<1x16xf32>
      tpu.vector_store %arg10[%swap3A, %swap3A_690], %swap3A_693 {strides = array<i32>} : memref<128x128xf32, #tpu.memory_space<vmem>>, vector<1x16xf32>,
      %broadcast_in_dim3A_694 = arith.constant 0.000000e+00 : f32
      %broadcast_in_dim3A_695 = vector.broadcast %broadcast_in_dim3A_694 : f32 to vector<16xf32>
      %swap3A_696 = arith.index_cast %scan3A_688 : i32 to index
      %swap3A_697 = arith.constant 16 : index
      %swap3A_698 = tpu.vector_load %arg10[%swap3A_696, %swap3A_697] {strides = array<i32>} : memref<128x128xf32, #tpu.memory_space<vmem>>, vector<1x16xf32>,
      %swap3A_699 = vector.shape_cast %swap3A_698 : vector<1x16xf32> to vector<16xf32>
      %swap3A_700 = vector.shape_cast %broadcast_in_dim3A_695 : vector<16xf32> to vector<1x16xf32>
      tpu.vector_store %arg10[%swap3A_696, %swap3A_697], %swap3A_700 {strides = array<i32>} : memref<128x128xf32, #tpu.memory_space<vmem>>, vector<1x16xf32>,
      %broadcast_in_dim3A_701 = arith.constant 0.000000e+00 : f32
      %broadcast_in_dim3A_702 = vector.broadcast %broadcast_in_dim3A_701 : f32 to vector<16xf32>
      %swap3A_703 = arith.index_cast %scan3A_688 : i32 to index
      %swap3A_704 = arith.constant 32 : index
      %swap3A_705 = tpu.vector_load %arg10[%swap3A_703, %swap3A_704] {strides = array<i32>} : memref<128x128xf32, #tpu.memory_space<vmem>>, vector<1x16xf32>,
      %swap3A_706 = vector.shape_cast %swap3A_705 : vector<1x16xf32> to vector<16xf32>
      %swap3A_707 = vector.shape_cast %broadcast_in_dim3A_702 : vector<16xf32> to vector<1x16xf32>
      tpu.vector_store %arg10[%swap3A_703, %swap3A_704], %swap3A_707 {strides = array<i32>} : memref<128x128xf32, #tpu.memory_space<vmem>>, vector<1x16xf32>,
      %broadcast_in_dim3A_708 = arith.constant 0.000000e+00 : f32
      %broadcast_in_dim3A_709 = vector.broadcast %broadcast_in_dim3A_708 : f32 to vector<16xf32>
      %swap3A_710 = arith.index_cast %scan3A_688 : i32 to index
      %swap3A_711 = arith.constant 48 : index
      %swap3A_712 = tpu.vector_load %arg10[%swap3A_710, %swap3A_711] {strides = array<i32>} : memref<128x128xf32, #tpu.memory_space<vmem>>, vector<1x16xf32>,
      %swap3A_713 = vector.shape_cast %swap3A_712 : vector<1x16xf32> to vector<16xf32>
      %swap3A_714 = vector.shape_cast %broadcast_in_dim3A_709 : vector<16xf32> to vector<1x16xf32>
      tpu.vector_store %arg10[%swap3A_710, %swap3A_711], %swap3A_714 {strides = array<i32>} : memref<128x128xf32, #tpu.memory_space<vmem>>, vector<1x16xf32>,
      %broadcast_in_dim3A_715 = arith.constant 0.000000e+00 : f32
      %broadcast_in_dim3A_716 = vector.broadcast %broadcast_in_dim3A_715 : f32 to vector<16xf32>
      %swap3A_717 = arith.index_cast %scan3A_688 : i32 to index
      %swap3A_718 = arith.constant 64 : index
      %swap3A_719 = tpu.vector_load %arg10[%swap3A_717, %swap3A_718] {strides = array<i32>} : memref<128x128xf32, #tpu.memory_space<vmem>>, vector<1x16xf32>,
      %swap3A_720 = vector.shape_cast %swap3A_719 : vector<1x16xf32> to vector<16xf32>
      %swap3A_721 = vector.shape_cast %broadcast_in_dim3A_716 : vector<16xf32> to vector<1x16xf32>
      tpu.vector_store %arg10[%swap3A_717, %swap3A_718], %swap3A_721 {strides = array<i32>} : memref<128x128xf32, #tpu.memory_space<vmem>>, vector<1x16xf32>,
      %broadcast_in_dim3A_722 = arith.constant 0.000000e+00 : f32
      %broadcast_in_dim3A_723 = vector.broadcast %broadcast_in_dim3A_722 : f32 to vector<16xf32>
      %swap3A_724 = arith.index_cast %scan3A_688 : i32 to index
      %swap3A_725 = arith.constant 80 : index
      %swap3A_726 = tpu.vector_load %arg10[%swap3A_724, %swap3A_725] {strides = array<i32>} : memref<128x128xf32, #tpu.memory_space<vmem>>, vector<1x16xf32>,
      %swap3A_727 = vector.shape_cast %swap3A_726 : vector<1x16xf32> to vector<16xf32>
      %swap3A_728 = vector.shape_cast %broadcast_in_dim3A_723 : vector<16xf32> to vector<1x16xf32>
      tpu.vector_store %arg10[%swap3A_724, %swap3A_725], %swap3A_728 {strides = array<i32>} : memref<128x128xf32, #tpu.memory_space<vmem>>, vector<1x16xf32>,
      %broadcast_in_dim3A_729 = arith.constant 0.000000e+00 : f32
      %broadcast_in_dim3A_730 = vector.broadcast %broadcast_in_dim3A_729 : f32 to vector<16xf32>
      %swap3A_731 = arith.index_cast %scan3A_688 : i32 to index
      %swap3A_732 = arith.constant 96 : index
      %swap3A_733 = tpu.vector_load %arg10[%swap3A_731, %swap3A_732] {strides = array<i32>} : memref<128x128xf32, #tpu.memory_space<vmem>>, vector<1x16xf32>,
      %swap3A_734 = vector.shape_cast %swap3A_733 : vector<1x16xf32> to vector<16xf32>
      %swap3A_735 = vector.shape_cast %broadcast_in_dim3A_730 : vector<16xf32> to vector<1x16xf32>
      tpu.vector_store %arg10[%swap3A_731, %swap3A_732], %swap3A_735 {strides = array<i32>} : memref<128x128xf32, #tpu.memory_space<vmem>>, vector<1x16xf32>,
      %broadcast_in_dim3A_736 = arith.constant 0.000000e+00 : f32
      %broadcast_in_dim3A_737 = vector.broadcast %broadcast_in_dim3A_736 : f32 to vector<16xf32>
      %swap3A_738 = arith.index_cast %scan3A_688 : i32 to index
      %swap3A_739 = arith.constant 112 : index
      %swap3A_740 = tpu.vector_load %arg10[%swap3A_738, %swap3A_739] {strides = array<i32>} : memref<128x128xf32, #tpu.memory_space<vmem>>, vector<1x16xf32>,
      %swap3A_741 = vector.shape_cast %swap3A_740 : vector<1x16xf32> to vector<16xf32>
      %swap3A_742 = vector.shape_cast %broadcast_in_dim3A_737 : vector<16xf32> to vector<1x16xf32>
      tpu.vector_store %arg10[%swap3A_738, %swap3A_739], %swap3A_742 {strides = array<i32>} : memref<128x128xf32, #tpu.memory_space<vmem>>, vector<1x16xf32>,
    }
    %scan3A_20 = arith.constant 128 : i32
    %mul3A_21 = arith.constant 640 : i32
    %mul3A_22 = arith.muli %arg1, %mul3A_21 : i32
    %add3A_23 = arith.constant 0 : i32
    %add3A_24 = arith.addi %mul3A_22, %add3A_23 : i32
    "tpu.region"() ({
      %run_scoped3A_688 = tpu.sem_alloc : memref<!tpu.dma_semaphore, #tpu.memory_space<semaphore_mem>>
      %dma_start3A_689 = arith.constant 0 : i32
      %dma_start3A_690 = tpu.memref_slice %arg12[%add3A_24, %dma_start3A_689] : memref<10240x128xf32, #tpu.memory_space<vmem_shared>> -> memref<128x128xf32, #tpu.memory_space<vmem_shared>>
      %dma_start3A_691 = arith.constant 0 : i32
      %dma_start3A_692 = tpu.memref_slice %arg12[%add3A_24, %dma_start3A_691] : memref<10240x128xf32, #tpu.memory_space<vmem_shared>> -> memref<128x128xf32, #tpu.memory_space<vmem_shared>>
      tpu.enqueue_dma source(%arg10 : memref<128x128xf32, #tpu.memory_space<vmem>>) target(%dma_start3A_692 : memref<128x128xf32, #tpu.memory_space<vmem_shared>>) target_semaphore(%run_scoped3A_688 : memref<!tpu.dma_semaphore, #tpu.memory_space<semaphore_mem>>)
      %dma_wait3A_693 = arith.constant 0 : i32
      %dma_wait3A_694 = tpu.memref_slice %arg12[%add3A_24, %dma_wait3A_693] : memref<10240x128xf32, #tpu.memory_space<vmem_shared>> -> memref<128x128xf32, #tpu.memory_space<vmem_shared>>
      %dma_wait3A_695 = arith.constant 0 : i32
      %dma_wait3A_696 = tpu.memref_slice %arg12[%add3A_24, %dma_wait3A_695] : memref<10240x128xf32, #tpu.memory_space<vmem_shared>> -> memref<128x128xf32, #tpu.memory_space<vmem_shared>>
      tpu.wait_dma2 semaphore(%run_scoped3A_688 : memref<!tpu.dma_semaphore, #tpu.memory_space<semaphore_mem>>) src(%arg10 : memref<128x128xf32, #tpu.memory_space<vmem>>) dst(%dma_wait3A_696 : memref<128x128xf32, #tpu.memory_space<vmem_shared>>)
      tpu.yield
    }) : () -> ()
    %mul3A_25 = arith.constant 640 : i32
    %mul3A_26 = arith.muli %arg1, %mul3A_25 : i32
    %add3A_27 = arith.constant 128 : i32
    %add3A_28 = arith.addi %mul3A_26, %add3A_27 : i32
    "tpu.region"() ({
      %run_scoped3A_688 = tpu.sem_alloc : memref<!tpu.dma_semaphore, #tpu.memory_space<semaphore_mem>>
      %dma_start3A_689 = arith.constant 0 : i32
      %dma_start3A_690 = tpu.memref_slice %arg12[%add3A_28, %dma_start3A_689] : memref<10240x128xf32, #tpu.memory_space<vmem_shared>> -> memref<128x128xf32, #tpu.memory_space<vmem_shared>>
      %dma_start3A_691 = arith.constant 0 : i32
      %dma_start3A_692 = tpu.memref_slice %arg12[%add3A_28, %dma_start3A_691] : memref<10240x128xf32, #tpu.memory_space<vmem_shared>> -> memref<128x128xf32, #tpu.memory_space<vmem_shared>>
      tpu.enqueue_dma source(%arg10 : memref<128x128xf32, #tpu.memory_space<vmem>>) target(%dma_start3A_692 : memref<128x128xf32, #tpu.memory_space<vmem_shared>>) target_semaphore(%run_scoped3A_688 : memref<!tpu.dma_semaphore, #tpu.memory_space<semaphore_mem>>)
      %dma_wait3A_693 = arith.constant 0 : i32
      %dma_wait3A_694 = tpu.memref_slice %arg12[%add3A_28, %dma_wait3A_693] : memref<10240x128xf32, #tpu.memory_space<vmem_shared>> -> memref<128x128xf32, #tpu.memory_space<vmem_shared>>
      %dma_wait3A_695 = arith.constant 0 : i32
      %dma_wait3A_696 = tpu.memref_slice %arg12[%add3A_28, %dma_wait3A_695] : memref<10240x128xf32, #tpu.memory_space<vmem_shared>> -> memref<128x128xf32, #tpu.memory_space<vmem_shared>>
      tpu.wait_dma2 semaphore(%run_scoped3A_688 : memref<!tpu.dma_semaphore, #tpu.memory_space<semaphore_mem>>) src(%arg10 : memref<128x128xf32, #tpu.memory_space<vmem>>) dst(%dma_wait3A_696 : memref<128x128xf32, #tpu.memory_space<vmem_shared>>)
      tpu.yield
    }) : () -> ()
    %mul3A_29 = arith.constant 640 : i32
    %mul3A_30 = arith.muli %arg1, %mul3A_29 : i32
    %add3A_31 = arith.constant 256 : i32
    %add3A_32 = arith.addi %mul3A_30, %add3A_31 : i32
    "tpu.region"() ({
      %run_scoped3A_688 = tpu.sem_alloc : memref<!tpu.dma_semaphore, #tpu.memory_space<semaphore_mem>>
      %dma_start3A_689 = arith.constant 0 : i32
      %dma_start3A_690 = tpu.memref_slice %arg12[%add3A_32, %dma_start3A_689] : memref<10240x128xf32, #tpu.memory_space<vmem_shared>> -> memref<128x128xf32, #tpu.memory_space<vmem_shared>>
      %dma_start3A_691 = arith.constant 0 : i32
      %dma_start3A_692 = tpu.memref_slice %arg12[%add3A_32, %dma_start3A_691] : memref<10240x128xf32, #tpu.memory_space<vmem_shared>> -> memref<128x128xf32, #tpu.memory_space<vmem_shared>>
      tpu.enqueue_dma source(%arg10 : memref<128x128xf32, #tpu.memory_space<vmem>>) target(%dma_start3A_692 : memref<128x128xf32, #tpu.memory_space<vmem_shared>>) target_semaphore(%run_scoped3A_688 : memref<!tpu.dma_semaphore, #tpu.memory_space<semaphore_mem>>)
      %dma_wait3A_693 = arith.constant 0 : i32
      %dma_wait3A_694 = tpu.memref_slice %arg12[%add3A_32, %dma_wait3A_693] : memref<10240x128xf32, #tpu.memory_space<vmem_shared>> -> memref<128x128xf32, #tpu.memory_space<vmem_shared>>
      %dma_wait3A_695 = arith.constant 0 : i32
      %dma_wait3A_696 = tpu.memref_slice %arg12[%add3A_32, %dma_wait3A_695] : memref<10240x128xf32, #tpu.memory_space<vmem_shared>> -> memref<128x128xf32, #tpu.memory_space<vmem_shared>>
      tpu.wait_dma2 semaphore(%run_scoped3A_688 : memref<!tpu.dma_semaphore, #tpu.memory_space<semaphore_mem>>) src(%arg10 : memref<128x128xf32, #tpu.memory_space<vmem>>) dst(%dma_wait3A_696 : memref<128x128xf32, #tpu.memory_space<vmem_shared>>)
      tpu.yield
    }) : () -> ()
    %mul3A_33 = arith.constant 640 : i32
    %mul3A_34 = arith.muli %arg1, %mul3A_33 : i32
    %add3A_35 = arith.constant 384 : i32
    %add3A_36 = arith.addi %mul3A_34, %add3A_35 : i32
    "tpu.region"() ({
      %run_scoped3A_688 = tpu.sem_alloc : memref<!tpu.dma_semaphore, #tpu.memory_space<semaphore_mem>>
      %dma_start3A_689 = arith.constant 0 : i32
      %dma_start3A_690 = tpu.memref_slice %arg12[%add3A_36, %dma_start3A_689] : memref<10240x128xf32, #tpu.memory_space<vmem_shared>> -> memref<128x128xf32, #tpu.memory_space<vmem_shared>>
      %dma_start3A_691 = arith.constant 0 : i32
      %dma_start3A_692 = tpu.memref_slice %arg12[%add3A_36, %dma_start3A_691] : memref<10240x128xf32, #tpu.memory_space<vmem_shared>> -> memref<128x128xf32, #tpu.memory_space<vmem_shared>>
      tpu.enqueue_dma source(%arg10 : memref<128x128xf32, #tpu.memory_space<vmem>>) target(%dma_start3A_692 : memref<128x128xf32, #tpu.memory_space<vmem_shared>>) target_semaphore(%run_scoped3A_688 : memref<!tpu.dma_semaphore, #tpu.memory_space<semaphore_mem>>)
      %dma_wait3A_693 = arith.constant 0 : i32
      %dma_wait3A_694 = tpu.memref_slice %arg12[%add3A_36, %dma_wait3A_693] : memref<10240x128xf32, #tpu.memory_space<vmem_shared>> -> memref<128x128xf32, #tpu.memory_space<vmem_shared>>
      %dma_wait3A_695 = arith.constant 0 : i32
      %dma_wait3A_696 = tpu.memref_slice %arg12[%add3A_36, %dma_wait3A_695] : memref<10240x128xf32, #tpu.memory_space<vmem_shared>> -> memref<128x128xf32, #tpu.memory_space<vmem_shared>>
      tpu.wait_dma2 semaphore(%run_scoped3A_688 : memref<!tpu.dma_semaphore, #tpu.memory_space<semaphore_mem>>) src(%arg10 : memref<128x128xf32, #tpu.memory_space<vmem>>) dst(%dma_wait3A_696 : memref<128x128xf32, #tpu.memory_space<vmem_shared>>)
      tpu.yield
    }) : () -> ()
    %mul3A_37 = arith.constant 640 : i32
    %mul3A_38 = arith.muli %arg1, %mul3A_37 : i32
    %add3A_39 = arith.constant 512 : i32
    %add3A_40 = arith.addi %mul3A_38, %add3A_39 : i32
    "tpu.region"() ({
      %run_scoped3A_688 = tpu.sem_alloc : memref<!tpu.dma_semaphore, #tpu.memory_space<semaphore_mem>>
      %dma_start3A_689 = arith.constant 0 : i32
      %dma_start3A_690 = tpu.memref_slice %arg12[%add3A_40, %dma_start3A_689] : memref<10240x128xf32, #tpu.memory_space<vmem_shared>> -> memref<128x128xf32, #tpu.memory_space<vmem_shared>>
      %dma_start3A_691 = arith.constant 0 : i32
      %dma_start3A_692 = tpu.memref_slice %arg12[%add3A_40, %dma_start3A_691] : memref<10240x128xf32, #tpu.memory_space<vmem_shared>> -> memref<128x128xf32, #tpu.memory_space<vmem_shared>>
      tpu.enqueue_dma source(%arg10 : memref<128x128xf32, #tpu.memory_space<vmem>>) target(%dma_start3A_692 : memref<128x128xf32, #tpu.memory_space<vmem_shared>>) target_semaphore(%run_scoped3A_688 : memref<!tpu.dma_semaphore, #tpu.memory_space<semaphore_mem>>)
      %dma_wait3A_693 = arith.constant 0 : i32
      %dma_wait3A_694 = tpu.memref_slice %arg12[%add3A_40, %dma_wait3A_693] : memref<10240x128xf32, #tpu.memory_space<vmem_shared>> -> memref<128x128xf32, #tpu.memory_space<vmem_shared>>
      %dma_wait3A_695 = arith.constant 0 : i32
      %dma_wait3A_696 = tpu.memref_slice %arg12[%add3A_40, %dma_wait3A_695] : memref<10240x128xf32, #tpu.memory_space<vmem_shared>> -> memref<128x128xf32, #tpu.memory_space<vmem_shared>>
      tpu.wait_dma2 semaphore(%run_scoped3A_688 : memref<!tpu.dma_semaphore, #tpu.memory_space<semaphore_mem>>) src(%arg10 : memref<128x128xf32, #tpu.memory_space<vmem>>) dst(%dma_wait3A_696 : memref<128x128xf32, #tpu.memory_space<vmem_shared>>)
      tpu.yield
    }) : () -> ()
    %dma_wait3A = arith.constant 0 : i32
    %dma_wait3A_41 = arith.constant 0 : i32
    %dma_wait3A_42 = tpu.memref_slice %arg3[%add3A, %dma_wait3A, %dma_wait3A_41] : memref<32x80x128xi32, #tpu.memory_space<hbm>> -> memref<1x8x128xi32, #tpu.memory_space<hbm>>
    %dma_wait3A_43 = tpu.memref_squeeze %dma_wait3A_42 : memref<1x8x128xi32, #tpu.memory_space<hbm>> -> memref<8x128xi32, #tpu.memory_space<hbm>>
    %dma_wait3A_44 = arith.constant 0 : i32
    %dma_wait3A_45 = arith.constant 0 : i32
    %dma_wait3A_46 = tpu.memref_slice %arg3[%add3A, %dma_wait3A_44, %dma_wait3A_45] : memref<32x80x128xi32, #tpu.memory_space<hbm>> -> memref<1x8x128xi32, #tpu.memory_space<hbm>>
    %dma_wait3A_47 = tpu.memref_squeeze %dma_wait3A_46 : memref<1x8x128xi32, #tpu.memory_space<hbm>> -> memref<8x128xi32, #tpu.memory_space<hbm>>
    tpu.wait_dma2 semaphore(%arg15 : memref<!tpu.dma_semaphore, #tpu.memory_space<semaphore_mem>>) src(%dma_wait3A_47 : memref<8x128xi32, #tpu.memory_space<hbm>>) dst(%arg6 : memref<8x128xi32, #tpu.memory_space<vmem>>)
    %dma_wait3A_48 = arith.constant 0 : i32
    %dma_wait3A_49 = arith.constant 0 : i32
    %dma_wait3A_50 = tpu.memref_slice %arg4[%add3A, %dma_wait3A_48, %dma_wait3A_49] : memref<32x80x128xi32, #tpu.memory_space<hbm>> -> memref<1x8x128xi32, #tpu.memory_space<hbm>>
    %dma_wait3A_51 = tpu.memref_squeeze %dma_wait3A_50 : memref<1x8x128xi32, #tpu.memory_space<hbm>> -> memref<8x128xi32, #tpu.memory_space<hbm>>
    %dma_wait3A_52 = arith.constant 0 : i32
    %dma_wait3A_53 = arith.constant 0 : i32
    %dma_wait3A_54 = tpu.memref_slice %arg4[%add3A, %dma_wait3A_52, %dma_wait3A_53] : memref<32x80x128xi32, #tpu.memory_space<hbm>> -> memref<1x8x128xi32, #tpu.memory_space<hbm>>
    %dma_wait3A_55 = tpu.memref_squeeze %dma_wait3A_54 : memref<1x8x128xi32, #tpu.memory_space<hbm>> -> memref<8x128xi32, #tpu.memory_space<hbm>>
    tpu.wait_dma2 semaphore(%arg15 : memref<!tpu.dma_semaphore, #tpu.memory_space<semaphore_mem>>) src(%dma_wait3A_55 : memref<8x128xi32, #tpu.memory_space<hbm>>) dst(%arg7 : memref<8x128xi32, #tpu.memory_space<vmem>>)
    %dma_start3A_56 = arith.constant 0 : i32
    %dma_start3A_57 = arith.constant 0 : i32
    %dma_start3A_58 = tpu.memref_slice %arg6[%dma_start3A_56, %dma_start3A_57] : memref<8x128xi32, #tpu.memory_space<vmem>> -> memref<1x128xi32, #tpu.memory_space<vmem>>
    %dma_start3A_59 = tpu.memref_squeeze %dma_start3A_58 : memref<1x128xi32, #tpu.memory_space<vmem>> -> memref<128xi32, #tpu.memory_space<vmem>>
    %dma_start3A_60 = arith.constant 0 : i32
    %dma_start3A_61 = arith.constant 0 : i32
    %dma_start3A_62 = tpu.memref_slice %arg2[%dma_start3A_60, %dma_start3A_61] : memref<10000x128xf32, #tpu.memory_space<hbm>> -> memref<10000x128xf32, #tpu.memory_space<hbm>>
    tpu.enqueue_indirect_dma source(%dma_start3A_62 : memref<10000x128xf32, #tpu.memory_space<hbm>>) target(%arg10 : memref<128x128xf32, #tpu.memory_space<vmem>>) offsets(%dma_start3A_59 : memref<128xi32, #tpu.memory_space<vmem>>) semaphore(%arg13 : memref<!tpu.dma_semaphore, #tpu.memory_space<semaphore_mem>>)
    %barrier3A = arith.constant 0 : index
    tpu.barrier barrier_id(%barrier3A)
    %dma_start3A_63 = arith.constant 8 : i32
    %dma_start3A_64 = arith.constant 0 : i32
    %dma_start3A_65 = tpu.memref_slice %arg3[%add3A, %dma_start3A_63, %dma_start3A_64] : memref<32x80x128xi32, #tpu.memory_space<hbm>> -> memref<1x8x128xi32, #tpu.memory_space<hbm>>
    %dma_start3A_66 = tpu.memref_squeeze %dma_start3A_65 : memref<1x8x128xi32, #tpu.memory_space<hbm>> -> memref<8x128xi32, #tpu.memory_space<hbm>>
    %dma_start3A_67 = arith.constant 8 : i32
    %dma_start3A_68 = arith.constant 0 : i32
    %dma_start3A_69 = tpu.memref_slice %arg3[%add3A, %dma_start3A_67, %dma_start3A_68] : memref<32x80x128xi32, #tpu.memory_space<hbm>> -> memref<1x8x128xi32, #tpu.memory_space<hbm>>
    %dma_start3A_70 = tpu.memref_squeeze %dma_start3A_69 : memref<1x8x128xi32, #tpu.memory_space<hbm>> -> memref<8x128xi32, #tpu.memory_space<hbm>>
    tpu.enqueue_dma source(%dma_start3A_70 : memref<8x128xi32, #tpu.memory_space<hbm>>) target(%arg8 : memref<8x128xi32, #tpu.memory_space<vmem>>) target_semaphore(%arg15 : memref<!tpu.dma_semaphore, #tpu.memory_space<semaphore_mem>>)
    %dma_start3A_71 = arith.constant 8 : i32
    %dma_start3A_72 = arith.constant 0 : i32
    %dma_start3A_73 = tpu.memref_slice %arg4[%add3A, %dma_start3A_71, %dma_start3A_72] : memref<32x80x128xi32, #tpu.memory_space<hbm>> -> memref<1x8x128xi32, #tpu.memory_space<hbm>>
    %dma_start3A_74 = tpu.memref_squeeze %dma_start3A_73 : memref<1x8x128xi32, #tpu.memory_space<hbm>> -> memref<8x128xi32, #tpu.memory_space<hbm>>
    %dma_start3A_75 = arith.constant 8 : i32
    %dma_start3A_76 = arith.constant 0 : i32
    %dma_start3A_77 = tpu.memref_slice %arg4[%add3A, %dma_start3A_75, %dma_start3A_76] : memref<32x80x128xi32, #tpu.memory_space<hbm>> -> memref<1x8x128xi32, #tpu.memory_space<hbm>>
    %dma_start3A_78 = tpu.memref_squeeze %dma_start3A_77 : memref<1x8x128xi32, #tpu.memory_space<hbm>> -> memref<8x128xi32, #tpu.memory_space<hbm>>
    tpu.enqueue_dma source(%dma_start3A_78 : memref<8x128xi32, #tpu.memory_space<hbm>>) target(%arg9 : memref<8x128xi32, #tpu.memory_space<vmem>>) target_semaphore(%arg15 : memref<!tpu.dma_semaphore, #tpu.memory_space<semaphore_mem>>)
    %scan3A_79 = arith.constant 0 : i32
    %scan3A_80 = arith.constant 0 : i32
    %scan3A_81 = arith.constant 3 : i32
    %scan3A_82 = arith.addi %scan3A_80, %scan3A_81 : i32
    %scan3A_83 = arith.constant 1 : i32
    scf.for %scan3A_688 = %scan3A_80 to %scan3A_82 step %scan3A_83  : i32 {
      %mul3A_689 = arith.constant 2 : i32
      %mul3A_690 = arith.muli %mul3A_689, %scan3A_688 : i32
      %dma_wait3A_691 = arith.constant 0 : i32
      %dma_wait3A_692 = arith.constant 0 : i32
      %dma_wait3A_693 = tpu.memref_slice %arg2[%dma_wait3A_691, %dma_wait3A_692] : memref<10000x128xf32, #tpu.memory_space<hbm>> -> memref<128x128xf32, #tpu.memory_space<hbm>>
      %dma_wait3A_694 = arith.constant 0 : i32
      %dma_wait3A_695 = arith.constant 0 : i32
      %dma_wait3A_696 = tpu.memref_slice %arg2[%dma_wait3A_694, %dma_wait3A_695] : memref<10000x128xf32, #tpu.memory_space<hbm>> -> memref<128x128xf32, #tpu.memory_space<hbm>>
      tpu.wait_dma2 semaphore(%arg13 : memref<!tpu.dma_semaphore, #tpu.memory_space<semaphore_mem>>) src(%dma_wait3A_696 : memref<128x128xf32, #tpu.memory_space<hbm>>) dst(%arg10 : memref<128x128xf32, #tpu.memory_space<vmem>>)
      %add3A_697 = arith.constant 1 : i32
      %add3A_698 = arith.addi %mul3A_690, %add3A_697 : i32
      %dma_start3A_699 = arith.constant 0 : i32
      %dma_start3A_700 = tpu.memref_slice %arg6[%add3A_698, %dma_start3A_699] : memref<8x128xi32, #tpu.memory_space<vmem>> -> memref<1x128xi32, #tpu.memory_space<vmem>>
      %dma_start3A_701 = tpu.memref_squeeze %dma_start3A_700 : memref<1x128xi32, #tpu.memory_space<vmem>> -> memref<128xi32, #tpu.memory_space<vmem>>
      %dma_start3A_702 = arith.constant 0 : i32
      %dma_start3A_703 = arith.constant 0 : i32
      %dma_start3A_704 = tpu.memref_slice %arg2[%dma_start3A_702, %dma_start3A_703] : memref<10000x128xf32, #tpu.memory_space<hbm>> -> memref<10000x128xf32, #tpu.memory_space<hbm>>
      tpu.enqueue_indirect_dma source(%dma_start3A_704 : memref<10000x128xf32, #tpu.memory_space<hbm>>) target(%arg11 : memref<128x128xf32, #tpu.memory_space<vmem>>) offsets(%dma_start3A_701 : memref<128xi32, #tpu.memory_space<vmem>>) semaphore(%arg14 : memref<!tpu.dma_semaphore, #tpu.memory_space<semaphore_mem>>)
      "tpu.region"() ({
        %run_scoped3A_721 = tpu.sem_alloc : memref<!tpu.dma_semaphore, #tpu.memory_space<semaphore_mem>>
        %dma_start3A_722 = arith.constant 0 : i32
        %dma_start3A_723 = tpu.memref_slice %arg7[%mul3A_690, %dma_start3A_722] : memref<8x128xi32, #tpu.memory_space<vmem>> -> memref<1x128xi32, #tpu.memory_space<vmem>>
        %dma_start3A_724 = tpu.memref_squeeze %dma_start3A_723 : memref<1x128xi32, #tpu.memory_space<vmem>> -> memref<128xi32, #tpu.memory_space<vmem>>
        %dma_start3A_725 = arith.constant 0 : i32
        %dma_start3A_726 = arith.constant 0 : i32
        %dma_start3A_727 = tpu.memref_slice %arg12[%dma_start3A_725, %dma_start3A_726] : memref<10240x128xf32, #tpu.memory_space<vmem_shared>> -> memref<10240x128xf32, #tpu.memory_space<vmem_shared>>
        tpu.enqueue_indirect_dma source(%arg10 : memref<128x128xf32, #tpu.memory_space<vmem>>) target(%dma_start3A_727 : memref<10240x128xf32, #tpu.memory_space<vmem_shared>>) offsets(%dma_start3A_724 : memref<128xi32, #tpu.memory_space<vmem>>) semaphore(%run_scoped3A_721 : memref<!tpu.dma_semaphore, #tpu.memory_space<semaphore_mem>>) {add = true}
        %dma_wait3A_728 = arith.constant 0 : i32
        %dma_wait3A_729 = tpu.memref_slice %arg7[%mul3A_690, %dma_wait3A_728] : memref<8x128xi32, #tpu.memory_space<vmem>> -> memref<1x128xi32, #tpu.memory_space<vmem>>
        %dma_wait3A_730 = tpu.memref_squeeze %dma_wait3A_729 : memref<1x128xi32, #tpu.memory_space<vmem>> -> memref<128xi32, #tpu.memory_space<vmem>>
        %dma_wait3A_731 = arith.constant 0 : i32
        %dma_wait3A_732 = arith.constant 0 : i32
        %dma_wait3A_733 = tpu.memref_slice %arg12[%dma_wait3A_731, %dma_wait3A_732] : memref<10240x128xf32, #tpu.memory_space<vmem_shared>> -> memref<10240x128xf32, #tpu.memory_space<vmem_shared>>
        tpu.wait_indirect_dma semaphore(%run_scoped3A_721 : memref<!tpu.dma_semaphore, #tpu.memory_space<semaphore_mem>>) src(%arg10 : memref<128x128xf32, #tpu.memory_space<vmem>>) dst(%dma_wait3A_733 : memref<10240x128xf32, #tpu.memory_space<vmem_shared>>)
        tpu.yield
      }) : () -> ()
      %dma_wait3A_705 = arith.constant 0 : i32
      %dma_wait3A_706 = arith.constant 0 : i32
      %dma_wait3A_707 = tpu.memref_slice %arg2[%dma_wait3A_705, %dma_wait3A_706] : memref<10000x128xf32, #tpu.memory_space<hbm>> -> memref<128x128xf32, #tpu.memory_space<hbm>>
      %dma_wait3A_708 = arith.constant 0 : i32
      %dma_wait3A_709 = arith.constant 0 : i32
      %dma_wait3A_710 = tpu.memref_slice %arg2[%dma_wait3A_708, %dma_wait3A_709] : memref<10000x128xf32, #tpu.memory_space<hbm>> -> memref<128x128xf32, #tpu.memory_space<hbm>>
      tpu.wait_dma2 semaphore(%arg14 : memref<!tpu.dma_semaphore, #tpu.memory_space<semaphore_mem>>) src(%dma_wait3A_710 : memref<128x128xf32, #tpu.memory_space<hbm>>) dst(%arg11 : memref<128x128xf32, #tpu.memory_space<vmem>>)
      %add3A_711 = arith.constant 2 : i32
      %add3A_712 = arith.addi %mul3A_690, %add3A_711 : i32
      %dma_start3A_713 = arith.constant 0 : i32
      %dma_start3A_714 = tpu.memref_slice %arg6[%add3A_712, %dma_start3A_713] : memref<8x128xi32, #tpu.memory_space<vmem>> -> memref<1x128xi32, #tpu.memory_space<vmem>>
      %dma_start3A_715 = tpu.memref_squeeze %dma_start3A_714 : memref<1x128xi32, #tpu.memory_space<vmem>> -> memref<128xi32, #tpu.memory_space<vmem>>
      %dma_start3A_716 = arith.constant 0 : i32
      %dma_start3A_717 = arith.constant 0 : i32
      %dma_start3A_718 = tpu.memref_slice %arg2[%dma_start3A_716, %dma_start3A_717] : memref<10000x128xf32, #tpu.memory_space<hbm>> -> memref<10000x128xf32, #tpu.memory_space<hbm>>
      tpu.enqueue_indirect_dma source(%dma_start3A_718 : memref<10000x128xf32, #tpu.memory_space<hbm>>) target(%arg10 : memref<128x128xf32, #tpu.memory_space<vmem>>) offsets(%dma_start3A_715 : memref<128xi32, #tpu.memory_space<vmem>>) semaphore(%arg13 : memref<!tpu.dma_semaphore, #tpu.memory_space<semaphore_mem>>)
      %add3A_719 = arith.constant 1 : i32
      %add3A_720 = arith.addi %mul3A_690, %add3A_719 : i32
      "tpu.region"() ({
        %run_scoped3A_721 = tpu.sem_alloc : memref<!tpu.dma_semaphore, #tpu.memory_space<semaphore_mem>>
        %dma_start3A_722 = arith.constant 0 : i32
        %dma_start3A_723 = tpu.memref_slice %arg7[%add3A_720, %dma_start3A_722] : memref<8x128xi32, #tpu.memory_space<vmem>> -> memref<1x128xi32, #tpu.memory_space<vmem>>
        %dma_start3A_724 = tpu.memref_squeeze %dma_start3A_723 : memref<1x128xi32, #tpu.memory_space<vmem>> -> memref<128xi32, #tpu.memory_space<vmem>>
        %dma_start3A_725 = arith.constant 0 : i32
        %dma_start3A_726 = arith.constant 0 : i32
        %dma_start3A_727 = tpu.memref_slice %arg12[%dma_start3A_725, %dma_start3A_726] : memref<10240x128xf32, #tpu.memory_space<vmem_shared>> -> memref<10240x128xf32, #tpu.memory_space<vmem_shared>>
        tpu.enqueue_indirect_dma source(%arg11 : memref<128x128xf32, #tpu.memory_space<vmem>>) target(%dma_start3A_727 : memref<10240x128xf32, #tpu.memory_space<vmem_shared>>) offsets(%dma_start3A_724 : memref<128xi32, #tpu.memory_space<vmem>>) semaphore(%run_scoped3A_721 : memref<!tpu.dma_semaphore, #tpu.memory_space<semaphore_mem>>) {add = true}
        %dma_wait3A_728 = arith.constant 0 : i32
        %dma_wait3A_729 = tpu.memref_slice %arg7[%add3A_720, %dma_wait3A_728] : memref<8x128xi32, #tpu.memory_space<vmem>> -> memref<1x128xi32, #tpu.memory_space<vmem>>
        %dma_wait3A_730 = tpu.memref_squeeze %dma_wait3A_729 : memref<1x128xi32, #tpu.memory_space<vmem>> -> memref<128xi32, #tpu.memory_space<vmem>>
        %dma_wait3A_731 = arith.constant 0 : i32
        %dma_wait3A_732 = arith.constant 0 : i32
        %dma_wait3A_733 = tpu.memref_slice %arg12[%dma_wait3A_731, %dma_wait3A_732] : memref<10240x128xf32, #tpu.memory_space<vmem_shared>> -> memref<10240x128xf32, #tpu.memory_space<vmem_shared>>
        tpu.wait_indirect_dma semaphore(%run_scoped3A_721 : memref<!tpu.dma_semaphore, #tpu.memory_space<semaphore_mem>>) src(%arg11 : memref<128x128xf32, #tpu.memory_space<vmem>>) dst(%dma_wait3A_733 : memref<10240x128xf32, #tpu.memory_space<vmem_shared>>)
        tpu.yield
      }) : () -> ()
    }
    %scan3A_84 = arith.constant 3 : i32
    %dma_wait3A_85 = arith.constant 0 : i32
    %dma_wait3A_86 = arith.constant 0 : i32
    %dma_wait3A_87 = tpu.memref_slice %arg2[%dma_wait3A_85, %dma_wait3A_86] : memref<10000x128xf32, #tpu.memory_space<hbm>> -> memref<128x128xf32, #tpu.memory_space<hbm>>
    %dma_wait3A_88 = arith.constant 0 : i32
    %dma_wait3A_89 = arith.constant 0 : i32
    %dma_wait3A_90 = tpu.memref_slice %arg2[%dma_wait3A_88, %dma_wait3A_89] : memref<10000x128xf32, #tpu.memory_space<hbm>> -> memref<128x128xf32, #tpu.memory_space<hbm>>
    tpu.wait_dma2 semaphore(%arg13 : memref<!tpu.dma_semaphore, #tpu.memory_space<semaphore_mem>>) src(%dma_wait3A_90 : memref<128x128xf32, #tpu.memory_space<hbm>>) dst(%arg10 : memref<128x128xf32, #tpu.memory_space<vmem>>)
    %dma_start3A_91 = arith.constant 7 : i32
    %dma_start3A_92 = arith.constant 0 : i32
    %dma_start3A_93 = tpu.memref_slice %arg6[%dma_start3A_91, %dma_start3A_92] : memref<8x128xi32, #tpu.memory_space<vmem>> -> memref<1x128xi32, #tpu.memory_space<vmem>>
    %dma_start3A_94 = tpu.memref_squeeze %dma_start3A_93 : memref<1x128xi32, #tpu.memory_space<vmem>> -> memref<128xi32, #tpu.memory_space<vmem>>
    %dma_start3A_95 = arith.constant 0 : i32
    %dma_start3A_96 = arith.constant 0 : i32
    %dma_start3A_97 = tpu.memref_slice %arg2[%dma_start3A_95, %dma_start3A_96] : memref<10000x128xf32, #tpu.memory_space<hbm>> -> memref<10000x128xf32, #tpu.memory_space<hbm>>
    tpu.enqueue_indirect_dma source(%dma_start3A_97 : memref<10000x128xf32, #tpu.memory_space<hbm>>) target(%arg11 : memref<128x128xf32, #tpu.memory_space<vmem>>) offsets(%dma_start3A_94 : memref<128xi32, #tpu.memory_space<vmem>>) semaphore(%arg14 : memref<!tpu.dma_semaphore, #tpu.memory_space<semaphore_mem>>)
    %run_scoped3A = arith.constant 6 : i32
    "tpu.region"() ({
      %run_scoped3A_688 = tpu.sem_alloc : memref<!tpu.dma_semaphore, #tpu.memory_space<semaphore_mem>>
      %dma_start3A_689 = arith.constant 0 : i32
      %dma_start3A_690 = tpu.memref_slice %arg7[%run_scoped3A, %dma_start3A_689] : memref<8x128xi32, #tpu.memory_space<vmem>> -> memref<1x128xi32, #tpu.memory_space<vmem>>
      %dma_start3A_691 = tpu.memref_squeeze %dma_start3A_690 : memref<1x128xi32, #tpu.memory_space<vmem>> -> memref<128xi32, #tpu.memory_space<vmem>>
      %dma_start3A_692 = arith.constant 0 : i32
      %dma_start3A_693 = arith.constant 0 : i32
      %dma_start3A_694 = tpu.memref_slice %arg12[%dma_start3A_692, %dma_start3A_693] : memref<10240x128xf32, #tpu.memory_space<vmem_shared>> -> memref<10240x128xf32, #tpu.memory_space<vmem_shared>>
      tpu.enqueue_indirect_dma source(%arg10 : memref<128x128xf32, #tpu.memory_space<vmem>>) target(%dma_start3A_694 : memref<10240x128xf32, #tpu.memory_space<vmem_shared>>) offsets(%dma_start3A_691 : memref<128xi32, #tpu.memory_space<vmem>>) semaphore(%run_scoped3A_688 : memref<!tpu.dma_semaphore, #tpu.memory_space<semaphore_mem>>) {add = true}
      %dma_wait3A_695 = arith.constant 0 : i32
      %dma_wait3A_696 = tpu.memref_slice %arg7[%run_scoped3A, %dma_wait3A_695] : memref<8x128xi32, #tpu.memory_space<vmem>> -> memref<1x128xi32, #tpu.memory_space<vmem>>
      %dma_wait3A_697 = tpu.memref_squeeze %dma_wait3A_696 : memref<1x128xi32, #tpu.memory_space<vmem>> -> memref<128xi32, #tpu.memory_space<vmem>>
      %dma_wait3A_698 = arith.constant 0 : i32
      %dma_wait3A_699 = arith.constant 0 : i32
      %dma_wait3A_700 = tpu.memref_slice %arg12[%dma_wait3A_698, %dma_wait3A_699] : memref<10240x128xf32, #tpu.memory_space<vmem_shared>> -> memref<10240x128xf32, #tpu.memory_space<vmem_shared>>
      tpu.wait_indirect_dma semaphore(%run_scoped3A_688 : memref<!tpu.dma_semaphore, #tpu.memory_space<semaphore_mem>>) src(%arg10 : memref<128x128xf32, #tpu.memory_space<vmem>>) dst(%dma_wait3A_700 : memref<10240x128xf32, #tpu.memory_space<vmem_shared>>)
      tpu.yield
    }) : () -> ()
    %dma_wait3A_98 = arith.constant 0 : i32
    %dma_wait3A_99 = arith.constant 0 : i32
    %dma_wait3A_100 = tpu.memref_slice %arg2[%dma_wait3A_98, %dma_wait3A_99] : memref<10000x128xf32, #tpu.memory_space<hbm>> -> memref<128x128xf32, #tpu.memory_space<hbm>>
    %dma_wait3A_101 = arith.constant 0 : i32
    %dma_wait3A_102 = arith.constant 0 : i32
    %dma_wait3A_103 = tpu.memref_slice %arg2[%dma_wait3A_101, %dma_wait3A_102] : memref<10000x128xf32, #tpu.memory_space<hbm>> -> memref<128x128xf32, #tpu.memory_space<hbm>>
    tpu.wait_dma2 semaphore(%arg14 : memref<!tpu.dma_semaphore, #tpu.memory_space<semaphore_mem>>) src(%dma_wait3A_103 : memref<128x128xf32, #tpu.memory_space<hbm>>) dst(%arg11 : memref<128x128xf32, #tpu.memory_space<vmem>>)
    %dma_wait3A_104 = arith.constant 0 : i32
    %dma_wait3A_105 = arith.constant 0 : i32
    %dma_wait3A_106 = tpu.memref_slice %arg3[%add3A, %dma_wait3A_104, %dma_wait3A_105] : memref<32x80x128xi32, #tpu.memory_space<hbm>> -> memref<1x8x128xi32, #tpu.memory_space<hbm>>
    %dma_wait3A_107 = tpu.memref_squeeze %dma_wait3A_106 : memref<1x8x128xi32, #tpu.memory_space<hbm>> -> memref<8x128xi32, #tpu.memory_space<hbm>>
    %dma_wait3A_108 = arith.constant 0 : i32
    %dma_wait3A_109 = arith.constant 0 : i32
    %dma_wait3A_110 = tpu.memref_slice %arg3[%add3A, %dma_wait3A_108, %dma_wait3A_109] : memref<32x80x128xi32, #tpu.memory_space<hbm>> -> memref<1x8x128xi32, #tpu.memory_space<hbm>>
    %dma_wait3A_111 = tpu.memref_squeeze %dma_wait3A_110 : memref<1x8x128xi32, #tpu.memory_space<hbm>> -> memref<8x128xi32, #tpu.memory_space<hbm>>
    tpu.wait_dma2 semaphore(%arg15 : memref<!tpu.dma_semaphore, #tpu.memory_space<semaphore_mem>>) src(%dma_wait3A_111 : memref<8x128xi32, #tpu.memory_space<hbm>>) dst(%arg8 : memref<8x128xi32, #tpu.memory_space<vmem>>)
    %dma_wait3A_112 = arith.constant 0 : i32
    %dma_wait3A_113 = arith.constant 0 : i32
    %dma_wait3A_114 = tpu.memref_slice %arg4[%add3A, %dma_wait3A_112, %dma_wait3A_113] : memref<32x80x128xi32, #tpu.memory_space<hbm>> -> memref<1x8x128xi32, #tpu.memory_space<hbm>>
    %dma_wait3A_115 = tpu.memref_squeeze %dma_wait3A_114 : memref<1x8x128xi32, #tpu.memory_space<hbm>> -> memref<8x128xi32, #tpu.memory_space<hbm>>
    %dma_wait3A_116 = arith.constant 0 : i32
    %dma_wait3A_117 = arith.constant 0 : i32
    %dma_wait3A_118 = tpu.memref_slice %arg4[%add3A, %dma_wait3A_116, %dma_wait3A_117] : memref<32x80x128xi32, #tpu.memory_space<hbm>> -> memref<1x8x128xi32, #tpu.memory_space<hbm>>
    %dma_wait3A_119 = tpu.memref_squeeze %dma_wait3A_118 : memref<1x8x128xi32, #tpu.memory_space<hbm>> -> memref<8x128xi32, #tpu.memory_space<hbm>>
    tpu.wait_dma2 semaphore(%arg15 : memref<!tpu.dma_semaphore, #tpu.memory_space<semaphore_mem>>) src(%dma_wait3A_119 : memref<8x128xi32, #tpu.memory_space<hbm>>) dst(%arg9 : memref<8x128xi32, #tpu.memory_space<vmem>>)
    %dma_start3A_120 = arith.constant 0 : i32
    %dma_start3A_121 = arith.constant 0 : i32
    %dma_start3A_122 = tpu.memref_slice %arg8[%dma_start3A_120, %dma_start3A_121] : memref<8x128xi32, #tpu.memory_space<vmem>> -> memref<1x128xi32, #tpu.memory_space<vmem>>
    %dma_start3A_123 = tpu.memref_squeeze %dma_start3A_122 : memref<1x128xi32, #tpu.memory_space<vmem>> -> memref<128xi32, #tpu.memory_space<vmem>>
    %dma_start3A_124 = arith.constant 0 : i32
    %dma_start3A_125 = arith.constant 0 : i32
    %dma_start3A_126 = tpu.memref_slice %arg2[%dma_start3A_124, %dma_start3A_125] : memref<10000x128xf32, #tpu.memory_space<hbm>> -> memref<10000x128xf32, #tpu.memory_space<hbm>>
    tpu.enqueue_indirect_dma source(%dma_start3A_126 : memref<10000x128xf32, #tpu.memory_space<hbm>>) target(%arg10 : memref<128x128xf32, #tpu.memory_space<vmem>>) offsets(%dma_start3A_123 : memref<128xi32, #tpu.memory_space<vmem>>) semaphore(%arg13 : memref<!tpu.dma_semaphore, #tpu.memory_space<semaphore_mem>>)
    %run_scoped3A_127 = arith.constant 7 : i32
    "tpu.region"() ({
      %run_scoped3A_688 = tpu.sem_alloc : memref<!tpu.dma_semaphore, #tpu.memory_space<semaphore_mem>>
      %dma_start3A_689 = arith.constant 0 : i32
      %dma_start3A_690 = tpu.memref_slice %arg7[%run_scoped3A_127, %dma_start3A_689] : memref<8x128xi32, #tpu.memory_space<vmem>> -> memref<1x128xi32, #tpu.memory_space<vmem>>
      %dma_start3A_691 = tpu.memref_squeeze %dma_start3A_690 : memref<1x128xi32, #tpu.memory_space<vmem>> -> memref<128xi32, #tpu.memory_space<vmem>>
      %dma_start3A_692 = arith.constant 0 : i32
      %dma_start3A_693 = arith.constant 0 : i32
      %dma_start3A_694 = tpu.memref_slice %arg12[%dma_start3A_692, %dma_start3A_693] : memref<10240x128xf32, #tpu.memory_space<vmem_shared>> -> memref<10240x128xf32, #tpu.memory_space<vmem_shared>>
      tpu.enqueue_indirect_dma source(%arg11 : memref<128x128xf32, #tpu.memory_space<vmem>>) target(%dma_start3A_694 : memref<10240x128xf32, #tpu.memory_space<vmem_shared>>) offsets(%dma_start3A_691 : memref<128xi32, #tpu.memory_space<vmem>>) semaphore(%run_scoped3A_688 : memref<!tpu.dma_semaphore, #tpu.memory_space<semaphore_mem>>) {add = true}
      %dma_wait3A_695 = arith.constant 0 : i32
      %dma_wait3A_696 = tpu.memref_slice %arg7[%run_scoped3A_127, %dma_wait3A_695] : memref<8x128xi32, #tpu.memory_space<vmem>> -> memref<1x128xi32, #tpu.memory_space<vmem>>
      %dma_wait3A_697 = tpu.memref_squeeze %dma_wait3A_696 : memref<1x128xi32, #tpu.memory_space<vmem>> -> memref<128xi32, #tpu.memory_space<vmem>>
      %dma_wait3A_698 = arith.constant 0 : i32
      %dma_wait3A_699 = arith.constant 0 : i32
      %dma_wait3A_700 = tpu.memref_slice %arg12[%dma_wait3A_698, %dma_wait3A_699] : memref<10240x128xf32, #tpu.memory_space<vmem_shared>> -> memref<10240x128xf32, #tpu.memory_space<vmem_shared>>
      tpu.wait_indirect_dma semaphore(%run_scoped3A_688 : memref<!tpu.dma_semaphore, #tpu.memory_space<semaphore_mem>>) src(%arg11 : memref<128x128xf32, #tpu.memory_space<vmem>>) dst(%dma_wait3A_700 : memref<10240x128xf32, #tpu.memory_space<vmem_shared>>)
      tpu.yield
    }) : () -> ()
    %dma_start3A_128 = arith.constant 16 : i32
    %dma_start3A_129 = arith.constant 0 : i32
    %dma_start3A_130 = tpu.memref_slice %arg3[%add3A, %dma_start3A_128, %dma_start3A_129] : memref<32x80x128xi32, #tpu.memory_space<hbm>> -> memref<1x8x128xi32, #tpu.memory_space<hbm>>
    %dma_start3A_131 = tpu.memref_squeeze %dma_start3A_130 : memref<1x8x128xi32, #tpu.memory_space<hbm>> -> memref<8x128xi32, #tpu.memory_space<hbm>>
    %dma_start3A_132 = arith.constant 16 : i32
    %dma_start3A_133 = arith.constant 0 : i32
    %dma_start3A_134 = tpu.memref_slice %arg3[%add3A, %dma_start3A_132, %dma_start3A_133] : memref<32x80x128xi32, #tpu.memory_space<hbm>> -> memref<1x8x128xi32, #tpu.memory_space<hbm>>
    %dma_start3A_135 = tpu.memref_squeeze %dma_start3A_134 : memref<1x8x128xi32, #tpu.memory_space<hbm>> -> memref<8x128xi32, #tpu.memory_space<hbm>>
    tpu.enqueue_dma source(%dma_start3A_135 : memref<8x128xi32, #tpu.memory_space<hbm>>) target(%arg6 : memref<8x128xi32, #tpu.memory_space<vmem>>) target_semaphore(%arg15 : memref<!tpu.dma_semaphore, #tpu.memory_space<semaphore_mem>>)
    %dma_start3A_136 = arith.constant 16 : i32
    %dma_start3A_137 = arith.constant 0 : i32
    %dma_start3A_138 = tpu.memref_slice %arg4[%add3A, %dma_start3A_136, %dma_start3A_137] : memref<32x80x128xi32, #tpu.memory_space<hbm>> -> memref<1x8x128xi32, #tpu.memory_space<hbm>>
    %dma_start3A_139 = tpu.memref_squeeze %dma_start3A_138 : memref<1x8x128xi32, #tpu.memory_space<hbm>> -> memref<8x128xi32, #tpu.memory_space<hbm>>
    %dma_start3A_140 = arith.constant 16 : i32
    %dma_start3A_141 = arith.constant 0 : i32
    %dma_start3A_142 = tpu.memref_slice %arg4[%add3A, %dma_start3A_140, %dma_start3A_141] : memref<32x80x128xi32, #tpu.memory_space<hbm>> -> memref<1x8x128xi32, #tpu.memory_space<hbm>>
    %dma_start3A_143 = tpu.memref_squeeze %dma_start3A_142 : memref<1x8x128xi32, #tpu.memory_space<hbm>> -> memref<8x128xi32, #tpu.memory_space<hbm>>
    tpu.enqueue_dma source(%dma_start3A_143 : memref<8x128xi32, #tpu.memory_space<hbm>>) target(%arg7 : memref<8x128xi32, #tpu.memory_space<vmem>>) target_semaphore(%arg15 : memref<!tpu.dma_semaphore, #tpu.memory_space<semaphore_mem>>)
    %scan3A_144 = arith.constant 0 : i32
    %scan3A_145 = arith.constant 0 : i32
    %scan3A_146 = arith.constant 3 : i32
    %scan3A_147 = arith.addi %scan3A_145, %scan3A_146 : i32
    %scan3A_148 = arith.constant 1 : i32
    scf.for %scan3A_688 = %scan3A_145 to %scan3A_147 step %scan3A_148  : i32 {
      %mul3A_689 = arith.constant 2 : i32
      %mul3A_690 = arith.muli %mul3A_689, %scan3A_688 : i32
      %dma_wait3A_691 = arith.constant 0 : i32
      %dma_wait3A_692 = arith.constant 0 : i32
      %dma_wait3A_693 = tpu.memref_slice %arg2[%dma_wait3A_691, %dma_wait3A_692] : memref<10000x128xf32, #tpu.memory_space<hbm>> -> memref<128x128xf32, #tpu.memory_space<hbm>>
      %dma_wait3A_694 = arith.constant 0 : i32
      %dma_wait3A_695 = arith.constant 0 : i32
      %dma_wait3A_696 = tpu.memref_slice %arg2[%dma_wait3A_694, %dma_wait3A_695] : memref<10000x128xf32, #tpu.memory_space<hbm>> -> memref<128x128xf32, #tpu.memory_space<hbm>>
      tpu.wait_dma2 semaphore(%arg13 : memref<!tpu.dma_semaphore, #tpu.memory_space<semaphore_mem>>) src(%dma_wait3A_696 : memref<128x128xf32, #tpu.memory_space<hbm>>) dst(%arg10 : memref<128x128xf32, #tpu.memory_space<vmem>>)
      %add3A_697 = arith.constant 1 : i32
      %add3A_698 = arith.addi %mul3A_690, %add3A_697 : i32
      %dma_start3A_699 = arith.constant 0 : i32
      %dma_start3A_700 = tpu.memref_slice %arg8[%add3A_698, %dma_start3A_699] : memref<8x128xi32, #tpu.memory_space<vmem>> -> memref<1x128xi32, #tpu.memory_space<vmem>>
      %dma_start3A_701 = tpu.memref_squeeze %dma_start3A_700 : memref<1x128xi32, #tpu.memory_space<vmem>> -> memref<128xi32, #tpu.memory_space<vmem>>
      %dma_start3A_702 = arith.constant 0 : i32
      %dma_start3A_703 = arith.constant 0 : i32
      %dma_start3A_704 = tpu.memref_slice %arg2[%dma_start3A_702, %dma_start3A_703] : memref<10000x128xf32, #tpu.memory_space<hbm>> -> memref<10000x128xf32, #tpu.memory_space<hbm>>
      tpu.enqueue_indirect_dma source(%dma_start3A_704 : memref<10000x128xf32, #tpu.memory_space<hbm>>) target(%arg11 : memref<128x128xf32, #tpu.memory_space<vmem>>) offsets(%dma_start3A_701 : memref<128xi32, #tpu.memory_space<vmem>>) semaphore(%arg14 : memref<!tpu.dma_semaphore, #tpu.memory_space<semaphore_mem>>)
      "tpu.region"() ({
        %run_scoped3A_721 = tpu.sem_alloc : memref<!tpu.dma_semaphore, #tpu.memory_space<semaphore_mem>>
        %dma_start3A_722 = arith.constant 0 : i32
        %dma_start3A_723 = tpu.memref_slice %arg9[%mul3A_690, %dma_start3A_722] : memref<8x128xi32, #tpu.memory_space<vmem>> -> memref<1x128xi32, #tpu.memory_space<vmem>>
        %dma_start3A_724 = tpu.memref_squeeze %dma_start3A_723 : memref<1x128xi32, #tpu.memory_space<vmem>> -> memref<128xi32, #tpu.memory_space<vmem>>
        %dma_start3A_725 = arith.constant 0 : i32
        %dma_start3A_726 = arith.constant 0 : i32
        %dma_start3A_727 = tpu.memref_slice %arg12[%dma_start3A_725, %dma_start3A_726] : memref<10240x128xf32, #tpu.memory_space<vmem_shared>> -> memref<10240x128xf32, #tpu.memory_space<vmem_shared>>
        tpu.enqueue_indirect_dma source(%arg10 : memref<128x128xf32, #tpu.memory_space<vmem>>) target(%dma_start3A_727 : memref<10240x128xf32, #tpu.memory_space<vmem_shared>>) offsets(%dma_start3A_724 : memref<128xi32, #tpu.memory_space<vmem>>) semaphore(%run_scoped3A_721 : memref<!tpu.dma_semaphore, #tpu.memory_space<semaphore_mem>>) {add = true}
        %dma_wait3A_728 = arith.constant 0 : i32
        %dma_wait3A_729 = tpu.memref_slice %arg9[%mul3A_690, %dma_wait3A_728] : memref<8x128xi32, #tpu.memory_space<vmem>> -> memref<1x128xi32, #tpu.memory_space<vmem>>
        %dma_wait3A_730 = tpu.memref_squeeze %dma_wait3A_729 : memref<1x128xi32, #tpu.memory_space<vmem>> -> memref<128xi32, #tpu.memory_space<vmem>>
        %dma_wait3A_731 = arith.constant 0 : i32
        %dma_wait3A_732 = arith.constant 0 : i32
        %dma_wait3A_733 = tpu.memref_slice %arg12[%dma_wait3A_731, %dma_wait3A_732] : memref<10240x128xf32, #tpu.memory_space<vmem_shared>> -> memref<10240x128xf32, #tpu.memory_space<vmem_shared>>
        tpu.wait_indirect_dma semaphore(%run_scoped3A_721 : memref<!tpu.dma_semaphore, #tpu.memory_space<semaphore_mem>>) src(%arg10 : memref<128x128xf32, #tpu.memory_space<vmem>>) dst(%dma_wait3A_733 : memref<10240x128xf32, #tpu.memory_space<vmem_shared>>)
        tpu.yield
      }) : () -> ()
      %dma_wait3A_705 = arith.constant 0 : i32
      %dma_wait3A_706 = arith.constant 0 : i32
      %dma_wait3A_707 = tpu.memref_slice %arg2[%dma_wait3A_705, %dma_wait3A_706] : memref<10000x128xf32, #tpu.memory_space<hbm>> -> memref<128x128xf32, #tpu.memory_space<hbm>>
      %dma_wait3A_708 = arith.constant 0 : i32
      %dma_wait3A_709 = arith.constant 0 : i32
      %dma_wait3A_710 = tpu.memref_slice %arg2[%dma_wait3A_708, %dma_wait3A_709] : memref<10000x128xf32, #tpu.memory_space<hbm>> -> memref<128x128xf32, #tpu.memory_space<hbm>>
      tpu.wait_dma2 semaphore(%arg14 : memref<!tpu.dma_semaphore, #tpu.memory_space<semaphore_mem>>) src(%dma_wait3A_710 : memref<128x128xf32, #tpu.memory_space<hbm>>) dst(%arg11 : memref<128x128xf32, #tpu.memory_space<vmem>>)
      %add3A_711 = arith.constant 2 : i32
      %add3A_712 = arith.addi %mul3A_690, %add3A_711 : i32
      %dma_start3A_713 = arith.constant 0 : i32
      %dma_start3A_714 = tpu.memref_slice %arg8[%add3A_712, %dma_start3A_713] : memref<8x128xi32, #tpu.memory_space<vmem>> -> memref<1x128xi32, #tpu.memory_space<vmem>>
      %dma_start3A_715 = tpu.memref_squeeze %dma_start3A_714 : memref<1x128xi32, #tpu.memory_space<vmem>> -> memref<128xi32, #tpu.memory_space<vmem>>
      %dma_start3A_716 = arith.constant 0 : i32
      %dma_start3A_717 = arith.constant 0 : i32
      %dma_start3A_718 = tpu.memref_slice %arg2[%dma_start3A_716, %dma_start3A_717] : memref<10000x128xf32, #tpu.memory_space<hbm>> -> memref<10000x128xf32, #tpu.memory_space<hbm>>
      tpu.enqueue_indirect_dma source(%dma_start3A_718 : memref<10000x128xf32, #tpu.memory_space<hbm>>) target(%arg10 : memref<128x128xf32, #tpu.memory_space<vmem>>) offsets(%dma_start3A_715 : memref<128xi32, #tpu.memory_space<vmem>>) semaphore(%arg13 : memref<!tpu.dma_semaphore, #tpu.memory_space<semaphore_mem>>)
      %add3A_719 = arith.constant 1 : i32
      %add3A_720 = arith.addi %mul3A_690, %add3A_719 : i32
      "tpu.region"() ({
        %run_scoped3A_721 = tpu.sem_alloc : memref<!tpu.dma_semaphore, #tpu.memory_space<semaphore_mem>>
        %dma_start3A_722 = arith.constant 0 : i32
        %dma_start3A_723 = tpu.memref_slice %arg9[%add3A_720, %dma_start3A_722] : memref<8x128xi32, #tpu.memory_space<vmem>> -> memref<1x128xi32, #tpu.memory_space<vmem>>
        %dma_start3A_724 = tpu.memref_squeeze %dma_start3A_723 : memref<1x128xi32, #tpu.memory_space<vmem>> -> memref<128xi32, #tpu.memory_space<vmem>>
        %dma_start3A_725 = arith.constant 0 : i32
        %dma_start3A_726 = arith.constant 0 : i32
        %dma_start3A_727 = tpu.memref_slice %arg12[%dma_start3A_725, %dma_start3A_726] : memref<10240x128xf32, #tpu.memory_space<vmem_shared>> -> memref<10240x128xf32, #tpu.memory_space<vmem_shared>>
        tpu.enqueue_indirect_dma source(%arg11 : memref<128x128xf32, #tpu.memory_space<vmem>>) target(%dma_start3A_727 : memref<10240x128xf32, #tpu.memory_space<vmem_shared>>) offsets(%dma_start3A_724 : memref<128xi32, #tpu.memory_space<vmem>>) semaphore(%run_scoped3A_721 : memref<!tpu.dma_semaphore, #tpu.memory_space<semaphore_mem>>) {add = true}
        %dma_wait3A_728 = arith.constant 0 : i32
        %dma_wait3A_729 = tpu.memref_slice %arg9[%add3A_720, %dma_wait3A_728] : memref<8x128xi32, #tpu.memory_space<vmem>> -> memref<1x128xi32, #tpu.memory_space<vmem>>
        %dma_wait3A_730 = tpu.memref_squeeze %dma_wait3A_729 : memref<1x128xi32, #tpu.memory_space<vmem>> -> memref<128xi32, #tpu.memory_space<vmem>>
        %dma_wait3A_731 = arith.constant 0 : i32
        %dma_wait3A_732 = arith.constant 0 : i32
        %dma_wait3A_733 = tpu.memref_slice %arg12[%dma_wait3A_731, %dma_wait3A_732] : memref<10240x128xf32, #tpu.memory_space<vmem_shared>> -> memref<10240x128xf32, #tpu.memory_space<vmem_shared>>
        tpu.wait_indirect_dma semaphore(%run_scoped3A_721 : memref<!tpu.dma_semaphore, #tpu.memory_space<semaphore_mem>>) src(%arg11 : memref<128x128xf32, #tpu.memory_space<vmem>>) dst(%dma_wait3A_733 : memref<10240x128xf32, #tpu.memory_space<vmem_shared>>)
        tpu.yield
      }) : () -> ()
    }
    %scan3A_149 = arith.constant 3 : i32
    %dma_wait3A_150 = arith.constant 0 : i32
    %dma_wait3A_151 = arith.constant 0 : i32
    %dma_wait3A_152 = tpu.memref_slice %arg2[%dma_wait3A_150, %dma_wait3A_151] : memref<10000x128xf32, #tpu.memory_space<hbm>> -> memref<128x128xf32, #tpu.memory_space<hbm>>
    %dma_wait3A_153 = arith.constant 0 : i32
    %dma_wait3A_154 = arith.constant 0 : i32
    %dma_wait3A_155 = tpu.memref_slice %arg2[%dma_wait3A_153, %dma_wait3A_154] : memref<10000x128xf32, #tpu.memory_space<hbm>> -> memref<128x128xf32, #tpu.memory_space<hbm>>
    tpu.wait_dma2 semaphore(%arg13 : memref<!tpu.dma_semaphore, #tpu.memory_space<semaphore_mem>>) src(%dma_wait3A_155 : memref<128x128xf32, #tpu.memory_space<hbm>>) dst(%arg10 : memref<128x128xf32, #tpu.memory_space<vmem>>)
    %dma_start3A_156 = arith.constant 7 : i32
    %dma_start3A_157 = arith.constant 0 : i32
    %dma_start3A_158 = tpu.memref_slice %arg8[%dma_start3A_156, %dma_start3A_157] : memref<8x128xi32, #tpu.memory_space<vmem>> -> memref<1x128xi32, #tpu.memory_space<vmem>>
    %dma_start3A_159 = tpu.memref_squeeze %dma_start3A_158 : memref<1x128xi32, #tpu.memory_space<vmem>> -> memref<128xi32, #tpu.memory_space<vmem>>
    %dma_start3A_160 = arith.constant 0 : i32
    %dma_start3A_161 = arith.constant 0 : i32
    %dma_start3A_162 = tpu.memref_slice %arg2[%dma_start3A_160, %dma_start3A_161] : memref<10000x128xf32, #tpu.memory_space<hbm>> -> memref<10000x128xf32, #tpu.memory_space<hbm>>
    tpu.enqueue_indirect_dma source(%dma_start3A_162 : memref<10000x128xf32, #tpu.memory_space<hbm>>) target(%arg11 : memref<128x128xf32, #tpu.memory_space<vmem>>) offsets(%dma_start3A_159 : memref<128xi32, #tpu.memory_space<vmem>>) semaphore(%arg14 : memref<!tpu.dma_semaphore, #tpu.memory_space<semaphore_mem>>)
    %run_scoped3A_163 = arith.constant 6 : i32
    "tpu.region"() ({
      %run_scoped3A_688 = tpu.sem_alloc : memref<!tpu.dma_semaphore, #tpu.memory_space<semaphore_mem>>
      %dma_start3A_689 = arith.constant 0 : i32
      %dma_start3A_690 = tpu.memref_slice %arg9[%run_scoped3A_163, %dma_start3A_689] : memref<8x128xi32, #tpu.memory_space<vmem>> -> memref<1x128xi32, #tpu.memory_space<vmem>>
      %dma_start3A_691 = tpu.memref_squeeze %dma_start3A_690 : memref<1x128xi32, #tpu.memory_space<vmem>> -> memref<128xi32, #tpu.memory_space<vmem>>
      %dma_start3A_692 = arith.constant 0 : i32
      %dma_start3A_693 = arith.constant 0 : i32
      %dma_start3A_694 = tpu.memref_slice %arg12[%dma_start3A_692, %dma_start3A_693] : memref<10240x128xf32, #tpu.memory_space<vmem_shared>> -> memref<10240x128xf32, #tpu.memory_space<vmem_shared>>
      tpu.enqueue_indirect_dma source(%arg10 : memref<128x128xf32, #tpu.memory_space<vmem>>) target(%dma_start3A_694 : memref<10240x128xf32, #tpu.memory_space<vmem_shared>>) offsets(%dma_start3A_691 : memref<128xi32, #tpu.memory_space<vmem>>) semaphore(%run_scoped3A_688 : memref<!tpu.dma_semaphore, #tpu.memory_space<semaphore_mem>>) {add = true}
      %dma_wait3A_695 = arith.constant 0 : i32
      %dma_wait3A_696 = tpu.memref_slice %arg9[%run_scoped3A_163, %dma_wait3A_695] : memref<8x128xi32, #tpu.memory_space<vmem>> -> memref<1x128xi32, #tpu.memory_space<vmem>>
      %dma_wait3A_697 = tpu.memref_squeeze %dma_wait3A_696 : memref<1x128xi32, #tpu.memory_space<vmem>> -> memref<128xi32, #tpu.memory_space<vmem>>
      %dma_wait3A_698 = arith.constant 0 : i32
      %dma_wait3A_699 = arith.constant 0 : i32
      %dma_wait3A_700 = tpu.memref_slice %arg12[%dma_wait3A_698, %dma_wait3A_699] : memref<10240x128xf32, #tpu.memory_space<vmem_shared>> -> memref<10240x128xf32, #tpu.memory_space<vmem_shared>>
      tpu.wait_indirect_dma semaphore(%run_scoped3A_688 : memref<!tpu.dma_semaphore, #tpu.memory_space<semaphore_mem>>) src(%arg10 : memref<128x128xf32, #tpu.memory_space<vmem>>) dst(%dma_wait3A_700 : memref<10240x128xf32, #tpu.memory_space<vmem_shared>>)
      tpu.yield
    }) : () -> ()
    %dma_wait3A_164 = arith.constant 0 : i32
    %dma_wait3A_165 = arith.constant 0 : i32
    %dma_wait3A_166 = tpu.memref_slice %arg2[%dma_wait3A_164, %dma_wait3A_165] : memref<10000x128xf32, #tpu.memory_space<hbm>> -> memref<128x128xf32, #tpu.memory_space<hbm>>
    %dma_wait3A_167 = arith.constant 0 : i32
    %dma_wait3A_168 = arith.constant 0 : i32
    %dma_wait3A_169 = tpu.memref_slice %arg2[%dma_wait3A_167, %dma_wait3A_168] : memref<10000x128xf32, #tpu.memory_space<hbm>> -> memref<128x128xf32, #tpu.memory_space<hbm>>
    tpu.wait_dma2 semaphore(%arg14 : memref<!tpu.dma_semaphore, #tpu.memory_space<semaphore_mem>>) src(%dma_wait3A_169 : memref<128x128xf32, #tpu.memory_space<hbm>>) dst(%arg11 : memref<128x128xf32, #tpu.memory_space<vmem>>)
    %dma_wait3A_170 = arith.constant 0 : i32
    %dma_wait3A_171 = arith.constant 0 : i32
    %dma_wait3A_172 = tpu.memref_slice %arg3[%add3A, %dma_wait3A_170, %dma_wait3A_171] : memref<32x80x128xi32, #tpu.memory_space<hbm>> -> memref<1x8x128xi32, #tpu.memory_space<hbm>>
    %dma_wait3A_173 = tpu.memref_squeeze %dma_wait3A_172 : memref<1x8x128xi32, #tpu.memory_space<hbm>> -> memref<8x128xi32, #tpu.memory_space<hbm>>
    %dma_wait3A_174 = arith.constant 0 : i32
    %dma_wait3A_175 = arith.constant 0 : i32
    %dma_wait3A_176 = tpu.memref_slice %arg3[%add3A, %dma_wait3A_174, %dma_wait3A_175] : memref<32x80x128xi32, #tpu.memory_space<hbm>> -> memref<1x8x128xi32, #tpu.memory_space<hbm>>
    %dma_wait3A_177 = tpu.memref_squeeze %dma_wait3A_176 : memref<1x8x128xi32, #tpu.memory_space<hbm>> -> memref<8x128xi32, #tpu.memory_space<hbm>>
    tpu.wait_dma2 semaphore(%arg15 : memref<!tpu.dma_semaphore, #tpu.memory_space<semaphore_mem>>) src(%dma_wait3A_177 : memref<8x128xi32, #tpu.memory_space<hbm>>) dst(%arg6 : memref<8x128xi32, #tpu.memory_space<vmem>>)
    %dma_wait3A_178 = arith.constant 0 : i32
    %dma_wait3A_179 = arith.constant 0 : i32
    %dma_wait3A_180 = tpu.memref_slice %arg4[%add3A, %dma_wait3A_178, %dma_wait3A_179] : memref<32x80x128xi32, #tpu.memory_space<hbm>> -> memref<1x8x128xi32, #tpu.memory_space<hbm>>
    %dma_wait3A_181 = tpu.memref_squeeze %dma_wait3A_180 : memref<1x8x128xi32, #tpu.memory_space<hbm>> -> memref<8x128xi32, #tpu.memory_space<hbm>>
    %dma_wait3A_182 = arith.constant 0 : i32
    %dma_wait3A_183 = arith.constant 0 : i32
    %dma_wait3A_184 = tpu.memref_slice %arg4[%add3A, %dma_wait3A_182, %dma_wait3A_183] : memref<32x80x128xi32, #tpu.memory_space<hbm>> -> memref<1x8x128xi32, #tpu.memory_space<hbm>>
    %dma_wait3A_185 = tpu.memref_squeeze %dma_wait3A_184 : memref<1x8x128xi32, #tpu.memory_space<hbm>> -> memref<8x128xi32, #tpu.memory_space<hbm>>
    tpu.wait_dma2 semaphore(%arg15 : memref<!tpu.dma_semaphore, #tpu.memory_space<semaphore_mem>>) src(%dma_wait3A_185 : memref<8x128xi32, #tpu.memory_space<hbm>>) dst(%arg7 : memref<8x128xi32, #tpu.memory_space<vmem>>)
    %dma_start3A_186 = arith.constant 0 : i32
    %dma_start3A_187 = arith.constant 0 : i32
    %dma_start3A_188 = tpu.memref_slice %arg6[%dma_start3A_186, %dma_start3A_187] : memref<8x128xi32, #tpu.memory_space<vmem>> -> memref<1x128xi32, #tpu.memory_space<vmem>>
    %dma_start3A_189 = tpu.memref_squeeze %dma_start3A_188 : memref<1x128xi32, #tpu.memory_space<vmem>> -> memref<128xi32, #tpu.memory_space<vmem>>
    %dma_start3A_190 = arith.constant 0 : i32
    %dma_start3A_191 = arith.constant 0 : i32
    %dma_start3A_192 = tpu.memref_slice %arg2[%dma_start3A_190, %dma_start3A_191] : memref<10000x128xf32, #tpu.memory_space<hbm>> -> memref<10000x128xf32, #tpu.memory_space<hbm>>
    tpu.enqueue_indirect_dma source(%dma_start3A_192 : memref<10000x128xf32, #tpu.memory_space<hbm>>) target(%arg10 : memref<128x128xf32, #tpu.memory_space<vmem>>) offsets(%dma_start3A_189 : memref<128xi32, #tpu.memory_space<vmem>>) semaphore(%arg13 : memref<!tpu.dma_semaphore, #tpu.memory_space<semaphore_mem>>)
    %run_scoped3A_193 = arith.constant 7 : i32
    "tpu.region"() ({
      %run_scoped3A_688 = tpu.sem_alloc : memref<!tpu.dma_semaphore, #tpu.memory_space<semaphore_mem>>
      %dma_start3A_689 = arith.constant 0 : i32
      %dma_start3A_690 = tpu.memref_slice %arg9[%run_scoped3A_193, %dma_start3A_689] : memref<8x128xi32, #tpu.memory_space<vmem>> -> memref<1x128xi32, #tpu.memory_space<vmem>>
      %dma_start3A_691 = tpu.memref_squeeze %dma_start3A_690 : memref<1x128xi32, #tpu.memory_space<vmem>> -> memref<128xi32, #tpu.memory_space<vmem>>
      %dma_start3A_692 = arith.constant 0 : i32
      %dma_start3A_693 = arith.constant 0 : i32
      %dma_start3A_694 = tpu.memref_slice %arg12[%dma_start3A_692, %dma_start3A_693] : memref<10240x128xf32, #tpu.memory_space<vmem_shared>> -> memref<10240x128xf32, #tpu.memory_space<vmem_shared>>
      tpu.enqueue_indirect_dma source(%arg11 : memref<128x128xf32, #tpu.memory_space<vmem>>) target(%dma_start3A_694 : memref<10240x128xf32, #tpu.memory_space<vmem_shared>>) offsets(%dma_start3A_691 : memref<128xi32, #tpu.memory_space<vmem>>) semaphore(%run_scoped3A_688 : memref<!tpu.dma_semaphore, #tpu.memory_space<semaphore_mem>>) {add = true}
      %dma_wait3A_695 = arith.constant 0 : i32
      %dma_wait3A_696 = tpu.memref_slice %arg9[%run_scoped3A_193, %dma_wait3A_695] : memref<8x128xi32, #tpu.memory_space<vmem>> -> memref<1x128xi32, #tpu.memory_space<vmem>>
      %dma_wait3A_697 = tpu.memref_squeeze %dma_wait3A_696 : memref<1x128xi32, #tpu.memory_space<vmem>> -> memref<128xi32, #tpu.memory_space<vmem>>
      %dma_wait3A_698 = arith.constant 0 : i32
      %dma_wait3A_699 = arith.constant 0 : i32
      %dma_wait3A_700 = tpu.memref_slice %arg12[%dma_wait3A_698, %dma_wait3A_699] : memref<10240x128xf32, #tpu.memory_space<vmem_shared>> -> memref<10240x128xf32, #tpu.memory_space<vmem_shared>>
      tpu.wait_indirect_dma semaphore(%run_scoped3A_688 : memref<!tpu.dma_semaphore, #tpu.memory_space<semaphore_mem>>) src(%arg11 : memref<128x128xf32, #tpu.memory_space<vmem>>) dst(%dma_wait3A_700 : memref<10240x128xf32, #tpu.memory_space<vmem_shared>>)
      tpu.yield
    }) : () -> ()
    %dma_start3A_194 = arith.constant 24 : i32
    %dma_start3A_195 = arith.constant 0 : i32
    %dma_start3A_196 = tpu.memref_slice %arg3[%add3A, %dma_start3A_194, %dma_start3A_195] : memref<32x80x128xi32, #tpu.memory_space<hbm>> -> memref<1x8x128xi32, #tpu.memory_space<hbm>>
    %dma_start3A_197 = tpu.memref_squeeze %dma_start3A_196 : memref<1x8x128xi32, #tpu.memory_space<hbm>> -> memref<8x128xi32, #tpu.memory_space<hbm>>
    %dma_start3A_198 = arith.constant 24 : i32
    %dma_start3A_199 = arith.constant 0 : i32
    %dma_start3A_200 = tpu.memref_slice %arg3[%add3A, %dma_start3A_198, %dma_start3A_199] : memref<32x80x128xi32, #tpu.memory_space<hbm>> -> memref<1x8x128xi32, #tpu.memory_space<hbm>>
    %dma_start3A_201 = tpu.memref_squeeze %dma_start3A_200 : memref<1x8x128xi32, #tpu.memory_space<hbm>> -> memref<8x128xi32, #tpu.memory_space<hbm>>
    tpu.enqueue_dma source(%dma_start3A_201 : memref<8x128xi32, #tpu.memory_space<hbm>>) target(%arg8 : memref<8x128xi32, #tpu.memory_space<vmem>>) target_semaphore(%arg15 : memref<!tpu.dma_semaphore, #tpu.memory_space<semaphore_mem>>)
    %dma_start3A_202 = arith.constant 24 : i32
    %dma_start3A_203 = arith.constant 0 : i32
    %dma_start3A_204 = tpu.memref_slice %arg4[%add3A, %dma_start3A_202, %dma_start3A_203] : memref<32x80x128xi32, #tpu.memory_space<hbm>> -> memref<1x8x128xi32, #tpu.memory_space<hbm>>
    %dma_start3A_205 = tpu.memref_squeeze %dma_start3A_204 : memref<1x8x128xi32, #tpu.memory_space<hbm>> -> memref<8x128xi32, #tpu.memory_space<hbm>>
    %dma_start3A_206 = arith.constant 24 : i32
    %dma_start3A_207 = arith.constant 0 : i32
    %dma_start3A_208 = tpu.memref_slice %arg4[%add3A, %dma_start3A_206, %dma_start3A_207] : memref<32x80x128xi32, #tpu.memory_space<hbm>> -> memref<1x8x128xi32, #tpu.memory_space<hbm>>
    %dma_start3A_209 = tpu.memref_squeeze %dma_start3A_208 : memref<1x8x128xi32, #tpu.memory_space<hbm>> -> memref<8x128xi32, #tpu.memory_space<hbm>>
    tpu.enqueue_dma source(%dma_start3A_209 : memref<8x128xi32, #tpu.memory_space<hbm>>) target(%arg9 : memref<8x128xi32, #tpu.memory_space<vmem>>) target_semaphore(%arg15 : memref<!tpu.dma_semaphore, #tpu.memory_space<semaphore_mem>>)
    %scan3A_210 = arith.constant 0 : i32
    %scan3A_211 = arith.constant 0 : i32
    %scan3A_212 = arith.constant 3 : i32
    %scan3A_213 = arith.addi %scan3A_211, %scan3A_212 : i32
    %scan3A_214 = arith.constant 1 : i32
    scf.for %scan3A_688 = %scan3A_211 to %scan3A_213 step %scan3A_214  : i32 {
      %mul3A_689 = arith.constant 2 : i32
      %mul3A_690 = arith.muli %mul3A_689, %scan3A_688 : i32
      %dma_wait3A_691 = arith.constant 0 : i32
      %dma_wait3A_692 = arith.constant 0 : i32
      %dma_wait3A_693 = tpu.memref_slice %arg2[%dma_wait3A_691, %dma_wait3A_692] : memref<10000x128xf32, #tpu.memory_space<hbm>> -> memref<128x128xf32, #tpu.memory_space<hbm>>
      %dma_wait3A_694 = arith.constant 0 : i32
      %dma_wait3A_695 = arith.constant 0 : i32
      %dma_wait3A_696 = tpu.memref_slice %arg2[%dma_wait3A_694, %dma_wait3A_695] : memref<10000x128xf32, #tpu.memory_space<hbm>> -> memref<128x128xf32, #tpu.memory_space<hbm>>
      tpu.wait_dma2 semaphore(%arg13 : memref<!tpu.dma_semaphore, #tpu.memory_space<semaphore_mem>>) src(%dma_wait3A_696 : memref<128x128xf32, #tpu.memory_space<hbm>>) dst(%arg10 : memref<128x128xf32, #tpu.memory_space<vmem>>)
      %add3A_697 = arith.constant 1 : i32
      %add3A_698 = arith.addi %mul3A_690, %add3A_697 : i32
      %dma_start3A_699 = arith.constant 0 : i32
      %dma_start3A_700 = tpu.memref_slice %arg6[%add3A_698, %dma_start3A_699] : memref<8x128xi32, #tpu.memory_space<vmem>> -> memref<1x128xi32, #tpu.memory_space<vmem>>
      %dma_start3A_701 = tpu.memref_squeeze %dma_start3A_700 : memref<1x128xi32, #tpu.memory_space<vmem>> -> memref<128xi32, #tpu.memory_space<vmem>>
      %dma_start3A_702 = arith.constant 0 : i32
      %dma_start3A_703 = arith.constant 0 : i32
      %dma_start3A_704 = tpu.memref_slice %arg2[%dma_start3A_702, %dma_start3A_703] : memref<10000x128xf32, #tpu.memory_space<hbm>> -> memref<10000x128xf32, #tpu.memory_space<hbm>>
      tpu.enqueue_indirect_dma source(%dma_start3A_704 : memref<10000x128xf32, #tpu.memory_space<hbm>>) target(%arg11 : memref<128x128xf32, #tpu.memory_space<vmem>>) offsets(%dma_start3A_701 : memref<128xi32, #tpu.memory_space<vmem>>) semaphore(%arg14 : memref<!tpu.dma_semaphore, #tpu.memory_space<semaphore_mem>>)
      "tpu.region"() ({
        %run_scoped3A_721 = tpu.sem_alloc : memref<!tpu.dma_semaphore, #tpu.memory_space<semaphore_mem>>
        %dma_start3A_722 = arith.constant 0 : i32
        %dma_start3A_723 = tpu.memref_slice %arg7[%mul3A_690, %dma_start3A_722] : memref<8x128xi32, #tpu.memory_space<vmem>> -> memref<1x128xi32, #tpu.memory_space<vmem>>
        %dma_start3A_724 = tpu.memref_squeeze %dma_start3A_723 : memref<1x128xi32, #tpu.memory_space<vmem>> -> memref<128xi32, #tpu.memory_space<vmem>>
        %dma_start3A_725 = arith.constant 0 : i32
        %dma_start3A_726 = arith.constant 0 : i32
        %dma_start3A_727 = tpu.memref_slice %arg12[%dma_start3A_725, %dma_start3A_726] : memref<10240x128xf32, #tpu.memory_space<vmem_shared>> -> memref<10240x128xf32, #tpu.memory_space<vmem_shared>>
        tpu.enqueue_indirect_dma source(%arg10 : memref<128x128xf32, #tpu.memory_space<vmem>>) target(%dma_start3A_727 : memref<10240x128xf32, #tpu.memory_space<vmem_shared>>) offsets(%dma_start3A_724 : memref<128xi32, #tpu.memory_space<vmem>>) semaphore(%run_scoped3A_721 : memref<!tpu.dma_semaphore, #tpu.memory_space<semaphore_mem>>) {add = true}
        %dma_wait3A_728 = arith.constant 0 : i32
        %dma_wait3A_729 = tpu.memref_slice %arg7[%mul3A_690, %dma_wait3A_728] : memref<8x128xi32, #tpu.memory_space<vmem>> -> memref<1x128xi32, #tpu.memory_space<vmem>>
        %dma_wait3A_730 = tpu.memref_squeeze %dma_wait3A_729 : memref<1x128xi32, #tpu.memory_space<vmem>> -> memref<128xi32, #tpu.memory_space<vmem>>
        %dma_wait3A_731 = arith.constant 0 : i32
        %dma_wait3A_732 = arith.constant 0 : i32
        %dma_wait3A_733 = tpu.memref_slice %arg12[%dma_wait3A_731, %dma_wait3A_732] : memref<10240x128xf32, #tpu.memory_space<vmem_shared>> -> memref<10240x128xf32, #tpu.memory_space<vmem_shared>>
        tpu.wait_indirect_dma semaphore(%run_scoped3A_721 : memref<!tpu.dma_semaphore, #tpu.memory_space<semaphore_mem>>) src(%arg10 : memref<128x128xf32, #tpu.memory_space<vmem>>) dst(%dma_wait3A_733 : memref<10240x128xf32, #tpu.memory_space<vmem_shared>>)
        tpu.yield
      }) : () -> ()
      %dma_wait3A_705 = arith.constant 0 : i32
      %dma_wait3A_706 = arith.constant 0 : i32
      %dma_wait3A_707 = tpu.memref_slice %arg2[%dma_wait3A_705, %dma_wait3A_706] : memref<10000x128xf32, #tpu.memory_space<hbm>> -> memref<128x128xf32, #tpu.memory_space<hbm>>
      %dma_wait3A_708 = arith.constant 0 : i32
      %dma_wait3A_709 = arith.constant 0 : i32
      %dma_wait3A_710 = tpu.memref_slice %arg2[%dma_wait3A_708, %dma_wait3A_709] : memref<10000x128xf32, #tpu.memory_space<hbm>> -> memref<128x128xf32, #tpu.memory_space<hbm>>
      tpu.wait_dma2 semaphore(%arg14 : memref<!tpu.dma_semaphore, #tpu.memory_space<semaphore_mem>>) src(%dma_wait3A_710 : memref<128x128xf32, #tpu.memory_space<hbm>>) dst(%arg11 : memref<128x128xf32, #tpu.memory_space<vmem>>)
      %add3A_711 = arith.constant 2 : i32
      %add3A_712 = arith.addi %mul3A_690, %add3A_711 : i32
      %dma_start3A_713 = arith.constant 0 : i32
      %dma_start3A_714 = tpu.memref_slice %arg6[%add3A_712, %dma_start3A_713] : memref<8x128xi32, #tpu.memory_space<vmem>> -> memref<1x128xi32, #tpu.memory_space<vmem>>
      %dma_start3A_715 = tpu.memref_squeeze %dma_start3A_714 : memref<1x128xi32, #tpu.memory_space<vmem>> -> memref<128xi32, #tpu.memory_space<vmem>>
      %dma_start3A_716 = arith.constant 0 : i32
      %dma_start3A_717 = arith.constant 0 : i32
      %dma_start3A_718 = tpu.memref_slice %arg2[%dma_start3A_716, %dma_start3A_717] : memref<10000x128xf32, #tpu.memory_space<hbm>> -> memref<10000x128xf32, #tpu.memory_space<hbm>>
      tpu.enqueue_indirect_dma source(%dma_start3A_718 : memref<10000x128xf32, #tpu.memory_space<hbm>>) target(%arg10 : memref<128x128xf32, #tpu.memory_space<vmem>>) offsets(%dma_start3A_715 : memref<128xi32, #tpu.memory_space<vmem>>) semaphore(%arg13 : memref<!tpu.dma_semaphore, #tpu.memory_space<semaphore_mem>>)
      %add3A_719 = arith.constant 1 : i32
      %add3A_720 = arith.addi %mul3A_690, %add3A_719 : i32
      "tpu.region"() ({
        %run_scoped3A_721 = tpu.sem_alloc : memref<!tpu.dma_semaphore, #tpu.memory_space<semaphore_mem>>
        %dma_start3A_722 = arith.constant 0 : i32
        %dma_start3A_723 = tpu.memref_slice %arg7[%add3A_720, %dma_start3A_722] : memref<8x128xi32, #tpu.memory_space<vmem>> -> memref<1x128xi32, #tpu.memory_space<vmem>>
        %dma_start3A_724 = tpu.memref_squeeze %dma_start3A_723 : memref<1x128xi32, #tpu.memory_space<vmem>> -> memref<128xi32, #tpu.memory_space<vmem>>
        %dma_start3A_725 = arith.constant 0 : i32
        %dma_start3A_726 = arith.constant 0 : i32
        %dma_start3A_727 = tpu.memref_slice %arg12[%dma_start3A_725, %dma_start3A_726] : memref<10240x128xf32, #tpu.memory_space<vmem_shared>> -> memref<10240x128xf32, #tpu.memory_space<vmem_shared>>
        tpu.enqueue_indirect_dma source(%arg11 : memref<128x128xf32, #tpu.memory_space<vmem>>) target(%dma_start3A_727 : memref<10240x128xf32, #tpu.memory_space<vmem_shared>>) offsets(%dma_start3A_724 : memref<128xi32, #tpu.memory_space<vmem>>) semaphore(%run_scoped3A_721 : memref<!tpu.dma_semaphore, #tpu.memory_space<semaphore_mem>>) {add = true}
        %dma_wait3A_728 = arith.constant 0 : i32
        %dma_wait3A_729 = tpu.memref_slice %arg7[%add3A_720, %dma_wait3A_728] : memref<8x128xi32, #tpu.memory_space<vmem>> -> memref<1x128xi32, #tpu.memory_space<vmem>>
        %dma_wait3A_730 = tpu.memref_squeeze %dma_wait3A_729 : memref<1x128xi32, #tpu.memory_space<vmem>> -> memref<128xi32, #tpu.memory_space<vmem>>
        %dma_wait3A_731 = arith.constant 0 : i32
        %dma_wait3A_732 = arith.constant 0 : i32
        %dma_wait3A_733 = tpu.memref_slice %arg12[%dma_wait3A_731, %dma_wait3A_732] : memref<10240x128xf32, #tpu.memory_space<vmem_shared>> -> memref<10240x128xf32, #tpu.memory_space<vmem_shared>>
        tpu.wait_indirect_dma semaphore(%run_scoped3A_721 : memref<!tpu.dma_semaphore, #tpu.memory_space<semaphore_mem>>) src(%arg11 : memref<128x128xf32, #tpu.memory_space<vmem>>) dst(%dma_wait3A_733 : memref<10240x128xf32, #tpu.memory_space<vmem_shared>>)
        tpu.yield
      }) : () -> ()
    }
    %scan3A_215 = arith.constant 3 : i32
    %dma_wait3A_216 = arith.constant 0 : i32
    %dma_wait3A_217 = arith.constant 0 : i32
    %dma_wait3A_218 = tpu.memref_slice %arg2[%dma_wait3A_216, %dma_wait3A_217] : memref<10000x128xf32, #tpu.memory_space<hbm>> -> memref<128x128xf32, #tpu.memory_space<hbm>>
    %dma_wait3A_219 = arith.constant 0 : i32
    %dma_wait3A_220 = arith.constant 0 : i32
    %dma_wait3A_221 = tpu.memref_slice %arg2[%dma_wait3A_219, %dma_wait3A_220] : memref<10000x128xf32, #tpu.memory_space<hbm>> -> memref<128x128xf32, #tpu.memory_space<hbm>>
    tpu.wait_dma2 semaphore(%arg13 : memref<!tpu.dma_semaphore, #tpu.memory_space<semaphore_mem>>) src(%dma_wait3A_221 : memref<128x128xf32, #tpu.memory_space<hbm>>) dst(%arg10 : memref<128x128xf32, #tpu.memory_space<vmem>>)
    %dma_start3A_222 = arith.constant 7 : i32
    %dma_start3A_223 = arith.constant 0 : i32
    %dma_start3A_224 = tpu.memref_slice %arg6[%dma_start3A_222, %dma_start3A_223] : memref<8x128xi32, #tpu.memory_space<vmem>> -> memref<1x128xi32, #tpu.memory_space<vmem>>
    %dma_start3A_225 = tpu.memref_squeeze %dma_start3A_224 : memref<1x128xi32, #tpu.memory_space<vmem>> -> memref<128xi32, #tpu.memory_space<vmem>>
    %dma_start3A_226 = arith.constant 0 : i32
    %dma_start3A_227 = arith.constant 0 : i32
    %dma_start3A_228 = tpu.memref_slice %arg2[%dma_start3A_226, %dma_start3A_227] : memref<10000x128xf32, #tpu.memory_space<hbm>> -> memref<10000x128xf32, #tpu.memory_space<hbm>>
    tpu.enqueue_indirect_dma source(%dma_start3A_228 : memref<10000x128xf32, #tpu.memory_space<hbm>>) target(%arg11 : memref<128x128xf32, #tpu.memory_space<vmem>>) offsets(%dma_start3A_225 : memref<128xi32, #tpu.memory_space<vmem>>) semaphore(%arg14 : memref<!tpu.dma_semaphore, #tpu.memory_space<semaphore_mem>>)
    %run_scoped3A_229 = arith.constant 6 : i32
    "tpu.region"() ({
      %run_scoped3A_688 = tpu.sem_alloc : memref<!tpu.dma_semaphore, #tpu.memory_space<semaphore_mem>>
      %dma_start3A_689 = arith.constant 0 : i32
      %dma_start3A_690 = tpu.memref_slice %arg7[%run_scoped3A_229, %dma_start3A_689] : memref<8x128xi32, #tpu.memory_space<vmem>> -> memref<1x128xi32, #tpu.memory_space<vmem>>
      %dma_start3A_691 = tpu.memref_squeeze %dma_start3A_690 : memref<1x128xi32, #tpu.memory_space<vmem>> -> memref<128xi32, #tpu.memory_space<vmem>>
      %dma_start3A_692 = arith.constant 0 : i32
      %dma_start3A_693 = arith.constant 0 : i32
      %dma_start3A_694 = tpu.memref_slice %arg12[%dma_start3A_692, %dma_start3A_693] : memref<10240x128xf32, #tpu.memory_space<vmem_shared>> -> memref<10240x128xf32, #tpu.memory_space<vmem_shared>>
      tpu.enqueue_indirect_dma source(%arg10 : memref<128x128xf32, #tpu.memory_space<vmem>>) target(%dma_start3A_694 : memref<10240x128xf32, #tpu.memory_space<vmem_shared>>) offsets(%dma_start3A_691 : memref<128xi32, #tpu.memory_space<vmem>>) semaphore(%run_scoped3A_688 : memref<!tpu.dma_semaphore, #tpu.memory_space<semaphore_mem>>) {add = true}
      %dma_wait3A_695 = arith.constant 0 : i32
      %dma_wait3A_696 = tpu.memref_slice %arg7[%run_scoped3A_229, %dma_wait3A_695] : memref<8x128xi32, #tpu.memory_space<vmem>> -> memref<1x128xi32, #tpu.memory_space<vmem>>
      %dma_wait3A_697 = tpu.memref_squeeze %dma_wait3A_696 : memref<1x128xi32, #tpu.memory_space<vmem>> -> memref<128xi32, #tpu.memory_space<vmem>>
      %dma_wait3A_698 = arith.constant 0 : i32
      %dma_wait3A_699 = arith.constant 0 : i32
      %dma_wait3A_700 = tpu.memref_slice %arg12[%dma_wait3A_698, %dma_wait3A_699] : memref<10240x128xf32, #tpu.memory_space<vmem_shared>> -> memref<10240x128xf32, #tpu.memory_space<vmem_shared>>
      tpu.wait_indirect_dma semaphore(%run_scoped3A_688 : memref<!tpu.dma_semaphore, #tpu.memory_space<semaphore_mem>>) src(%arg10 : memref<128x128xf32, #tpu.memory_space<vmem>>) dst(%dma_wait3A_700 : memref<10240x128xf32, #tpu.memory_space<vmem_shared>>)
      tpu.yield
    }) : () -> ()
    %dma_wait3A_230 = arith.constant 0 : i32
    %dma_wait3A_231 = arith.constant 0 : i32
    %dma_wait3A_232 = tpu.memref_slice %arg2[%dma_wait3A_230, %dma_wait3A_231] : memref<10000x128xf32, #tpu.memory_space<hbm>> -> memref<128x128xf32, #tpu.memory_space<hbm>>
    %dma_wait3A_233 = arith.constant 0 : i32
    %dma_wait3A_234 = arith.constant 0 : i32
    %dma_wait3A_235 = tpu.memref_slice %arg2[%dma_wait3A_233, %dma_wait3A_234] : memref<10000x128xf32, #tpu.memory_space<hbm>> -> memref<128x128xf32, #tpu.memory_space<hbm>>
    tpu.wait_dma2 semaphore(%arg14 : memref<!tpu.dma_semaphore, #tpu.memory_space<semaphore_mem>>) src(%dma_wait3A_235 : memref<128x128xf32, #tpu.memory_space<hbm>>) dst(%arg11 : memref<128x128xf32, #tpu.memory_space<vmem>>)
    %dma_wait3A_236 = arith.constant 0 : i32
    %dma_wait3A_237 = arith.constant 0 : i32
    %dma_wait3A_238 = tpu.memref_slice %arg3[%add3A, %dma_wait3A_236, %dma_wait3A_237] : memref<32x80x128xi32, #tpu.memory_space<hbm>> -> memref<1x8x128xi32, #tpu.memory_space<hbm>>
    %dma_wait3A_239 = tpu.memref_squeeze %dma_wait3A_238 : memref<1x8x128xi32, #tpu.memory_space<hbm>> -> memref<8x128xi32, #tpu.memory_space<hbm>>
    %dma_wait3A_240 = arith.constant 0 : i32
    %dma_wait3A_241 = arith.constant 0 : i32
    %dma_wait3A_242 = tpu.memref_slice %arg3[%add3A, %dma_wait3A_240, %dma_wait3A_241] : memref<32x80x128xi32, #tpu.memory_space<hbm>> -> memref<1x8x128xi32, #tpu.memory_space<hbm>>
    %dma_wait3A_243 = tpu.memref_squeeze %dma_wait3A_242 : memref<1x8x128xi32, #tpu.memory_space<hbm>> -> memref<8x128xi32, #tpu.memory_space<hbm>>
    tpu.wait_dma2 semaphore(%arg15 : memref<!tpu.dma_semaphore, #tpu.memory_space<semaphore_mem>>) src(%dma_wait3A_243 : memref<8x128xi32, #tpu.memory_space<hbm>>) dst(%arg8 : memref<8x128xi32, #tpu.memory_space<vmem>>)
    %dma_wait3A_244 = arith.constant 0 : i32
    %dma_wait3A_245 = arith.constant 0 : i32
    %dma_wait3A_246 = tpu.memref_slice %arg4[%add3A, %dma_wait3A_244, %dma_wait3A_245] : memref<32x80x128xi32, #tpu.memory_space<hbm>> -> memref<1x8x128xi32, #tpu.memory_space<hbm>>
    %dma_wait3A_247 = tpu.memref_squeeze %dma_wait3A_246 : memref<1x8x128xi32, #tpu.memory_space<hbm>> -> memref<8x128xi32, #tpu.memory_space<hbm>>
    %dma_wait3A_248 = arith.constant 0 : i32
    %dma_wait3A_249 = arith.constant 0 : i32
    %dma_wait3A_250 = tpu.memref_slice %arg4[%add3A, %dma_wait3A_248, %dma_wait3A_249] : memref<32x80x128xi32, #tpu.memory_space<hbm>> -> memref<1x8x128xi32, #tpu.memory_space<hbm>>
    %dma_wait3A_251 = tpu.memref_squeeze %dma_wait3A_250 : memref<1x8x128xi32, #tpu.memory_space<hbm>> -> memref<8x128xi32, #tpu.memory_space<hbm>>
    tpu.wait_dma2 semaphore(%arg15 : memref<!tpu.dma_semaphore, #tpu.memory_space<semaphore_mem>>) src(%dma_wait3A_251 : memref<8x128xi32, #tpu.memory_space<hbm>>) dst(%arg9 : memref<8x128xi32, #tpu.memory_space<vmem>>)
    %dma_start3A_252 = arith.constant 0 : i32
    %dma_start3A_253 = arith.constant 0 : i32
    %dma_start3A_254 = tpu.memref_slice %arg8[%dma_start3A_252, %dma_start3A_253] : memref<8x128xi32, #tpu.memory_space<vmem>> -> memref<1x128xi32, #tpu.memory_space<vmem>>
    %dma_start3A_255 = tpu.memref_squeeze %dma_start3A_254 : memref<1x128xi32, #tpu.memory_space<vmem>> -> memref<128xi32, #tpu.memory_space<vmem>>
    %dma_start3A_256 = arith.constant 0 : i32
    %dma_start3A_257 = arith.constant 0 : i32
    %dma_start3A_258 = tpu.memref_slice %arg2[%dma_start3A_256, %dma_start3A_257] : memref<10000x128xf32, #tpu.memory_space<hbm>> -> memref<10000x128xf32, #tpu.memory_space<hbm>>
    tpu.enqueue_indirect_dma source(%dma_start3A_258 : memref<10000x128xf32, #tpu.memory_space<hbm>>) target(%arg10 : memref<128x128xf32, #tpu.memory_space<vmem>>) offsets(%dma_start3A_255 : memref<128xi32, #tpu.memory_space<vmem>>) semaphore(%arg13 : memref<!tpu.dma_semaphore, #tpu.memory_space<semaphore_mem>>)
    %run_scoped3A_259 = arith.constant 7 : i32
    "tpu.region"() ({
      %run_scoped3A_688 = tpu.sem_alloc : memref<!tpu.dma_semaphore, #tpu.memory_space<semaphore_mem>>
      %dma_start3A_689 = arith.constant 0 : i32
      %dma_start3A_690 = tpu.memref_slice %arg7[%run_scoped3A_259, %dma_start3A_689] : memref<8x128xi32, #tpu.memory_space<vmem>> -> memref<1x128xi32, #tpu.memory_space<vmem>>
      %dma_start3A_691 = tpu.memref_squeeze %dma_start3A_690 : memref<1x128xi32, #tpu.memory_space<vmem>> -> memref<128xi32, #tpu.memory_space<vmem>>
      %dma_start3A_692 = arith.constant 0 : i32
      %dma_start3A_693 = arith.constant 0 : i32
      %dma_start3A_694 = tpu.memref_slice %arg12[%dma_start3A_692, %dma_start3A_693] : memref<10240x128xf32, #tpu.memory_space<vmem_shared>> -> memref<10240x128xf32, #tpu.memory_space<vmem_shared>>
      tpu.enqueue_indirect_dma source(%arg11 : memref<128x128xf32, #tpu.memory_space<vmem>>) target(%dma_start3A_694 : memref<10240x128xf32, #tpu.memory_space<vmem_shared>>) offsets(%dma_start3A_691 : memref<128xi32, #tpu.memory_space<vmem>>) semaphore(%run_scoped3A_688 : memref<!tpu.dma_semaphore, #tpu.memory_space<semaphore_mem>>) {add = true}
      %dma_wait3A_695 = arith.constant 0 : i32
      %dma_wait3A_696 = tpu.memref_slice %arg7[%run_scoped3A_259, %dma_wait3A_695] : memref<8x128xi32, #tpu.memory_space<vmem>> -> memref<1x128xi32, #tpu.memory_space<vmem>>
      %dma_wait3A_697 = tpu.memref_squeeze %dma_wait3A_696 : memref<1x128xi32, #tpu.memory_space<vmem>> -> memref<128xi32, #tpu.memory_space<vmem>>
      %dma_wait3A_698 = arith.constant 0 : i32
      %dma_wait3A_699 = arith.constant 0 : i32
      %dma_wait3A_700 = tpu.memref_slice %arg12[%dma_wait3A_698, %dma_wait3A_699] : memref<10240x128xf32, #tpu.memory_space<vmem_shared>> -> memref<10240x128xf32, #tpu.memory_space<vmem_shared>>
      tpu.wait_indirect_dma semaphore(%run_scoped3A_688 : memref<!tpu.dma_semaphore, #tpu.memory_space<semaphore_mem>>) src(%arg11 : memref<128x128xf32, #tpu.memory_space<vmem>>) dst(%dma_wait3A_700 : memref<10240x128xf32, #tpu.memory_space<vmem_shared>>)
      tpu.yield
    }) : () -> ()
    %dma_start3A_260 = arith.constant 32 : i32
    %dma_start3A_261 = arith.constant 0 : i32
    %dma_start3A_262 = tpu.memref_slice %arg3[%add3A, %dma_start3A_260, %dma_start3A_261] : memref<32x80x128xi32, #tpu.memory_space<hbm>> -> memref<1x8x128xi32, #tpu.memory_space<hbm>>
    %dma_start3A_263 = tpu.memref_squeeze %dma_start3A_262 : memref<1x8x128xi32, #tpu.memory_space<hbm>> -> memref<8x128xi32, #tpu.memory_space<hbm>>
    %dma_start3A_264 = arith.constant 32 : i32
    %dma_start3A_265 = arith.constant 0 : i32
    %dma_start3A_266 = tpu.memref_slice %arg3[%add3A, %dma_start3A_264, %dma_start3A_265] : memref<32x80x128xi32, #tpu.memory_space<hbm>> -> memref<1x8x128xi32, #tpu.memory_space<hbm>>
    %dma_start3A_267 = tpu.memref_squeeze %dma_start3A_266 : memref<1x8x128xi32, #tpu.memory_space<hbm>> -> memref<8x128xi32, #tpu.memory_space<hbm>>
    tpu.enqueue_dma source(%dma_start3A_267 : memref<8x128xi32, #tpu.memory_space<hbm>>) target(%arg6 : memref<8x128xi32, #tpu.memory_space<vmem>>) target_semaphore(%arg15 : memref<!tpu.dma_semaphore, #tpu.memory_space<semaphore_mem>>)
    %dma_start3A_268 = arith.constant 32 : i32
    %dma_start3A_269 = arith.constant 0 : i32
    %dma_start3A_270 = tpu.memref_slice %arg4[%add3A, %dma_start3A_268, %dma_start3A_269] : memref<32x80x128xi32, #tpu.memory_space<hbm>> -> memref<1x8x128xi32, #tpu.memory_space<hbm>>
    %dma_start3A_271 = tpu.memref_squeeze %dma_start3A_270 : memref<1x8x128xi32, #tpu.memory_space<hbm>> -> memref<8x128xi32, #tpu.memory_space<hbm>>
    %dma_start3A_272 = arith.constant 32 : i32
    %dma_start3A_273 = arith.constant 0 : i32
    %dma_start3A_274 = tpu.memref_slice %arg4[%add3A, %dma_start3A_272, %dma_start3A_273] : memref<32x80x128xi32, #tpu.memory_space<hbm>> -> memref<1x8x128xi32, #tpu.memory_space<hbm>>
    %dma_start3A_275 = tpu.memref_squeeze %dma_start3A_274 : memref<1x8x128xi32, #tpu.memory_space<hbm>> -> memref<8x128xi32, #tpu.memory_space<hbm>>
    tpu.enqueue_dma source(%dma_start3A_275 : memref<8x128xi32, #tpu.memory_space<hbm>>) target(%arg7 : memref<8x128xi32, #tpu.memory_space<vmem>>) target_semaphore(%arg15 : memref<!tpu.dma_semaphore, #tpu.memory_space<semaphore_mem>>)
    %scan3A_276 = arith.constant 0 : i32
    %scan3A_277 = arith.constant 0 : i32
    %scan3A_278 = arith.constant 3 : i32
    %scan3A_279 = arith.addi %scan3A_277, %scan3A_278 : i32
    %scan3A_280 = arith.constant 1 : i32
    scf.for %scan3A_688 = %scan3A_277 to %scan3A_279 step %scan3A_280  : i32 {
      %mul3A_689 = arith.constant 2 : i32
      %mul3A_690 = arith.muli %mul3A_689, %scan3A_688 : i32
      %dma_wait3A_691 = arith.constant 0 : i32
      %dma_wait3A_692 = arith.constant 0 : i32
      %dma_wait3A_693 = tpu.memref_slice %arg2[%dma_wait3A_691, %dma_wait3A_692] : memref<10000x128xf32, #tpu.memory_space<hbm>> -> memref<128x128xf32, #tpu.memory_space<hbm>>
      %dma_wait3A_694 = arith.constant 0 : i32
      %dma_wait3A_695 = arith.constant 0 : i32
      %dma_wait3A_696 = tpu.memref_slice %arg2[%dma_wait3A_694, %dma_wait3A_695] : memref<10000x128xf32, #tpu.memory_space<hbm>> -> memref<128x128xf32, #tpu.memory_space<hbm>>
      tpu.wait_dma2 semaphore(%arg13 : memref<!tpu.dma_semaphore, #tpu.memory_space<semaphore_mem>>) src(%dma_wait3A_696 : memref<128x128xf32, #tpu.memory_space<hbm>>) dst(%arg10 : memref<128x128xf32, #tpu.memory_space<vmem>>)
      %add3A_697 = arith.constant 1 : i32
      %add3A_698 = arith.addi %mul3A_690, %add3A_697 : i32
      %dma_start3A_699 = arith.constant 0 : i32
      %dma_start3A_700 = tpu.memref_slice %arg8[%add3A_698, %dma_start3A_699] : memref<8x128xi32, #tpu.memory_space<vmem>> -> memref<1x128xi32, #tpu.memory_space<vmem>>
      %dma_start3A_701 = tpu.memref_squeeze %dma_start3A_700 : memref<1x128xi32, #tpu.memory_space<vmem>> -> memref<128xi32, #tpu.memory_space<vmem>>
      %dma_start3A_702 = arith.constant 0 : i32
      %dma_start3A_703 = arith.constant 0 : i32
      %dma_start3A_704 = tpu.memref_slice %arg2[%dma_start3A_702, %dma_start3A_703] : memref<10000x128xf32, #tpu.memory_space<hbm>> -> memref<10000x128xf32, #tpu.memory_space<hbm>>
      tpu.enqueue_indirect_dma source(%dma_start3A_704 : memref<10000x128xf32, #tpu.memory_space<hbm>>) target(%arg11 : memref<128x128xf32, #tpu.memory_space<vmem>>) offsets(%dma_start3A_701 : memref<128xi32, #tpu.memory_space<vmem>>) semaphore(%arg14 : memref<!tpu.dma_semaphore, #tpu.memory_space<semaphore_mem>>)
      "tpu.region"() ({
        %run_scoped3A_721 = tpu.sem_alloc : memref<!tpu.dma_semaphore, #tpu.memory_space<semaphore_mem>>
        %dma_start3A_722 = arith.constant 0 : i32
        %dma_start3A_723 = tpu.memref_slice %arg9[%mul3A_690, %dma_start3A_722] : memref<8x128xi32, #tpu.memory_space<vmem>> -> memref<1x128xi32, #tpu.memory_space<vmem>>
        %dma_start3A_724 = tpu.memref_squeeze %dma_start3A_723 : memref<1x128xi32, #tpu.memory_space<vmem>> -> memref<128xi32, #tpu.memory_space<vmem>>
        %dma_start3A_725 = arith.constant 0 : i32
        %dma_start3A_726 = arith.constant 0 : i32
        %dma_start3A_727 = tpu.memref_slice %arg12[%dma_start3A_725, %dma_start3A_726] : memref<10240x128xf32, #tpu.memory_space<vmem_shared>> -> memref<10240x128xf32, #tpu.memory_space<vmem_shared>>
        tpu.enqueue_indirect_dma source(%arg10 : memref<128x128xf32, #tpu.memory_space<vmem>>) target(%dma_start3A_727 : memref<10240x128xf32, #tpu.memory_space<vmem_shared>>) offsets(%dma_start3A_724 : memref<128xi32, #tpu.memory_space<vmem>>) semaphore(%run_scoped3A_721 : memref<!tpu.dma_semaphore, #tpu.memory_space<semaphore_mem>>) {add = true}
        %dma_wait3A_728 = arith.constant 0 : i32
        %dma_wait3A_729 = tpu.memref_slice %arg9[%mul3A_690, %dma_wait3A_728] : memref<8x128xi32, #tpu.memory_space<vmem>> -> memref<1x128xi32, #tpu.memory_space<vmem>>
        %dma_wait3A_730 = tpu.memref_squeeze %dma_wait3A_729 : memref<1x128xi32, #tpu.memory_space<vmem>> -> memref<128xi32, #tpu.memory_space<vmem>>
        %dma_wait3A_731 = arith.constant 0 : i32
        %dma_wait3A_732 = arith.constant 0 : i32
        %dma_wait3A_733 = tpu.memref_slice %arg12[%dma_wait3A_731, %dma_wait3A_732] : memref<10240x128xf32, #tpu.memory_space<vmem_shared>> -> memref<10240x128xf32, #tpu.memory_space<vmem_shared>>
        tpu.wait_indirect_dma semaphore(%run_scoped3A_721 : memref<!tpu.dma_semaphore, #tpu.memory_space<semaphore_mem>>) src(%arg10 : memref<128x128xf32, #tpu.memory_space<vmem>>) dst(%dma_wait3A_733 : memref<10240x128xf32, #tpu.memory_space<vmem_shared>>)
        tpu.yield
      }) : () -> ()
      %dma_wait3A_705 = arith.constant 0 : i32
      %dma_wait3A_706 = arith.constant 0 : i32
      %dma_wait3A_707 = tpu.memref_slice %arg2[%dma_wait3A_705, %dma_wait3A_706] : memref<10000x128xf32, #tpu.memory_space<hbm>> -> memref<128x128xf32, #tpu.memory_space<hbm>>
      %dma_wait3A_708 = arith.constant 0 : i32
      %dma_wait3A_709 = arith.constant 0 : i32
      %dma_wait3A_710 = tpu.memref_slice %arg2[%dma_wait3A_708, %dma_wait3A_709] : memref<10000x128xf32, #tpu.memory_space<hbm>> -> memref<128x128xf32, #tpu.memory_space<hbm>>
      tpu.wait_dma2 semaphore(%arg14 : memref<!tpu.dma_semaphore, #tpu.memory_space<semaphore_mem>>) src(%dma_wait3A_710 : memref<128x128xf32, #tpu.memory_space<hbm>>) dst(%arg11 : memref<128x128xf32, #tpu.memory_space<vmem>>)
      %add3A_711 = arith.constant 2 : i32
      %add3A_712 = arith.addi %mul3A_690, %add3A_711 : i32
      %dma_start3A_713 = arith.constant 0 : i32
      %dma_start3A_714 = tpu.memref_slice %arg8[%add3A_712, %dma_start3A_713] : memref<8x128xi32, #tpu.memory_space<vmem>> -> memref<1x128xi32, #tpu.memory_space<vmem>>
      %dma_start3A_715 = tpu.memref_squeeze %dma_start3A_714 : memref<1x128xi32, #tpu.memory_space<vmem>> -> memref<128xi32, #tpu.memory_space<vmem>>
      %dma_start3A_716 = arith.constant 0 : i32
      %dma_start3A_717 = arith.constant 0 : i32
      %dma_start3A_718 = tpu.memref_slice %arg2[%dma_start3A_716, %dma_start3A_717] : memref<10000x128xf32, #tpu.memory_space<hbm>> -> memref<10000x128xf32, #tpu.memory_space<hbm>>
      tpu.enqueue_indirect_dma source(%dma_start3A_718 : memref<10000x128xf32, #tpu.memory_space<hbm>>) target(%arg10 : memref<128x128xf32, #tpu.memory_space<vmem>>) offsets(%dma_start3A_715 : memref<128xi32, #tpu.memory_space<vmem>>) semaphore(%arg13 : memref<!tpu.dma_semaphore, #tpu.memory_space<semaphore_mem>>)
      %add3A_719 = arith.constant 1 : i32
      %add3A_720 = arith.addi %mul3A_690, %add3A_719 : i32
      "tpu.region"() ({
        %run_scoped3A_721 = tpu.sem_alloc : memref<!tpu.dma_semaphore, #tpu.memory_space<semaphore_mem>>
        %dma_start3A_722 = arith.constant 0 : i32
        %dma_start3A_723 = tpu.memref_slice %arg9[%add3A_720, %dma_start3A_722] : memref<8x128xi32, #tpu.memory_space<vmem>> -> memref<1x128xi32, #tpu.memory_space<vmem>>
        %dma_start3A_724 = tpu.memref_squeeze %dma_start3A_723 : memref<1x128xi32, #tpu.memory_space<vmem>> -> memref<128xi32, #tpu.memory_space<vmem>>
        %dma_start3A_725 = arith.constant 0 : i32
        %dma_start3A_726 = arith.constant 0 : i32
        %dma_start3A_727 = tpu.memref_slice %arg12[%dma_start3A_725, %dma_start3A_726] : memref<10240x128xf32, #tpu.memory_space<vmem_shared>> -> memref<10240x128xf32, #tpu.memory_space<vmem_shared>>
        tpu.enqueue_indirect_dma source(%arg11 : memref<128x128xf32, #tpu.memory_space<vmem>>) target(%dma_start3A_727 : memref<10240x128xf32, #tpu.memory_space<vmem_shared>>) offsets(%dma_start3A_724 : memref<128xi32, #tpu.memory_space<vmem>>) semaphore(%run_scoped3A_721 : memref<!tpu.dma_semaphore, #tpu.memory_space<semaphore_mem>>) {add = true}
        %dma_wait3A_728 = arith.constant 0 : i32
        %dma_wait3A_729 = tpu.memref_slice %arg9[%add3A_720, %dma_wait3A_728] : memref<8x128xi32, #tpu.memory_space<vmem>> -> memref<1x128xi32, #tpu.memory_space<vmem>>
        %dma_wait3A_730 = tpu.memref_squeeze %dma_wait3A_729 : memref<1x128xi32, #tpu.memory_space<vmem>> -> memref<128xi32, #tpu.memory_space<vmem>>
        %dma_wait3A_731 = arith.constant 0 : i32
        %dma_wait3A_732 = arith.constant 0 : i32
        %dma_wait3A_733 = tpu.memref_slice %arg12[%dma_wait3A_731, %dma_wait3A_732] : memref<10240x128xf32, #tpu.memory_space<vmem_shared>> -> memref<10240x128xf32, #tpu.memory_space<vmem_shared>>
        tpu.wait_indirect_dma semaphore(%run_scoped3A_721 : memref<!tpu.dma_semaphore, #tpu.memory_space<semaphore_mem>>) src(%arg11 : memref<128x128xf32, #tpu.memory_space<vmem>>) dst(%dma_wait3A_733 : memref<10240x128xf32, #tpu.memory_space<vmem_shared>>)
        tpu.yield
      }) : () -> ()
    }
    %scan3A_281 = arith.constant 3 : i32
    %dma_wait3A_282 = arith.constant 0 : i32
    %dma_wait3A_283 = arith.constant 0 : i32
    %dma_wait3A_284 = tpu.memref_slice %arg2[%dma_wait3A_282, %dma_wait3A_283] : memref<10000x128xf32, #tpu.memory_space<hbm>> -> memref<128x128xf32, #tpu.memory_space<hbm>>
    %dma_wait3A_285 = arith.constant 0 : i32
    %dma_wait3A_286 = arith.constant 0 : i32
    %dma_wait3A_287 = tpu.memref_slice %arg2[%dma_wait3A_285, %dma_wait3A_286] : memref<10000x128xf32, #tpu.memory_space<hbm>> -> memref<128x128xf32, #tpu.memory_space<hbm>>
    tpu.wait_dma2 semaphore(%arg13 : memref<!tpu.dma_semaphore, #tpu.memory_space<semaphore_mem>>) src(%dma_wait3A_287 : memref<128x128xf32, #tpu.memory_space<hbm>>) dst(%arg10 : memref<128x128xf32, #tpu.memory_space<vmem>>)
    %dma_start3A_288 = arith.constant 7 : i32
    %dma_start3A_289 = arith.constant 0 : i32
    %dma_start3A_290 = tpu.memref_slice %arg8[%dma_start3A_288, %dma_start3A_289] : memref<8x128xi32, #tpu.memory_space<vmem>> -> memref<1x128xi32, #tpu.memory_space<vmem>>
    %dma_start3A_291 = tpu.memref_squeeze %dma_start3A_290 : memref<1x128xi32, #tpu.memory_space<vmem>> -> memref<128xi32, #tpu.memory_space<vmem>>
    %dma_start3A_292 = arith.constant 0 : i32
    %dma_start3A_293 = arith.constant 0 : i32
    %dma_start3A_294 = tpu.memref_slice %arg2[%dma_start3A_292, %dma_start3A_293] : memref<10000x128xf32, #tpu.memory_space<hbm>> -> memref<10000x128xf32, #tpu.memory_space<hbm>>
    tpu.enqueue_indirect_dma source(%dma_start3A_294 : memref<10000x128xf32, #tpu.memory_space<hbm>>) target(%arg11 : memref<128x128xf32, #tpu.memory_space<vmem>>) offsets(%dma_start3A_291 : memref<128xi32, #tpu.memory_space<vmem>>) semaphore(%arg14 : memref<!tpu.dma_semaphore, #tpu.memory_space<semaphore_mem>>)
    %run_scoped3A_295 = arith.constant 6 : i32
    "tpu.region"() ({
      %run_scoped3A_688 = tpu.sem_alloc : memref<!tpu.dma_semaphore, #tpu.memory_space<semaphore_mem>>
      %dma_start3A_689 = arith.constant 0 : i32
      %dma_start3A_690 = tpu.memref_slice %arg9[%run_scoped3A_295, %dma_start3A_689] : memref<8x128xi32, #tpu.memory_space<vmem>> -> memref<1x128xi32, #tpu.memory_space<vmem>>
      %dma_start3A_691 = tpu.memref_squeeze %dma_start3A_690 : memref<1x128xi32, #tpu.memory_space<vmem>> -> memref<128xi32, #tpu.memory_space<vmem>>
      %dma_start3A_692 = arith.constant 0 : i32
      %dma_start3A_693 = arith.constant 0 : i32
      %dma_start3A_694 = tpu.memref_slice %arg12[%dma_start3A_692, %dma_start3A_693] : memref<10240x128xf32, #tpu.memory_space<vmem_shared>> -> memref<10240x128xf32, #tpu.memory_space<vmem_shared>>
      tpu.enqueue_indirect_dma source(%arg10 : memref<128x128xf32, #tpu.memory_space<vmem>>) target(%dma_start3A_694 : memref<10240x128xf32, #tpu.memory_space<vmem_shared>>) offsets(%dma_start3A_691 : memref<128xi32, #tpu.memory_space<vmem>>) semaphore(%run_scoped3A_688 : memref<!tpu.dma_semaphore, #tpu.memory_space<semaphore_mem>>) {add = true}
      %dma_wait3A_695 = arith.constant 0 : i32
      %dma_wait3A_696 = tpu.memref_slice %arg9[%run_scoped3A_295, %dma_wait3A_695] : memref<8x128xi32, #tpu.memory_space<vmem>> -> memref<1x128xi32, #tpu.memory_space<vmem>>
      %dma_wait3A_697 = tpu.memref_squeeze %dma_wait3A_696 : memref<1x128xi32, #tpu.memory_space<vmem>> -> memref<128xi32, #tpu.memory_space<vmem>>
      %dma_wait3A_698 = arith.constant 0 : i32
      %dma_wait3A_699 = arith.constant 0 : i32
      %dma_wait3A_700 = tpu.memref_slice %arg12[%dma_wait3A_698, %dma_wait3A_699] : memref<10240x128xf32, #tpu.memory_space<vmem_shared>> -> memref<10240x128xf32, #tpu.memory_space<vmem_shared>>
      tpu.wait_indirect_dma semaphore(%run_scoped3A_688 : memref<!tpu.dma_semaphore, #tpu.memory_space<semaphore_mem>>) src(%arg10 : memref<128x128xf32, #tpu.memory_space<vmem>>) dst(%dma_wait3A_700 : memref<10240x128xf32, #tpu.memory_space<vmem_shared>>)
      tpu.yield
    }) : () -> ()
    %dma_wait3A_296 = arith.constant 0 : i32
    %dma_wait3A_297 = arith.constant 0 : i32
    %dma_wait3A_298 = tpu.memref_slice %arg2[%dma_wait3A_296, %dma_wait3A_297] : memref<10000x128xf32, #tpu.memory_space<hbm>> -> memref<128x128xf32, #tpu.memory_space<hbm>>
    %dma_wait3A_299 = arith.constant 0 : i32
    %dma_wait3A_300 = arith.constant 0 : i32
    %dma_wait3A_301 = tpu.memref_slice %arg2[%dma_wait3A_299, %dma_wait3A_300] : memref<10000x128xf32, #tpu.memory_space<hbm>> -> memref<128x128xf32, #tpu.memory_space<hbm>>
    tpu.wait_dma2 semaphore(%arg14 : memref<!tpu.dma_semaphore, #tpu.memory_space<semaphore_mem>>) src(%dma_wait3A_301 : memref<128x128xf32, #tpu.memory_space<hbm>>) dst(%arg11 : memref<128x128xf32, #tpu.memory_space<vmem>>)
    %dma_wait3A_302 = arith.constant 0 : i32
    %dma_wait3A_303 = arith.constant 0 : i32
    %dma_wait3A_304 = tpu.memref_slice %arg3[%add3A, %dma_wait3A_302, %dma_wait3A_303] : memref<32x80x128xi32, #tpu.memory_space<hbm>> -> memref<1x8x128xi32, #tpu.memory_space<hbm>>
    %dma_wait3A_305 = tpu.memref_squeeze %dma_wait3A_304 : memref<1x8x128xi32, #tpu.memory_space<hbm>> -> memref<8x128xi32, #tpu.memory_space<hbm>>
    %dma_wait3A_306 = arith.constant 0 : i32
    %dma_wait3A_307 = arith.constant 0 : i32
    %dma_wait3A_308 = tpu.memref_slice %arg3[%add3A, %dma_wait3A_306, %dma_wait3A_307] : memref<32x80x128xi32, #tpu.memory_space<hbm>> -> memref<1x8x128xi32, #tpu.memory_space<hbm>>
    %dma_wait3A_309 = tpu.memref_squeeze %dma_wait3A_308 : memref<1x8x128xi32, #tpu.memory_space<hbm>> -> memref<8x128xi32, #tpu.memory_space<hbm>>
    tpu.wait_dma2 semaphore(%arg15 : memref<!tpu.dma_semaphore, #tpu.memory_space<semaphore_mem>>) src(%dma_wait3A_309 : memref<8x128xi32, #tpu.memory_space<hbm>>) dst(%arg6 : memref<8x128xi32, #tpu.memory_space<vmem>>)
    %dma_wait3A_310 = arith.constant 0 : i32
    %dma_wait3A_311 = arith.constant 0 : i32
    %dma_wait3A_312 = tpu.memref_slice %arg4[%add3A, %dma_wait3A_310, %dma_wait3A_311] : memref<32x80x128xi32, #tpu.memory_space<hbm>> -> memref<1x8x128xi32, #tpu.memory_space<hbm>>
    %dma_wait3A_313 = tpu.memref_squeeze %dma_wait3A_312 : memref<1x8x128xi32, #tpu.memory_space<hbm>> -> memref<8x128xi32, #tpu.memory_space<hbm>>
    %dma_wait3A_314 = arith.constant 0 : i32
    %dma_wait3A_315 = arith.constant 0 : i32
    %dma_wait3A_316 = tpu.memref_slice %arg4[%add3A, %dma_wait3A_314, %dma_wait3A_315] : memref<32x80x128xi32, #tpu.memory_space<hbm>> -> memref<1x8x128xi32, #tpu.memory_space<hbm>>
    %dma_wait3A_317 = tpu.memref_squeeze %dma_wait3A_316 : memref<1x8x128xi32, #tpu.memory_space<hbm>> -> memref<8x128xi32, #tpu.memory_space<hbm>>
    tpu.wait_dma2 semaphore(%arg15 : memref<!tpu.dma_semaphore, #tpu.memory_space<semaphore_mem>>) src(%dma_wait3A_317 : memref<8x128xi32, #tpu.memory_space<hbm>>) dst(%arg7 : memref<8x128xi32, #tpu.memory_space<vmem>>)
    %dma_start3A_318 = arith.constant 0 : i32
    %dma_start3A_319 = arith.constant 0 : i32
    %dma_start3A_320 = tpu.memref_slice %arg6[%dma_start3A_318, %dma_start3A_319] : memref<8x128xi32, #tpu.memory_space<vmem>> -> memref<1x128xi32, #tpu.memory_space<vmem>>
    %dma_start3A_321 = tpu.memref_squeeze %dma_start3A_320 : memref<1x128xi32, #tpu.memory_space<vmem>> -> memref<128xi32, #tpu.memory_space<vmem>>
    %dma_start3A_322 = arith.constant 0 : i32
    %dma_start3A_323 = arith.constant 0 : i32
    %dma_start3A_324 = tpu.memref_slice %arg2[%dma_start3A_322, %dma_start3A_323] : memref<10000x128xf32, #tpu.memory_space<hbm>> -> memref<10000x128xf32, #tpu.memory_space<hbm>>
    tpu.enqueue_indirect_dma source(%dma_start3A_324 : memref<10000x128xf32, #tpu.memory_space<hbm>>) target(%arg10 : memref<128x128xf32, #tpu.memory_space<vmem>>) offsets(%dma_start3A_321 : memref<128xi32, #tpu.memory_space<vmem>>) semaphore(%arg13 : memref<!tpu.dma_semaphore, #tpu.memory_space<semaphore_mem>>)
    %run_scoped3A_325 = arith.constant 7 : i32
    "tpu.region"() ({
      %run_scoped3A_688 = tpu.sem_alloc : memref<!tpu.dma_semaphore, #tpu.memory_space<semaphore_mem>>
      %dma_start3A_689 = arith.constant 0 : i32
      %dma_start3A_690 = tpu.memref_slice %arg9[%run_scoped3A_325, %dma_start3A_689] : memref<8x128xi32, #tpu.memory_space<vmem>> -> memref<1x128xi32, #tpu.memory_space<vmem>>
      %dma_start3A_691 = tpu.memref_squeeze %dma_start3A_690 : memref<1x128xi32, #tpu.memory_space<vmem>> -> memref<128xi32, #tpu.memory_space<vmem>>
      %dma_start3A_692 = arith.constant 0 : i32
      %dma_start3A_693 = arith.constant 0 : i32
      %dma_start3A_694 = tpu.memref_slice %arg12[%dma_start3A_692, %dma_start3A_693] : memref<10240x128xf32, #tpu.memory_space<vmem_shared>> -> memref<10240x128xf32, #tpu.memory_space<vmem_shared>>
      tpu.enqueue_indirect_dma source(%arg11 : memref<128x128xf32, #tpu.memory_space<vmem>>) target(%dma_start3A_694 : memref<10240x128xf32, #tpu.memory_space<vmem_shared>>) offsets(%dma_start3A_691 : memref<128xi32, #tpu.memory_space<vmem>>) semaphore(%run_scoped3A_688 : memref<!tpu.dma_semaphore, #tpu.memory_space<semaphore_mem>>) {add = true}
      %dma_wait3A_695 = arith.constant 0 : i32
      %dma_wait3A_696 = tpu.memref_slice %arg9[%run_scoped3A_325, %dma_wait3A_695] : memref<8x128xi32, #tpu.memory_space<vmem>> -> memref<1x128xi32, #tpu.memory_space<vmem>>
      %dma_wait3A_697 = tpu.memref_squeeze %dma_wait3A_696 : memref<1x128xi32, #tpu.memory_space<vmem>> -> memref<128xi32, #tpu.memory_space<vmem>>
      %dma_wait3A_698 = arith.constant 0 : i32
      %dma_wait3A_699 = arith.constant 0 : i32
      %dma_wait3A_700 = tpu.memref_slice %arg12[%dma_wait3A_698, %dma_wait3A_699] : memref<10240x128xf32, #tpu.memory_space<vmem_shared>> -> memref<10240x128xf32, #tpu.memory_space<vmem_shared>>
      tpu.wait_indirect_dma semaphore(%run_scoped3A_688 : memref<!tpu.dma_semaphore, #tpu.memory_space<semaphore_mem>>) src(%arg11 : memref<128x128xf32, #tpu.memory_space<vmem>>) dst(%dma_wait3A_700 : memref<10240x128xf32, #tpu.memory_space<vmem_shared>>)
      tpu.yield
    }) : () -> ()
    %dma_start3A_326 = arith.constant 40 : i32
    %dma_start3A_327 = arith.constant 0 : i32
    %dma_start3A_328 = tpu.memref_slice %arg3[%add3A, %dma_start3A_326, %dma_start3A_327] : memref<32x80x128xi32, #tpu.memory_space<hbm>> -> memref<1x8x128xi32, #tpu.memory_space<hbm>>
    %dma_start3A_329 = tpu.memref_squeeze %dma_start3A_328 : memref<1x8x128xi32, #tpu.memory_space<hbm>> -> memref<8x128xi32, #tpu.memory_space<hbm>>
    %dma_start3A_330 = arith.constant 40 : i32
    %dma_start3A_331 = arith.constant 0 : i32
    %dma_start3A_332 = tpu.memref_slice %arg3[%add3A, %dma_start3A_330, %dma_start3A_331] : memref<32x80x128xi32, #tpu.memory_space<hbm>> -> memref<1x8x128xi32, #tpu.memory_space<hbm>>
    %dma_start3A_333 = tpu.memref_squeeze %dma_start3A_332 : memref<1x8x128xi32, #tpu.memory_space<hbm>> -> memref<8x128xi32, #tpu.memory_space<hbm>>
    tpu.enqueue_dma source(%dma_start3A_333 : memref<8x128xi32, #tpu.memory_space<hbm>>) target(%arg8 : memref<8x128xi32, #tpu.memory_space<vmem>>) target_semaphore(%arg15 : memref<!tpu.dma_semaphore, #tpu.memory_space<semaphore_mem>>)
    %dma_start3A_334 = arith.constant 40 : i32
    %dma_start3A_335 = arith.constant 0 : i32
    %dma_start3A_336 = tpu.memref_slice %arg4[%add3A, %dma_start3A_334, %dma_start3A_335] : memref<32x80x128xi32, #tpu.memory_space<hbm>> -> memref<1x8x128xi32, #tpu.memory_space<hbm>>
    %dma_start3A_337 = tpu.memref_squeeze %dma_start3A_336 : memref<1x8x128xi32, #tpu.memory_space<hbm>> -> memref<8x128xi32, #tpu.memory_space<hbm>>
    %dma_start3A_338 = arith.constant 40 : i32
    %dma_start3A_339 = arith.constant 0 : i32
    %dma_start3A_340 = tpu.memref_slice %arg4[%add3A, %dma_start3A_338, %dma_start3A_339] : memref<32x80x128xi32, #tpu.memory_space<hbm>> -> memref<1x8x128xi32, #tpu.memory_space<hbm>>
    %dma_start3A_341 = tpu.memref_squeeze %dma_start3A_340 : memref<1x8x128xi32, #tpu.memory_space<hbm>> -> memref<8x128xi32, #tpu.memory_space<hbm>>
    tpu.enqueue_dma source(%dma_start3A_341 : memref<8x128xi32, #tpu.memory_space<hbm>>) target(%arg9 : memref<8x128xi32, #tpu.memory_space<vmem>>) target_semaphore(%arg15 : memref<!tpu.dma_semaphore, #tpu.memory_space<semaphore_mem>>)
    %scan3A_342 = arith.constant 0 : i32
    %scan3A_343 = arith.constant 0 : i32
    %scan3A_344 = arith.constant 3 : i32
    %scan3A_345 = arith.addi %scan3A_343, %scan3A_344 : i32
    %scan3A_346 = arith.constant 1 : i32
    scf.for %scan3A_688 = %scan3A_343 to %scan3A_345 step %scan3A_346  : i32 {
      %mul3A_689 = arith.constant 2 : i32
      %mul3A_690 = arith.muli %mul3A_689, %scan3A_688 : i32
      %dma_wait3A_691 = arith.constant 0 : i32
      %dma_wait3A_692 = arith.constant 0 : i32
      %dma_wait3A_693 = tpu.memref_slice %arg2[%dma_wait3A_691, %dma_wait3A_692] : memref<10000x128xf32, #tpu.memory_space<hbm>> -> memref<128x128xf32, #tpu.memory_space<hbm>>
      %dma_wait3A_694 = arith.constant 0 : i32
      %dma_wait3A_695 = arith.constant 0 : i32
      %dma_wait3A_696 = tpu.memref_slice %arg2[%dma_wait3A_694, %dma_wait3A_695] : memref<10000x128xf32, #tpu.memory_space<hbm>> -> memref<128x128xf32, #tpu.memory_space<hbm>>
      tpu.wait_dma2 semaphore(%arg13 : memref<!tpu.dma_semaphore, #tpu.memory_space<semaphore_mem>>) src(%dma_wait3A_696 : memref<128x128xf32, #tpu.memory_space<hbm>>) dst(%arg10 : memref<128x128xf32, #tpu.memory_space<vmem>>)
      %add3A_697 = arith.constant 1 : i32
      %add3A_698 = arith.addi %mul3A_690, %add3A_697 : i32
      %dma_start3A_699 = arith.constant 0 : i32
      %dma_start3A_700 = tpu.memref_slice %arg6[%add3A_698, %dma_start3A_699] : memref<8x128xi32, #tpu.memory_space<vmem>> -> memref<1x128xi32, #tpu.memory_space<vmem>>
      %dma_start3A_701 = tpu.memref_squeeze %dma_start3A_700 : memref<1x128xi32, #tpu.memory_space<vmem>> -> memref<128xi32, #tpu.memory_space<vmem>>
      %dma_start3A_702 = arith.constant 0 : i32
      %dma_start3A_703 = arith.constant 0 : i32
      %dma_start3A_704 = tpu.memref_slice %arg2[%dma_start3A_702, %dma_start3A_703] : memref<10000x128xf32, #tpu.memory_space<hbm>> -> memref<10000x128xf32, #tpu.memory_space<hbm>>
      tpu.enqueue_indirect_dma source(%dma_start3A_704 : memref<10000x128xf32, #tpu.memory_space<hbm>>) target(%arg11 : memref<128x128xf32, #tpu.memory_space<vmem>>) offsets(%dma_start3A_701 : memref<128xi32, #tpu.memory_space<vmem>>) semaphore(%arg14 : memref<!tpu.dma_semaphore, #tpu.memory_space<semaphore_mem>>)
      "tpu.region"() ({
        %run_scoped3A_721 = tpu.sem_alloc : memref<!tpu.dma_semaphore, #tpu.memory_space<semaphore_mem>>
        %dma_start3A_722 = arith.constant 0 : i32
        %dma_start3A_723 = tpu.memref_slice %arg7[%mul3A_690, %dma_start3A_722] : memref<8x128xi32, #tpu.memory_space<vmem>> -> memref<1x128xi32, #tpu.memory_space<vmem>>
        %dma_start3A_724 = tpu.memref_squeeze %dma_start3A_723 : memref<1x128xi32, #tpu.memory_space<vmem>> -> memref<128xi32, #tpu.memory_space<vmem>>
        %dma_start3A_725 = arith.constant 0 : i32
        %dma_start3A_726 = arith.constant 0 : i32
        %dma_start3A_727 = tpu.memref_slice %arg12[%dma_start3A_725, %dma_start3A_726] : memref<10240x128xf32, #tpu.memory_space<vmem_shared>> -> memref<10240x128xf32, #tpu.memory_space<vmem_shared>>
        tpu.enqueue_indirect_dma source(%arg10 : memref<128x128xf32, #tpu.memory_space<vmem>>) target(%dma_start3A_727 : memref<10240x128xf32, #tpu.memory_space<vmem_shared>>) offsets(%dma_start3A_724 : memref<128xi32, #tpu.memory_space<vmem>>) semaphore(%run_scoped3A_721 : memref<!tpu.dma_semaphore, #tpu.memory_space<semaphore_mem>>) {add = true}
        %dma_wait3A_728 = arith.constant 0 : i32
        %dma_wait3A_729 = tpu.memref_slice %arg7[%mul3A_690, %dma_wait3A_728] : memref<8x128xi32, #tpu.memory_space<vmem>> -> memref<1x128xi32, #tpu.memory_space<vmem>>
        %dma_wait3A_730 = tpu.memref_squeeze %dma_wait3A_729 : memref<1x128xi32, #tpu.memory_space<vmem>> -> memref<128xi32, #tpu.memory_space<vmem>>
        %dma_wait3A_731 = arith.constant 0 : i32
        %dma_wait3A_732 = arith.constant 0 : i32
        %dma_wait3A_733 = tpu.memref_slice %arg12[%dma_wait3A_731, %dma_wait3A_732] : memref<10240x128xf32, #tpu.memory_space<vmem_shared>> -> memref<10240x128xf32, #tpu.memory_space<vmem_shared>>
        tpu.wait_indirect_dma semaphore(%run_scoped3A_721 : memref<!tpu.dma_semaphore, #tpu.memory_space<semaphore_mem>>) src(%arg10 : memref<128x128xf32, #tpu.memory_space<vmem>>) dst(%dma_wait3A_733 : memref<10240x128xf32, #tpu.memory_space<vmem_shared>>)
        tpu.yield
      }) : () -> ()
      %dma_wait3A_705 = arith.constant 0 : i32
      %dma_wait3A_706 = arith.constant 0 : i32
      %dma_wait3A_707 = tpu.memref_slice %arg2[%dma_wait3A_705, %dma_wait3A_706] : memref<10000x128xf32, #tpu.memory_space<hbm>> -> memref<128x128xf32, #tpu.memory_space<hbm>>
      %dma_wait3A_708 = arith.constant 0 : i32
      %dma_wait3A_709 = arith.constant 0 : i32
      %dma_wait3A_710 = tpu.memref_slice %arg2[%dma_wait3A_708, %dma_wait3A_709] : memref<10000x128xf32, #tpu.memory_space<hbm>> -> memref<128x128xf32, #tpu.memory_space<hbm>>
      tpu.wait_dma2 semaphore(%arg14 : memref<!tpu.dma_semaphore, #tpu.memory_space<semaphore_mem>>) src(%dma_wait3A_710 : memref<128x128xf32, #tpu.memory_space<hbm>>) dst(%arg11 : memref<128x128xf32, #tpu.memory_space<vmem>>)
      %add3A_711 = arith.constant 2 : i32
      %add3A_712 = arith.addi %mul3A_690, %add3A_711 : i32
      %dma_start3A_713 = arith.constant 0 : i32
      %dma_start3A_714 = tpu.memref_slice %arg6[%add3A_712, %dma_start3A_713] : memref<8x128xi32, #tpu.memory_space<vmem>> -> memref<1x128xi32, #tpu.memory_space<vmem>>
      %dma_start3A_715 = tpu.memref_squeeze %dma_start3A_714 : memref<1x128xi32, #tpu.memory_space<vmem>> -> memref<128xi32, #tpu.memory_space<vmem>>
      %dma_start3A_716 = arith.constant 0 : i32
      %dma_start3A_717 = arith.constant 0 : i32
      %dma_start3A_718 = tpu.memref_slice %arg2[%dma_start3A_716, %dma_start3A_717] : memref<10000x128xf32, #tpu.memory_space<hbm>> -> memref<10000x128xf32, #tpu.memory_space<hbm>>
      tpu.enqueue_indirect_dma source(%dma_start3A_718 : memref<10000x128xf32, #tpu.memory_space<hbm>>) target(%arg10 : memref<128x128xf32, #tpu.memory_space<vmem>>) offsets(%dma_start3A_715 : memref<128xi32, #tpu.memory_space<vmem>>) semaphore(%arg13 : memref<!tpu.dma_semaphore, #tpu.memory_space<semaphore_mem>>)
      %add3A_719 = arith.constant 1 : i32
      %add3A_720 = arith.addi %mul3A_690, %add3A_719 : i32
      "tpu.region"() ({
        %run_scoped3A_721 = tpu.sem_alloc : memref<!tpu.dma_semaphore, #tpu.memory_space<semaphore_mem>>
        %dma_start3A_722 = arith.constant 0 : i32
        %dma_start3A_723 = tpu.memref_slice %arg7[%add3A_720, %dma_start3A_722] : memref<8x128xi32, #tpu.memory_space<vmem>> -> memref<1x128xi32, #tpu.memory_space<vmem>>
        %dma_start3A_724 = tpu.memref_squeeze %dma_start3A_723 : memref<1x128xi32, #tpu.memory_space<vmem>> -> memref<128xi32, #tpu.memory_space<vmem>>
        %dma_start3A_725 = arith.constant 0 : i32
        %dma_start3A_726 = arith.constant 0 : i32
        %dma_start3A_727 = tpu.memref_slice %arg12[%dma_start3A_725, %dma_start3A_726] : memref<10240x128xf32, #tpu.memory_space<vmem_shared>> -> memref<10240x128xf32, #tpu.memory_space<vmem_shared>>
        tpu.enqueue_indirect_dma source(%arg11 : memref<128x128xf32, #tpu.memory_space<vmem>>) target(%dma_start3A_727 : memref<10240x128xf32, #tpu.memory_space<vmem_shared>>) offsets(%dma_start3A_724 : memref<128xi32, #tpu.memory_space<vmem>>) semaphore(%run_scoped3A_721 : memref<!tpu.dma_semaphore, #tpu.memory_space<semaphore_mem>>) {add = true}
        %dma_wait3A_728 = arith.constant 0 : i32
        %dma_wait3A_729 = tpu.memref_slice %arg7[%add3A_720, %dma_wait3A_728] : memref<8x128xi32, #tpu.memory_space<vmem>> -> memref<1x128xi32, #tpu.memory_space<vmem>>
        %dma_wait3A_730 = tpu.memref_squeeze %dma_wait3A_729 : memref<1x128xi32, #tpu.memory_space<vmem>> -> memref<128xi32, #tpu.memory_space<vmem>>
        %dma_wait3A_731 = arith.constant 0 : i32
        %dma_wait3A_732 = arith.constant 0 : i32
        %dma_wait3A_733 = tpu.memref_slice %arg12[%dma_wait3A_731, %dma_wait3A_732] : memref<10240x128xf32, #tpu.memory_space<vmem_shared>> -> memref<10240x128xf32, #tpu.memory_space<vmem_shared>>
        tpu.wait_indirect_dma semaphore(%run_scoped3A_721 : memref<!tpu.dma_semaphore, #tpu.memory_space<semaphore_mem>>) src(%arg11 : memref<128x128xf32, #tpu.memory_space<vmem>>) dst(%dma_wait3A_733 : memref<10240x128xf32, #tpu.memory_space<vmem_shared>>)
        tpu.yield
      }) : () -> ()
    }
    %scan3A_347 = arith.constant 3 : i32
    %dma_wait3A_348 = arith.constant 0 : i32
    %dma_wait3A_349 = arith.constant 0 : i32
    %dma_wait3A_350 = tpu.memref_slice %arg2[%dma_wait3A_348, %dma_wait3A_349] : memref<10000x128xf32, #tpu.memory_space<hbm>> -> memref<128x128xf32, #tpu.memory_space<hbm>>
    %dma_wait3A_351 = arith.constant 0 : i32
    %dma_wait3A_352 = arith.constant 0 : i32
    %dma_wait3A_353 = tpu.memref_slice %arg2[%dma_wait3A_351, %dma_wait3A_352] : memref<10000x128xf32, #tpu.memory_space<hbm>> -> memref<128x128xf32, #tpu.memory_space<hbm>>
    tpu.wait_dma2 semaphore(%arg13 : memref<!tpu.dma_semaphore, #tpu.memory_space<semaphore_mem>>) src(%dma_wait3A_353 : memref<128x128xf32, #tpu.memory_space<hbm>>) dst(%arg10 : memref<128x128xf32, #tpu.memory_space<vmem>>)
    %dma_start3A_354 = arith.constant 7 : i32
    %dma_start3A_355 = arith.constant 0 : i32
    %dma_start3A_356 = tpu.memref_slice %arg6[%dma_start3A_354, %dma_start3A_355] : memref<8x128xi32, #tpu.memory_space<vmem>> -> memref<1x128xi32, #tpu.memory_space<vmem>>
    %dma_start3A_357 = tpu.memref_squeeze %dma_start3A_356 : memref<1x128xi32, #tpu.memory_space<vmem>> -> memref<128xi32, #tpu.memory_space<vmem>>
    %dma_start3A_358 = arith.constant 0 : i32
    %dma_start3A_359 = arith.constant 0 : i32
    %dma_start3A_360 = tpu.memref_slice %arg2[%dma_start3A_358, %dma_start3A_359] : memref<10000x128xf32, #tpu.memory_space<hbm>> -> memref<10000x128xf32, #tpu.memory_space<hbm>>
    tpu.enqueue_indirect_dma source(%dma_start3A_360 : memref<10000x128xf32, #tpu.memory_space<hbm>>) target(%arg11 : memref<128x128xf32, #tpu.memory_space<vmem>>) offsets(%dma_start3A_357 : memref<128xi32, #tpu.memory_space<vmem>>) semaphore(%arg14 : memref<!tpu.dma_semaphore, #tpu.memory_space<semaphore_mem>>)
    %run_scoped3A_361 = arith.constant 6 : i32
    "tpu.region"() ({
      %run_scoped3A_688 = tpu.sem_alloc : memref<!tpu.dma_semaphore, #tpu.memory_space<semaphore_mem>>
      %dma_start3A_689 = arith.constant 0 : i32
      %dma_start3A_690 = tpu.memref_slice %arg7[%run_scoped3A_361, %dma_start3A_689] : memref<8x128xi32, #tpu.memory_space<vmem>> -> memref<1x128xi32, #tpu.memory_space<vmem>>
      %dma_start3A_691 = tpu.memref_squeeze %dma_start3A_690 : memref<1x128xi32, #tpu.memory_space<vmem>> -> memref<128xi32, #tpu.memory_space<vmem>>
      %dma_start3A_692 = arith.constant 0 : i32
      %dma_start3A_693 = arith.constant 0 : i32
      %dma_start3A_694 = tpu.memref_slice %arg12[%dma_start3A_692, %dma_start3A_693] : memref<10240x128xf32, #tpu.memory_space<vmem_shared>> -> memref<10240x128xf32, #tpu.memory_space<vmem_shared>>
      tpu.enqueue_indirect_dma source(%arg10 : memref<128x128xf32, #tpu.memory_space<vmem>>) target(%dma_start3A_694 : memref<10240x128xf32, #tpu.memory_space<vmem_shared>>) offsets(%dma_start3A_691 : memref<128xi32, #tpu.memory_space<vmem>>) semaphore(%run_scoped3A_688 : memref<!tpu.dma_semaphore, #tpu.memory_space<semaphore_mem>>) {add = true}
      %dma_wait3A_695 = arith.constant 0 : i32
      %dma_wait3A_696 = tpu.memref_slice %arg7[%run_scoped3A_361, %dma_wait3A_695] : memref<8x128xi32, #tpu.memory_space<vmem>> -> memref<1x128xi32, #tpu.memory_space<vmem>>
      %dma_wait3A_697 = tpu.memref_squeeze %dma_wait3A_696 : memref<1x128xi32, #tpu.memory_space<vmem>> -> memref<128xi32, #tpu.memory_space<vmem>>
      %dma_wait3A_698 = arith.constant 0 : i32
      %dma_wait3A_699 = arith.constant 0 : i32
      %dma_wait3A_700 = tpu.memref_slice %arg12[%dma_wait3A_698, %dma_wait3A_699] : memref<10240x128xf32, #tpu.memory_space<vmem_shared>> -> memref<10240x128xf32, #tpu.memory_space<vmem_shared>>
      tpu.wait_indirect_dma semaphore(%run_scoped3A_688 : memref<!tpu.dma_semaphore, #tpu.memory_space<semaphore_mem>>) src(%arg10 : memref<128x128xf32, #tpu.memory_space<vmem>>) dst(%dma_wait3A_700 : memref<10240x128xf32, #tpu.memory_space<vmem_shared>>)
      tpu.yield
    }) : () -> ()
    %dma_wait3A_362 = arith.constant 0 : i32
    %dma_wait3A_363 = arith.constant 0 : i32
    %dma_wait3A_364 = tpu.memref_slice %arg2[%dma_wait3A_362, %dma_wait3A_363] : memref<10000x128xf32, #tpu.memory_space<hbm>> -> memref<128x128xf32, #tpu.memory_space<hbm>>
    %dma_wait3A_365 = arith.constant 0 : i32
    %dma_wait3A_366 = arith.constant 0 : i32
    %dma_wait3A_367 = tpu.memref_slice %arg2[%dma_wait3A_365, %dma_wait3A_366] : memref<10000x128xf32, #tpu.memory_space<hbm>> -> memref<128x128xf32, #tpu.memory_space<hbm>>
    tpu.wait_dma2 semaphore(%arg14 : memref<!tpu.dma_semaphore, #tpu.memory_space<semaphore_mem>>) src(%dma_wait3A_367 : memref<128x128xf32, #tpu.memory_space<hbm>>) dst(%arg11 : memref<128x128xf32, #tpu.memory_space<vmem>>)
    %dma_wait3A_368 = arith.constant 0 : i32
    %dma_wait3A_369 = arith.constant 0 : i32
    %dma_wait3A_370 = tpu.memref_slice %arg3[%add3A, %dma_wait3A_368, %dma_wait3A_369] : memref<32x80x128xi32, #tpu.memory_space<hbm>> -> memref<1x8x128xi32, #tpu.memory_space<hbm>>
    %dma_wait3A_371 = tpu.memref_squeeze %dma_wait3A_370 : memref<1x8x128xi32, #tpu.memory_space<hbm>> -> memref<8x128xi32, #tpu.memory_space<hbm>>
    %dma_wait3A_372 = arith.constant 0 : i32
    %dma_wait3A_373 = arith.constant 0 : i32
    %dma_wait3A_374 = tpu.memref_slice %arg3[%add3A, %dma_wait3A_372, %dma_wait3A_373] : memref<32x80x128xi32, #tpu.memory_space<hbm>> -> memref<1x8x128xi32, #tpu.memory_space<hbm>>
    %dma_wait3A_375 = tpu.memref_squeeze %dma_wait3A_374 : memref<1x8x128xi32, #tpu.memory_space<hbm>> -> memref<8x128xi32, #tpu.memory_space<hbm>>
    tpu.wait_dma2 semaphore(%arg15 : memref<!tpu.dma_semaphore, #tpu.memory_space<semaphore_mem>>) src(%dma_wait3A_375 : memref<8x128xi32, #tpu.memory_space<hbm>>) dst(%arg8 : memref<8x128xi32, #tpu.memory_space<vmem>>)
    %dma_wait3A_376 = arith.constant 0 : i32
    %dma_wait3A_377 = arith.constant 0 : i32
    %dma_wait3A_378 = tpu.memref_slice %arg4[%add3A, %dma_wait3A_376, %dma_wait3A_377] : memref<32x80x128xi32, #tpu.memory_space<hbm>> -> memref<1x8x128xi32, #tpu.memory_space<hbm>>
    %dma_wait3A_379 = tpu.memref_squeeze %dma_wait3A_378 : memref<1x8x128xi32, #tpu.memory_space<hbm>> -> memref<8x128xi32, #tpu.memory_space<hbm>>
    %dma_wait3A_380 = arith.constant 0 : i32
    %dma_wait3A_381 = arith.constant 0 : i32
    %dma_wait3A_382 = tpu.memref_slice %arg4[%add3A, %dma_wait3A_380, %dma_wait3A_381] : memref<32x80x128xi32, #tpu.memory_space<hbm>> -> memref<1x8x128xi32, #tpu.memory_space<hbm>>
    %dma_wait3A_383 = tpu.memref_squeeze %dma_wait3A_382 : memref<1x8x128xi32, #tpu.memory_space<hbm>> -> memref<8x128xi32, #tpu.memory_space<hbm>>
    tpu.wait_dma2 semaphore(%arg15 : memref<!tpu.dma_semaphore, #tpu.memory_space<semaphore_mem>>) src(%dma_wait3A_383 : memref<8x128xi32, #tpu.memory_space<hbm>>) dst(%arg9 : memref<8x128xi32, #tpu.memory_space<vmem>>)
    %dma_start3A_384 = arith.constant 0 : i32
    %dma_start3A_385 = arith.constant 0 : i32
    %dma_start3A_386 = tpu.memref_slice %arg8[%dma_start3A_384, %dma_start3A_385] : memref<8x128xi32, #tpu.memory_space<vmem>> -> memref<1x128xi32, #tpu.memory_space<vmem>>
    %dma_start3A_387 = tpu.memref_squeeze %dma_start3A_386 : memref<1x128xi32, #tpu.memory_space<vmem>> -> memref<128xi32, #tpu.memory_space<vmem>>
    %dma_start3A_388 = arith.constant 0 : i32
    %dma_start3A_389 = arith.constant 0 : i32
    %dma_start3A_390 = tpu.memref_slice %arg2[%dma_start3A_388, %dma_start3A_389] : memref<10000x128xf32, #tpu.memory_space<hbm>> -> memref<10000x128xf32, #tpu.memory_space<hbm>>
    tpu.enqueue_indirect_dma source(%dma_start3A_390 : memref<10000x128xf32, #tpu.memory_space<hbm>>) target(%arg10 : memref<128x128xf32, #tpu.memory_space<vmem>>) offsets(%dma_start3A_387 : memref<128xi32, #tpu.memory_space<vmem>>) semaphore(%arg13 : memref<!tpu.dma_semaphore, #tpu.memory_space<semaphore_mem>>)
    %run_scoped3A_391 = arith.constant 7 : i32
    "tpu.region"() ({
      %run_scoped3A_688 = tpu.sem_alloc : memref<!tpu.dma_semaphore, #tpu.memory_space<semaphore_mem>>
      %dma_start3A_689 = arith.constant 0 : i32
      %dma_start3A_690 = tpu.memref_slice %arg7[%run_scoped3A_391, %dma_start3A_689] : memref<8x128xi32, #tpu.memory_space<vmem>> -> memref<1x128xi32, #tpu.memory_space<vmem>>
      %dma_start3A_691 = tpu.memref_squeeze %dma_start3A_690 : memref<1x128xi32, #tpu.memory_space<vmem>> -> memref<128xi32, #tpu.memory_space<vmem>>
      %dma_start3A_692 = arith.constant 0 : i32
      %dma_start3A_693 = arith.constant 0 : i32
      %dma_start3A_694 = tpu.memref_slice %arg12[%dma_start3A_692, %dma_start3A_693] : memref<10240x128xf32, #tpu.memory_space<vmem_shared>> -> memref<10240x128xf32, #tpu.memory_space<vmem_shared>>
      tpu.enqueue_indirect_dma source(%arg11 : memref<128x128xf32, #tpu.memory_space<vmem>>) target(%dma_start3A_694 : memref<10240x128xf32, #tpu.memory_space<vmem_shared>>) offsets(%dma_start3A_691 : memref<128xi32, #tpu.memory_space<vmem>>) semaphore(%run_scoped3A_688 : memref<!tpu.dma_semaphore, #tpu.memory_space<semaphore_mem>>) {add = true}
      %dma_wait3A_695 = arith.constant 0 : i32
      %dma_wait3A_696 = tpu.memref_slice %arg7[%run_scoped3A_391, %dma_wait3A_695] : memref<8x128xi32, #tpu.memory_space<vmem>> -> memref<1x128xi32, #tpu.memory_space<vmem>>
      %dma_wait3A_697 = tpu.memref_squeeze %dma_wait3A_696 : memref<1x128xi32, #tpu.memory_space<vmem>> -> memref<128xi32, #tpu.memory_space<vmem>>
      %dma_wait3A_698 = arith.constant 0 : i32
      %dma_wait3A_699 = arith.constant 0 : i32
      %dma_wait3A_700 = tpu.memref_slice %arg12[%dma_wait3A_698, %dma_wait3A_699] : memref<10240x128xf32, #tpu.memory_space<vmem_shared>> -> memref<10240x128xf32, #tpu.memory_space<vmem_shared>>
      tpu.wait_indirect_dma semaphore(%run_scoped3A_688 : memref<!tpu.dma_semaphore, #tpu.memory_space<semaphore_mem>>) src(%arg11 : memref<128x128xf32, #tpu.memory_space<vmem>>) dst(%dma_wait3A_700 : memref<10240x128xf32, #tpu.memory_space<vmem_shared>>)
      tpu.yield
    }) : () -> ()
    %dma_start3A_392 = arith.constant 48 : i32
    %dma_start3A_393 = arith.constant 0 : i32
    %dma_start3A_394 = tpu.memref_slice %arg3[%add3A, %dma_start3A_392, %dma_start3A_393] : memref<32x80x128xi32, #tpu.memory_space<hbm>> -> memref<1x8x128xi32, #tpu.memory_space<hbm>>
    %dma_start3A_395 = tpu.memref_squeeze %dma_start3A_394 : memref<1x8x128xi32, #tpu.memory_space<hbm>> -> memref<8x128xi32, #tpu.memory_space<hbm>>
    %dma_start3A_396 = arith.constant 48 : i32
    %dma_start3A_397 = arith.constant 0 : i32
    %dma_start3A_398 = tpu.memref_slice %arg3[%add3A, %dma_start3A_396, %dma_start3A_397] : memref<32x80x128xi32, #tpu.memory_space<hbm>> -> memref<1x8x128xi32, #tpu.memory_space<hbm>>
    %dma_start3A_399 = tpu.memref_squeeze %dma_start3A_398 : memref<1x8x128xi32, #tpu.memory_space<hbm>> -> memref<8x128xi32, #tpu.memory_space<hbm>>
    tpu.enqueue_dma source(%dma_start3A_399 : memref<8x128xi32, #tpu.memory_space<hbm>>) target(%arg6 : memref<8x128xi32, #tpu.memory_space<vmem>>) target_semaphore(%arg15 : memref<!tpu.dma_semaphore, #tpu.memory_space<semaphore_mem>>)
    %dma_start3A_400 = arith.constant 48 : i32
    %dma_start3A_401 = arith.constant 0 : i32
    %dma_start3A_402 = tpu.memref_slice %arg4[%add3A, %dma_start3A_400, %dma_start3A_401] : memref<32x80x128xi32, #tpu.memory_space<hbm>> -> memref<1x8x128xi32, #tpu.memory_space<hbm>>
    %dma_start3A_403 = tpu.memref_squeeze %dma_start3A_402 : memref<1x8x128xi32, #tpu.memory_space<hbm>> -> memref<8x128xi32, #tpu.memory_space<hbm>>
    %dma_start3A_404 = arith.constant 48 : i32
    %dma_start3A_405 = arith.constant 0 : i32
    %dma_start3A_406 = tpu.memref_slice %arg4[%add3A, %dma_start3A_404, %dma_start3A_405] : memref<32x80x128xi32, #tpu.memory_space<hbm>> -> memref<1x8x128xi32, #tpu.memory_space<hbm>>
    %dma_start3A_407 = tpu.memref_squeeze %dma_start3A_406 : memref<1x8x128xi32, #tpu.memory_space<hbm>> -> memref<8x128xi32, #tpu.memory_space<hbm>>
    tpu.enqueue_dma source(%dma_start3A_407 : memref<8x128xi32, #tpu.memory_space<hbm>>) target(%arg7 : memref<8x128xi32, #tpu.memory_space<vmem>>) target_semaphore(%arg15 : memref<!tpu.dma_semaphore, #tpu.memory_space<semaphore_mem>>)
    %scan3A_408 = arith.constant 0 : i32
    %scan3A_409 = arith.constant 0 : i32
    %scan3A_410 = arith.constant 3 : i32
    %scan3A_411 = arith.addi %scan3A_409, %scan3A_410 : i32
    %scan3A_412 = arith.constant 1 : i32
    scf.for %scan3A_688 = %scan3A_409 to %scan3A_411 step %scan3A_412  : i32 {
      %mul3A_689 = arith.constant 2 : i32
      %mul3A_690 = arith.muli %mul3A_689, %scan3A_688 : i32
      %dma_wait3A_691 = arith.constant 0 : i32
      %dma_wait3A_692 = arith.constant 0 : i32
      %dma_wait3A_693 = tpu.memref_slice %arg2[%dma_wait3A_691, %dma_wait3A_692] : memref<10000x128xf32, #tpu.memory_space<hbm>> -> memref<128x128xf32, #tpu.memory_space<hbm>>
      %dma_wait3A_694 = arith.constant 0 : i32
      %dma_wait3A_695 = arith.constant 0 : i32
      %dma_wait3A_696 = tpu.memref_slice %arg2[%dma_wait3A_694, %dma_wait3A_695] : memref<10000x128xf32, #tpu.memory_space<hbm>> -> memref<128x128xf32, #tpu.memory_space<hbm>>
      tpu.wait_dma2 semaphore(%arg13 : memref<!tpu.dma_semaphore, #tpu.memory_space<semaphore_mem>>) src(%dma_wait3A_696 : memref<128x128xf32, #tpu.memory_space<hbm>>) dst(%arg10 : memref<128x128xf32, #tpu.memory_space<vmem>>)
      %add3A_697 = arith.constant 1 : i32
      %add3A_698 = arith.addi %mul3A_690, %add3A_697 : i32
      %dma_start3A_699 = arith.constant 0 : i32
      %dma_start3A_700 = tpu.memref_slice %arg8[%add3A_698, %dma_start3A_699] : memref<8x128xi32, #tpu.memory_space<vmem>> -> memref<1x128xi32, #tpu.memory_space<vmem>>
      %dma_start3A_701 = tpu.memref_squeeze %dma_start3A_700 : memref<1x128xi32, #tpu.memory_space<vmem>> -> memref<128xi32, #tpu.memory_space<vmem>>
      %dma_start3A_702 = arith.constant 0 : i32
      %dma_start3A_703 = arith.constant 0 : i32
      %dma_start3A_704 = tpu.memref_slice %arg2[%dma_start3A_702, %dma_start3A_703] : memref<10000x128xf32, #tpu.memory_space<hbm>> -> memref<10000x128xf32, #tpu.memory_space<hbm>>
      tpu.enqueue_indirect_dma source(%dma_start3A_704 : memref<10000x128xf32, #tpu.memory_space<hbm>>) target(%arg11 : memref<128x128xf32, #tpu.memory_space<vmem>>) offsets(%dma_start3A_701 : memref<128xi32, #tpu.memory_space<vmem>>) semaphore(%arg14 : memref<!tpu.dma_semaphore, #tpu.memory_space<semaphore_mem>>)
      "tpu.region"() ({
        %run_scoped3A_721 = tpu.sem_alloc : memref<!tpu.dma_semaphore, #tpu.memory_space<semaphore_mem>>
        %dma_start3A_722 = arith.constant 0 : i32
        %dma_start3A_723 = tpu.memref_slice %arg9[%mul3A_690, %dma_start3A_722] : memref<8x128xi32, #tpu.memory_space<vmem>> -> memref<1x128xi32, #tpu.memory_space<vmem>>
        %dma_start3A_724 = tpu.memref_squeeze %dma_start3A_723 : memref<1x128xi32, #tpu.memory_space<vmem>> -> memref<128xi32, #tpu.memory_space<vmem>>
        %dma_start3A_725 = arith.constant 0 : i32
        %dma_start3A_726 = arith.constant 0 : i32
        %dma_start3A_727 = tpu.memref_slice %arg12[%dma_start3A_725, %dma_start3A_726] : memref<10240x128xf32, #tpu.memory_space<vmem_shared>> -> memref<10240x128xf32, #tpu.memory_space<vmem_shared>>
        tpu.enqueue_indirect_dma source(%arg10 : memref<128x128xf32, #tpu.memory_space<vmem>>) target(%dma_start3A_727 : memref<10240x128xf32, #tpu.memory_space<vmem_shared>>) offsets(%dma_start3A_724 : memref<128xi32, #tpu.memory_space<vmem>>) semaphore(%run_scoped3A_721 : memref<!tpu.dma_semaphore, #tpu.memory_space<semaphore_mem>>) {add = true}
        %dma_wait3A_728 = arith.constant 0 : i32
        %dma_wait3A_729 = tpu.memref_slice %arg9[%mul3A_690, %dma_wait3A_728] : memref<8x128xi32, #tpu.memory_space<vmem>> -> memref<1x128xi32, #tpu.memory_space<vmem>>
        %dma_wait3A_730 = tpu.memref_squeeze %dma_wait3A_729 : memref<1x128xi32, #tpu.memory_space<vmem>> -> memref<128xi32, #tpu.memory_space<vmem>>
        %dma_wait3A_731 = arith.constant 0 : i32
        %dma_wait3A_732 = arith.constant 0 : i32
        %dma_wait3A_733 = tpu.memref_slice %arg12[%dma_wait3A_731, %dma_wait3A_732] : memref<10240x128xf32, #tpu.memory_space<vmem_shared>> -> memref<10240x128xf32, #tpu.memory_space<vmem_shared>>
        tpu.wait_indirect_dma semaphore(%run_scoped3A_721 : memref<!tpu.dma_semaphore, #tpu.memory_space<semaphore_mem>>) src(%arg10 : memref<128x128xf32, #tpu.memory_space<vmem>>) dst(%dma_wait3A_733 : memref<10240x128xf32, #tpu.memory_space<vmem_shared>>)
        tpu.yield
      }) : () -> ()
      %dma_wait3A_705 = arith.constant 0 : i32
      %dma_wait3A_706 = arith.constant 0 : i32
      %dma_wait3A_707 = tpu.memref_slice %arg2[%dma_wait3A_705, %dma_wait3A_706] : memref<10000x128xf32, #tpu.memory_space<hbm>> -> memref<128x128xf32, #tpu.memory_space<hbm>>
      %dma_wait3A_708 = arith.constant 0 : i32
      %dma_wait3A_709 = arith.constant 0 : i32
      %dma_wait3A_710 = tpu.memref_slice %arg2[%dma_wait3A_708, %dma_wait3A_709] : memref<10000x128xf32, #tpu.memory_space<hbm>> -> memref<128x128xf32, #tpu.memory_space<hbm>>
      tpu.wait_dma2 semaphore(%arg14 : memref<!tpu.dma_semaphore, #tpu.memory_space<semaphore_mem>>) src(%dma_wait3A_710 : memref<128x128xf32, #tpu.memory_space<hbm>>) dst(%arg11 : memref<128x128xf32, #tpu.memory_space<vmem>>)
      %add3A_711 = arith.constant 2 : i32
      %add3A_712 = arith.addi %mul3A_690, %add3A_711 : i32
      %dma_start3A_713 = arith.constant 0 : i32
      %dma_start3A_714 = tpu.memref_slice %arg8[%add3A_712, %dma_start3A_713] : memref<8x128xi32, #tpu.memory_space<vmem>> -> memref<1x128xi32, #tpu.memory_space<vmem>>
      %dma_start3A_715 = tpu.memref_squeeze %dma_start3A_714 : memref<1x128xi32, #tpu.memory_space<vmem>> -> memref<128xi32, #tpu.memory_space<vmem>>
      %dma_start3A_716 = arith.constant 0 : i32
      %dma_start3A_717 = arith.constant 0 : i32
      %dma_start3A_718 = tpu.memref_slice %arg2[%dma_start3A_716, %dma_start3A_717] : memref<10000x128xf32, #tpu.memory_space<hbm>> -> memref<10000x128xf32, #tpu.memory_space<hbm>>
      tpu.enqueue_indirect_dma source(%dma_start3A_718 : memref<10000x128xf32, #tpu.memory_space<hbm>>) target(%arg10 : memref<128x128xf32, #tpu.memory_space<vmem>>) offsets(%dma_start3A_715 : memref<128xi32, #tpu.memory_space<vmem>>) semaphore(%arg13 : memref<!tpu.dma_semaphore, #tpu.memory_space<semaphore_mem>>)
      %add3A_719 = arith.constant 1 : i32
      %add3A_720 = arith.addi %mul3A_690, %add3A_719 : i32
      "tpu.region"() ({
        %run_scoped3A_721 = tpu.sem_alloc : memref<!tpu.dma_semaphore, #tpu.memory_space<semaphore_mem>>
        %dma_start3A_722 = arith.constant 0 : i32
        %dma_start3A_723 = tpu.memref_slice %arg9[%add3A_720, %dma_start3A_722] : memref<8x128xi32, #tpu.memory_space<vmem>> -> memref<1x128xi32, #tpu.memory_space<vmem>>
        %dma_start3A_724 = tpu.memref_squeeze %dma_start3A_723 : memref<1x128xi32, #tpu.memory_space<vmem>> -> memref<128xi32, #tpu.memory_space<vmem>>
        %dma_start3A_725 = arith.constant 0 : i32
        %dma_start3A_726 = arith.constant 0 : i32
        %dma_start3A_727 = tpu.memref_slice %arg12[%dma_start3A_725, %dma_start3A_726] : memref<10240x128xf32, #tpu.memory_space<vmem_shared>> -> memref<10240x128xf32, #tpu.memory_space<vmem_shared>>
        tpu.enqueue_indirect_dma source(%arg11 : memref<128x128xf32, #tpu.memory_space<vmem>>) target(%dma_start3A_727 : memref<10240x128xf32, #tpu.memory_space<vmem_shared>>) offsets(%dma_start3A_724 : memref<128xi32, #tpu.memory_space<vmem>>) semaphore(%run_scoped3A_721 : memref<!tpu.dma_semaphore, #tpu.memory_space<semaphore_mem>>) {add = true}
        %dma_wait3A_728 = arith.constant 0 : i32
        %dma_wait3A_729 = tpu.memref_slice %arg9[%add3A_720, %dma_wait3A_728] : memref<8x128xi32, #tpu.memory_space<vmem>> -> memref<1x128xi32, #tpu.memory_space<vmem>>
        %dma_wait3A_730 = tpu.memref_squeeze %dma_wait3A_729 : memref<1x128xi32, #tpu.memory_space<vmem>> -> memref<128xi32, #tpu.memory_space<vmem>>
        %dma_wait3A_731 = arith.constant 0 : i32
        %dma_wait3A_732 = arith.constant 0 : i32
        %dma_wait3A_733 = tpu.memref_slice %arg12[%dma_wait3A_731, %dma_wait3A_732] : memref<10240x128xf32, #tpu.memory_space<vmem_shared>> -> memref<10240x128xf32, #tpu.memory_space<vmem_shared>>
        tpu.wait_indirect_dma semaphore(%run_scoped3A_721 : memref<!tpu.dma_semaphore, #tpu.memory_space<semaphore_mem>>) src(%arg11 : memref<128x128xf32, #tpu.memory_space<vmem>>) dst(%dma_wait3A_733 : memref<10240x128xf32, #tpu.memory_space<vmem_shared>>)
        tpu.yield
      }) : () -> ()
    }
    %scan3A_413 = arith.constant 3 : i32
    %dma_wait3A_414 = arith.constant 0 : i32
    %dma_wait3A_415 = arith.constant 0 : i32
    %dma_wait3A_416 = tpu.memref_slice %arg2[%dma_wait3A_414, %dma_wait3A_415] : memref<10000x128xf32, #tpu.memory_space<hbm>> -> memref<128x128xf32, #tpu.memory_space<hbm>>
    %dma_wait3A_417 = arith.constant 0 : i32
    %dma_wait3A_418 = arith.constant 0 : i32
    %dma_wait3A_419 = tpu.memref_slice %arg2[%dma_wait3A_417, %dma_wait3A_418] : memref<10000x128xf32, #tpu.memory_space<hbm>> -> memref<128x128xf32, #tpu.memory_space<hbm>>
    tpu.wait_dma2 semaphore(%arg13 : memref<!tpu.dma_semaphore, #tpu.memory_space<semaphore_mem>>) src(%dma_wait3A_419 : memref<128x128xf32, #tpu.memory_space<hbm>>) dst(%arg10 : memref<128x128xf32, #tpu.memory_space<vmem>>)
    %dma_start3A_420 = arith.constant 7 : i32
    %dma_start3A_421 = arith.constant 0 : i32
    %dma_start3A_422 = tpu.memref_slice %arg8[%dma_start3A_420, %dma_start3A_421] : memref<8x128xi32, #tpu.memory_space<vmem>> -> memref<1x128xi32, #tpu.memory_space<vmem>>
    %dma_start3A_423 = tpu.memref_squeeze %dma_start3A_422 : memref<1x128xi32, #tpu.memory_space<vmem>> -> memref<128xi32, #tpu.memory_space<vmem>>
    %dma_start3A_424 = arith.constant 0 : i32
    %dma_start3A_425 = arith.constant 0 : i32
    %dma_start3A_426 = tpu.memref_slice %arg2[%dma_start3A_424, %dma_start3A_425] : memref<10000x128xf32, #tpu.memory_space<hbm>> -> memref<10000x128xf32, #tpu.memory_space<hbm>>
    tpu.enqueue_indirect_dma source(%dma_start3A_426 : memref<10000x128xf32, #tpu.memory_space<hbm>>) target(%arg11 : memref<128x128xf32, #tpu.memory_space<vmem>>) offsets(%dma_start3A_423 : memref<128xi32, #tpu.memory_space<vmem>>) semaphore(%arg14 : memref<!tpu.dma_semaphore, #tpu.memory_space<semaphore_mem>>)
    %run_scoped3A_427 = arith.constant 6 : i32
    "tpu.region"() ({
      %run_scoped3A_688 = tpu.sem_alloc : memref<!tpu.dma_semaphore, #tpu.memory_space<semaphore_mem>>
      %dma_start3A_689 = arith.constant 0 : i32
      %dma_start3A_690 = tpu.memref_slice %arg9[%run_scoped3A_427, %dma_start3A_689] : memref<8x128xi32, #tpu.memory_space<vmem>> -> memref<1x128xi32, #tpu.memory_space<vmem>>
      %dma_start3A_691 = tpu.memref_squeeze %dma_start3A_690 : memref<1x128xi32, #tpu.memory_space<vmem>> -> memref<128xi32, #tpu.memory_space<vmem>>
      %dma_start3A_692 = arith.constant 0 : i32
      %dma_start3A_693 = arith.constant 0 : i32
      %dma_start3A_694 = tpu.memref_slice %arg12[%dma_start3A_692, %dma_start3A_693] : memref<10240x128xf32, #tpu.memory_space<vmem_shared>> -> memref<10240x128xf32, #tpu.memory_space<vmem_shared>>
      tpu.enqueue_indirect_dma source(%arg10 : memref<128x128xf32, #tpu.memory_space<vmem>>) target(%dma_start3A_694 : memref<10240x128xf32, #tpu.memory_space<vmem_shared>>) offsets(%dma_start3A_691 : memref<128xi32, #tpu.memory_space<vmem>>) semaphore(%run_scoped3A_688 : memref<!tpu.dma_semaphore, #tpu.memory_space<semaphore_mem>>) {add = true}
      %dma_wait3A_695 = arith.constant 0 : i32
      %dma_wait3A_696 = tpu.memref_slice %arg9[%run_scoped3A_427, %dma_wait3A_695] : memref<8x128xi32, #tpu.memory_space<vmem>> -> memref<1x128xi32, #tpu.memory_space<vmem>>
      %dma_wait3A_697 = tpu.memref_squeeze %dma_wait3A_696 : memref<1x128xi32, #tpu.memory_space<vmem>> -> memref<128xi32, #tpu.memory_space<vmem>>
      %dma_wait3A_698 = arith.constant 0 : i32
      %dma_wait3A_699 = arith.constant 0 : i32
      %dma_wait3A_700 = tpu.memref_slice %arg12[%dma_wait3A_698, %dma_wait3A_699] : memref<10240x128xf32, #tpu.memory_space<vmem_shared>> -> memref<10240x128xf32, #tpu.memory_space<vmem_shared>>
      tpu.wait_indirect_dma semaphore(%run_scoped3A_688 : memref<!tpu.dma_semaphore, #tpu.memory_space<semaphore_mem>>) src(%arg10 : memref<128x128xf32, #tpu.memory_space<vmem>>) dst(%dma_wait3A_700 : memref<10240x128xf32, #tpu.memory_space<vmem_shared>>)
      tpu.yield
    }) : () -> ()
    %dma_wait3A_428 = arith.constant 0 : i32
    %dma_wait3A_429 = arith.constant 0 : i32
    %dma_wait3A_430 = tpu.memref_slice %arg2[%dma_wait3A_428, %dma_wait3A_429] : memref<10000x128xf32, #tpu.memory_space<hbm>> -> memref<128x128xf32, #tpu.memory_space<hbm>>
    %dma_wait3A_431 = arith.constant 0 : i32
    %dma_wait3A_432 = arith.constant 0 : i32
    %dma_wait3A_433 = tpu.memref_slice %arg2[%dma_wait3A_431, %dma_wait3A_432] : memref<10000x128xf32, #tpu.memory_space<hbm>> -> memref<128x128xf32, #tpu.memory_space<hbm>>
    tpu.wait_dma2 semaphore(%arg14 : memref<!tpu.dma_semaphore, #tpu.memory_space<semaphore_mem>>) src(%dma_wait3A_433 : memref<128x128xf32, #tpu.memory_space<hbm>>) dst(%arg11 : memref<128x128xf32, #tpu.memory_space<vmem>>)
    %dma_wait3A_434 = arith.constant 0 : i32
    %dma_wait3A_435 = arith.constant 0 : i32
    %dma_wait3A_436 = tpu.memref_slice %arg3[%add3A, %dma_wait3A_434, %dma_wait3A_435] : memref<32x80x128xi32, #tpu.memory_space<hbm>> -> memref<1x8x128xi32, #tpu.memory_space<hbm>>
    %dma_wait3A_437 = tpu.memref_squeeze %dma_wait3A_436 : memref<1x8x128xi32, #tpu.memory_space<hbm>> -> memref<8x128xi32, #tpu.memory_space<hbm>>
    %dma_wait3A_438 = arith.constant 0 : i32
    %dma_wait3A_439 = arith.constant 0 : i32
    %dma_wait3A_440 = tpu.memref_slice %arg3[%add3A, %dma_wait3A_438, %dma_wait3A_439] : memref<32x80x128xi32, #tpu.memory_space<hbm>> -> memref<1x8x128xi32, #tpu.memory_space<hbm>>
    %dma_wait3A_441 = tpu.memref_squeeze %dma_wait3A_440 : memref<1x8x128xi32, #tpu.memory_space<hbm>> -> memref<8x128xi32, #tpu.memory_space<hbm>>
    tpu.wait_dma2 semaphore(%arg15 : memref<!tpu.dma_semaphore, #tpu.memory_space<semaphore_mem>>) src(%dma_wait3A_441 : memref<8x128xi32, #tpu.memory_space<hbm>>) dst(%arg6 : memref<8x128xi32, #tpu.memory_space<vmem>>)
    %dma_wait3A_442 = arith.constant 0 : i32
    %dma_wait3A_443 = arith.constant 0 : i32
    %dma_wait3A_444 = tpu.memref_slice %arg4[%add3A, %dma_wait3A_442, %dma_wait3A_443] : memref<32x80x128xi32, #tpu.memory_space<hbm>> -> memref<1x8x128xi32, #tpu.memory_space<hbm>>
    %dma_wait3A_445 = tpu.memref_squeeze %dma_wait3A_444 : memref<1x8x128xi32, #tpu.memory_space<hbm>> -> memref<8x128xi32, #tpu.memory_space<hbm>>
    %dma_wait3A_446 = arith.constant 0 : i32
    %dma_wait3A_447 = arith.constant 0 : i32
    %dma_wait3A_448 = tpu.memref_slice %arg4[%add3A, %dma_wait3A_446, %dma_wait3A_447] : memref<32x80x128xi32, #tpu.memory_space<hbm>> -> memref<1x8x128xi32, #tpu.memory_space<hbm>>
    %dma_wait3A_449 = tpu.memref_squeeze %dma_wait3A_448 : memref<1x8x128xi32, #tpu.memory_space<hbm>> -> memref<8x128xi32, #tpu.memory_space<hbm>>
    tpu.wait_dma2 semaphore(%arg15 : memref<!tpu.dma_semaphore, #tpu.memory_space<semaphore_mem>>) src(%dma_wait3A_449 : memref<8x128xi32, #tpu.memory_space<hbm>>) dst(%arg7 : memref<8x128xi32, #tpu.memory_space<vmem>>)
    %dma_start3A_450 = arith.constant 0 : i32
    %dma_start3A_451 = arith.constant 0 : i32
    %dma_start3A_452 = tpu.memref_slice %arg6[%dma_start3A_450, %dma_start3A_451] : memref<8x128xi32, #tpu.memory_space<vmem>> -> memref<1x128xi32, #tpu.memory_space<vmem>>
    %dma_start3A_453 = tpu.memref_squeeze %dma_start3A_452 : memref<1x128xi32, #tpu.memory_space<vmem>> -> memref<128xi32, #tpu.memory_space<vmem>>
    %dma_start3A_454 = arith.constant 0 : i32
    %dma_start3A_455 = arith.constant 0 : i32
    %dma_start3A_456 = tpu.memref_slice %arg2[%dma_start3A_454, %dma_start3A_455] : memref<10000x128xf32, #tpu.memory_space<hbm>> -> memref<10000x128xf32, #tpu.memory_space<hbm>>
    tpu.enqueue_indirect_dma source(%dma_start3A_456 : memref<10000x128xf32, #tpu.memory_space<hbm>>) target(%arg10 : memref<128x128xf32, #tpu.memory_space<vmem>>) offsets(%dma_start3A_453 : memref<128xi32, #tpu.memory_space<vmem>>) semaphore(%arg13 : memref<!tpu.dma_semaphore, #tpu.memory_space<semaphore_mem>>)
    %run_scoped3A_457 = arith.constant 7 : i32
    "tpu.region"() ({
      %run_scoped3A_688 = tpu.sem_alloc : memref<!tpu.dma_semaphore, #tpu.memory_space<semaphore_mem>>
      %dma_start3A_689 = arith.constant 0 : i32
      %dma_start3A_690 = tpu.memref_slice %arg9[%run_scoped3A_457, %dma_start3A_689] : memref<8x128xi32, #tpu.memory_space<vmem>> -> memref<1x128xi32, #tpu.memory_space<vmem>>
      %dma_start3A_691 = tpu.memref_squeeze %dma_start3A_690 : memref<1x128xi32, #tpu.memory_space<vmem>> -> memref<128xi32, #tpu.memory_space<vmem>>
      %dma_start3A_692 = arith.constant 0 : i32
      %dma_start3A_693 = arith.constant 0 : i32
      %dma_start3A_694 = tpu.memref_slice %arg12[%dma_start3A_692, %dma_start3A_693] : memref<10240x128xf32, #tpu.memory_space<vmem_shared>> -> memref<10240x128xf32, #tpu.memory_space<vmem_shared>>
      tpu.enqueue_indirect_dma source(%arg11 : memref<128x128xf32, #tpu.memory_space<vmem>>) target(%dma_start3A_694 : memref<10240x128xf32, #tpu.memory_space<vmem_shared>>) offsets(%dma_start3A_691 : memref<128xi32, #tpu.memory_space<vmem>>) semaphore(%run_scoped3A_688 : memref<!tpu.dma_semaphore, #tpu.memory_space<semaphore_mem>>) {add = true}
      %dma_wait3A_695 = arith.constant 0 : i32
      %dma_wait3A_696 = tpu.memref_slice %arg9[%run_scoped3A_457, %dma_wait3A_695] : memref<8x128xi32, #tpu.memory_space<vmem>> -> memref<1x128xi32, #tpu.memory_space<vmem>>
      %dma_wait3A_697 = tpu.memref_squeeze %dma_wait3A_696 : memref<1x128xi32, #tpu.memory_space<vmem>> -> memref<128xi32, #tpu.memory_space<vmem>>
      %dma_wait3A_698 = arith.constant 0 : i32
      %dma_wait3A_699 = arith.constant 0 : i32
      %dma_wait3A_700 = tpu.memref_slice %arg12[%dma_wait3A_698, %dma_wait3A_699] : memref<10240x128xf32, #tpu.memory_space<vmem_shared>> -> memref<10240x128xf32, #tpu.memory_space<vmem_shared>>
      tpu.wait_indirect_dma semaphore(%run_scoped3A_688 : memref<!tpu.dma_semaphore, #tpu.memory_space<semaphore_mem>>) src(%arg11 : memref<128x128xf32, #tpu.memory_space<vmem>>) dst(%dma_wait3A_700 : memref<10240x128xf32, #tpu.memory_space<vmem_shared>>)
      tpu.yield
    }) : () -> ()
    %dma_start3A_458 = arith.constant 56 : i32
    %dma_start3A_459 = arith.constant 0 : i32
    %dma_start3A_460 = tpu.memref_slice %arg3[%add3A, %dma_start3A_458, %dma_start3A_459] : memref<32x80x128xi32, #tpu.memory_space<hbm>> -> memref<1x8x128xi32, #tpu.memory_space<hbm>>
    %dma_start3A_461 = tpu.memref_squeeze %dma_start3A_460 : memref<1x8x128xi32, #tpu.memory_space<hbm>> -> memref<8x128xi32, #tpu.memory_space<hbm>>
    %dma_start3A_462 = arith.constant 56 : i32
    %dma_start3A_463 = arith.constant 0 : i32
    %dma_start3A_464 = tpu.memref_slice %arg3[%add3A, %dma_start3A_462, %dma_start3A_463] : memref<32x80x128xi32, #tpu.memory_space<hbm>> -> memref<1x8x128xi32, #tpu.memory_space<hbm>>
    %dma_start3A_465 = tpu.memref_squeeze %dma_start3A_464 : memref<1x8x128xi32, #tpu.memory_space<hbm>> -> memref<8x128xi32, #tpu.memory_space<hbm>>
    tpu.enqueue_dma source(%dma_start3A_465 : memref<8x128xi32, #tpu.memory_space<hbm>>) target(%arg8 : memref<8x128xi32, #tpu.memory_space<vmem>>) target_semaphore(%arg15 : memref<!tpu.dma_semaphore, #tpu.memory_space<semaphore_mem>>)
    %dma_start3A_466 = arith.constant 56 : i32
    %dma_start3A_467 = arith.constant 0 : i32
    %dma_start3A_468 = tpu.memref_slice %arg4[%add3A, %dma_start3A_466, %dma_start3A_467] : memref<32x80x128xi32, #tpu.memory_space<hbm>> -> memref<1x8x128xi32, #tpu.memory_space<hbm>>
    %dma_start3A_469 = tpu.memref_squeeze %dma_start3A_468 : memref<1x8x128xi32, #tpu.memory_space<hbm>> -> memref<8x128xi32, #tpu.memory_space<hbm>>
    %dma_start3A_470 = arith.constant 56 : i32
    %dma_start3A_471 = arith.constant 0 : i32
    %dma_start3A_472 = tpu.memref_slice %arg4[%add3A, %dma_start3A_470, %dma_start3A_471] : memref<32x80x128xi32, #tpu.memory_space<hbm>> -> memref<1x8x128xi32, #tpu.memory_space<hbm>>
    %dma_start3A_473 = tpu.memref_squeeze %dma_start3A_472 : memref<1x8x128xi32, #tpu.memory_space<hbm>> -> memref<8x128xi32, #tpu.memory_space<hbm>>
    tpu.enqueue_dma source(%dma_start3A_473 : memref<8x128xi32, #tpu.memory_space<hbm>>) target(%arg9 : memref<8x128xi32, #tpu.memory_space<vmem>>) target_semaphore(%arg15 : memref<!tpu.dma_semaphore, #tpu.memory_space<semaphore_mem>>)
    %scan3A_474 = arith.constant 0 : i32
    %scan3A_475 = arith.constant 0 : i32
    %scan3A_476 = arith.constant 3 : i32
    %scan3A_477 = arith.addi %scan3A_475, %scan3A_476 : i32
    %scan3A_478 = arith.constant 1 : i32
    scf.for %scan3A_688 = %scan3A_475 to %scan3A_477 step %scan3A_478  : i32 {
      %mul3A_689 = arith.constant 2 : i32
      %mul3A_690 = arith.muli %mul3A_689, %scan3A_688 : i32
      %dma_wait3A_691 = arith.constant 0 : i32
      %dma_wait3A_692 = arith.constant 0 : i32
      %dma_wait3A_693 = tpu.memref_slice %arg2[%dma_wait3A_691, %dma_wait3A_692] : memref<10000x128xf32, #tpu.memory_space<hbm>> -> memref<128x128xf32, #tpu.memory_space<hbm>>
      %dma_wait3A_694 = arith.constant 0 : i32
      %dma_wait3A_695 = arith.constant 0 : i32
      %dma_wait3A_696 = tpu.memref_slice %arg2[%dma_wait3A_694, %dma_wait3A_695] : memref<10000x128xf32, #tpu.memory_space<hbm>> -> memref<128x128xf32, #tpu.memory_space<hbm>>
      tpu.wait_dma2 semaphore(%arg13 : memref<!tpu.dma_semaphore, #tpu.memory_space<semaphore_mem>>) src(%dma_wait3A_696 : memref<128x128xf32, #tpu.memory_space<hbm>>) dst(%arg10 : memref<128x128xf32, #tpu.memory_space<vmem>>)
      %add3A_697 = arith.constant 1 : i32
      %add3A_698 = arith.addi %mul3A_690, %add3A_697 : i32
      %dma_start3A_699 = arith.constant 0 : i32
      %dma_start3A_700 = tpu.memref_slice %arg6[%add3A_698, %dma_start3A_699] : memref<8x128xi32, #tpu.memory_space<vmem>> -> memref<1x128xi32, #tpu.memory_space<vmem>>
      %dma_start3A_701 = tpu.memref_squeeze %dma_start3A_700 : memref<1x128xi32, #tpu.memory_space<vmem>> -> memref<128xi32, #tpu.memory_space<vmem>>
      %dma_start3A_702 = arith.constant 0 : i32
      %dma_start3A_703 = arith.constant 0 : i32
      %dma_start3A_704 = tpu.memref_slice %arg2[%dma_start3A_702, %dma_start3A_703] : memref<10000x128xf32, #tpu.memory_space<hbm>> -> memref<10000x128xf32, #tpu.memory_space<hbm>>
      tpu.enqueue_indirect_dma source(%dma_start3A_704 : memref<10000x128xf32, #tpu.memory_space<hbm>>) target(%arg11 : memref<128x128xf32, #tpu.memory_space<vmem>>) offsets(%dma_start3A_701 : memref<128xi32, #tpu.memory_space<vmem>>) semaphore(%arg14 : memref<!tpu.dma_semaphore, #tpu.memory_space<semaphore_mem>>)
      "tpu.region"() ({
        %run_scoped3A_721 = tpu.sem_alloc : memref<!tpu.dma_semaphore, #tpu.memory_space<semaphore_mem>>
        %dma_start3A_722 = arith.constant 0 : i32
        %dma_start3A_723 = tpu.memref_slice %arg7[%mul3A_690, %dma_start3A_722] : memref<8x128xi32, #tpu.memory_space<vmem>> -> memref<1x128xi32, #tpu.memory_space<vmem>>
        %dma_start3A_724 = tpu.memref_squeeze %dma_start3A_723 : memref<1x128xi32, #tpu.memory_space<vmem>> -> memref<128xi32, #tpu.memory_space<vmem>>
        %dma_start3A_725 = arith.constant 0 : i32
        %dma_start3A_726 = arith.constant 0 : i32
        %dma_start3A_727 = tpu.memref_slice %arg12[%dma_start3A_725, %dma_start3A_726] : memref<10240x128xf32, #tpu.memory_space<vmem_shared>> -> memref<10240x128xf32, #tpu.memory_space<vmem_shared>>
        tpu.enqueue_indirect_dma source(%arg10 : memref<128x128xf32, #tpu.memory_space<vmem>>) target(%dma_start3A_727 : memref<10240x128xf32, #tpu.memory_space<vmem_shared>>) offsets(%dma_start3A_724 : memref<128xi32, #tpu.memory_space<vmem>>) semaphore(%run_scoped3A_721 : memref<!tpu.dma_semaphore, #tpu.memory_space<semaphore_mem>>) {add = true}
        %dma_wait3A_728 = arith.constant 0 : i32
        %dma_wait3A_729 = tpu.memref_slice %arg7[%mul3A_690, %dma_wait3A_728] : memref<8x128xi32, #tpu.memory_space<vmem>> -> memref<1x128xi32, #tpu.memory_space<vmem>>
        %dma_wait3A_730 = tpu.memref_squeeze %dma_wait3A_729 : memref<1x128xi32, #tpu.memory_space<vmem>> -> memref<128xi32, #tpu.memory_space<vmem>>
        %dma_wait3A_731 = arith.constant 0 : i32
        %dma_wait3A_732 = arith.constant 0 : i32
        %dma_wait3A_733 = tpu.memref_slice %arg12[%dma_wait3A_731, %dma_wait3A_732] : memref<10240x128xf32, #tpu.memory_space<vmem_shared>> -> memref<10240x128xf32, #tpu.memory_space<vmem_shared>>
        tpu.wait_indirect_dma semaphore(%run_scoped3A_721 : memref<!tpu.dma_semaphore, #tpu.memory_space<semaphore_mem>>) src(%arg10 : memref<128x128xf32, #tpu.memory_space<vmem>>) dst(%dma_wait3A_733 : memref<10240x128xf32, #tpu.memory_space<vmem_shared>>)
        tpu.yield
      }) : () -> ()
      %dma_wait3A_705 = arith.constant 0 : i32
      %dma_wait3A_706 = arith.constant 0 : i32
      %dma_wait3A_707 = tpu.memref_slice %arg2[%dma_wait3A_705, %dma_wait3A_706] : memref<10000x128xf32, #tpu.memory_space<hbm>> -> memref<128x128xf32, #tpu.memory_space<hbm>>
      %dma_wait3A_708 = arith.constant 0 : i32
      %dma_wait3A_709 = arith.constant 0 : i32
      %dma_wait3A_710 = tpu.memref_slice %arg2[%dma_wait3A_708, %dma_wait3A_709] : memref<10000x128xf32, #tpu.memory_space<hbm>> -> memref<128x128xf32, #tpu.memory_space<hbm>>
      tpu.wait_dma2 semaphore(%arg14 : memref<!tpu.dma_semaphore, #tpu.memory_space<semaphore_mem>>) src(%dma_wait3A_710 : memref<128x128xf32, #tpu.memory_space<hbm>>) dst(%arg11 : memref<128x128xf32, #tpu.memory_space<vmem>>)
      %add3A_711 = arith.constant 2 : i32
      %add3A_712 = arith.addi %mul3A_690, %add3A_711 : i32
      %dma_start3A_713 = arith.constant 0 : i32
      %dma_start3A_714 = tpu.memref_slice %arg6[%add3A_712, %dma_start3A_713] : memref<8x128xi32, #tpu.memory_space<vmem>> -> memref<1x128xi32, #tpu.memory_space<vmem>>
      %dma_start3A_715 = tpu.memref_squeeze %dma_start3A_714 : memref<1x128xi32, #tpu.memory_space<vmem>> -> memref<128xi32, #tpu.memory_space<vmem>>
      %dma_start3A_716 = arith.constant 0 : i32
      %dma_start3A_717 = arith.constant 0 : i32
      %dma_start3A_718 = tpu.memref_slice %arg2[%dma_start3A_716, %dma_start3A_717] : memref<10000x128xf32, #tpu.memory_space<hbm>> -> memref<10000x128xf32, #tpu.memory_space<hbm>>
      tpu.enqueue_indirect_dma source(%dma_start3A_718 : memref<10000x128xf32, #tpu.memory_space<hbm>>) target(%arg10 : memref<128x128xf32, #tpu.memory_space<vmem>>) offsets(%dma_start3A_715 : memref<128xi32, #tpu.memory_space<vmem>>) semaphore(%arg13 : memref<!tpu.dma_semaphore, #tpu.memory_space<semaphore_mem>>)
      %add3A_719 = arith.constant 1 : i32
      %add3A_720 = arith.addi %mul3A_690, %add3A_719 : i32
      "tpu.region"() ({
        %run_scoped3A_721 = tpu.sem_alloc : memref<!tpu.dma_semaphore, #tpu.memory_space<semaphore_mem>>
        %dma_start3A_722 = arith.constant 0 : i32
        %dma_start3A_723 = tpu.memref_slice %arg7[%add3A_720, %dma_start3A_722] : memref<8x128xi32, #tpu.memory_space<vmem>> -> memref<1x128xi32, #tpu.memory_space<vmem>>
        %dma_start3A_724 = tpu.memref_squeeze %dma_start3A_723 : memref<1x128xi32, #tpu.memory_space<vmem>> -> memref<128xi32, #tpu.memory_space<vmem>>
        %dma_start3A_725 = arith.constant 0 : i32
        %dma_start3A_726 = arith.constant 0 : i32
        %dma_start3A_727 = tpu.memref_slice %arg12[%dma_start3A_725, %dma_start3A_726] : memref<10240x128xf32, #tpu.memory_space<vmem_shared>> -> memref<10240x128xf32, #tpu.memory_space<vmem_shared>>
        tpu.enqueue_indirect_dma source(%arg11 : memref<128x128xf32, #tpu.memory_space<vmem>>) target(%dma_start3A_727 : memref<10240x128xf32, #tpu.memory_space<vmem_shared>>) offsets(%dma_start3A_724 : memref<128xi32, #tpu.memory_space<vmem>>) semaphore(%run_scoped3A_721 : memref<!tpu.dma_semaphore, #tpu.memory_space<semaphore_mem>>) {add = true}
        %dma_wait3A_728 = arith.constant 0 : i32
        %dma_wait3A_729 = tpu.memref_slice %arg7[%add3A_720, %dma_wait3A_728] : memref<8x128xi32, #tpu.memory_space<vmem>> -> memref<1x128xi32, #tpu.memory_space<vmem>>
        %dma_wait3A_730 = tpu.memref_squeeze %dma_wait3A_729 : memref<1x128xi32, #tpu.memory_space<vmem>> -> memref<128xi32, #tpu.memory_space<vmem>>
        %dma_wait3A_731 = arith.constant 0 : i32
        %dma_wait3A_732 = arith.constant 0 : i32
        %dma_wait3A_733 = tpu.memref_slice %arg12[%dma_wait3A_731, %dma_wait3A_732] : memref<10240x128xf32, #tpu.memory_space<vmem_shared>> -> memref<10240x128xf32, #tpu.memory_space<vmem_shared>>
        tpu.wait_indirect_dma semaphore(%run_scoped3A_721 : memref<!tpu.dma_semaphore, #tpu.memory_space<semaphore_mem>>) src(%arg11 : memref<128x128xf32, #tpu.memory_space<vmem>>) dst(%dma_wait3A_733 : memref<10240x128xf32, #tpu.memory_space<vmem_shared>>)
        tpu.yield
      }) : () -> ()
    }
    %scan3A_479 = arith.constant 3 : i32
    %dma_wait3A_480 = arith.constant 0 : i32
    %dma_wait3A_481 = arith.constant 0 : i32
    %dma_wait3A_482 = tpu.memref_slice %arg2[%dma_wait3A_480, %dma_wait3A_481] : memref<10000x128xf32, #tpu.memory_space<hbm>> -> memref<128x128xf32, #tpu.memory_space<hbm>>
    %dma_wait3A_483 = arith.constant 0 : i32
    %dma_wait3A_484 = arith.constant 0 : i32
    %dma_wait3A_485 = tpu.memref_slice %arg2[%dma_wait3A_483, %dma_wait3A_484] : memref<10000x128xf32, #tpu.memory_space<hbm>> -> memref<128x128xf32, #tpu.memory_space<hbm>>
    tpu.wait_dma2 semaphore(%arg13 : memref<!tpu.dma_semaphore, #tpu.memory_space<semaphore_mem>>) src(%dma_wait3A_485 : memref<128x128xf32, #tpu.memory_space<hbm>>) dst(%arg10 : memref<128x128xf32, #tpu.memory_space<vmem>>)
    %dma_start3A_486 = arith.constant 7 : i32
    %dma_start3A_487 = arith.constant 0 : i32
    %dma_start3A_488 = tpu.memref_slice %arg6[%dma_start3A_486, %dma_start3A_487] : memref<8x128xi32, #tpu.memory_space<vmem>> -> memref<1x128xi32, #tpu.memory_space<vmem>>
    %dma_start3A_489 = tpu.memref_squeeze %dma_start3A_488 : memref<1x128xi32, #tpu.memory_space<vmem>> -> memref<128xi32, #tpu.memory_space<vmem>>
    %dma_start3A_490 = arith.constant 0 : i32
    %dma_start3A_491 = arith.constant 0 : i32
    %dma_start3A_492 = tpu.memref_slice %arg2[%dma_start3A_490, %dma_start3A_491] : memref<10000x128xf32, #tpu.memory_space<hbm>> -> memref<10000x128xf32, #tpu.memory_space<hbm>>
    tpu.enqueue_indirect_dma source(%dma_start3A_492 : memref<10000x128xf32, #tpu.memory_space<hbm>>) target(%arg11 : memref<128x128xf32, #tpu.memory_space<vmem>>) offsets(%dma_start3A_489 : memref<128xi32, #tpu.memory_space<vmem>>) semaphore(%arg14 : memref<!tpu.dma_semaphore, #tpu.memory_space<semaphore_mem>>)
    %run_scoped3A_493 = arith.constant 6 : i32
    "tpu.region"() ({
      %run_scoped3A_688 = tpu.sem_alloc : memref<!tpu.dma_semaphore, #tpu.memory_space<semaphore_mem>>
      %dma_start3A_689 = arith.constant 0 : i32
      %dma_start3A_690 = tpu.memref_slice %arg7[%run_scoped3A_493, %dma_start3A_689] : memref<8x128xi32, #tpu.memory_space<vmem>> -> memref<1x128xi32, #tpu.memory_space<vmem>>
      %dma_start3A_691 = tpu.memref_squeeze %dma_start3A_690 : memref<1x128xi32, #tpu.memory_space<vmem>> -> memref<128xi32, #tpu.memory_space<vmem>>
      %dma_start3A_692 = arith.constant 0 : i32
      %dma_start3A_693 = arith.constant 0 : i32
      %dma_start3A_694 = tpu.memref_slice %arg12[%dma_start3A_692, %dma_start3A_693] : memref<10240x128xf32, #tpu.memory_space<vmem_shared>> -> memref<10240x128xf32, #tpu.memory_space<vmem_shared>>
      tpu.enqueue_indirect_dma source(%arg10 : memref<128x128xf32, #tpu.memory_space<vmem>>) target(%dma_start3A_694 : memref<10240x128xf32, #tpu.memory_space<vmem_shared>>) offsets(%dma_start3A_691 : memref<128xi32, #tpu.memory_space<vmem>>) semaphore(%run_scoped3A_688 : memref<!tpu.dma_semaphore, #tpu.memory_space<semaphore_mem>>) {add = true}
      %dma_wait3A_695 = arith.constant 0 : i32
      %dma_wait3A_696 = tpu.memref_slice %arg7[%run_scoped3A_493, %dma_wait3A_695] : memref<8x128xi32, #tpu.memory_space<vmem>> -> memref<1x128xi32, #tpu.memory_space<vmem>>
      %dma_wait3A_697 = tpu.memref_squeeze %dma_wait3A_696 : memref<1x128xi32, #tpu.memory_space<vmem>> -> memref<128xi32, #tpu.memory_space<vmem>>
      %dma_wait3A_698 = arith.constant 0 : i32
      %dma_wait3A_699 = arith.constant 0 : i32
      %dma_wait3A_700 = tpu.memref_slice %arg12[%dma_wait3A_698, %dma_wait3A_699] : memref<10240x128xf32, #tpu.memory_space<vmem_shared>> -> memref<10240x128xf32, #tpu.memory_space<vmem_shared>>
      tpu.wait_indirect_dma semaphore(%run_scoped3A_688 : memref<!tpu.dma_semaphore, #tpu.memory_space<semaphore_mem>>) src(%arg10 : memref<128x128xf32, #tpu.memory_space<vmem>>) dst(%dma_wait3A_700 : memref<10240x128xf32, #tpu.memory_space<vmem_shared>>)
      tpu.yield
    }) : () -> ()
    %dma_wait3A_494 = arith.constant 0 : i32
    %dma_wait3A_495 = arith.constant 0 : i32
    %dma_wait3A_496 = tpu.memref_slice %arg2[%dma_wait3A_494, %dma_wait3A_495] : memref<10000x128xf32, #tpu.memory_space<hbm>> -> memref<128x128xf32, #tpu.memory_space<hbm>>
    %dma_wait3A_497 = arith.constant 0 : i32
    %dma_wait3A_498 = arith.constant 0 : i32
    %dma_wait3A_499 = tpu.memref_slice %arg2[%dma_wait3A_497, %dma_wait3A_498] : memref<10000x128xf32, #tpu.memory_space<hbm>> -> memref<128x128xf32, #tpu.memory_space<hbm>>
    tpu.wait_dma2 semaphore(%arg14 : memref<!tpu.dma_semaphore, #tpu.memory_space<semaphore_mem>>) src(%dma_wait3A_499 : memref<128x128xf32, #tpu.memory_space<hbm>>) dst(%arg11 : memref<128x128xf32, #tpu.memory_space<vmem>>)
    %dma_wait3A_500 = arith.constant 0 : i32
    %dma_wait3A_501 = arith.constant 0 : i32
    %dma_wait3A_502 = tpu.memref_slice %arg3[%add3A, %dma_wait3A_500, %dma_wait3A_501] : memref<32x80x128xi32, #tpu.memory_space<hbm>> -> memref<1x8x128xi32, #tpu.memory_space<hbm>>
    %dma_wait3A_503 = tpu.memref_squeeze %dma_wait3A_502 : memref<1x8x128xi32, #tpu.memory_space<hbm>> -> memref<8x128xi32, #tpu.memory_space<hbm>>
    %dma_wait3A_504 = arith.constant 0 : i32
    %dma_wait3A_505 = arith.constant 0 : i32
    %dma_wait3A_506 = tpu.memref_slice %arg3[%add3A, %dma_wait3A_504, %dma_wait3A_505] : memref<32x80x128xi32, #tpu.memory_space<hbm>> -> memref<1x8x128xi32, #tpu.memory_space<hbm>>
    %dma_wait3A_507 = tpu.memref_squeeze %dma_wait3A_506 : memref<1x8x128xi32, #tpu.memory_space<hbm>> -> memref<8x128xi32, #tpu.memory_space<hbm>>
    tpu.wait_dma2 semaphore(%arg15 : memref<!tpu.dma_semaphore, #tpu.memory_space<semaphore_mem>>) src(%dma_wait3A_507 : memref<8x128xi32, #tpu.memory_space<hbm>>) dst(%arg8 : memref<8x128xi32, #tpu.memory_space<vmem>>)
    %dma_wait3A_508 = arith.constant 0 : i32
    %dma_wait3A_509 = arith.constant 0 : i32
    %dma_wait3A_510 = tpu.memref_slice %arg4[%add3A, %dma_wait3A_508, %dma_wait3A_509] : memref<32x80x128xi32, #tpu.memory_space<hbm>> -> memref<1x8x128xi32, #tpu.memory_space<hbm>>
    %dma_wait3A_511 = tpu.memref_squeeze %dma_wait3A_510 : memref<1x8x128xi32, #tpu.memory_space<hbm>> -> memref<8x128xi32, #tpu.memory_space<hbm>>
    %dma_wait3A_512 = arith.constant 0 : i32
    %dma_wait3A_513 = arith.constant 0 : i32
    %dma_wait3A_514 = tpu.memref_slice %arg4[%add3A, %dma_wait3A_512, %dma_wait3A_513] : memref<32x80x128xi32, #tpu.memory_space<hbm>> -> memref<1x8x128xi32, #tpu.memory_space<hbm>>
    %dma_wait3A_515 = tpu.memref_squeeze %dma_wait3A_514 : memref<1x8x128xi32, #tpu.memory_space<hbm>> -> memref<8x128xi32, #tpu.memory_space<hbm>>
    tpu.wait_dma2 semaphore(%arg15 : memref<!tpu.dma_semaphore, #tpu.memory_space<semaphore_mem>>) src(%dma_wait3A_515 : memref<8x128xi32, #tpu.memory_space<hbm>>) dst(%arg9 : memref<8x128xi32, #tpu.memory_space<vmem>>)
    %dma_start3A_516 = arith.constant 0 : i32
    %dma_start3A_517 = arith.constant 0 : i32
    %dma_start3A_518 = tpu.memref_slice %arg8[%dma_start3A_516, %dma_start3A_517] : memref<8x128xi32, #tpu.memory_space<vmem>> -> memref<1x128xi32, #tpu.memory_space<vmem>>
    %dma_start3A_519 = tpu.memref_squeeze %dma_start3A_518 : memref<1x128xi32, #tpu.memory_space<vmem>> -> memref<128xi32, #tpu.memory_space<vmem>>
    %dma_start3A_520 = arith.constant 0 : i32
    %dma_start3A_521 = arith.constant 0 : i32
    %dma_start3A_522 = tpu.memref_slice %arg2[%dma_start3A_520, %dma_start3A_521] : memref<10000x128xf32, #tpu.memory_space<hbm>> -> memref<10000x128xf32, #tpu.memory_space<hbm>>
    tpu.enqueue_indirect_dma source(%dma_start3A_522 : memref<10000x128xf32, #tpu.memory_space<hbm>>) target(%arg10 : memref<128x128xf32, #tpu.memory_space<vmem>>) offsets(%dma_start3A_519 : memref<128xi32, #tpu.memory_space<vmem>>) semaphore(%arg13 : memref<!tpu.dma_semaphore, #tpu.memory_space<semaphore_mem>>)
    %run_scoped3A_523 = arith.constant 7 : i32
    "tpu.region"() ({
      %run_scoped3A_688 = tpu.sem_alloc : memref<!tpu.dma_semaphore, #tpu.memory_space<semaphore_mem>>
      %dma_start3A_689 = arith.constant 0 : i32
      %dma_start3A_690 = tpu.memref_slice %arg7[%run_scoped3A_523, %dma_start3A_689] : memref<8x128xi32, #tpu.memory_space<vmem>> -> memref<1x128xi32, #tpu.memory_space<vmem>>
      %dma_start3A_691 = tpu.memref_squeeze %dma_start3A_690 : memref<1x128xi32, #tpu.memory_space<vmem>> -> memref<128xi32, #tpu.memory_space<vmem>>
      %dma_start3A_692 = arith.constant 0 : i32
      %dma_start3A_693 = arith.constant 0 : i32
      %dma_start3A_694 = tpu.memref_slice %arg12[%dma_start3A_692, %dma_start3A_693] : memref<10240x128xf32, #tpu.memory_space<vmem_shared>> -> memref<10240x128xf32, #tpu.memory_space<vmem_shared>>
      tpu.enqueue_indirect_dma source(%arg11 : memref<128x128xf32, #tpu.memory_space<vmem>>) target(%dma_start3A_694 : memref<10240x128xf32, #tpu.memory_space<vmem_shared>>) offsets(%dma_start3A_691 : memref<128xi32, #tpu.memory_space<vmem>>) semaphore(%run_scoped3A_688 : memref<!tpu.dma_semaphore, #tpu.memory_space<semaphore_mem>>) {add = true}
      %dma_wait3A_695 = arith.constant 0 : i32
      %dma_wait3A_696 = tpu.memref_slice %arg7[%run_scoped3A_523, %dma_wait3A_695] : memref<8x128xi32, #tpu.memory_space<vmem>> -> memref<1x128xi32, #tpu.memory_space<vmem>>
      %dma_wait3A_697 = tpu.memref_squeeze %dma_wait3A_696 : memref<1x128xi32, #tpu.memory_space<vmem>> -> memref<128xi32, #tpu.memory_space<vmem>>
      %dma_wait3A_698 = arith.constant 0 : i32
      %dma_wait3A_699 = arith.constant 0 : i32
      %dma_wait3A_700 = tpu.memref_slice %arg12[%dma_wait3A_698, %dma_wait3A_699] : memref<10240x128xf32, #tpu.memory_space<vmem_shared>> -> memref<10240x128xf32, #tpu.memory_space<vmem_shared>>
      tpu.wait_indirect_dma semaphore(%run_scoped3A_688 : memref<!tpu.dma_semaphore, #tpu.memory_space<semaphore_mem>>) src(%arg11 : memref<128x128xf32, #tpu.memory_space<vmem>>) dst(%dma_wait3A_700 : memref<10240x128xf32, #tpu.memory_space<vmem_shared>>)
      tpu.yield
    }) : () -> ()
    %dma_start3A_524 = arith.constant 64 : i32
    %dma_start3A_525 = arith.constant 0 : i32
    %dma_start3A_526 = tpu.memref_slice %arg3[%add3A, %dma_start3A_524, %dma_start3A_525] : memref<32x80x128xi32, #tpu.memory_space<hbm>> -> memref<1x8x128xi32, #tpu.memory_space<hbm>>
    %dma_start3A_527 = tpu.memref_squeeze %dma_start3A_526 : memref<1x8x128xi32, #tpu.memory_space<hbm>> -> memref<8x128xi32, #tpu.memory_space<hbm>>
    %dma_start3A_528 = arith.constant 64 : i32
    %dma_start3A_529 = arith.constant 0 : i32
    %dma_start3A_530 = tpu.memref_slice %arg3[%add3A, %dma_start3A_528, %dma_start3A_529] : memref<32x80x128xi32, #tpu.memory_space<hbm>> -> memref<1x8x128xi32, #tpu.memory_space<hbm>>
    %dma_start3A_531 = tpu.memref_squeeze %dma_start3A_530 : memref<1x8x128xi32, #tpu.memory_space<hbm>> -> memref<8x128xi32, #tpu.memory_space<hbm>>
    tpu.enqueue_dma source(%dma_start3A_531 : memref<8x128xi32, #tpu.memory_space<hbm>>) target(%arg6 : memref<8x128xi32, #tpu.memory_space<vmem>>) target_semaphore(%arg15 : memref<!tpu.dma_semaphore, #tpu.memory_space<semaphore_mem>>)
    %dma_start3A_532 = arith.constant 64 : i32
    %dma_start3A_533 = arith.constant 0 : i32
    %dma_start3A_534 = tpu.memref_slice %arg4[%add3A, %dma_start3A_532, %dma_start3A_533] : memref<32x80x128xi32, #tpu.memory_space<hbm>> -> memref<1x8x128xi32, #tpu.memory_space<hbm>>
    %dma_start3A_535 = tpu.memref_squeeze %dma_start3A_534 : memref<1x8x128xi32, #tpu.memory_space<hbm>> -> memref<8x128xi32, #tpu.memory_space<hbm>>
    %dma_start3A_536 = arith.constant 64 : i32
    %dma_start3A_537 = arith.constant 0 : i32
    %dma_start3A_538 = tpu.memref_slice %arg4[%add3A, %dma_start3A_536, %dma_start3A_537] : memref<32x80x128xi32, #tpu.memory_space<hbm>> -> memref<1x8x128xi32, #tpu.memory_space<hbm>>
    %dma_start3A_539 = tpu.memref_squeeze %dma_start3A_538 : memref<1x8x128xi32, #tpu.memory_space<hbm>> -> memref<8x128xi32, #tpu.memory_space<hbm>>
    tpu.enqueue_dma source(%dma_start3A_539 : memref<8x128xi32, #tpu.memory_space<hbm>>) target(%arg7 : memref<8x128xi32, #tpu.memory_space<vmem>>) target_semaphore(%arg15 : memref<!tpu.dma_semaphore, #tpu.memory_space<semaphore_mem>>)
    %scan3A_540 = arith.constant 0 : i32
    %scan3A_541 = arith.constant 0 : i32
    %scan3A_542 = arith.constant 3 : i32
    %scan3A_543 = arith.addi %scan3A_541, %scan3A_542 : i32
    %scan3A_544 = arith.constant 1 : i32
    scf.for %scan3A_688 = %scan3A_541 to %scan3A_543 step %scan3A_544  : i32 {
      %mul3A_689 = arith.constant 2 : i32
      %mul3A_690 = arith.muli %mul3A_689, %scan3A_688 : i32
      %dma_wait3A_691 = arith.constant 0 : i32
      %dma_wait3A_692 = arith.constant 0 : i32
      %dma_wait3A_693 = tpu.memref_slice %arg2[%dma_wait3A_691, %dma_wait3A_692] : memref<10000x128xf32, #tpu.memory_space<hbm>> -> memref<128x128xf32, #tpu.memory_space<hbm>>
      %dma_wait3A_694 = arith.constant 0 : i32
      %dma_wait3A_695 = arith.constant 0 : i32
      %dma_wait3A_696 = tpu.memref_slice %arg2[%dma_wait3A_694, %dma_wait3A_695] : memref<10000x128xf32, #tpu.memory_space<hbm>> -> memref<128x128xf32, #tpu.memory_space<hbm>>
      tpu.wait_dma2 semaphore(%arg13 : memref<!tpu.dma_semaphore, #tpu.memory_space<semaphore_mem>>) src(%dma_wait3A_696 : memref<128x128xf32, #tpu.memory_space<hbm>>) dst(%arg10 : memref<128x128xf32, #tpu.memory_space<vmem>>)
      %add3A_697 = arith.constant 1 : i32
      %add3A_698 = arith.addi %mul3A_690, %add3A_697 : i32
      %dma_start3A_699 = arith.constant 0 : i32
      %dma_start3A_700 = tpu.memref_slice %arg8[%add3A_698, %dma_start3A_699] : memref<8x128xi32, #tpu.memory_space<vmem>> -> memref<1x128xi32, #tpu.memory_space<vmem>>
      %dma_start3A_701 = tpu.memref_squeeze %dma_start3A_700 : memref<1x128xi32, #tpu.memory_space<vmem>> -> memref<128xi32, #tpu.memory_space<vmem>>
      %dma_start3A_702 = arith.constant 0 : i32
      %dma_start3A_703 = arith.constant 0 : i32
      %dma_start3A_704 = tpu.memref_slice %arg2[%dma_start3A_702, %dma_start3A_703] : memref<10000x128xf32, #tpu.memory_space<hbm>> -> memref<10000x128xf32, #tpu.memory_space<hbm>>
      tpu.enqueue_indirect_dma source(%dma_start3A_704 : memref<10000x128xf32, #tpu.memory_space<hbm>>) target(%arg11 : memref<128x128xf32, #tpu.memory_space<vmem>>) offsets(%dma_start3A_701 : memref<128xi32, #tpu.memory_space<vmem>>) semaphore(%arg14 : memref<!tpu.dma_semaphore, #tpu.memory_space<semaphore_mem>>)
      "tpu.region"() ({
        %run_scoped3A_721 = tpu.sem_alloc : memref<!tpu.dma_semaphore, #tpu.memory_space<semaphore_mem>>
        %dma_start3A_722 = arith.constant 0 : i32
        %dma_start3A_723 = tpu.memref_slice %arg9[%mul3A_690, %dma_start3A_722] : memref<8x128xi32, #tpu.memory_space<vmem>> -> memref<1x128xi32, #tpu.memory_space<vmem>>
        %dma_start3A_724 = tpu.memref_squeeze %dma_start3A_723 : memref<1x128xi32, #tpu.memory_space<vmem>> -> memref<128xi32, #tpu.memory_space<vmem>>
        %dma_start3A_725 = arith.constant 0 : i32
        %dma_start3A_726 = arith.constant 0 : i32
        %dma_start3A_727 = tpu.memref_slice %arg12[%dma_start3A_725, %dma_start3A_726] : memref<10240x128xf32, #tpu.memory_space<vmem_shared>> -> memref<10240x128xf32, #tpu.memory_space<vmem_shared>>
        tpu.enqueue_indirect_dma source(%arg10 : memref<128x128xf32, #tpu.memory_space<vmem>>) target(%dma_start3A_727 : memref<10240x128xf32, #tpu.memory_space<vmem_shared>>) offsets(%dma_start3A_724 : memref<128xi32, #tpu.memory_space<vmem>>) semaphore(%run_scoped3A_721 : memref<!tpu.dma_semaphore, #tpu.memory_space<semaphore_mem>>) {add = true}
        %dma_wait3A_728 = arith.constant 0 : i32
        %dma_wait3A_729 = tpu.memref_slice %arg9[%mul3A_690, %dma_wait3A_728] : memref<8x128xi32, #tpu.memory_space<vmem>> -> memref<1x128xi32, #tpu.memory_space<vmem>>
        %dma_wait3A_730 = tpu.memref_squeeze %dma_wait3A_729 : memref<1x128xi32, #tpu.memory_space<vmem>> -> memref<128xi32, #tpu.memory_space<vmem>>
        %dma_wait3A_731 = arith.constant 0 : i32
        %dma_wait3A_732 = arith.constant 0 : i32
        %dma_wait3A_733 = tpu.memref_slice %arg12[%dma_wait3A_731, %dma_wait3A_732] : memref<10240x128xf32, #tpu.memory_space<vmem_shared>> -> memref<10240x128xf32, #tpu.memory_space<vmem_shared>>
        tpu.wait_indirect_dma semaphore(%run_scoped3A_721 : memref<!tpu.dma_semaphore, #tpu.memory_space<semaphore_mem>>) src(%arg10 : memref<128x128xf32, #tpu.memory_space<vmem>>) dst(%dma_wait3A_733 : memref<10240x128xf32, #tpu.memory_space<vmem_shared>>)
        tpu.yield
      }) : () -> ()
      %dma_wait3A_705 = arith.constant 0 : i32
      %dma_wait3A_706 = arith.constant 0 : i32
      %dma_wait3A_707 = tpu.memref_slice %arg2[%dma_wait3A_705, %dma_wait3A_706] : memref<10000x128xf32, #tpu.memory_space<hbm>> -> memref<128x128xf32, #tpu.memory_space<hbm>>
      %dma_wait3A_708 = arith.constant 0 : i32
      %dma_wait3A_709 = arith.constant 0 : i32
      %dma_wait3A_710 = tpu.memref_slice %arg2[%dma_wait3A_708, %dma_wait3A_709] : memref<10000x128xf32, #tpu.memory_space<hbm>> -> memref<128x128xf32, #tpu.memory_space<hbm>>
      tpu.wait_dma2 semaphore(%arg14 : memref<!tpu.dma_semaphore, #tpu.memory_space<semaphore_mem>>) src(%dma_wait3A_710 : memref<128x128xf32, #tpu.memory_space<hbm>>) dst(%arg11 : memref<128x128xf32, #tpu.memory_space<vmem>>)
      %add3A_711 = arith.constant 2 : i32
      %add3A_712 = arith.addi %mul3A_690, %add3A_711 : i32
      %dma_start3A_713 = arith.constant 0 : i32
      %dma_start3A_714 = tpu.memref_slice %arg8[%add3A_712, %dma_start3A_713] : memref<8x128xi32, #tpu.memory_space<vmem>> -> memref<1x128xi32, #tpu.memory_space<vmem>>
      %dma_start3A_715 = tpu.memref_squeeze %dma_start3A_714 : memref<1x128xi32, #tpu.memory_space<vmem>> -> memref<128xi32, #tpu.memory_space<vmem>>
      %dma_start3A_716 = arith.constant 0 : i32
      %dma_start3A_717 = arith.constant 0 : i32
      %dma_start3A_718 = tpu.memref_slice %arg2[%dma_start3A_716, %dma_start3A_717] : memref<10000x128xf32, #tpu.memory_space<hbm>> -> memref<10000x128xf32, #tpu.memory_space<hbm>>
      tpu.enqueue_indirect_dma source(%dma_start3A_718 : memref<10000x128xf32, #tpu.memory_space<hbm>>) target(%arg10 : memref<128x128xf32, #tpu.memory_space<vmem>>) offsets(%dma_start3A_715 : memref<128xi32, #tpu.memory_space<vmem>>) semaphore(%arg13 : memref<!tpu.dma_semaphore, #tpu.memory_space<semaphore_mem>>)
      %add3A_719 = arith.constant 1 : i32
      %add3A_720 = arith.addi %mul3A_690, %add3A_719 : i32
      "tpu.region"() ({
        %run_scoped3A_721 = tpu.sem_alloc : memref<!tpu.dma_semaphore, #tpu.memory_space<semaphore_mem>>
        %dma_start3A_722 = arith.constant 0 : i32
        %dma_start3A_723 = tpu.memref_slice %arg9[%add3A_720, %dma_start3A_722] : memref<8x128xi32, #tpu.memory_space<vmem>> -> memref<1x128xi32, #tpu.memory_space<vmem>>
        %dma_start3A_724 = tpu.memref_squeeze %dma_start3A_723 : memref<1x128xi32, #tpu.memory_space<vmem>> -> memref<128xi32, #tpu.memory_space<vmem>>
        %dma_start3A_725 = arith.constant 0 : i32
        %dma_start3A_726 = arith.constant 0 : i32
        %dma_start3A_727 = tpu.memref_slice %arg12[%dma_start3A_725, %dma_start3A_726] : memref<10240x128xf32, #tpu.memory_space<vmem_shared>> -> memref<10240x128xf32, #tpu.memory_space<vmem_shared>>
        tpu.enqueue_indirect_dma source(%arg11 : memref<128x128xf32, #tpu.memory_space<vmem>>) target(%dma_start3A_727 : memref<10240x128xf32, #tpu.memory_space<vmem_shared>>) offsets(%dma_start3A_724 : memref<128xi32, #tpu.memory_space<vmem>>) semaphore(%run_scoped3A_721 : memref<!tpu.dma_semaphore, #tpu.memory_space<semaphore_mem>>) {add = true}
        %dma_wait3A_728 = arith.constant 0 : i32
        %dma_wait3A_729 = tpu.memref_slice %arg9[%add3A_720, %dma_wait3A_728] : memref<8x128xi32, #tpu.memory_space<vmem>> -> memref<1x128xi32, #tpu.memory_space<vmem>>
        %dma_wait3A_730 = tpu.memref_squeeze %dma_wait3A_729 : memref<1x128xi32, #tpu.memory_space<vmem>> -> memref<128xi32, #tpu.memory_space<vmem>>
        %dma_wait3A_731 = arith.constant 0 : i32
        %dma_wait3A_732 = arith.constant 0 : i32
        %dma_wait3A_733 = tpu.memref_slice %arg12[%dma_wait3A_731, %dma_wait3A_732] : memref<10240x128xf32, #tpu.memory_space<vmem_shared>> -> memref<10240x128xf32, #tpu.memory_space<vmem_shared>>
        tpu.wait_indirect_dma semaphore(%run_scoped3A_721 : memref<!tpu.dma_semaphore, #tpu.memory_space<semaphore_mem>>) src(%arg11 : memref<128x128xf32, #tpu.memory_space<vmem>>) dst(%dma_wait3A_733 : memref<10240x128xf32, #tpu.memory_space<vmem_shared>>)
        tpu.yield
      }) : () -> ()
    }
    %scan3A_545 = arith.constant 3 : i32
    %dma_wait3A_546 = arith.constant 0 : i32
    %dma_wait3A_547 = arith.constant 0 : i32
    %dma_wait3A_548 = tpu.memref_slice %arg2[%dma_wait3A_546, %dma_wait3A_547] : memref<10000x128xf32, #tpu.memory_space<hbm>> -> memref<128x128xf32, #tpu.memory_space<hbm>>
    %dma_wait3A_549 = arith.constant 0 : i32
    %dma_wait3A_550 = arith.constant 0 : i32
    %dma_wait3A_551 = tpu.memref_slice %arg2[%dma_wait3A_549, %dma_wait3A_550] : memref<10000x128xf32, #tpu.memory_space<hbm>> -> memref<128x128xf32, #tpu.memory_space<hbm>>
    tpu.wait_dma2 semaphore(%arg13 : memref<!tpu.dma_semaphore, #tpu.memory_space<semaphore_mem>>) src(%dma_wait3A_551 : memref<128x128xf32, #tpu.memory_space<hbm>>) dst(%arg10 : memref<128x128xf32, #tpu.memory_space<vmem>>)
    %dma_start3A_552 = arith.constant 7 : i32
    %dma_start3A_553 = arith.constant 0 : i32
    %dma_start3A_554 = tpu.memref_slice %arg8[%dma_start3A_552, %dma_start3A_553] : memref<8x128xi32, #tpu.memory_space<vmem>> -> memref<1x128xi32, #tpu.memory_space<vmem>>
    %dma_start3A_555 = tpu.memref_squeeze %dma_start3A_554 : memref<1x128xi32, #tpu.memory_space<vmem>> -> memref<128xi32, #tpu.memory_space<vmem>>
    %dma_start3A_556 = arith.constant 0 : i32
    %dma_start3A_557 = arith.constant 0 : i32
    %dma_start3A_558 = tpu.memref_slice %arg2[%dma_start3A_556, %dma_start3A_557] : memref<10000x128xf32, #tpu.memory_space<hbm>> -> memref<10000x128xf32, #tpu.memory_space<hbm>>
    tpu.enqueue_indirect_dma source(%dma_start3A_558 : memref<10000x128xf32, #tpu.memory_space<hbm>>) target(%arg11 : memref<128x128xf32, #tpu.memory_space<vmem>>) offsets(%dma_start3A_555 : memref<128xi32, #tpu.memory_space<vmem>>) semaphore(%arg14 : memref<!tpu.dma_semaphore, #tpu.memory_space<semaphore_mem>>)
    %run_scoped3A_559 = arith.constant 6 : i32
    "tpu.region"() ({
      %run_scoped3A_688 = tpu.sem_alloc : memref<!tpu.dma_semaphore, #tpu.memory_space<semaphore_mem>>
      %dma_start3A_689 = arith.constant 0 : i32
      %dma_start3A_690 = tpu.memref_slice %arg9[%run_scoped3A_559, %dma_start3A_689] : memref<8x128xi32, #tpu.memory_space<vmem>> -> memref<1x128xi32, #tpu.memory_space<vmem>>
      %dma_start3A_691 = tpu.memref_squeeze %dma_start3A_690 : memref<1x128xi32, #tpu.memory_space<vmem>> -> memref<128xi32, #tpu.memory_space<vmem>>
      %dma_start3A_692 = arith.constant 0 : i32
      %dma_start3A_693 = arith.constant 0 : i32
      %dma_start3A_694 = tpu.memref_slice %arg12[%dma_start3A_692, %dma_start3A_693] : memref<10240x128xf32, #tpu.memory_space<vmem_shared>> -> memref<10240x128xf32, #tpu.memory_space<vmem_shared>>
      tpu.enqueue_indirect_dma source(%arg10 : memref<128x128xf32, #tpu.memory_space<vmem>>) target(%dma_start3A_694 : memref<10240x128xf32, #tpu.memory_space<vmem_shared>>) offsets(%dma_start3A_691 : memref<128xi32, #tpu.memory_space<vmem>>) semaphore(%run_scoped3A_688 : memref<!tpu.dma_semaphore, #tpu.memory_space<semaphore_mem>>) {add = true}
      %dma_wait3A_695 = arith.constant 0 : i32
      %dma_wait3A_696 = tpu.memref_slice %arg9[%run_scoped3A_559, %dma_wait3A_695] : memref<8x128xi32, #tpu.memory_space<vmem>> -> memref<1x128xi32, #tpu.memory_space<vmem>>
      %dma_wait3A_697 = tpu.memref_squeeze %dma_wait3A_696 : memref<1x128xi32, #tpu.memory_space<vmem>> -> memref<128xi32, #tpu.memory_space<vmem>>
      %dma_wait3A_698 = arith.constant 0 : i32
      %dma_wait3A_699 = arith.constant 0 : i32
      %dma_wait3A_700 = tpu.memref_slice %arg12[%dma_wait3A_698, %dma_wait3A_699] : memref<10240x128xf32, #tpu.memory_space<vmem_shared>> -> memref<10240x128xf32, #tpu.memory_space<vmem_shared>>
      tpu.wait_indirect_dma semaphore(%run_scoped3A_688 : memref<!tpu.dma_semaphore, #tpu.memory_space<semaphore_mem>>) src(%arg10 : memref<128x128xf32, #tpu.memory_space<vmem>>) dst(%dma_wait3A_700 : memref<10240x128xf32, #tpu.memory_space<vmem_shared>>)
      tpu.yield
    }) : () -> ()
    %dma_wait3A_560 = arith.constant 0 : i32
    %dma_wait3A_561 = arith.constant 0 : i32
    %dma_wait3A_562 = tpu.memref_slice %arg2[%dma_wait3A_560, %dma_wait3A_561] : memref<10000x128xf32, #tpu.memory_space<hbm>> -> memref<128x128xf32, #tpu.memory_space<hbm>>
    %dma_wait3A_563 = arith.constant 0 : i32
    %dma_wait3A_564 = arith.constant 0 : i32
    %dma_wait3A_565 = tpu.memref_slice %arg2[%dma_wait3A_563, %dma_wait3A_564] : memref<10000x128xf32, #tpu.memory_space<hbm>> -> memref<128x128xf32, #tpu.memory_space<hbm>>
    tpu.wait_dma2 semaphore(%arg14 : memref<!tpu.dma_semaphore, #tpu.memory_space<semaphore_mem>>) src(%dma_wait3A_565 : memref<128x128xf32, #tpu.memory_space<hbm>>) dst(%arg11 : memref<128x128xf32, #tpu.memory_space<vmem>>)
    %dma_wait3A_566 = arith.constant 0 : i32
    %dma_wait3A_567 = arith.constant 0 : i32
    %dma_wait3A_568 = tpu.memref_slice %arg3[%add3A, %dma_wait3A_566, %dma_wait3A_567] : memref<32x80x128xi32, #tpu.memory_space<hbm>> -> memref<1x8x128xi32, #tpu.memory_space<hbm>>
    %dma_wait3A_569 = tpu.memref_squeeze %dma_wait3A_568 : memref<1x8x128xi32, #tpu.memory_space<hbm>> -> memref<8x128xi32, #tpu.memory_space<hbm>>
    %dma_wait3A_570 = arith.constant 0 : i32
    %dma_wait3A_571 = arith.constant 0 : i32
    %dma_wait3A_572 = tpu.memref_slice %arg3[%add3A, %dma_wait3A_570, %dma_wait3A_571] : memref<32x80x128xi32, #tpu.memory_space<hbm>> -> memref<1x8x128xi32, #tpu.memory_space<hbm>>
    %dma_wait3A_573 = tpu.memref_squeeze %dma_wait3A_572 : memref<1x8x128xi32, #tpu.memory_space<hbm>> -> memref<8x128xi32, #tpu.memory_space<hbm>>
    tpu.wait_dma2 semaphore(%arg15 : memref<!tpu.dma_semaphore, #tpu.memory_space<semaphore_mem>>) src(%dma_wait3A_573 : memref<8x128xi32, #tpu.memory_space<hbm>>) dst(%arg6 : memref<8x128xi32, #tpu.memory_space<vmem>>)
    %dma_wait3A_574 = arith.constant 0 : i32
    %dma_wait3A_575 = arith.constant 0 : i32
    %dma_wait3A_576 = tpu.memref_slice %arg4[%add3A, %dma_wait3A_574, %dma_wait3A_575] : memref<32x80x128xi32, #tpu.memory_space<hbm>> -> memref<1x8x128xi32, #tpu.memory_space<hbm>>
    %dma_wait3A_577 = tpu.memref_squeeze %dma_wait3A_576 : memref<1x8x128xi32, #tpu.memory_space<hbm>> -> memref<8x128xi32, #tpu.memory_space<hbm>>
    %dma_wait3A_578 = arith.constant 0 : i32
    %dma_wait3A_579 = arith.constant 0 : i32
    %dma_wait3A_580 = tpu.memref_slice %arg4[%add3A, %dma_wait3A_578, %dma_wait3A_579] : memref<32x80x128xi32, #tpu.memory_space<hbm>> -> memref<1x8x128xi32, #tpu.memory_space<hbm>>
    %dma_wait3A_581 = tpu.memref_squeeze %dma_wait3A_580 : memref<1x8x128xi32, #tpu.memory_space<hbm>> -> memref<8x128xi32, #tpu.memory_space<hbm>>
    tpu.wait_dma2 semaphore(%arg15 : memref<!tpu.dma_semaphore, #tpu.memory_space<semaphore_mem>>) src(%dma_wait3A_581 : memref<8x128xi32, #tpu.memory_space<hbm>>) dst(%arg7 : memref<8x128xi32, #tpu.memory_space<vmem>>)
    %dma_start3A_582 = arith.constant 0 : i32
    %dma_start3A_583 = arith.constant 0 : i32
    %dma_start3A_584 = tpu.memref_slice %arg6[%dma_start3A_582, %dma_start3A_583] : memref<8x128xi32, #tpu.memory_space<vmem>> -> memref<1x128xi32, #tpu.memory_space<vmem>>
    %dma_start3A_585 = tpu.memref_squeeze %dma_start3A_584 : memref<1x128xi32, #tpu.memory_space<vmem>> -> memref<128xi32, #tpu.memory_space<vmem>>
    %dma_start3A_586 = arith.constant 0 : i32
    %dma_start3A_587 = arith.constant 0 : i32
    %dma_start3A_588 = tpu.memref_slice %arg2[%dma_start3A_586, %dma_start3A_587] : memref<10000x128xf32, #tpu.memory_space<hbm>> -> memref<10000x128xf32, #tpu.memory_space<hbm>>
    tpu.enqueue_indirect_dma source(%dma_start3A_588 : memref<10000x128xf32, #tpu.memory_space<hbm>>) target(%arg10 : memref<128x128xf32, #tpu.memory_space<vmem>>) offsets(%dma_start3A_585 : memref<128xi32, #tpu.memory_space<vmem>>) semaphore(%arg13 : memref<!tpu.dma_semaphore, #tpu.memory_space<semaphore_mem>>)
    %run_scoped3A_589 = arith.constant 7 : i32
    "tpu.region"() ({
      %run_scoped3A_688 = tpu.sem_alloc : memref<!tpu.dma_semaphore, #tpu.memory_space<semaphore_mem>>
      %dma_start3A_689 = arith.constant 0 : i32
      %dma_start3A_690 = tpu.memref_slice %arg9[%run_scoped3A_589, %dma_start3A_689] : memref<8x128xi32, #tpu.memory_space<vmem>> -> memref<1x128xi32, #tpu.memory_space<vmem>>
      %dma_start3A_691 = tpu.memref_squeeze %dma_start3A_690 : memref<1x128xi32, #tpu.memory_space<vmem>> -> memref<128xi32, #tpu.memory_space<vmem>>
      %dma_start3A_692 = arith.constant 0 : i32
      %dma_start3A_693 = arith.constant 0 : i32
      %dma_start3A_694 = tpu.memref_slice %arg12[%dma_start3A_692, %dma_start3A_693] : memref<10240x128xf32, #tpu.memory_space<vmem_shared>> -> memref<10240x128xf32, #tpu.memory_space<vmem_shared>>
      tpu.enqueue_indirect_dma source(%arg11 : memref<128x128xf32, #tpu.memory_space<vmem>>) target(%dma_start3A_694 : memref<10240x128xf32, #tpu.memory_space<vmem_shared>>) offsets(%dma_start3A_691 : memref<128xi32, #tpu.memory_space<vmem>>) semaphore(%run_scoped3A_688 : memref<!tpu.dma_semaphore, #tpu.memory_space<semaphore_mem>>) {add = true}
      %dma_wait3A_695 = arith.constant 0 : i32
      %dma_wait3A_696 = tpu.memref_slice %arg9[%run_scoped3A_589, %dma_wait3A_695] : memref<8x128xi32, #tpu.memory_space<vmem>> -> memref<1x128xi32, #tpu.memory_space<vmem>>
      %dma_wait3A_697 = tpu.memref_squeeze %dma_wait3A_696 : memref<1x128xi32, #tpu.memory_space<vmem>> -> memref<128xi32, #tpu.memory_space<vmem>>
      %dma_wait3A_698 = arith.constant 0 : i32
      %dma_wait3A_699 = arith.constant 0 : i32
      %dma_wait3A_700 = tpu.memref_slice %arg12[%dma_wait3A_698, %dma_wait3A_699] : memref<10240x128xf32, #tpu.memory_space<vmem_shared>> -> memref<10240x128xf32, #tpu.memory_space<vmem_shared>>
      tpu.wait_indirect_dma semaphore(%run_scoped3A_688 : memref<!tpu.dma_semaphore, #tpu.memory_space<semaphore_mem>>) src(%arg11 : memref<128x128xf32, #tpu.memory_space<vmem>>) dst(%dma_wait3A_700 : memref<10240x128xf32, #tpu.memory_space<vmem_shared>>)
      tpu.yield
    }) : () -> ()
    %dma_start3A_590 = arith.constant 72 : i32
    %dma_start3A_591 = arith.constant 0 : i32
    %dma_start3A_592 = tpu.memref_slice %arg3[%add3A, %dma_start3A_590, %dma_start3A_591] : memref<32x80x128xi32, #tpu.memory_space<hbm>> -> memref<1x8x128xi32, #tpu.memory_space<hbm>>
    %dma_start3A_593 = tpu.memref_squeeze %dma_start3A_592 : memref<1x8x128xi32, #tpu.memory_space<hbm>> -> memref<8x128xi32, #tpu.memory_space<hbm>>
    %dma_start3A_594 = arith.constant 72 : i32
    %dma_start3A_595 = arith.constant 0 : i32
    %dma_start3A_596 = tpu.memref_slice %arg3[%add3A, %dma_start3A_594, %dma_start3A_595] : memref<32x80x128xi32, #tpu.memory_space<hbm>> -> memref<1x8x128xi32, #tpu.memory_space<hbm>>
    %dma_start3A_597 = tpu.memref_squeeze %dma_start3A_596 : memref<1x8x128xi32, #tpu.memory_space<hbm>> -> memref<8x128xi32, #tpu.memory_space<hbm>>
    tpu.enqueue_dma source(%dma_start3A_597 : memref<8x128xi32, #tpu.memory_space<hbm>>) target(%arg8 : memref<8x128xi32, #tpu.memory_space<vmem>>) target_semaphore(%arg15 : memref<!tpu.dma_semaphore, #tpu.memory_space<semaphore_mem>>)
    %dma_start3A_598 = arith.constant 72 : i32
    %dma_start3A_599 = arith.constant 0 : i32
    %dma_start3A_600 = tpu.memref_slice %arg4[%add3A, %dma_start3A_598, %dma_start3A_599] : memref<32x80x128xi32, #tpu.memory_space<hbm>> -> memref<1x8x128xi32, #tpu.memory_space<hbm>>
    %dma_start3A_601 = tpu.memref_squeeze %dma_start3A_600 : memref<1x8x128xi32, #tpu.memory_space<hbm>> -> memref<8x128xi32, #tpu.memory_space<hbm>>
    %dma_start3A_602 = arith.constant 72 : i32
    %dma_start3A_603 = arith.constant 0 : i32
    %dma_start3A_604 = tpu.memref_slice %arg4[%add3A, %dma_start3A_602, %dma_start3A_603] : memref<32x80x128xi32, #tpu.memory_space<hbm>> -> memref<1x8x128xi32, #tpu.memory_space<hbm>>
    %dma_start3A_605 = tpu.memref_squeeze %dma_start3A_604 : memref<1x8x128xi32, #tpu.memory_space<hbm>> -> memref<8x128xi32, #tpu.memory_space<hbm>>
    tpu.enqueue_dma source(%dma_start3A_605 : memref<8x128xi32, #tpu.memory_space<hbm>>) target(%arg9 : memref<8x128xi32, #tpu.memory_space<vmem>>) target_semaphore(%arg15 : memref<!tpu.dma_semaphore, #tpu.memory_space<semaphore_mem>>)
    %scan3A_606 = arith.constant 0 : i32
    %scan3A_607 = arith.constant 0 : i32
    %scan3A_608 = arith.constant 3 : i32
    %scan3A_609 = arith.addi %scan3A_607, %scan3A_608 : i32
    %scan3A_610 = arith.constant 1 : i32
    scf.for %scan3A_688 = %scan3A_607 to %scan3A_609 step %scan3A_610  : i32 {
      %mul3A_689 = arith.constant 2 : i32
      %mul3A_690 = arith.muli %mul3A_689, %scan3A_688 : i32
      %dma_wait3A_691 = arith.constant 0 : i32
      %dma_wait3A_692 = arith.constant 0 : i32
      %dma_wait3A_693 = tpu.memref_slice %arg2[%dma_wait3A_691, %dma_wait3A_692] : memref<10000x128xf32, #tpu.memory_space<hbm>> -> memref<128x128xf32, #tpu.memory_space<hbm>>
      %dma_wait3A_694 = arith.constant 0 : i32
      %dma_wait3A_695 = arith.constant 0 : i32
      %dma_wait3A_696 = tpu.memref_slice %arg2[%dma_wait3A_694, %dma_wait3A_695] : memref<10000x128xf32, #tpu.memory_space<hbm>> -> memref<128x128xf32, #tpu.memory_space<hbm>>
      tpu.wait_dma2 semaphore(%arg13 : memref<!tpu.dma_semaphore, #tpu.memory_space<semaphore_mem>>) src(%dma_wait3A_696 : memref<128x128xf32, #tpu.memory_space<hbm>>) dst(%arg10 : memref<128x128xf32, #tpu.memory_space<vmem>>)
      %add3A_697 = arith.constant 1 : i32
      %add3A_698 = arith.addi %mul3A_690, %add3A_697 : i32
      %dma_start3A_699 = arith.constant 0 : i32
      %dma_start3A_700 = tpu.memref_slice %arg6[%add3A_698, %dma_start3A_699] : memref<8x128xi32, #tpu.memory_space<vmem>> -> memref<1x128xi32, #tpu.memory_space<vmem>>
      %dma_start3A_701 = tpu.memref_squeeze %dma_start3A_700 : memref<1x128xi32, #tpu.memory_space<vmem>> -> memref<128xi32, #tpu.memory_space<vmem>>
      %dma_start3A_702 = arith.constant 0 : i32
      %dma_start3A_703 = arith.constant 0 : i32
      %dma_start3A_704 = tpu.memref_slice %arg2[%dma_start3A_702, %dma_start3A_703] : memref<10000x128xf32, #tpu.memory_space<hbm>> -> memref<10000x128xf32, #tpu.memory_space<hbm>>
      tpu.enqueue_indirect_dma source(%dma_start3A_704 : memref<10000x128xf32, #tpu.memory_space<hbm>>) target(%arg11 : memref<128x128xf32, #tpu.memory_space<vmem>>) offsets(%dma_start3A_701 : memref<128xi32, #tpu.memory_space<vmem>>) semaphore(%arg14 : memref<!tpu.dma_semaphore, #tpu.memory_space<semaphore_mem>>)
      "tpu.region"() ({
        %run_scoped3A_721 = tpu.sem_alloc : memref<!tpu.dma_semaphore, #tpu.memory_space<semaphore_mem>>
        %dma_start3A_722 = arith.constant 0 : i32
        %dma_start3A_723 = tpu.memref_slice %arg7[%mul3A_690, %dma_start3A_722] : memref<8x128xi32, #tpu.memory_space<vmem>> -> memref<1x128xi32, #tpu.memory_space<vmem>>
        %dma_start3A_724 = tpu.memref_squeeze %dma_start3A_723 : memref<1x128xi32, #tpu.memory_space<vmem>> -> memref<128xi32, #tpu.memory_space<vmem>>
        %dma_start3A_725 = arith.constant 0 : i32
        %dma_start3A_726 = arith.constant 0 : i32
        %dma_start3A_727 = tpu.memref_slice %arg12[%dma_start3A_725, %dma_start3A_726] : memref<10240x128xf32, #tpu.memory_space<vmem_shared>> -> memref<10240x128xf32, #tpu.memory_space<vmem_shared>>
        tpu.enqueue_indirect_dma source(%arg10 : memref<128x128xf32, #tpu.memory_space<vmem>>) target(%dma_start3A_727 : memref<10240x128xf32, #tpu.memory_space<vmem_shared>>) offsets(%dma_start3A_724 : memref<128xi32, #tpu.memory_space<vmem>>) semaphore(%run_scoped3A_721 : memref<!tpu.dma_semaphore, #tpu.memory_space<semaphore_mem>>) {add = true}
        %dma_wait3A_728 = arith.constant 0 : i32
        %dma_wait3A_729 = tpu.memref_slice %arg7[%mul3A_690, %dma_wait3A_728] : memref<8x128xi32, #tpu.memory_space<vmem>> -> memref<1x128xi32, #tpu.memory_space<vmem>>
        %dma_wait3A_730 = tpu.memref_squeeze %dma_wait3A_729 : memref<1x128xi32, #tpu.memory_space<vmem>> -> memref<128xi32, #tpu.memory_space<vmem>>
        %dma_wait3A_731 = arith.constant 0 : i32
        %dma_wait3A_732 = arith.constant 0 : i32
        %dma_wait3A_733 = tpu.memref_slice %arg12[%dma_wait3A_731, %dma_wait3A_732] : memref<10240x128xf32, #tpu.memory_space<vmem_shared>> -> memref<10240x128xf32, #tpu.memory_space<vmem_shared>>
        tpu.wait_indirect_dma semaphore(%run_scoped3A_721 : memref<!tpu.dma_semaphore, #tpu.memory_space<semaphore_mem>>) src(%arg10 : memref<128x128xf32, #tpu.memory_space<vmem>>) dst(%dma_wait3A_733 : memref<10240x128xf32, #tpu.memory_space<vmem_shared>>)
        tpu.yield
      }) : () -> ()
      %dma_wait3A_705 = arith.constant 0 : i32
      %dma_wait3A_706 = arith.constant 0 : i32
      %dma_wait3A_707 = tpu.memref_slice %arg2[%dma_wait3A_705, %dma_wait3A_706] : memref<10000x128xf32, #tpu.memory_space<hbm>> -> memref<128x128xf32, #tpu.memory_space<hbm>>
      %dma_wait3A_708 = arith.constant 0 : i32
      %dma_wait3A_709 = arith.constant 0 : i32
      %dma_wait3A_710 = tpu.memref_slice %arg2[%dma_wait3A_708, %dma_wait3A_709] : memref<10000x128xf32, #tpu.memory_space<hbm>> -> memref<128x128xf32, #tpu.memory_space<hbm>>
      tpu.wait_dma2 semaphore(%arg14 : memref<!tpu.dma_semaphore, #tpu.memory_space<semaphore_mem>>) src(%dma_wait3A_710 : memref<128x128xf32, #tpu.memory_space<hbm>>) dst(%arg11 : memref<128x128xf32, #tpu.memory_space<vmem>>)
      %add3A_711 = arith.constant 2 : i32
      %add3A_712 = arith.addi %mul3A_690, %add3A_711 : i32
      %dma_start3A_713 = arith.constant 0 : i32
      %dma_start3A_714 = tpu.memref_slice %arg6[%add3A_712, %dma_start3A_713] : memref<8x128xi32, #tpu.memory_space<vmem>> -> memref<1x128xi32, #tpu.memory_space<vmem>>
      %dma_start3A_715 = tpu.memref_squeeze %dma_start3A_714 : memref<1x128xi32, #tpu.memory_space<vmem>> -> memref<128xi32, #tpu.memory_space<vmem>>
      %dma_start3A_716 = arith.constant 0 : i32
      %dma_start3A_717 = arith.constant 0 : i32
      %dma_start3A_718 = tpu.memref_slice %arg2[%dma_start3A_716, %dma_start3A_717] : memref<10000x128xf32, #tpu.memory_space<hbm>> -> memref<10000x128xf32, #tpu.memory_space<hbm>>
      tpu.enqueue_indirect_dma source(%dma_start3A_718 : memref<10000x128xf32, #tpu.memory_space<hbm>>) target(%arg10 : memref<128x128xf32, #tpu.memory_space<vmem>>) offsets(%dma_start3A_715 : memref<128xi32, #tpu.memory_space<vmem>>) semaphore(%arg13 : memref<!tpu.dma_semaphore, #tpu.memory_space<semaphore_mem>>)
      %add3A_719 = arith.constant 1 : i32
      %add3A_720 = arith.addi %mul3A_690, %add3A_719 : i32
      "tpu.region"() ({
        %run_scoped3A_721 = tpu.sem_alloc : memref<!tpu.dma_semaphore, #tpu.memory_space<semaphore_mem>>
        %dma_start3A_722 = arith.constant 0 : i32
        %dma_start3A_723 = tpu.memref_slice %arg7[%add3A_720, %dma_start3A_722] : memref<8x128xi32, #tpu.memory_space<vmem>> -> memref<1x128xi32, #tpu.memory_space<vmem>>
        %dma_start3A_724 = tpu.memref_squeeze %dma_start3A_723 : memref<1x128xi32, #tpu.memory_space<vmem>> -> memref<128xi32, #tpu.memory_space<vmem>>
        %dma_start3A_725 = arith.constant 0 : i32
        %dma_start3A_726 = arith.constant 0 : i32
        %dma_start3A_727 = tpu.memref_slice %arg12[%dma_start3A_725, %dma_start3A_726] : memref<10240x128xf32, #tpu.memory_space<vmem_shared>> -> memref<10240x128xf32, #tpu.memory_space<vmem_shared>>
        tpu.enqueue_indirect_dma source(%arg11 : memref<128x128xf32, #tpu.memory_space<vmem>>) target(%dma_start3A_727 : memref<10240x128xf32, #tpu.memory_space<vmem_shared>>) offsets(%dma_start3A_724 : memref<128xi32, #tpu.memory_space<vmem>>) semaphore(%run_scoped3A_721 : memref<!tpu.dma_semaphore, #tpu.memory_space<semaphore_mem>>) {add = true}
        %dma_wait3A_728 = arith.constant 0 : i32
        %dma_wait3A_729 = tpu.memref_slice %arg7[%add3A_720, %dma_wait3A_728] : memref<8x128xi32, #tpu.memory_space<vmem>> -> memref<1x128xi32, #tpu.memory_space<vmem>>
        %dma_wait3A_730 = tpu.memref_squeeze %dma_wait3A_729 : memref<1x128xi32, #tpu.memory_space<vmem>> -> memref<128xi32, #tpu.memory_space<vmem>>
        %dma_wait3A_731 = arith.constant 0 : i32
        %dma_wait3A_732 = arith.constant 0 : i32
        %dma_wait3A_733 = tpu.memref_slice %arg12[%dma_wait3A_731, %dma_wait3A_732] : memref<10240x128xf32, #tpu.memory_space<vmem_shared>> -> memref<10240x128xf32, #tpu.memory_space<vmem_shared>>
        tpu.wait_indirect_dma semaphore(%run_scoped3A_721 : memref<!tpu.dma_semaphore, #tpu.memory_space<semaphore_mem>>) src(%arg11 : memref<128x128xf32, #tpu.memory_space<vmem>>) dst(%dma_wait3A_733 : memref<10240x128xf32, #tpu.memory_space<vmem_shared>>)
        tpu.yield
      }) : () -> ()
    }
    %scan3A_611 = arith.constant 3 : i32
    %dma_wait3A_612 = arith.constant 0 : i32
    %dma_wait3A_613 = arith.constant 0 : i32
    %dma_wait3A_614 = tpu.memref_slice %arg2[%dma_wait3A_612, %dma_wait3A_613] : memref<10000x128xf32, #tpu.memory_space<hbm>> -> memref<128x128xf32, #tpu.memory_space<hbm>>
    %dma_wait3A_615 = arith.constant 0 : i32
    %dma_wait3A_616 = arith.constant 0 : i32
    %dma_wait3A_617 = tpu.memref_slice %arg2[%dma_wait3A_615, %dma_wait3A_616] : memref<10000x128xf32, #tpu.memory_space<hbm>> -> memref<128x128xf32, #tpu.memory_space<hbm>>
    tpu.wait_dma2 semaphore(%arg13 : memref<!tpu.dma_semaphore, #tpu.memory_space<semaphore_mem>>) src(%dma_wait3A_617 : memref<128x128xf32, #tpu.memory_space<hbm>>) dst(%arg10 : memref<128x128xf32, #tpu.memory_space<vmem>>)
    %dma_start3A_618 = arith.constant 7 : i32
    %dma_start3A_619 = arith.constant 0 : i32
    %dma_start3A_620 = tpu.memref_slice %arg6[%dma_start3A_618, %dma_start3A_619] : memref<8x128xi32, #tpu.memory_space<vmem>> -> memref<1x128xi32, #tpu.memory_space<vmem>>
    %dma_start3A_621 = tpu.memref_squeeze %dma_start3A_620 : memref<1x128xi32, #tpu.memory_space<vmem>> -> memref<128xi32, #tpu.memory_space<vmem>>
    %dma_start3A_622 = arith.constant 0 : i32
    %dma_start3A_623 = arith.constant 0 : i32
    %dma_start3A_624 = tpu.memref_slice %arg2[%dma_start3A_622, %dma_start3A_623] : memref<10000x128xf32, #tpu.memory_space<hbm>> -> memref<10000x128xf32, #tpu.memory_space<hbm>>
    tpu.enqueue_indirect_dma source(%dma_start3A_624 : memref<10000x128xf32, #tpu.memory_space<hbm>>) target(%arg11 : memref<128x128xf32, #tpu.memory_space<vmem>>) offsets(%dma_start3A_621 : memref<128xi32, #tpu.memory_space<vmem>>) semaphore(%arg14 : memref<!tpu.dma_semaphore, #tpu.memory_space<semaphore_mem>>)
    %run_scoped3A_625 = arith.constant 6 : i32
    "tpu.region"() ({
      %run_scoped3A_688 = tpu.sem_alloc : memref<!tpu.dma_semaphore, #tpu.memory_space<semaphore_mem>>
      %dma_start3A_689 = arith.constant 0 : i32
      %dma_start3A_690 = tpu.memref_slice %arg7[%run_scoped3A_625, %dma_start3A_689] : memref<8x128xi32, #tpu.memory_space<vmem>> -> memref<1x128xi32, #tpu.memory_space<vmem>>
      %dma_start3A_691 = tpu.memref_squeeze %dma_start3A_690 : memref<1x128xi32, #tpu.memory_space<vmem>> -> memref<128xi32, #tpu.memory_space<vmem>>
      %dma_start3A_692 = arith.constant 0 : i32
      %dma_start3A_693 = arith.constant 0 : i32
      %dma_start3A_694 = tpu.memref_slice %arg12[%dma_start3A_692, %dma_start3A_693] : memref<10240x128xf32, #tpu.memory_space<vmem_shared>> -> memref<10240x128xf32, #tpu.memory_space<vmem_shared>>
      tpu.enqueue_indirect_dma source(%arg10 : memref<128x128xf32, #tpu.memory_space<vmem>>) target(%dma_start3A_694 : memref<10240x128xf32, #tpu.memory_space<vmem_shared>>) offsets(%dma_start3A_691 : memref<128xi32, #tpu.memory_space<vmem>>) semaphore(%run_scoped3A_688 : memref<!tpu.dma_semaphore, #tpu.memory_space<semaphore_mem>>) {add = true}
      %dma_wait3A_695 = arith.constant 0 : i32
      %dma_wait3A_696 = tpu.memref_slice %arg7[%run_scoped3A_625, %dma_wait3A_695] : memref<8x128xi32, #tpu.memory_space<vmem>> -> memref<1x128xi32, #tpu.memory_space<vmem>>
      %dma_wait3A_697 = tpu.memref_squeeze %dma_wait3A_696 : memref<1x128xi32, #tpu.memory_space<vmem>> -> memref<128xi32, #tpu.memory_space<vmem>>
      %dma_wait3A_698 = arith.constant 0 : i32
      %dma_wait3A_699 = arith.constant 0 : i32
      %dma_wait3A_700 = tpu.memref_slice %arg12[%dma_wait3A_698, %dma_wait3A_699] : memref<10240x128xf32, #tpu.memory_space<vmem_shared>> -> memref<10240x128xf32, #tpu.memory_space<vmem_shared>>
      tpu.wait_indirect_dma semaphore(%run_scoped3A_688 : memref<!tpu.dma_semaphore, #tpu.memory_space<semaphore_mem>>) src(%arg10 : memref<128x128xf32, #tpu.memory_space<vmem>>) dst(%dma_wait3A_700 : memref<10240x128xf32, #tpu.memory_space<vmem_shared>>)
      tpu.yield
    }) : () -> ()
    %dma_wait3A_626 = arith.constant 0 : i32
    %dma_wait3A_627 = arith.constant 0 : i32
    %dma_wait3A_628 = tpu.memref_slice %arg2[%dma_wait3A_626, %dma_wait3A_627] : memref<10000x128xf32, #tpu.memory_space<hbm>> -> memref<128x128xf32, #tpu.memory_space<hbm>>
    %dma_wait3A_629 = arith.constant 0 : i32
    %dma_wait3A_630 = arith.constant 0 : i32
    %dma_wait3A_631 = tpu.memref_slice %arg2[%dma_wait3A_629, %dma_wait3A_630] : memref<10000x128xf32, #tpu.memory_space<hbm>> -> memref<128x128xf32, #tpu.memory_space<hbm>>
    tpu.wait_dma2 semaphore(%arg14 : memref<!tpu.dma_semaphore, #tpu.memory_space<semaphore_mem>>) src(%dma_wait3A_631 : memref<128x128xf32, #tpu.memory_space<hbm>>) dst(%arg11 : memref<128x128xf32, #tpu.memory_space<vmem>>)
    %dma_wait3A_632 = arith.constant 0 : i32
    %dma_wait3A_633 = arith.constant 0 : i32
    %dma_wait3A_634 = tpu.memref_slice %arg3[%add3A, %dma_wait3A_632, %dma_wait3A_633] : memref<32x80x128xi32, #tpu.memory_space<hbm>> -> memref<1x8x128xi32, #tpu.memory_space<hbm>>
    %dma_wait3A_635 = tpu.memref_squeeze %dma_wait3A_634 : memref<1x8x128xi32, #tpu.memory_space<hbm>> -> memref<8x128xi32, #tpu.memory_space<hbm>>
    %dma_wait3A_636 = arith.constant 0 : i32
    %dma_wait3A_637 = arith.constant 0 : i32
    %dma_wait3A_638 = tpu.memref_slice %arg3[%add3A, %dma_wait3A_636, %dma_wait3A_637] : memref<32x80x128xi32, #tpu.memory_space<hbm>> -> memref<1x8x128xi32, #tpu.memory_space<hbm>>
    %dma_wait3A_639 = tpu.memref_squeeze %dma_wait3A_638 : memref<1x8x128xi32, #tpu.memory_space<hbm>> -> memref<8x128xi32, #tpu.memory_space<hbm>>
    tpu.wait_dma2 semaphore(%arg15 : memref<!tpu.dma_semaphore, #tpu.memory_space<semaphore_mem>>) src(%dma_wait3A_639 : memref<8x128xi32, #tpu.memory_space<hbm>>) dst(%arg8 : memref<8x128xi32, #tpu.memory_space<vmem>>)
    %dma_wait3A_640 = arith.constant 0 : i32
    %dma_wait3A_641 = arith.constant 0 : i32
    %dma_wait3A_642 = tpu.memref_slice %arg4[%add3A, %dma_wait3A_640, %dma_wait3A_641] : memref<32x80x128xi32, #tpu.memory_space<hbm>> -> memref<1x8x128xi32, #tpu.memory_space<hbm>>
    %dma_wait3A_643 = tpu.memref_squeeze %dma_wait3A_642 : memref<1x8x128xi32, #tpu.memory_space<hbm>> -> memref<8x128xi32, #tpu.memory_space<hbm>>
    %dma_wait3A_644 = arith.constant 0 : i32
    %dma_wait3A_645 = arith.constant 0 : i32
    %dma_wait3A_646 = tpu.memref_slice %arg4[%add3A, %dma_wait3A_644, %dma_wait3A_645] : memref<32x80x128xi32, #tpu.memory_space<hbm>> -> memref<1x8x128xi32, #tpu.memory_space<hbm>>
    %dma_wait3A_647 = tpu.memref_squeeze %dma_wait3A_646 : memref<1x8x128xi32, #tpu.memory_space<hbm>> -> memref<8x128xi32, #tpu.memory_space<hbm>>
    tpu.wait_dma2 semaphore(%arg15 : memref<!tpu.dma_semaphore, #tpu.memory_space<semaphore_mem>>) src(%dma_wait3A_647 : memref<8x128xi32, #tpu.memory_space<hbm>>) dst(%arg9 : memref<8x128xi32, #tpu.memory_space<vmem>>)
    %dma_start3A_648 = arith.constant 0 : i32
    %dma_start3A_649 = arith.constant 0 : i32
    %dma_start3A_650 = tpu.memref_slice %arg8[%dma_start3A_648, %dma_start3A_649] : memref<8x128xi32, #tpu.memory_space<vmem>> -> memref<1x128xi32, #tpu.memory_space<vmem>>
    %dma_start3A_651 = tpu.memref_squeeze %dma_start3A_650 : memref<1x128xi32, #tpu.memory_space<vmem>> -> memref<128xi32, #tpu.memory_space<vmem>>
    %dma_start3A_652 = arith.constant 0 : i32
    %dma_start3A_653 = arith.constant 0 : i32
    %dma_start3A_654 = tpu.memref_slice %arg2[%dma_start3A_652, %dma_start3A_653] : memref<10000x128xf32, #tpu.memory_space<hbm>> -> memref<10000x128xf32, #tpu.memory_space<hbm>>
    tpu.enqueue_indirect_dma source(%dma_start3A_654 : memref<10000x128xf32, #tpu.memory_space<hbm>>) target(%arg10 : memref<128x128xf32, #tpu.memory_space<vmem>>) offsets(%dma_start3A_651 : memref<128xi32, #tpu.memory_space<vmem>>) semaphore(%arg13 : memref<!tpu.dma_semaphore, #tpu.memory_space<semaphore_mem>>)
    %run_scoped3A_655 = arith.constant 7 : i32
    "tpu.region"() ({
      %run_scoped3A_688 = tpu.sem_alloc : memref<!tpu.dma_semaphore, #tpu.memory_space<semaphore_mem>>
      %dma_start3A_689 = arith.constant 0 : i32
      %dma_start3A_690 = tpu.memref_slice %arg7[%run_scoped3A_655, %dma_start3A_689] : memref<8x128xi32, #tpu.memory_space<vmem>> -> memref<1x128xi32, #tpu.memory_space<vmem>>
      %dma_start3A_691 = tpu.memref_squeeze %dma_start3A_690 : memref<1x128xi32, #tpu.memory_space<vmem>> -> memref<128xi32, #tpu.memory_space<vmem>>
      %dma_start3A_692 = arith.constant 0 : i32
      %dma_start3A_693 = arith.constant 0 : i32
      %dma_start3A_694 = tpu.memref_slice %arg12[%dma_start3A_692, %dma_start3A_693] : memref<10240x128xf32, #tpu.memory_space<vmem_shared>> -> memref<10240x128xf32, #tpu.memory_space<vmem_shared>>
      tpu.enqueue_indirect_dma source(%arg11 : memref<128x128xf32, #tpu.memory_space<vmem>>) target(%dma_start3A_694 : memref<10240x128xf32, #tpu.memory_space<vmem_shared>>) offsets(%dma_start3A_691 : memref<128xi32, #tpu.memory_space<vmem>>) semaphore(%run_scoped3A_688 : memref<!tpu.dma_semaphore, #tpu.memory_space<semaphore_mem>>) {add = true}
      %dma_wait3A_695 = arith.constant 0 : i32
      %dma_wait3A_696 = tpu.memref_slice %arg7[%run_scoped3A_655, %dma_wait3A_695] : memref<8x128xi32, #tpu.memory_space<vmem>> -> memref<1x128xi32, #tpu.memory_space<vmem>>
      %dma_wait3A_697 = tpu.memref_squeeze %dma_wait3A_696 : memref<1x128xi32, #tpu.memory_space<vmem>> -> memref<128xi32, #tpu.memory_space<vmem>>
      %dma_wait3A_698 = arith.constant 0 : i32
      %dma_wait3A_699 = arith.constant 0 : i32
      %dma_wait3A_700 = tpu.memref_slice %arg12[%dma_wait3A_698, %dma_wait3A_699] : memref<10240x128xf32, #tpu.memory_space<vmem_shared>> -> memref<10240x128xf32, #tpu.memory_space<vmem_shared>>
      tpu.wait_indirect_dma semaphore(%run_scoped3A_688 : memref<!tpu.dma_semaphore, #tpu.memory_space<semaphore_mem>>) src(%arg11 : memref<128x128xf32, #tpu.memory_space<vmem>>) dst(%dma_wait3A_700 : memref<10240x128xf32, #tpu.memory_space<vmem_shared>>)
      tpu.yield
    }) : () -> ()
    %scan3A_656 = arith.constant 0 : i32
    %scan3A_657 = arith.constant 0 : i32
    %scan3A_658 = arith.constant 3 : i32
    %scan3A_659 = arith.addi %scan3A_657, %scan3A_658 : i32
    %scan3A_660 = arith.constant 1 : i32
    scf.for %scan3A_688 = %scan3A_657 to %scan3A_659 step %scan3A_660  : i32 {
      %mul3A_689 = arith.constant 2 : i32
      %mul3A_690 = arith.muli %mul3A_689, %scan3A_688 : i32
      %dma_wait3A_691 = arith.constant 0 : i32
      %dma_wait3A_692 = arith.constant 0 : i32
      %dma_wait3A_693 = tpu.memref_slice %arg2[%dma_wait3A_691, %dma_wait3A_692] : memref<10000x128xf32, #tpu.memory_space<hbm>> -> memref<128x128xf32, #tpu.memory_space<hbm>>
      %dma_wait3A_694 = arith.constant 0 : i32
      %dma_wait3A_695 = arith.constant 0 : i32
      %dma_wait3A_696 = tpu.memref_slice %arg2[%dma_wait3A_694, %dma_wait3A_695] : memref<10000x128xf32, #tpu.memory_space<hbm>> -> memref<128x128xf32, #tpu.memory_space<hbm>>
      tpu.wait_dma2 semaphore(%arg13 : memref<!tpu.dma_semaphore, #tpu.memory_space<semaphore_mem>>) src(%dma_wait3A_696 : memref<128x128xf32, #tpu.memory_space<hbm>>) dst(%arg10 : memref<128x128xf32, #tpu.memory_space<vmem>>)
      %add3A_697 = arith.constant 1 : i32
      %add3A_698 = arith.addi %mul3A_690, %add3A_697 : i32
      %dma_start3A_699 = arith.constant 0 : i32
      %dma_start3A_700 = tpu.memref_slice %arg8[%add3A_698, %dma_start3A_699] : memref<8x128xi32, #tpu.memory_space<vmem>> -> memref<1x128xi32, #tpu.memory_space<vmem>>
      %dma_start3A_701 = tpu.memref_squeeze %dma_start3A_700 : memref<1x128xi32, #tpu.memory_space<vmem>> -> memref<128xi32, #tpu.memory_space<vmem>>
      %dma_start3A_702 = arith.constant 0 : i32
      %dma_start3A_703 = arith.constant 0 : i32
      %dma_start3A_704 = tpu.memref_slice %arg2[%dma_start3A_702, %dma_start3A_703] : memref<10000x128xf32, #tpu.memory_space<hbm>> -> memref<10000x128xf32, #tpu.memory_space<hbm>>
      tpu.enqueue_indirect_dma source(%dma_start3A_704 : memref<10000x128xf32, #tpu.memory_space<hbm>>) target(%arg11 : memref<128x128xf32, #tpu.memory_space<vmem>>) offsets(%dma_start3A_701 : memref<128xi32, #tpu.memory_space<vmem>>) semaphore(%arg14 : memref<!tpu.dma_semaphore, #tpu.memory_space<semaphore_mem>>)
      "tpu.region"() ({
        %run_scoped3A_721 = tpu.sem_alloc : memref<!tpu.dma_semaphore, #tpu.memory_space<semaphore_mem>>
        %dma_start3A_722 = arith.constant 0 : i32
        %dma_start3A_723 = tpu.memref_slice %arg9[%mul3A_690, %dma_start3A_722] : memref<8x128xi32, #tpu.memory_space<vmem>> -> memref<1x128xi32, #tpu.memory_space<vmem>>
        %dma_start3A_724 = tpu.memref_squeeze %dma_start3A_723 : memref<1x128xi32, #tpu.memory_space<vmem>> -> memref<128xi32, #tpu.memory_space<vmem>>
        %dma_start3A_725 = arith.constant 0 : i32
        %dma_start3A_726 = arith.constant 0 : i32
        %dma_start3A_727 = tpu.memref_slice %arg12[%dma_start3A_725, %dma_start3A_726] : memref<10240x128xf32, #tpu.memory_space<vmem_shared>> -> memref<10240x128xf32, #tpu.memory_space<vmem_shared>>
        tpu.enqueue_indirect_dma source(%arg10 : memref<128x128xf32, #tpu.memory_space<vmem>>) target(%dma_start3A_727 : memref<10240x128xf32, #tpu.memory_space<vmem_shared>>) offsets(%dma_start3A_724 : memref<128xi32, #tpu.memory_space<vmem>>) semaphore(%run_scoped3A_721 : memref<!tpu.dma_semaphore, #tpu.memory_space<semaphore_mem>>) {add = true}
        %dma_wait3A_728 = arith.constant 0 : i32
        %dma_wait3A_729 = tpu.memref_slice %arg9[%mul3A_690, %dma_wait3A_728] : memref<8x128xi32, #tpu.memory_space<vmem>> -> memref<1x128xi32, #tpu.memory_space<vmem>>
        %dma_wait3A_730 = tpu.memref_squeeze %dma_wait3A_729 : memref<1x128xi32, #tpu.memory_space<vmem>> -> memref<128xi32, #tpu.memory_space<vmem>>
        %dma_wait3A_731 = arith.constant 0 : i32
        %dma_wait3A_732 = arith.constant 0 : i32
        %dma_wait3A_733 = tpu.memref_slice %arg12[%dma_wait3A_731, %dma_wait3A_732] : memref<10240x128xf32, #tpu.memory_space<vmem_shared>> -> memref<10240x128xf32, #tpu.memory_space<vmem_shared>>
        tpu.wait_indirect_dma semaphore(%run_scoped3A_721 : memref<!tpu.dma_semaphore, #tpu.memory_space<semaphore_mem>>) src(%arg10 : memref<128x128xf32, #tpu.memory_space<vmem>>) dst(%dma_wait3A_733 : memref<10240x128xf32, #tpu.memory_space<vmem_shared>>)
        tpu.yield
      }) : () -> ()
      %dma_wait3A_705 = arith.constant 0 : i32
      %dma_wait3A_706 = arith.constant 0 : i32
      %dma_wait3A_707 = tpu.memref_slice %arg2[%dma_wait3A_705, %dma_wait3A_706] : memref<10000x128xf32, #tpu.memory_space<hbm>> -> memref<128x128xf32, #tpu.memory_space<hbm>>
      %dma_wait3A_708 = arith.constant 0 : i32
      %dma_wait3A_709 = arith.constant 0 : i32
      %dma_wait3A_710 = tpu.memref_slice %arg2[%dma_wait3A_708, %dma_wait3A_709] : memref<10000x128xf32, #tpu.memory_space<hbm>> -> memref<128x128xf32, #tpu.memory_space<hbm>>
      tpu.wait_dma2 semaphore(%arg14 : memref<!tpu.dma_semaphore, #tpu.memory_space<semaphore_mem>>) src(%dma_wait3A_710 : memref<128x128xf32, #tpu.memory_space<hbm>>) dst(%arg11 : memref<128x128xf32, #tpu.memory_space<vmem>>)
      %add3A_711 = arith.constant 2 : i32
      %add3A_712 = arith.addi %mul3A_690, %add3A_711 : i32
      %dma_start3A_713 = arith.constant 0 : i32
      %dma_start3A_714 = tpu.memref_slice %arg8[%add3A_712, %dma_start3A_713] : memref<8x128xi32, #tpu.memory_space<vmem>> -> memref<1x128xi32, #tpu.memory_space<vmem>>
      %dma_start3A_715 = tpu.memref_squeeze %dma_start3A_714 : memref<1x128xi32, #tpu.memory_space<vmem>> -> memref<128xi32, #tpu.memory_space<vmem>>
      %dma_start3A_716 = arith.constant 0 : i32
      %dma_start3A_717 = arith.constant 0 : i32
      %dma_start3A_718 = tpu.memref_slice %arg2[%dma_start3A_716, %dma_start3A_717] : memref<10000x128xf32, #tpu.memory_space<hbm>> -> memref<10000x128xf32, #tpu.memory_space<hbm>>
      tpu.enqueue_indirect_dma source(%dma_start3A_718 : memref<10000x128xf32, #tpu.memory_space<hbm>>) target(%arg10 : memref<128x128xf32, #tpu.memory_space<vmem>>) offsets(%dma_start3A_715 : memref<128xi32, #tpu.memory_space<vmem>>) semaphore(%arg13 : memref<!tpu.dma_semaphore, #tpu.memory_space<semaphore_mem>>)
      %add3A_719 = arith.constant 1 : i32
      %add3A_720 = arith.addi %mul3A_690, %add3A_719 : i32
      "tpu.region"() ({
        %run_scoped3A_721 = tpu.sem_alloc : memref<!tpu.dma_semaphore, #tpu.memory_space<semaphore_mem>>
        %dma_start3A_722 = arith.constant 0 : i32
        %dma_start3A_723 = tpu.memref_slice %arg9[%add3A_720, %dma_start3A_722] : memref<8x128xi32, #tpu.memory_space<vmem>> -> memref<1x128xi32, #tpu.memory_space<vmem>>
        %dma_start3A_724 = tpu.memref_squeeze %dma_start3A_723 : memref<1x128xi32, #tpu.memory_space<vmem>> -> memref<128xi32, #tpu.memory_space<vmem>>
        %dma_start3A_725 = arith.constant 0 : i32
        %dma_start3A_726 = arith.constant 0 : i32
        %dma_start3A_727 = tpu.memref_slice %arg12[%dma_start3A_725, %dma_start3A_726] : memref<10240x128xf32, #tpu.memory_space<vmem_shared>> -> memref<10240x128xf32, #tpu.memory_space<vmem_shared>>
        tpu.enqueue_indirect_dma source(%arg11 : memref<128x128xf32, #tpu.memory_space<vmem>>) target(%dma_start3A_727 : memref<10240x128xf32, #tpu.memory_space<vmem_shared>>) offsets(%dma_start3A_724 : memref<128xi32, #tpu.memory_space<vmem>>) semaphore(%run_scoped3A_721 : memref<!tpu.dma_semaphore, #tpu.memory_space<semaphore_mem>>) {add = true}
        %dma_wait3A_728 = arith.constant 0 : i32
        %dma_wait3A_729 = tpu.memref_slice %arg9[%add3A_720, %dma_wait3A_728] : memref<8x128xi32, #tpu.memory_space<vmem>> -> memref<1x128xi32, #tpu.memory_space<vmem>>
        %dma_wait3A_730 = tpu.memref_squeeze %dma_wait3A_729 : memref<1x128xi32, #tpu.memory_space<vmem>> -> memref<128xi32, #tpu.memory_space<vmem>>
        %dma_wait3A_731 = arith.constant 0 : i32
        %dma_wait3A_732 = arith.constant 0 : i32
        %dma_wait3A_733 = tpu.memref_slice %arg12[%dma_wait3A_731, %dma_wait3A_732] : memref<10240x128xf32, #tpu.memory_space<vmem_shared>> -> memref<10240x128xf32, #tpu.memory_space<vmem_shared>>
        tpu.wait_indirect_dma semaphore(%run_scoped3A_721 : memref<!tpu.dma_semaphore, #tpu.memory_space<semaphore_mem>>) src(%arg11 : memref<128x128xf32, #tpu.memory_space<vmem>>) dst(%dma_wait3A_733 : memref<10240x128xf32, #tpu.memory_space<vmem_shared>>)
        tpu.yield
      }) : () -> ()
    }
    %scan3A_661 = arith.constant 3 : i32
    %dma_wait3A_662 = arith.constant 0 : i32
    %dma_wait3A_663 = arith.constant 0 : i32
    %dma_wait3A_664 = tpu.memref_slice %arg2[%dma_wait3A_662, %dma_wait3A_663] : memref<10000x128xf32, #tpu.memory_space<hbm>> -> memref<128x128xf32, #tpu.memory_space<hbm>>
    %dma_wait3A_665 = arith.constant 0 : i32
    %dma_wait3A_666 = arith.constant 0 : i32
    %dma_wait3A_667 = tpu.memref_slice %arg2[%dma_wait3A_665, %dma_wait3A_666] : memref<10000x128xf32, #tpu.memory_space<hbm>> -> memref<128x128xf32, #tpu.memory_space<hbm>>
    tpu.wait_dma2 semaphore(%arg13 : memref<!tpu.dma_semaphore, #tpu.memory_space<semaphore_mem>>) src(%dma_wait3A_667 : memref<128x128xf32, #tpu.memory_space<hbm>>) dst(%arg10 : memref<128x128xf32, #tpu.memory_space<vmem>>)
    %dma_start3A_668 = arith.constant 7 : i32
    %dma_start3A_669 = arith.constant 0 : i32
    %dma_start3A_670 = tpu.memref_slice %arg8[%dma_start3A_668, %dma_start3A_669] : memref<8x128xi32, #tpu.memory_space<vmem>> -> memref<1x128xi32, #tpu.memory_space<vmem>>
    %dma_start3A_671 = tpu.memref_squeeze %dma_start3A_670 : memref<1x128xi32, #tpu.memory_space<vmem>> -> memref<128xi32, #tpu.memory_space<vmem>>
    %dma_start3A_672 = arith.constant 0 : i32
    %dma_start3A_673 = arith.constant 0 : i32
    %dma_start3A_674 = tpu.memref_slice %arg2[%dma_start3A_672, %dma_start3A_673] : memref<10000x128xf32, #tpu.memory_space<hbm>> -> memref<10000x128xf32, #tpu.memory_space<hbm>>
    tpu.enqueue_indirect_dma source(%dma_start3A_674 : memref<10000x128xf32, #tpu.memory_space<hbm>>) target(%arg11 : memref<128x128xf32, #tpu.memory_space<vmem>>) offsets(%dma_start3A_671 : memref<128xi32, #tpu.memory_space<vmem>>) semaphore(%arg14 : memref<!tpu.dma_semaphore, #tpu.memory_space<semaphore_mem>>)
    %run_scoped3A_675 = arith.constant 6 : i32
    "tpu.region"() ({
      %run_scoped3A_688 = tpu.sem_alloc : memref<!tpu.dma_semaphore, #tpu.memory_space<semaphore_mem>>
      %dma_start3A_689 = arith.constant 0 : i32
      %dma_start3A_690 = tpu.memref_slice %arg9[%run_scoped3A_675, %dma_start3A_689] : memref<8x128xi32, #tpu.memory_space<vmem>> -> memref<1x128xi32, #tpu.memory_space<vmem>>
      %dma_start3A_691 = tpu.memref_squeeze %dma_start3A_690 : memref<1x128xi32, #tpu.memory_space<vmem>> -> memref<128xi32, #tpu.memory_space<vmem>>
      %dma_start3A_692 = arith.constant 0 : i32
      %dma_start3A_693 = arith.constant 0 : i32
      %dma_start3A_694 = tpu.memref_slice %arg12[%dma_start3A_692, %dma_start3A_693] : memref<10240x128xf32, #tpu.memory_space<vmem_shared>> -> memref<10240x128xf32, #tpu.memory_space<vmem_shared>>
      tpu.enqueue_indirect_dma source(%arg10 : memref<128x128xf32, #tpu.memory_space<vmem>>) target(%dma_start3A_694 : memref<10240x128xf32, #tpu.memory_space<vmem_shared>>) offsets(%dma_start3A_691 : memref<128xi32, #tpu.memory_space<vmem>>) semaphore(%run_scoped3A_688 : memref<!tpu.dma_semaphore, #tpu.memory_space<semaphore_mem>>) {add = true}
      %dma_wait3A_695 = arith.constant 0 : i32
      %dma_wait3A_696 = tpu.memref_slice %arg9[%run_scoped3A_675, %dma_wait3A_695] : memref<8x128xi32, #tpu.memory_space<vmem>> -> memref<1x128xi32, #tpu.memory_space<vmem>>
      %dma_wait3A_697 = tpu.memref_squeeze %dma_wait3A_696 : memref<1x128xi32, #tpu.memory_space<vmem>> -> memref<128xi32, #tpu.memory_space<vmem>>
      %dma_wait3A_698 = arith.constant 0 : i32
      %dma_wait3A_699 = arith.constant 0 : i32
      %dma_wait3A_700 = tpu.memref_slice %arg12[%dma_wait3A_698, %dma_wait3A_699] : memref<10240x128xf32, #tpu.memory_space<vmem_shared>> -> memref<10240x128xf32, #tpu.memory_space<vmem_shared>>
      tpu.wait_indirect_dma semaphore(%run_scoped3A_688 : memref<!tpu.dma_semaphore, #tpu.memory_space<semaphore_mem>>) src(%arg10 : memref<128x128xf32, #tpu.memory_space<vmem>>) dst(%dma_wait3A_700 : memref<10240x128xf32, #tpu.memory_space<vmem_shared>>)
      tpu.yield
    }) : () -> ()
    %dma_wait3A_676 = arith.constant 0 : i32
    %dma_wait3A_677 = arith.constant 0 : i32
    %dma_wait3A_678 = tpu.memref_slice %arg2[%dma_wait3A_676, %dma_wait3A_677] : memref<10000x128xf32, #tpu.memory_space<hbm>> -> memref<128x128xf32, #tpu.memory_space<hbm>>
    %dma_wait3A_679 = arith.constant 0 : i32
    %dma_wait3A_680 = arith.constant 0 : i32
    %dma_wait3A_681 = tpu.memref_slice %arg2[%dma_wait3A_679, %dma_wait3A_680] : memref<10000x128xf32, #tpu.memory_space<hbm>> -> memref<128x128xf32, #tpu.memory_space<hbm>>
    tpu.wait_dma2 semaphore(%arg14 : memref<!tpu.dma_semaphore, #tpu.memory_space<semaphore_mem>>) src(%dma_wait3A_681 : memref<128x128xf32, #tpu.memory_space<hbm>>) dst(%arg11 : memref<128x128xf32, #tpu.memory_space<vmem>>)
    %run_scoped3A_682 = arith.constant 7 : i32
    "tpu.region"() ({
      %run_scoped3A_688 = tpu.sem_alloc : memref<!tpu.dma_semaphore, #tpu.memory_space<semaphore_mem>>
      %dma_start3A_689 = arith.constant 0 : i32
      %dma_start3A_690 = tpu.memref_slice %arg9[%run_scoped3A_682, %dma_start3A_689] : memref<8x128xi32, #tpu.memory_space<vmem>> -> memref<1x128xi32, #tpu.memory_space<vmem>>
      %dma_start3A_691 = tpu.memref_squeeze %dma_start3A_690 : memref<1x128xi32, #tpu.memory_space<vmem>> -> memref<128xi32, #tpu.memory_space<vmem>>
      %dma_start3A_692 = arith.constant 0 : i32
      %dma_start3A_693 = arith.constant 0 : i32
      %dma_start3A_694 = tpu.memref_slice %arg12[%dma_start3A_692, %dma_start3A_693] : memref<10240x128xf32, #tpu.memory_space<vmem_shared>> -> memref<10240x128xf32, #tpu.memory_space<vmem_shared>>
      tpu.enqueue_indirect_dma source(%arg11 : memref<128x128xf32, #tpu.memory_space<vmem>>) target(%dma_start3A_694 : memref<10240x128xf32, #tpu.memory_space<vmem_shared>>) offsets(%dma_start3A_691 : memref<128xi32, #tpu.memory_space<vmem>>) semaphore(%run_scoped3A_688 : memref<!tpu.dma_semaphore, #tpu.memory_space<semaphore_mem>>) {add = true}
      %dma_wait3A_695 = arith.constant 0 : i32
      %dma_wait3A_696 = tpu.memref_slice %arg9[%run_scoped3A_682, %dma_wait3A_695] : memref<8x128xi32, #tpu.memory_space<vmem>> -> memref<1x128xi32, #tpu.memory_space<vmem>>
      %dma_wait3A_697 = tpu.memref_squeeze %dma_wait3A_696 : memref<1x128xi32, #tpu.memory_space<vmem>> -> memref<128xi32, #tpu.memory_space<vmem>>
      %dma_wait3A_698 = arith.constant 0 : i32
      %dma_wait3A_699 = arith.constant 0 : i32
      %dma_wait3A_700 = tpu.memref_slice %arg12[%dma_wait3A_698, %dma_wait3A_699] : memref<10240x128xf32, #tpu.memory_space<vmem_shared>> -> memref<10240x128xf32, #tpu.memory_space<vmem_shared>>
      tpu.wait_indirect_dma semaphore(%run_scoped3A_688 : memref<!tpu.dma_semaphore, #tpu.memory_space<semaphore_mem>>) src(%arg11 : memref<128x128xf32, #tpu.memory_space<vmem>>) dst(%dma_wait3A_700 : memref<10240x128xf32, #tpu.memory_space<vmem_shared>>)
      tpu.yield
    }) : () -> ()
    %barrier3A_683 = arith.constant 0 : index
    tpu.barrier barrier_id(%barrier3A_683)
    %mul3A_684 = arith.constant 640 : i32
    %mul3A_685 = arith.muli %arg1, %mul3A_684 : i32
    %mul3A_686 = arith.constant 640 : i32
    %mul3A_687 = arith.muli %arg1, %mul3A_686 : i32
    "tpu.region"() ({
      %run_scoped3A_688 = tpu.sem_alloc : memref<!tpu.dma_semaphore, #tpu.memory_space<semaphore_mem>>
      %dma_start3A_689 = arith.constant 0 : i32
      %dma_start3A_690 = tpu.memref_slice %arg5[%arg0, %mul3A_687, %dma_start3A_689] : memref<2x10240x128xf32, #tpu.memory_space<hbm>> -> memref<1x640x128xf32, #tpu.memory_space<hbm>>
      %dma_start3A_691 = tpu.memref_squeeze %dma_start3A_690 : memref<1x640x128xf32, #tpu.memory_space<hbm>> -> memref<640x128xf32, #tpu.memory_space<hbm>>
      %dma_start3A_692 = arith.constant 0 : i32
      %dma_start3A_693 = tpu.memref_slice %arg12[%mul3A_685, %dma_start3A_692] : memref<10240x128xf32, #tpu.memory_space<vmem_shared>> -> memref<640x128xf32, #tpu.memory_space<vmem_shared>>
      tpu.enqueue_dma source(%dma_start3A_693 : memref<640x128xf32, #tpu.memory_space<vmem_shared>>) target(%dma_start3A_691 : memref<640x128xf32, #tpu.memory_space<hbm>>) target_semaphore(%run_scoped3A_688 : memref<!tpu.dma_semaphore, #tpu.memory_space<semaphore_mem>>)
      %dma_wait3A_694 = arith.constant 0 : i32
      %dma_wait3A_695 = tpu.memref_slice %arg5[%arg0, %mul3A_687, %dma_wait3A_694] : memref<2x10240x128xf32, #tpu.memory_space<hbm>> -> memref<1x640x128xf32, #tpu.memory_space<hbm>>
      %dma_wait3A_696 = tpu.memref_squeeze %dma_wait3A_695 : memref<1x640x128xf32, #tpu.memory_space<hbm>> -> memref<640x128xf32, #tpu.memory_space<hbm>>
      %dma_wait3A_697 = arith.constant 0 : i32
      %dma_wait3A_698 = tpu.memref_slice %arg12[%mul3A_685, %dma_wait3A_697] : memref<10240x128xf32, #tpu.memory_space<vmem_shared>> -> memref<640x128xf32, #tpu.memory_space<vmem_shared>>
      tpu.wait_dma2 semaphore(%run_scoped3A_688 : memref<!tpu.dma_semaphore, #tpu.memory_space<semaphore_mem>>) src(%dma_wait3A_698 : memref<640x128xf32, #tpu.memory_space<vmem_shared>>) dst(%dma_wait3A_696 : memref<640x128xf32, #tpu.memory_space<hbm>>)
      tpu.yield
    }) : () -> ()
    return
  }
}

module attributes {stable_mosaic.version = 14 : i64} {
  func.func @_tc_body(%arg0: i32, %arg1: memref<2x2000x128xf32, #tpu.memory_space<vmem>>, %arg2: memref<2000x128xf32, #tpu.memory_space<vmem>>, %arg3: memref<2x2000x16xf32, #tpu.memory_space<vmem>>, %arg4: memref<128x128xf32, #tpu.memory_space<vmem>>, %arg5: memref<1x128xf32, #tpu.memory_space<vmem>>, %arg6: memref<2000x128xf32, #tpu.memory_space<vmem>>) attributes {dimension_semantics = [#tpu.dimension_semantics<arbitrary>], iteration_bounds = array<i64: 5>, scalar_prefetch = 0 : i64, scratch_operands = 0 : i64, tpu.core_type = #tpu.core_type<tc>, window_params = [{transform_indices = @transform_0, window_bounds = array<i64: 2, 2000, 128>}, {transform_indices = @transform_1, window_bounds = array<i64: 2000, 128>}, {transform_indices = @transform_2, window_bounds = array<i64: 2, 2000, 16>}, {pipeline_mode = #tpu.pipeline_mode<synchronous>, transform_indices = @transform_3, window_bounds = array<i64: 128, 128>}, {pipeline_mode = #tpu.pipeline_mode<synchronous>, transform_indices = @transform_4, window_bounds = array<i64: 1, 128>}, {transform_indices = @transform_5, window_bounds = array<i64: 2000, 128>}]} {
    %get3A = arith.constant 0 : index
    %get3A_0 = arith.constant 0 : index
    %get3A_1 = arith.constant 0 : index
    %get3A_2 = vector.load %arg1[%get3A, %get3A_0, %get3A_1] : memref<2x2000x128xf32, #tpu.memory_space<vmem>>, vector<1x2000x128xf32>
    %get3A_3 = vector.shape_cast %get3A_2 : vector<1x2000x128xf32> to vector<2000x128xf32>
    %get3A_4 = arith.constant 1 : index
    %get3A_5 = arith.constant 0 : index
    %get3A_6 = arith.constant 0 : index
    %get3A_7 = vector.load %arg1[%get3A_4, %get3A_5, %get3A_6] : memref<2x2000x128xf32, #tpu.memory_space<vmem>>, vector<1x2000x128xf32>
    %get3A_8 = vector.shape_cast %get3A_7 : vector<1x2000x128xf32> to vector<2000x128xf32>
    %add3A = arith.addf %get3A_3, %get3A_8 : vector<2000x128xf32>
    %get3A_9 = arith.constant 0 : index
    %get3A_10 = arith.constant 0 : index
    %get3A_11 = vector.load %arg2[%get3A_9, %get3A_10] : memref<2000x128xf32, #tpu.memory_space<vmem>>, vector<2000x128xf32>
    %add3A_12 = arith.addf %add3A, %get3A_11 : vector<2000x128xf32>
    %get3A_13 = arith.constant 0 : index
    %get3A_14 = arith.constant 0 : index
    %get3A_15 = arith.constant 0 : index
    %get3A_16 = vector.load %arg3[%get3A_13, %get3A_14, %get3A_15] : memref<2x2000x16xf32, #tpu.memory_space<vmem>>, vector<1x2000x1xf32>
    %get3A_17 = vector.shape_cast %get3A_16 : vector<1x2000x1xf32> to vector<2000x1xf32>
    %get3A_18 = arith.constant 1 : index
    %get3A_19 = arith.constant 0 : index
    %get3A_20 = arith.constant 0 : index
    %get3A_21 = vector.load %arg3[%get3A_18, %get3A_19, %get3A_20] : memref<2x2000x16xf32, #tpu.memory_space<vmem>>, vector<1x2000x1xf32>
    %get3A_22 = vector.shape_cast %get3A_21 : vector<1x2000x1xf32> to vector<2000x1xf32>
    %add3A_23 = arith.addf %get3A_17, %get3A_22 : vector<2000x1xf32>
    %add3A_24 = arith.constant 1.000000e+00 : f32
    %add3A_25 = vector.broadcast %add3A_24 : f32 to vector<2000x1xf32>
    %add3A_26 = arith.addf %add3A_23, %add3A_25 : vector<2000x1xf32>
    %div3A = vector.broadcast %add3A_26 : vector<2000x1xf32> to vector<2000x128xf32>
    %div3A_27 = arith.divf %add3A_12, %div3A : vector<2000x128xf32>
    %get3A_28 = arith.constant 0 : index
    %get3A_29 = arith.constant 0 : index
    %get3A_30 = vector.load %arg4[%get3A_28, %get3A_29] : memref<128x128xf32, #tpu.memory_space<vmem>>, vector<128x128xf32>
    %dot_general3A = arith.constant dense<0.000000e+00> : vector<2000x128xf32>
    %dot_general3A_31 = tpu.matmul %div3A_27, %get3A_30, %dot_general3A {dimension_numbers = #tpu.dot_dimension_numbers<[1], [0], [0], [1], [0, 0, 1, 1], [], []>, transpose_lhs_hint = false} : vector<2000x128xf32>, vector<128x128xf32>, vector<2000x128xf32> -> vector<2000x128xf32>
    %get3A_32 = arith.constant 0 : index
    %get3A_33 = arith.constant 0 : index
    %get3A_34 = vector.load %arg5[%get3A_32, %get3A_33] : memref<1x128xf32, #tpu.memory_space<vmem>>, vector<1x128xf32>
    %add3A_35 = vector.broadcast %get3A_34 : vector<1x128xf32> to vector<2000x128xf32>
    %add3A_36 = arith.addf %dot_general3A_31, %add3A_35 : vector<2000x128xf32>
    %swap3A = arith.constant 0 : index
    %swap3A_37 = arith.constant 0 : index
    %swap3A_38 = vector.load %arg6[%swap3A, %swap3A_37] : memref<2000x128xf32, #tpu.memory_space<vmem>>, vector<2000x128xf32>
    tpu.vector_store %arg6[%swap3A, %swap3A_37], %add3A_36 {strides = array<i32>} : memref<2000x128xf32, #tpu.memory_space<vmem>>, vector<2000x128xf32>,
    return
  }
  func.func @transform_0(%arg0: i32) -> (i32, i32, i32) {
    %c0_i32 = arith.constant 0 : i32
    %c0_i32_0 = arith.constant 0 : i32
    %c0_i32_1 = arith.constant 0 : i32
    return %c0_i32, %arg0, %c0_i32_0 : i32, i32, i32
  }
  func.func @transform_1(%arg0: i32) -> (i32, i32) {
    %c0_i32 = arith.constant 0 : i32
    %c0_i32_0 = arith.constant 0 : i32
    return %arg0, %c0_i32 : i32, i32
  }
  func.func @transform_2(%arg0: i32) -> (i32, i32, i32) {
    %c0_i32 = arith.constant 0 : i32
    %c0_i32_0 = arith.constant 0 : i32
    %c0_i32_1 = arith.constant 0 : i32
    return %c0_i32, %arg0, %c0_i32_0 : i32, i32, i32
  }
  func.func @transform_3(%arg0: i32) -> (i32, i32) {
    %c0_i32 = arith.constant 0 : i32
    %c0_i32_0 = arith.constant 0 : i32
    %c0_i32_1 = arith.constant 0 : i32
    return %c0_i32, %c0_i32_0 : i32, i32
  }
  func.func @transform_4(%arg0: i32) -> (i32, i32) {
    %c0_i32 = arith.constant 0 : i32
    %c0_i32_0 = arith.constant 0 : i32
    %c0_i32_1 = arith.constant 0 : i32
    return %c0_i32, %c0_i32_0 : i32, i32
  }
  func.func @transform_5(%arg0: i32) -> (i32, i32) {
    %c0_i32 = arith.constant 0 : i32
    %c0_i32_0 = arith.constant 0 : i32
    return %arg0, %c0_i32 : i32, i32
  }
}

</mosaic_0001>

<sc_bundles>
// kernel: kernel.5.cloned.1.call-start
scs
__scs_entry_jumppad:
0x0: {  	(pc) =	sbr.rel $0x88, $3  }
0x1: {  	(tag) =	ssettag $0x0;
	lr =	simm.s32 $0x1  }
0x2: {  	[smem:$0x3F9D] =	sst lr;
	_ =	strace $0xD0000000  }
0x3: {  	_ = 	snop  }
0x4: {  	_ = 	snop  }
0x5: {  	_ = 	snop  }
0x6: {  	_ = 	snop  }
0x7: {  	_ = 	snop  }
__scs_overlays_trampoline_lowered:
0x8: {  	[smem:$0x3FAC] =	sst s0  }
0x9: {  	[smem:$0x3FAD] =	sst s1  }
0xa: {  	[smem:$0x3FAE] =	sst s2  }
0xb: {  	[smem:$0x3FAF] =	sst s3  }
0xc: {  	[smem:$0x3FB0] =	sst s4  }
0xd: {  	[smem:$0x3FB1] =	sst s5  }
0xe: {  	[smem:$0x3FB2] =	sst s6  }
0xf: {  	[smem:$0x3FB3] =	sst s7  }
0x10: {  	[smem:$0x3FB4] =	sst s8  }
0x11: {  	[smem:$0x3FB5] =	sst s9;
	s0 =	simm.s32 @!p0 $0x0  }
0x12: {  	s1 =	sld [smem:$0x3F9B];
	s0 =	simm.s32 @p0 $0x1  }
0x13: {  	[smem:$0x3FB6] =	sst s0;
	s0 =	simm.s32 @!p1 $0x0  }
0x14: {  	s2 =	sld [smem:$0x3F9A];
	s0 =	simm.s32 @p1 $0x1  }
0x15: {  	[smem:$0x3FB7] =	sst s0;
	s0 =	simm.s32 @!p2 $0x0  }
0x16: {  	s3 =	sld [smem:$0x3FDB];
	s0 =	simm.s32 @p2 $0x1  }
0x17: {  	s4 =	simm.s32 $0x1BF5;
	[smem:$0x3FB9] =	sst s0  }
0x18: {  	s0 =	sld [smem:$0x3F9C];
	_ =	swait.ge [sflag:s4], $0x0  }
0x19: {  	s7 =	sld [smem:$0x3F9D]  }
0x1a: {  	s8 =	sadd.s32 $0xFFFFE003, lr  }
0x1b: {  	s9 =	sadd.s32 $0xFFFFFEF7, lr;
	s5 =	simm.s32 $0xFFFFFFFF;
	p2 =	slt.u32 s8, $0xFFFFF086  }
0x1c: {  	p1 =	slt.u32 s9, $0xF7A;
	s5 =	simm.s32 @!p2 $0x0  }
0x1d: {  	s5 =	simm.s32 @p1 $0x1;
	p0 =	seq.s32 s7, s2  }
0x1e: {  	s7 =	smul.u32 @!p0 $0xF7A, s2;
	p2 =	seq.s32 @!p0 s5, $0x0  }
0x1f: {  	s9 =	smul.u32 $0xF7A, s1;
	s8 =	simm.s32 @!p0 $0x1BF5;
	p2 =	por !p2, p0  }
0x20: {  	[sflag:s8] =	ssyncset.s32 @!p0 $0xFFFFF086;
	s6 =	sadd.s32 @!p0 s3, s7;
	s7 =	simm.s32 @!p0 $0x108  }
0x21: {  	s3 =	sadd.s32 s3, s9;
	s6 =	sadd.s32 @!p0 $0x88, s6;
	s7 =	simm.s32 @p2 $0x1082  }
0x22: {  	[simem:s7], [sflag:s8] =	dma.local @!p0 [hbm:s6], $0xF7A  }
0x23: {  	s9 =	sor.u32 $0xD0000000, s2;
	s6 =	simm.s32 $0x108;
	_ =	swait.ge @!p0 [sflag:s8], $0x0  }
0x24: {  	s3 =	sadd.s32 $0x88, s3;
	s6 =	simm.s32 @!p1 $0x1082;
	[sflag:s4] =	ssyncset.s32 $0xFFFFF086  }
0x25: {  	[simem:s6], [sflag:s4] =	dma.local [hbm:s3], $0xF7A  }
0x26: {  	[smem:$0x3F9D] =	sst s1;
	(tag) =	ssettag s2;
	_ =	strace s9  }
0x27: {  	s1 =	sld [smem:$0x3FAD]  }
0x28: {  	s2 =	sld [smem:$0x3FAE]  }
0x29: {  	s4 =	sld [smem:$0x3FB0]  }
0x2a: {  	p0 =	seq.s32 s5, $0x0;
	s5 =	sld [smem:$0x3FB1]  }
0x2b: {  	s6 =	sld [smem:$0x3FB2]  }
0x2c: {  	s7 =	sld [smem:$0x3FB3]  }
0x2d: {  	s3 =	simm.s32 $0x108;
	s8 =	sld [smem:$0x3FB4]  }
0x2e: {  	s3 =	simm.s32 @!p0 $0x1082;
	s9 =	sld [smem:$0x3FB5]  }
0x2f: {  	lr =	sadd.s32 s0, s3;
	s0 =	sld [smem:$0x3FAC]  }
0x30: {  	s3 =	sld [smem:$0x3FAF]  }
0x31: {  	[smem:$0x3FB8] =	sst s10  }
0x32: {  	s10 =	sld [smem:$0x3FB6];
	_ =	sdelay $0x3  }
0x33: {  	p0 =	seq.s32 s10, $0x1;
	s10 =	sld [smem:$0x3FB8];
	_ =	sdelay $0x3  }
0x34: {  	[smem:$0x3FB8] =	sst s10  }
0x35: {  	s10 =	sld [smem:$0x3FB7];
	_ =	sdelay $0x3  }
0x36: {  	p1 =	seq.s32 s10, $0x1;
	s10 =	sld [smem:$0x3FB8];
	_ =	sdelay $0x3  }
0x37: {  	[smem:$0x3FB8] =	sst s10  }
0x38: {  	s10 =	sld [smem:$0x3FB9]  }
0x39: {  	_ = 	snop;
	(pc) =	sbr.ind lr, $3  }
0x3a: {  	_ = 	snop  }
0x3b: {  	_ = 	snop  }
0x3c: {  	p2 =	seq.s32 s10, $0x1;
	s10 =	sld [smem:$0x3FB8]  }
0x3d: {  	_ =	shalt  }
0x3e: {  	_ =	shalt  }
0x3f: {  	_ =	shalt  }
0x40: {  	_ =	shalt  }
0x41: {  	_ =	shalt  }
0x42: {  	_ =	shalt  }
0x43: {  	_ =	shalt  }
0x44: {  	_ =	shalt  }
0x45: {  	_ =	shalt  }
0x46: {  	_ =	shalt  }
0x47: {  	_ =	shalt  }
0x48: {  	_ =	shalt  }
0x49: {  	_ =	shalt  }
0x4a: {  	_ =	shalt  }
0x4b: {  	_ =	shalt  }
0x4c: {  	_ =	shalt  }
0x4d: {  	_ =	shalt  }
0x4e: {  	_ =	shalt  }
0x4f: {  	_ =	shalt  }
0x50: {  	_ =	shalt  }
0x51: {  	_ =	shalt  }
0x52: {  	_ =	shalt  }
0x53: {  	_ =	shalt  }
0x54: {  	_ =	shalt  }
0x55: {  	_ =	shalt  }
0x56: {  	_ =	shalt  }
0x57: {  	_ =	shalt  }
0x58: {  	_ =	shalt  }
0x59: {  	_ =	shalt  }
0x5a: {  	_ =	shalt  }
0x5b: {  	_ =	shalt  }
0x5c: {  	_ =	shalt  }
0x5d: {  	_ =	shalt  }
0x5e: {  	_ =	shalt  }
0x5f: {  	_ =	shalt  }
0x60: {  	_ =	shalt  }
0x61: {  	_ =	shalt  }
0x62: {  	_ =	shalt  }
0x63: {  	_ =	shalt  }
0x64: {  	_ =	shalt  }
0x65: {  	_ =	shalt  }
0x66: {  	_ =	shalt  }
0x67: {  	_ =	shalt  }
0x68: {  	_ =	shalt  }
0x69: {  	_ =	shalt  }
0x6a: {  	_ =	shalt  }
0x6b: {  	_ =	shalt  }
0x6c: {  	_ =	shalt  }
0x6d: {  	_ =	shalt  }
0x6e: {  	_ =	shalt  }
0x6f: {  	_ =	shalt  }
0x70: {  	_ =	shalt  }
0x71: {  	_ =	shalt  }
0x72: {  	_ =	shalt  }
0x73: {  	_ =	shalt  }
0x74: {  	_ =	shalt  }
0x75: {  	_ =	shalt  }
0x76: {  	_ =	shalt  }
0x77: {  	_ =	shalt  }
0x78: {  	_ =	shalt  }
0x79: {  	_ =	shalt  }
0x7a: {  	_ =	shalt  }
0x7b: {  	_ =	shalt  }
0x7c: {  	_ =	shalt  }
0x7d: {  	_ =	shalt  }
0x7e: {  	_ =	shalt  }
0x7f: {  	_ =	shalt  }
0x80: {  	_ =	shalt  }
0x81: {  	_ =	shalt  }
0x82: {  	_ =	shalt  }
0x83: {  	_ =	shalt  }
0x84: {  	_ =	shalt  }
0x85: {  	_ =	shalt  }
0x86: {  	_ =	shalt  }
0x87: {  	_ =	shalt  }
.Lfunc_end0:
.L_simem_size_0:
called_computation_lowered:
.L_overlay_start_0:
0x88: {  	s2 =	sld [smem:$0x3FD9]  }
0x89: {  	s3 =	sld [smem:$0x3FFE];
	_ =	sdelay $0x1  }
0x8a: {  	s1 =	srdreg.scid  }
0x8b: {  	s0 =	sand.u32 $0x1, s1  }
0x8c: {  	s17 =	sshll.u32 s0, $0xA;
	s2 =	sadd.s32 s3, s2  }
0x8d: {  	s2 =	sadd.s32 s2, s17  }
0x8e: {  	[smem:$0x3FC4] =	sst s2  }
0x8f: {  	_ = 	snop  }
0x90: {  	s18 =	sld [smem:$0x3FC9]  }
0x91: {  	s4 =	sld [smem:$0x3FD0];
	(tm) =	ssettm $0x1  }
0x92: {  	s19 =	sld [smem:$0x3FFB];
	_ =	sdelay $0x3  }
0x93: {  	_ =	strace s19  }
0x94: {  	s2 =	sld [smem:$0x3FFC];
	_ =	sdelay $0x3  }
0x95: {  	_ =	strace s2  }
0x96: {  	s2 =	sld [smem:$0x3FFD];
	_ =	sdelay $0x3  }
0x97: {  	_ =	strace s2  }
0x98: {  	_ =	strace $0x8FFFFFFF  }
0x99: {  	s20 =	sld [smem:$0x3FDB];
	_ =	sdelay $0x1  }
0x9a: {  	s5 =	simm.s32 $_scs_section_size  }
0x9b: {  	s6 =	simm.s32 $_size__tile_overlayer_lowered;
	s7 =	simm.s32 $_tile_overlayer_lowered  }
0x9c: {  	s8 =	simm.s32 $0x1BFF;
	s21 =	sshll.u32 s7, $0x1;
	s5 =	sadd.s32 s5, s20  }
0x9d: {  	s22 =	simm.s32 $0x0;
	s6 =	sshll.u32 s6, $0x1;
	s7 =	sadd.s32 s21, s5  }
0x9e: {  	[timem:s22], [sflag:s8] =	dma.local [hbm:s7], s6  }
0x9f: {  	_ =	swait.ge [sflag:s8], s6  }
0xa0: {  	s6 =	ssub.s32 $0x0, s6;
	[sflag:s8] =	ssyncset.done $0x0  }
0xa1: {  	[sflag:s8] =	ssyncadd.s32 s6;
	_ =	sdelay $0x1  }
0xa2: {  	s23 =	simm.s32 $0x1B8B  }
0xa3: {  	_ =	swait.ge [sflag:s23], $0x1  }
0xa4: {  	[sflag:s23] =	ssyncset.done $0x0  }
0xa5: {  	[sflag:s23] =	ssyncadd.s32 $0xFFFFFFFF  }
0xa6: {  	s6 =	sld [smem:$0x0]  }
0xa7: {  	s7 =	sand.u32 $0xFFFFFFFE, s1  }
0xa8: {  	p0 =	sne.s32 s1, s7  }
0xa9: {  	s7 =	sshll.u32 @p0 s7, $0xE  }
0xaa: {  	s7 =	sadd.s32 @p0 $0x11B8D, s7;
	s8 =	sshll.u32 @p0 s6, $0x11  }
0xab: {  	s7 =	sor.u32 @p0 s8, s7  }
0xac: {  	[sflag:s7] =	ssyncadd.remote.s32 @p0 $0x1;
	_ =	sdelay $0x1  }
0xad: {  	s7 =	simm.s32 @p0 $0x1B8D  }
0xae: {  	_ =	swait.eq @p0 [sflag:s7], $0x1  }
0xaf: {  	[sflag:s7] =	ssyncadd.s32 @p0 $0xFFFFFFFF  }
0xb0: {  	s8 =	sshll.u32 @!p0 s1, $0xE  }
0xb1: {  	s8 =	sor.u32 @!p0 $0x4000, s8;
	s7 =	simm.s32 @!p0 $0x1B8D  }
0xb2: {  	s6 =	sshll.u32 @!p0 s6, $0x11;
	s8 =	sadd.s32 @!p0 $0x11B8D, s8;
	_ =	swait.eq @!p0 [sflag:s7], $0x1  }
0xb3: {  	s6 =	sor.u32 @!p0 s6, s8;
	[sflag:s7] =	ssyncadd.s32 @!p0 $0xFFFFFFFF  }
0xb4: {  	s25 =	simm.s32 $0x1B8E;
	s24 =	sld [smem:$0x3FFE];
	[sflag:s6] =	ssyncadd.remote.s32 @!p0 $0x1  }
0xb5: {  	s26 =	simm.s32 $execute0_lowered;
	[smem:$0x3FD2] =	sst s25  }
0xb6: {  	s7 =	sshll.u32 s26, $0x1;
	_ =	strace $0x80000049;
	[dreg:$0x1] =	wrdreg $0xFFFFFFFF  }
0xb7: {  	s28 =	simm.s32 $_size_execute0_lowered;
	s5 =	sadd.s32 s5, s7;
	[dreg:$0x0] =	wrdreg $0x0  }
0xb8: {  	s7 =	sshll.u32 s28, $0x1;
	[dreg:$0x2] =	wrdreg s5  }
0xb9: {  	[dreg:$0x3] =	wrdreg s7  }
0xba: {  	[dreg:$0x4] =	wrdreg $0xC0  }
0xbb: {  	_ =	task [dreg:s22], $0x5FFFF  }
0xbc: {  	[dreg:$0x1] =	wrdreg $0xFFFFFFFF  }
0xbd: {  	[dreg:$0x0] =	wrdreg $0x60  }
0xbe: {  	[dreg:$0x2] =	wrdreg s18  }
0xbf: {  	[dreg:$0x3] =	wrdreg s4  }
0xc0: {  	[dreg:$0x4] =	wrdreg s24  }
0xc1: {  	[dreg:$0x5] =	wrdreg $0x90000  }
0xc2: {  	[dreg:$0x6] =	wrdreg $0x9  }
0xc3: {  	_ =	task.clear_ibuf [dreg:s22], $0x7FFFF;
	_ =	strace $0x90000049  }
0xc4: {  	s29 =	simm.s32 $0x9;
	_ =	strace $0x8000004B  }
0xc5: {  	_ =	swait.ge [sflag:s29], $0x1  }
0xc6: {  	[sflag:s29] =	ssyncadd.s32 $0xFFFFFFFF  }
0xc7: {  	_ =	strace $0x9000004B  }
0xc8: {  	_ =	sfence  }
0xc9: {  	s30 =	sld [smem:$0x0];
	_ =	sdelay $0x2  }
0xca: {  	s31 =	sshll.u32 s1, $0xD;
	s1 =	sshrl.u32 s1, $0x2  }
0xcb: {  	s4 =	sand.u32 $0x4000, s31;
	s1 =	sadd.s32 s1, s30  }
0xcc: {  	s0 =	sor.u32 s4, s0;
	s1 =	sshll.u32 s1, $0x11  }
0xcd: {  	s0 =	sor.u32 s1, s0  }
0xce: {  	s0 =	sadd.s32 $0x8F2B, s0  }
0xcf: {  	[sflag:s0] =	ssyncadd.remote.s32 $0x1  }
0xd0: {  	_ =	sfence.sel $0xFFFF  }
0xd1: {  	[dreg:$0x0] =	wrdreg $0xFFFFFFFF;
	(pc) =	sbr.abs _section_cstart, $3  }
0xd2: {  	[dreg:$0x1] =	wrdreg $0xFFFFFFFF  }
0xd3: {  	_ =	task.clear_ibuf [dreg:s22], $0x2FFFF;
	_ =	strace $0x9FFFFFFF  }
0xd4: {  	(tm) =	ssettm $0x7FFFFFFF  }
0xd5: {  	_ =	shalt  }
tec
execute0_lowered:
.L_overlay_start_1:
0x0: {  	(tag) =	ssettag $0x1  }
0x1: {  	s3 =	srdreg.scid  }
0x2: {  	s10 =	stileid.u32;
	s5 =	sand.u32 $0x1, s3  }
0x3: {  	s0 =	rddreg [dreg:$0x0];
	s7 =	smul.u32 $0x14000, s10;
	s8 =	sshll.u32 s5, $0x4  }
0x4: {  	s1 =	rddreg [dreg:$0x1];
	s6 =	smul.u32 $0x140000, s5;
	s8 =	sor.u32 s10, s8  }
0x5: {  	s4 =	rddreg [dreg:$0x2];
	s24 =	smul.u32 $0x2800, s8  }
0x6: {  	s2 =	rddreg [dreg:$0x3];
	s3 =	simm.s32 $0x0  }
0x7: {  	s25 =	sadd.s32 $0x1000, s4;
	s6 =	sadd.s32 s7, s6;
	s26 =	sshrl.u32 s24, $0x3  }
0x8: {  	[smem:$0x7FF] =	sst s3;
	s6 =	sshrl.u32 s6, $0x3;
	s7 =	sadd.s32 s1, s26  }
0x9: {  	s28 =	sadd.s32 s25, s26;
	s29 =	sor.u32 $0x80, s26;
	[dreg:$0x5] =	wrdreg s7  }
0xa: {  	s4 =	sadd.s32 s6, s4;
	[dreg:$0x6] =	wrdreg s28;
	s30 =	sadd.s32 s1, s29  }
0xb: {  	s31 =	sadd.s32 $0x100, s26;
	s7 =	sadd.s32 s25, s29;
	[dreg:$0x7] =	wrdreg s30  }
0xc: {  	s12 =	sadd.s32 $0x180, s26;
	s11 =	sadd.s32 s1, s31;
	[dreg:$0x8] =	wrdreg s7  }
0xd: {  	s14 =	sadd.s32 $0x200, s26;
	s13 =	sadd.s32 s1, s12;
	[dreg:$0x9] =	wrdreg s11  }
0xe: {  	s16 =	sadd.s32 $0x280, s26;
	s15 =	sadd.s32 s1, s14;
	[dreg:$0xb] =	wrdreg s13  }
0xf: {  	s18 =	sadd.s32 $0x300, s26;
	s17 =	sadd.s32 s1, s16;
	[dreg:$0xd] =	wrdreg s15  }
0x10: {  	s20 =	sadd.s32 $0x380, s26;
	s19 =	sadd.s32 s1, s18;
	[dreg:$0xf] =	wrdreg s17  }
0x11: {  	s22 =	sadd.s32 $0x400, s26;
	s21 =	sadd.s32 s1, s20;
	[dreg:$0x11] =	wrdreg s19  }
0x12: {  	s6 =	sadd.s32 $0x480, s26;
	s24 =	sadd.s32 s1, s22;
	[dreg:$0x13] =	wrdreg s21  }
0x13: {  	s1 =	sadd.s32 s1, s6;
	[dreg:$0x15] =	wrdreg s24  }
0x14: {  	s7 =	sadd.s32 s25, s31;
	[dreg:$0x17] =	wrdreg s1  }
0x15: {  	[dreg:$0xa] =	wrdreg s7;
	s7 =	sadd.s32 s25, s12  }
0x16: {  	s23 =	smul.u32 $0x50000, s10;
	[dreg:$0xc] =	wrdreg s7;
	s7 =	sadd.s32 s25, s14  }
0x17: {  	s5 =	ssub.s32 $0x2, s5;
	[dreg:$0xe] =	wrdreg s7;
	s7 =	sadd.s32 s25, s16  }
0x18: {  	s9 =	sshrl.u32 s5, $0x1;
	[dreg:$0x10] =	wrdreg s7;
	s7 =	sadd.s32 s25, s18  }
0x19: {  	s10 =	simm.s32 $0x1;
	[dreg:$0x12] =	wrdreg s7;
	s7 =	sadd.s32 s25, s20  }
0x1a: {  	s5 =	ssub.s32 s5, s9;
	[dreg:$0x14] =	wrdreg s7;
	s7 =	sadd.s32 s25, s22  }
0x1b: {  	s26 =	sshrl.u32 s23, $0x2;
	s25 =	sadd.s32 s25, s6;
	[dreg:$0x16] =	wrdreg s7  }
0x1c: {  	s4 =	sadd.s32 $0x15000, s4;
	s28 =	smax.u32 s5, $0x1;
	[dreg:$0x18] =	wrdreg s25  }
0x1d: {  	s1 =	sadd.s32 s26, s2;
	_ =	strace $0x8000004A;
	[dreg:$0x1a] =	wrdreg s4  }
0x1e: {  	s5 =	simm.s32 $0x4;
	s29 =	sadd.s32 $0x4000, s1;
	[dreg:$0x1b] =	wrdreg s28  }
0x1f: {  	s21 =	simm.s32 $0x400;
	s30 =	sadd.s32 $0x8000, s1;
	[dreg:$0x1c] =	wrdreg s29  }
0x20: {  	s11 =	simm.s32 $0x5000;
	s31 =	sadd.s32 $0xC000, s1;
	[dreg:$0x1d] =	wrdreg s30  }
0x21: {  	s12 =	simm.s32 $0x2;
	s6 =	simm.s32 $0x3;
	[dreg:$0x1e] =	wrdreg s31  }
0x22: {  	s7 =	simm.s32 $0x80;
	[dreg:$0x19] =	wrdreg s1;
	s1 =	sadd.s32 $0x10000, s1  }
0x23: {  	v0 =	vimm.f32 $0.0e+00;
	s4 =	simm.s32 $0x1000;
	[dreg:$0x1f] =	wrdreg s1;
	s1 =	simm.s32 $0x0  }
.LBB2_1:
0x24: {  	[smem:$0x7FD] =	sst s1  }
0x25: {  	s24 =	rddreg [dreg:$0x5]  }
0x26: {  	[tilespmem:s3], [sflag:$0x3] =	stream.linear.gather [hbm4b:s24+s3], $0x400, $0x38;
	[tilespmem:$0x1D000] =	vst v63  }
0x27: {  	s31 =	rddreg [dreg:$0x6];
	s26 =	simm.s32 $0x200;
	s24 =	simm.s32 $0x0  }
0x28: {  	[tilespmem:s21], [sflag:$0x3] =	stream.linear.gather [hbm4b:s31+s3], $0x400, $0x38;
	[tilespmem:$0x1D000] =	vst v63  }
.LBB2_2:
0x29: {  	p0 =	sne.s32 s26, $0xFE00;
	[tilespmem:s24+$0x1070] =	vst v0  }
0x2a: {  	[tilespmem:s24+$0x1000] =	vst v0  }
0x2b: {  	[tilespmem:s24+$0x1010] =	vst v0  }
.Ltmp0:
0x2c: {  	[tilespmem:s24+$0x1020] =	vst v0;
	(pc) =	sbr.rel @p0 .LBB2_2-.Ltmp0, $4  }
0x2d: {  	[tilespmem:s24+$0x1030] =	vst v0  }
0x2e: {  	[tilespmem:s24+$0x1040] =	vst v0  }
0x2f: {  	[tilespmem:s24+$0x1050] =	vst v0  }
0x30: {  	[tilespmem:s24+$0x1060] =	vst v0;
	s24 =	sshra.s32 s26, $0x2;
	s26 =	sadd.s32 $0x200, s26  }
0x31: {  	[tilespmem:s24+$0x1070] =	vst v0  }
0x32: {  	[tilespmem:s24+$0x1000] =	vst v0  }
0x33: {  	[tilespmem:s24+$0x1010] =	vst v0  }
0x34: {  	[tilespmem:s24+$0x1020] =	vst v0  }
0x35: {  	[tilespmem:s24+$0x1030] =	vst v0  }
0x36: {  	[tilespmem:s24+$0x1040] =	vst v0  }
0x37: {  	[tilespmem:s24+$0x1050] =	vst v0  }
0x38: {  	[tilespmem:s24+$0x1060] =	vst v0;
	s13 =	rddreg [dreg:$0x19]  }
0x39: {  	[spmem:s13] =	stream.linear.scatter [tilespmem:s4], [sflag:$0x4], $0x4000, $0x38;
	[tilespmem:$0x1D000] =	vst v63  }
0x3a: {  	_ =	swait.ge [sflag:s5], $0x4000  }
0x3b: {  	[sflag:s5] =	ssyncset.done $0x0  }
0x3c: {  	s17 =	rddreg [dreg:$0x1c];
	[sflag:s5] =	ssyncadd.s32 $0xFFFFC000  }
0x3d: {  	[spmem:s17] =	stream.linear.scatter [tilespmem:s4], [sflag:$0x4], $0x4000, $0x38;
	[tilespmem:$0x1D000] =	vst v63  }
0x3e: {  	_ =	swait.ge [sflag:s5], $0x4000  }
0x3f: {  	[sflag:s5] =	ssyncset.done $0x0  }
0x40: {  	s18 =	rddreg [dreg:$0x1d];
	[sflag:s5] =	ssyncadd.s32 $0xFFFFC000  }
0x41: {  	[spmem:s18] =	stream.linear.scatter [tilespmem:s4], [sflag:$0x4], $0x4000, $0x38;
	[tilespmem:$0x1D000] =	vst v63  }
0x42: {  	_ =	swait.ge [sflag:s5], $0x4000  }
0x43: {  	[sflag:s5] =	ssyncset.done $0x0  }
0x44: {  	s19 =	rddreg [dreg:$0x1e];
	[sflag:s5] =	ssyncadd.s32 $0xFFFFC000  }
0x45: {  	[spmem:s19] =	stream.linear.scatter [tilespmem:s4], [sflag:$0x4], $0x4000, $0x38;
	[tilespmem:$0x1D000] =	vst v63  }
0x46: {  	_ =	swait.ge [sflag:s5], $0x4000  }
0x47: {  	[sflag:s5] =	ssyncset.done $0x0  }
0x48: {  	s20 =	rddreg [dreg:$0x1f];
	[sflag:s5] =	ssyncadd.s32 $0xFFFFC000  }
0x49: {  	[spmem:s20] =	stream.linear.scatter [tilespmem:s4], [sflag:$0x4], $0x4000, $0x38;
	[tilespmem:$0x1D000] =	vst v63  }
0x4a: {  	_ =	swait.ge [sflag:s5], $0x4000  }
0x4b: {  	[sflag:s5] =	ssyncset.done $0x0  }
0x4c: {  	[sflag:s5] =	ssyncadd.s32 $0xFFFFC000  }
0x4d: {  	_ =	swait.ge [sflag:s6], $0x400  }
0x4e: {  	[sflag:s6] =	ssyncset.done $0x0  }
0x4f: {  	[sflag:s6] =	ssyncadd.s32 $0xFFFFFC00  }
0x50: {  	_ =	swait.ge [sflag:s6], $0x400  }
0x51: {  	[sflag:s6] =	ssyncset.done $0x0  }
0x52: {  	[sflag:s6] =	ssyncadd.s32 $0xFFFFFC00  }
0x53: {  	[tilespmem:s4], [sflag:$0x1] =	stream.indirect.gather [hbm4b:s0+s7], $0x80, s3, s7, $0xb8;
	[tilespmem:$0x1D000] =	vst v63  }
0x54: {  	[bflag:$0x0] =	sbarrier.arrive $0xFFFF  }
0x55: {  	s1 =	simm.s32 $0x800;
	s22 =	rddreg [dreg:$0x7]  }
0x56: {  	[tilespmem:s1], [sflag:$0x3] =	stream.linear.gather [hbm4b:s22+s3], $0x400, $0x38;
	[tilespmem:$0x1D000] =	vst v63  }
0x57: {  	s25 =	simm.s32 $0xC00;
	s23 =	rddreg [dreg:$0x8]  }
0x58: {  	[tilespmem:s25], [sflag:$0x3] =	stream.linear.gather [hbm4b:s23+s3], $0x400, $0x38;
	[tilespmem:$0x1D000] =	vst v63  }
0x59: {  	_ =	swait.ge [sflag:s10], $0x4000  }
0x5a: {  	[sflag:s10] =	ssyncset.done $0x0  }
0x5b: {  	[sflag:s10] =	ssyncadd.s32 $0xFFFFC000  }
0x5c: {  	[tilespmem:s11], [sflag:$0x2] =	stream.indirect.gather [hbm4b:s0+s7], $0x80, s7, s7, $0xb8;
	[tilespmem:$0x1D000] =	vst v63  }
0x5d: {  	_ = 	snop  }
0x5e: {  	[spmem:s2] =	stream.indirect.scatter.add.f32 [tilespmem:s4], [sflag:$0x4], $0x80, s21, s7, $0xb8;
	[tilespmem:$0x1D000] =	vst v63  }
0x5f: {  	_ =	swait.ge [sflag:s5], $0x4000  }
0x60: {  	[sflag:s5] =	ssyncset.done $0x0  }
0x61: {  	[sflag:s5] =	ssyncadd.s32 $0xFFFFC000  }
0x62: {  	_ =	swait.ge [sflag:s12], $0x4000  }
0x63: {  	[sflag:s12] =	ssyncset.done $0x0  }
0x64: {  	s26 =	simm.s32 $0x100;
	[sflag:s12] =	ssyncadd.s32 $0xFFFFC000  }
0x65: {  	[tilespmem:s4], [sflag:$0x1] =	stream.indirect.gather [hbm4b:s0+s7], $0x80, s26, s7, $0xb8;
	[tilespmem:$0x1D000] =	vst v63  }
0x66: {  	s28 =	simm.s32 $0x480  }
0x67: {  	[spmem:s2] =	stream.indirect.scatter.add.f32 [tilespmem:s11], [sflag:$0x4], $0x80, s28, s7, $0xb8;
	[tilespmem:$0x1D000] =	vst v63  }
0x68: {  	_ =	swait.ge [sflag:s5], $0x4000  }
0x69: {  	[sflag:s5] =	ssyncset.done $0x0  }
0x6a: {  	[sflag:s5] =	ssyncadd.s32 $0xFFFFC000  }
0x6b: {  	_ =	swait.ge [sflag:s10], $0x4000  }
0x6c: {  	[sflag:s10] =	ssyncset.done $0x0  }
0x6d: {  	s29 =	simm.s32 $0x180;
	[sflag:s10] =	ssyncadd.s32 $0xFFFFC000  }
0x6e: {  	[tilespmem:s11], [sflag:$0x2] =	stream.indirect.gather [hbm4b:s0+s7], $0x80, s29, s7, $0xb8;
	[tilespmem:$0x1D000] =	vst v63  }
0x6f: {  	s30 =	simm.s32 $0x500  }
0x70: {  	[spmem:s2] =	stream.indirect.scatter.add.f32 [tilespmem:s4], [sflag:$0x4], $0x80, s30, s7, $0xb8;
	[tilespmem:$0x1D000] =	vst v63  }
0x71: {  	_ =	swait.ge [sflag:s5], $0x4000  }
0x72: {  	[sflag:s5] =	ssyncset.done $0x0  }
0x73: {  	[sflag:s5] =	ssyncadd.s32 $0xFFFFC000  }
0x74: {  	_ =	swait.ge [sflag:s12], $0x4000  }
0x75: {  	[sflag:s12] =	ssyncset.done $0x0  }
0x76: {  	s31 =	simm.s32 $0x200;
	[sflag:s12] =	ssyncadd.s32 $0xFFFFC000  }
0x77: {  	[tilespmem:s4], [sflag:$0x1] =	stream.indirect.gather [hbm4b:s0+s7], $0x80, s31, s7, $0xb8;
	[tilespmem:$0x1D000] =	vst v63  }
0x78: {  	s1 =	simm.s32 $0x580  }
0x79: {  	[spmem:s2] =	stream.indirect.scatter.add.f32 [tilespmem:s11], [sflag:$0x4], $0x80, s1, s7, $0xb8;
	[tilespmem:$0x1D000] =	vst v63  }
0x7a: {  	_ =	swait.ge [sflag:s5], $0x4000  }
0x7b: {  	[sflag:s5] =	ssyncset.done $0x0  }
0x7c: {  	[sflag:s5] =	ssyncadd.s32 $0xFFFFC000  }
0x7d: {  	_ =	swait.ge [sflag:s10], $0x4000  }
0x7e: {  	[sflag:s10] =	ssyncset.done $0x0  }
0x7f: {  	s9 =	simm.s32 $0x280;
	[sflag:s10] =	ssyncadd.s32 $0xFFFFC000  }
0x80: {  	[tilespmem:s11], [sflag:$0x2] =	stream.indirect.gather [hbm4b:s0+s7], $0x80, s9, s7, $0xb8;
	[tilespmem:$0x1D000] =	vst v63  }
0x81: {  	s14 =	simm.s32 $0x600  }
0x82: {  	[spmem:s2] =	stream.indirect.scatter.add.f32 [tilespmem:s4], [sflag:$0x4], $0x80, s14, s7, $0xb8;
	[tilespmem:$0x1D000] =	vst v63  }
0x83: {  	_ =	swait.ge [sflag:s5], $0x4000  }
0x84: {  	[sflag:s5] =	ssyncset.done $0x0  }
0x85: {  	[sflag:s5] =	ssyncadd.s32 $0xFFFFC000  }
0x86: {  	_ =	swait.ge [sflag:s12], $0x4000  }
0x87: {  	[sflag:s12] =	ssyncset.done $0x0  }
0x88: {  	s15 =	simm.s32 $0x300;
	[sflag:s12] =	ssyncadd.s32 $0xFFFFC000  }
0x89: {  	[tilespmem:s4], [sflag:$0x1] =	stream.indirect.gather [hbm4b:s0+s7], $0x80, s15, s7, $0xb8;
	[tilespmem:$0x1D000] =	vst v63  }
0x8a: {  	s16 =	simm.s32 $0x680  }
0x8b: {  	[spmem:s2] =	stream.indirect.scatter.add.f32 [tilespmem:s11], [sflag:$0x4], $0x80, s16, s7, $0xb8;
	[tilespmem:$0x1D000] =	vst v63  }
0x8c: {  	_ =	swait.ge [sflag:s5], $0x4000  }
0x8d: {  	[sflag:s5] =	ssyncset.done $0x0  }
0x8e: {  	[sflag:s5] =	ssyncadd.s32 $0xFFFFC000  }
0x8f: {  	_ =	swait.ge [sflag:s10], $0x4000  }
0x90: {  	[sflag:s10] =	ssyncset.done $0x0  }
0x91: {  	s17 =	simm.s32 $0x380;
	[sflag:s10] =	ssyncadd.s32 $0xFFFFC000  }
0x92: {  	[tilespmem:s11], [sflag:$0x2] =	stream.indirect.gather [hbm4b:s0+s7], $0x80, s17, s7, $0xb8;
	[tilespmem:$0x1D000] =	vst v63  }
0x93: {  	s18 =	simm.s32 $0x700  }
0x94: {  	[spmem:s2] =	stream.indirect.scatter.add.f32 [tilespmem:s4], [sflag:$0x4], $0x80, s18, s7, $0xb8;
	[tilespmem:$0x1D000] =	vst v63  }
0x95: {  	_ =	swait.ge [sflag:s5], $0x4000  }
0x96: {  	[sflag:s5] =	ssyncset.done $0x0  }
0x97: {  	[sflag:s5] =	ssyncadd.s32 $0xFFFFC000  }
0x98: {  	_ =	swait.ge [sflag:s12], $0x4000  }
0x99: {  	[sflag:s12] =	ssyncset.done $0x0  }
0x9a: {  	[sflag:s12] =	ssyncadd.s32 $0xFFFFC000  }
0x9b: {  	_ =	swait.ge [sflag:s6], $0x400  }
0x9c: {  	[sflag:s6] =	ssyncset.done $0x0  }
0x9d: {  	[sflag:s6] =	ssyncadd.s32 $0xFFFFFC00  }
0x9e: {  	_ =	swait.ge [sflag:s6], $0x400  }
0x9f: {  	[sflag:s6] =	ssyncset.done $0x0  }
0xa0: {  	s8 =	simm.s32 $0x800;
	[sflag:s6] =	ssyncadd.s32 $0xFFFFFC00  }
0xa1: {  	[tilespmem:s4], [sflag:$0x1] =	stream.indirect.gather [hbm4b:s0+s7], $0x80, s8, s7, $0xb8;
	[tilespmem:$0x1D000] =	vst v63  }
0xa2: {  	s19 =	simm.s32 $0x780  }
0xa3: {  	[spmem:s2] =	stream.indirect.scatter.add.f32 [tilespmem:s11], [sflag:$0x4], $0x80, s19, s7, $0xb8;
	[tilespmem:$0x1D000] =	vst v63  }
0xa4: {  	_ =	swait.ge [sflag:s5], $0x4000  }
0xa5: {  	[sflag:s5] =	ssyncset.done $0x0  }
0xa6: {  	s20 =	rddreg [dreg:$0x9];
	[sflag:s5] =	ssyncadd.s32 $0xFFFFC000  }
0xa7: {  	[tilespmem:s3], [sflag:$0x3] =	stream.linear.gather [hbm4b:s20+s3], $0x400, $0x38;
	[tilespmem:$0x1D000] =	vst v63  }
0xa8: {  	s24 =	rddreg [dreg:$0xa]  }
0xa9: {  	[tilespmem:s21], [sflag:$0x3] =	stream.linear.gather [hbm4b:s24+s3], $0x400, $0x38;
	[tilespmem:$0x1D000] =	vst v63  }
0xaa: {  	_ =	swait.ge [sflag:s10], $0x4000  }
0xab: {  	[sflag:s10] =	ssyncset.done $0x0  }
0xac: {  	s23 =	simm.s32 $0x880;
	[sflag:s10] =	ssyncadd.s32 $0xFFFFC000  }
0xad: {  	[tilespmem:s11], [sflag:$0x2] =	stream.indirect.gather [hbm4b:s0+s7], $0x80, s23, s7, $0xb8;
	[tilespmem:$0x1D000] =	vst v63  }
0xae: {  	s8 =	simm.s32 $0xC00  }
0xaf: {  	[spmem:s2] =	stream.indirect.scatter.add.f32 [tilespmem:s4], [sflag:$0x4], $0x80, s8, s7, $0xb8;
	[tilespmem:$0x1D000] =	vst v63  }
0xb0: {  	_ =	swait.ge [sflag:s5], $0x4000  }
0xb1: {  	[sflag:s5] =	ssyncset.done $0x0  }
0xb2: {  	[sflag:s5] =	ssyncadd.s32 $0xFFFFC000  }
0xb3: {  	_ =	swait.ge [sflag:s12], $0x4000  }
0xb4: {  	[sflag:s12] =	ssyncset.done $0x0  }
0xb5: {  	s24 =	simm.s32 $0x900;
	[sflag:s12] =	ssyncadd.s32 $0xFFFFC000  }
0xb6: {  	[tilespmem:s4], [sflag:$0x1] =	stream.indirect.gather [hbm4b:s0+s7], $0x80, s24, s7, $0xb8;
	[tilespmem:$0x1D000] =	vst v63  }
0xb7: {  	s25 =	simm.s32 $0xC80  }
0xb8: {  	[spmem:s2] =	stream.indirect.scatter.add.f32 [tilespmem:s11], [sflag:$0x4], $0x80, s25, s7, $0xb8;
	[tilespmem:$0x1D000] =	vst v63  }
0xb9: {  	_ =	swait.ge [sflag:s5], $0x4000  }
0xba: {  	[sflag:s5] =	ssyncset.done $0x0  }
0xbb: {  	[sflag:s5] =	ssyncadd.s32 $0xFFFFC000  }
0xbc: {  	_ =	swait.ge [sflag:s10], $0x4000  }
0xbd: {  	[sflag:s10] =	ssyncset.done $0x0  }
0xbe: {  	s26 =	simm.s32 $0x980;
	[sflag:s10] =	ssyncadd.s32 $0xFFFFC000  }
0xbf: {  	[tilespmem:s11], [sflag:$0x2] =	stream.indirect.gather [hbm4b:s0+s7], $0x80, s26, s7, $0xb8;
	[tilespmem:$0x1D000] =	vst v63  }
0xc0: {  	s28 =	simm.s32 $0xD00  }
0xc1: {  	[spmem:s2] =	stream.indirect.scatter.add.f32 [tilespmem:s4], [sflag:$0x4], $0x80, s28, s7, $0xb8;
	[tilespmem:$0x1D000] =	vst v63  }
0xc2: {  	_ =	swait.ge [sflag:s5], $0x4000  }
0xc3: {  	[sflag:s5] =	ssyncset.done $0x0  }
0xc4: {  	[sflag:s5] =	ssyncadd.s32 $0xFFFFC000  }
0xc5: {  	_ =	swait.ge [sflag:s12], $0x4000  }
0xc6: {  	[sflag:s12] =	ssyncset.done $0x0  }
0xc7: {  	s29 =	simm.s32 $0xA00;
	[sflag:s12] =	ssyncadd.s32 $0xFFFFC000  }
0xc8: {  	[tilespmem:s4], [sflag:$0x1] =	stream.indirect.gather [hbm4b:s0+s7], $0x80, s29, s7, $0xb8;
	[tilespmem:$0x1D000] =	vst v63  }
0xc9: {  	s30 =	simm.s32 $0xD80  }
0xca: {  	[spmem:s2] =	stream.indirect.scatter.add.f32 [tilespmem:s11], [sflag:$0x4], $0x80, s30, s7, $0xb8;
	[tilespmem:$0x1D000] =	vst v63  }
0xcb: {  	_ =	swait.ge [sflag:s5], $0x4000  }
0xcc: {  	[sflag:s5] =	ssyncset.done $0x0  }
0xcd: {  	[sflag:s5] =	ssyncadd.s32 $0xFFFFC000  }
0xce: {  	_ =	swait.ge [sflag:s10], $0x4000  }
0xcf: {  	[sflag:s10] =	ssyncset.done $0x0  }
0xd0: {  	s31 =	simm.s32 $0xA80;
	[sflag:s10] =	ssyncadd.s32 $0xFFFFC000  }
0xd1: {  	[tilespmem:s11], [sflag:$0x2] =	stream.indirect.gather [hbm4b:s0+s7], $0x80, s31, s7, $0xb8;
	[tilespmem:$0x1D000] =	vst v63  }
0xd2: {  	s9 =	simm.s32 $0xE00  }
0xd3: {  	[spmem:s2] =	stream.indirect.scatter.add.f32 [tilespmem:s4], [sflag:$0x4], $0x80, s9, s7, $0xb8;
	[tilespmem:$0x1D000] =	vst v63  }
0xd4: {  	_ =	swait.ge [sflag:s5], $0x4000  }
0xd5: {  	[sflag:s5] =	ssyncset.done $0x0  }
0xd6: {  	[sflag:s5] =	ssyncadd.s32 $0xFFFFC000  }
0xd7: {  	_ =	swait.ge [sflag:s12], $0x4000  }
0xd8: {  	[sflag:s12] =	ssyncset.done $0x0  }
0xd9: {  	s14 =	simm.s32 $0xB00;
	[sflag:s12] =	ssyncadd.s32 $0xFFFFC000  }
0xda: {  	[tilespmem:s4], [sflag:$0x1] =	stream.indirect.gather [hbm4b:s0+s7], $0x80, s14, s7, $0xb8;
	[tilespmem:$0x1D000] =	vst v63  }
0xdb: {  	s15 =	simm.s32 $0xE80  }
0xdc: {  	[spmem:s2] =	stream.indirect.scatter.add.f32 [tilespmem:s11], [sflag:$0x4], $0x80, s15, s7, $0xb8;
	[tilespmem:$0x1D000] =	vst v63  }
0xdd: {  	_ =	swait.ge [sflag:s5], $0x4000  }
0xde: {  	[sflag:s5] =	ssyncset.done $0x0  }
0xdf: {  	[sflag:s5] =	ssyncadd.s32 $0xFFFFC000  }
0xe0: {  	_ =	swait.ge [sflag:s10], $0x4000  }
0xe1: {  	[sflag:s10] =	ssyncset.done $0x0  }
0xe2: {  	s16 =	simm.s32 $0xB80;
	[sflag:s10] =	ssyncadd.s32 $0xFFFFC000  }
0xe3: {  	[tilespmem:s11], [sflag:$0x2] =	stream.indirect.gather [hbm4b:s0+s7], $0x80, s16, s7, $0xb8;
	[tilespmem:$0x1D000] =	vst v63  }
0xe4: {  	s17 =	simm.s32 $0xF00  }
0xe5: {  	[spmem:s2] =	stream.indirect.scatter.add.f32 [tilespmem:s4], [sflag:$0x4], $0x80, s17, s7, $0xb8;
	[tilespmem:$0x1D000] =	vst v63  }
0xe6: {  	_ =	swait.ge [sflag:s5], $0x4000  }
0xe7: {  	[sflag:s5] =	ssyncset.done $0x0  }
0xe8: {  	[sflag:s5] =	ssyncadd.s32 $0xFFFFC000  }
0xe9: {  	_ =	swait.ge [sflag:s12], $0x4000  }
0xea: {  	[sflag:s12] =	ssyncset.done $0x0  }
0xeb: {  	[sflag:s12] =	ssyncadd.s32 $0xFFFFC000  }
0xec: {  	_ =	swait.ge [sflag:s6], $0x400  }
0xed: {  	[sflag:s6] =	ssyncset.done $0x0  }
0xee: {  	[sflag:s6] =	ssyncadd.s32 $0xFFFFFC00  }
0xef: {  	_ =	swait.ge [sflag:s6], $0x400  }
0xf0: {  	[sflag:s6] =	ssyncset.done $0x0  }
0xf1: {  	[sflag:s6] =	ssyncadd.s32 $0xFFFFFC00  }
0xf2: {  	[tilespmem:s4], [sflag:$0x1] =	stream.indirect.gather [hbm4b:s0+s7], $0x80, s3, s7, $0xb8;
	[tilespmem:$0x1D000] =	vst v63  }
0xf3: {  	s18 =	simm.s32 $0xF80  }
0xf4: {  	[spmem:s2] =	stream.indirect.scatter.add.f32 [tilespmem:s11], [sflag:$0x4], $0x80, s18, s7, $0xb8;
	[tilespmem:$0x1D000] =	vst v63  }
0xf5: {  	_ =	swait.ge [sflag:s5], $0x4000  }
0xf6: {  	[sflag:s5] =	ssyncset.done $0x0  }
0xf7: {  	s28 =	simm.s32 $0x800;
	s19 =	rddreg [dreg:$0xb];
	[sflag:s5] =	ssyncadd.s32 $0xFFFFC000  }
0xf8: {  	[tilespmem:s28], [sflag:$0x3] =	stream.linear.gather [hbm4b:s19+s3], $0x400, $0x38;
	[tilespmem:$0x1D000] =	vst v63  }
0xf9: {  	s20 =	rddreg [dreg:$0xc]  }
0xfa: {  	[tilespmem:s8], [sflag:$0x3] =	stream.linear.gather [hbm4b:s20+s3], $0x400, $0x38;
	[tilespmem:$0x1D000] =	vst v63  }
0xfb: {  	_ =	swait.ge [sflag:s10], $0x4000  }
0xfc: {  	[sflag:s10] =	ssyncset.done $0x0  }
0xfd: {  	[sflag:s10] =	ssyncadd.s32 $0xFFFFC000  }
0xfe: {  	[tilespmem:s11], [sflag:$0x2] =	stream.indirect.gather [hbm4b:s0+s7], $0x80, s7, s7, $0xb8;
	[tilespmem:$0x1D000] =	vst v63  }
0xff: {  	_ = 	snop  }
0x100: {  	[spmem:s2] =	stream.indirect.scatter.add.f32 [tilespmem:s4], [sflag:$0x4], $0x80, s21, s7, $0xb8;
	[tilespmem:$0x1D000] =	vst v63  }
0x101: {  	_ =	swait.ge [sflag:s5], $0x4000  }
0x102: {  	[sflag:s5] =	ssyncset.done $0x0  }
0x103: {  	[sflag:s5] =	ssyncadd.s32 $0xFFFFC000  }
0x104: {  	_ =	swait.ge [sflag:s12], $0x4000  }
0x105: {  	[sflag:s12] =	ssyncset.done $0x0  }
0x106: {  	s25 =	simm.s32 $0x100;
	[sflag:s12] =	ssyncadd.s32 $0xFFFFC000  }
0x107: {  	[tilespmem:s4], [sflag:$0x1] =	stream.indirect.gather [hbm4b:s0+s7], $0x80, s25, s7, $0xb8;
	[tilespmem:$0x1D000] =	vst v63  }
0x108: {  	s17 =	simm.s32 $0x480  }
0x109: {  	[spmem:s2] =	stream.indirect.scatter.add.f32 [tilespmem:s11], [sflag:$0x4], $0x80, s17, s7, $0xb8;
	[tilespmem:$0x1D000] =	vst v63  }
0x10a: {  	_ =	swait.ge [sflag:s5], $0x4000  }
0x10b: {  	[sflag:s5] =	ssyncset.done $0x0  }
0x10c: {  	[sflag:s5] =	ssyncadd.s32 $0xFFFFC000  }
0x10d: {  	_ =	swait.ge [sflag:s10], $0x4000  }
0x10e: {  	[sflag:s10] =	ssyncset.done $0x0  }
0x10f: {  	s16 =	simm.s32 $0x180;
	[sflag:s10] =	ssyncadd.s32 $0xFFFFC000  }
0x110: {  	[tilespmem:s11], [sflag:$0x2] =	stream.indirect.gather [hbm4b:s0+s7], $0x80, s16, s7, $0xb8;
	[tilespmem:$0x1D000] =	vst v63  }
0x111: {  	s25 =	simm.s32 $0x500  }
0x112: {  	[spmem:s2] =	stream.indirect.scatter.add.f32 [tilespmem:s4], [sflag:$0x4], $0x80, s25, s7, $0xb8;
	[tilespmem:$0x1D000] =	vst v63  }
0x113: {  	_ =	swait.ge [sflag:s5], $0x4000  }
0x114: {  	[sflag:s5] =	ssyncset.done $0x0  }
0x115: {  	[sflag:s5] =	ssyncadd.s32 $0xFFFFC000  }
0x116: {  	_ =	swait.ge [sflag:s12], $0x4000  }
0x117: {  	[sflag:s12] =	ssyncset.done $0x0  }
0x118: {  	s30 =	simm.s32 $0x200;
	[sflag:s12] =	ssyncadd.s32 $0xFFFFC000  }
0x119: {  	[tilespmem:s4], [sflag:$0x1] =	stream.indirect.gather [hbm4b:s0+s7], $0x80, s30, s7, $0xb8;
	[tilespmem:$0x1D000] =	vst v63  }
0x11a: {  	s18 =	simm.s32 $0x580  }
0x11b: {  	[spmem:s2] =	stream.indirect.scatter.add.f32 [tilespmem:s11], [sflag:$0x4], $0x80, s18, s7, $0xb8;
	[tilespmem:$0x1D000] =	vst v63  }
0x11c: {  	_ =	swait.ge [sflag:s5], $0x4000  }
0x11d: {  	[sflag:s5] =	ssyncset.done $0x0  }
0x11e: {  	[sflag:s5] =	ssyncadd.s32 $0xFFFFC000  }
0x11f: {  	_ =	swait.ge [sflag:s10], $0x4000  }
0x120: {  	[sflag:s10] =	ssyncset.done $0x0  }
0x121: {  	s31 =	simm.s32 $0x280;
	[sflag:s10] =	ssyncadd.s32 $0xFFFFC000  }
0x122: {  	[tilespmem:s11], [sflag:$0x2] =	stream.indirect.gather [hbm4b:s0+s7], $0x80, s31, s7, $0xb8;
	[tilespmem:$0x1D000] =	vst v63  }
0x123: {  	s19 =	simm.s32 $0x600  }
0x124: {  	[spmem:s2] =	stream.indirect.scatter.add.f32 [tilespmem:s4], [sflag:$0x4], $0x80, s19, s7, $0xb8;
	[tilespmem:$0x1D000] =	vst v63  }
0x125: {  	_ =	swait.ge [sflag:s5], $0x4000  }
0x126: {  	[sflag:s5] =	ssyncset.done $0x0  }
0x127: {  	[sflag:s5] =	ssyncadd.s32 $0xFFFFC000  }
0x128: {  	_ =	swait.ge [sflag:s12], $0x4000  }
0x129: {  	[sflag:s12] =	ssyncset.done $0x0  }
0x12a: {  	s14 =	simm.s32 $0x300;
	[sflag:s12] =	ssyncadd.s32 $0xFFFFC000  }
0x12b: {  	[tilespmem:s4], [sflag:$0x1] =	stream.indirect.gather [hbm4b:s0+s7], $0x80, s14, s7, $0xb8;
	[tilespmem:$0x1D000] =	vst v63  }
0x12c: {  	s20 =	simm.s32 $0x680  }
0x12d: {  	[spmem:s2] =	stream.indirect.scatter.add.f32 [tilespmem:s11], [sflag:$0x4], $0x80, s20, s7, $0xb8;
	[tilespmem:$0x1D000] =	vst v63  }
0x12e: {  	_ =	swait.ge [sflag:s5], $0x4000  }
0x12f: {  	[sflag:s5] =	ssyncset.done $0x0  }
0x130: {  	[sflag:s5] =	ssyncadd.s32 $0xFFFFC000  }
0x131: {  	_ =	swait.ge [sflag:s10], $0x4000  }
0x132: {  	[sflag:s10] =	ssyncset.done $0x0  }
0x133: {  	s15 =	simm.s32 $0x380;
	[sflag:s10] =	ssyncadd.s32 $0xFFFFC000  }
0x134: {  	[tilespmem:s11], [sflag:$0x2] =	stream.indirect.gather [hbm4b:s0+s7], $0x80, s15, s7, $0xb8;
	[tilespmem:$0x1D000] =	vst v63  }
0x135: {  	s21 =	simm.s32 $0x700  }
0x136: {  	[spmem:s2] =	stream.indirect.scatter.add.f32 [tilespmem:s4], [sflag:$0x4], $0x80, s21, s7, $0xb8;
	[tilespmem:$0x1D000] =	vst v63  }
0x137: {  	_ =	swait.ge [sflag:s5], $0x4000  }
0x138: {  	[sflag:s5] =	ssyncset.done $0x0  }
0x139: {  	[sflag:s5] =	ssyncadd.s32 $0xFFFFC000  }
0x13a: {  	_ =	swait.ge [sflag:s12], $0x4000  }
0x13b: {  	[sflag:s12] =	ssyncset.done $0x0  }
0x13c: {  	[sflag:s12] =	ssyncadd.s32 $0xFFFFC000  }
0x13d: {  	_ =	swait.ge [sflag:s6], $0x400  }
0x13e: {  	[sflag:s6] =	ssyncset.done $0x0  }
0x13f: {  	[sflag:s6] =	ssyncadd.s32 $0xFFFFFC00  }
0x140: {  	_ =	swait.ge [sflag:s6], $0x400  }
0x141: {  	[sflag:s6] =	ssyncset.done $0x0  }
0x142: {  	[sflag:s6] =	ssyncadd.s32 $0xFFFFFC00  }
0x143: {  	[tilespmem:s4], [sflag:$0x1] =	stream.indirect.gather [hbm4b:s0+s7], $0x80, s28, s7, $0xb8;
	[tilespmem:$0x1D000] =	vst v63  }
0x144: {  	s22 =	simm.s32 $0x780  }
0x145: {  	[spmem:s2] =	stream.indirect.scatter.add.f32 [tilespmem:s11], [sflag:$0x4], $0x80, s22, s7, $0xb8;
	[tilespmem:$0x1D000] =	vst v63  }
0x146: {  	_ =	swait.ge [sflag:s5], $0x4000  }
0x147: {  	[sflag:s5] =	ssyncset.done $0x0  }
0x148: {  	s28 =	rddreg [dreg:$0xd];
	[sflag:s5] =	ssyncadd.s32 $0xFFFFC000  }
0x149: {  	[tilespmem:s3], [sflag:$0x3] =	stream.linear.gather [hbm4b:s28+s3], $0x400, $0x38;
	[tilespmem:$0x1D000] =	vst v63  }
0x14a: {  	s8 =	simm.s32 $0x400;
	s1 =	rddreg [dreg:$0xe]  }
0x14b: {  	[tilespmem:s8], [sflag:$0x3] =	stream.linear.gather [hbm4b:s1+s3], $0x400, $0x38;
	[tilespmem:$0x1D000] =	vst v63  }
0x14c: {  	_ =	swait.ge [sflag:s10], $0x4000  }
0x14d: {  	[sflag:s10] =	ssyncset.done $0x0  }
0x14e: {  	s22 =	simm.s32 $0x880;
	[sflag:s10] =	ssyncadd.s32 $0xFFFFC000  }
0x14f: {  	[tilespmem:s11], [sflag:$0x2] =	stream.indirect.gather [hbm4b:s0+s7], $0x80, s22, s7, $0xb8;
	[tilespmem:$0x1D000] =	vst v63  }
0x150: {  	s29 =	simm.s32 $0xC00  }
0x151: {  	[spmem:s2] =	stream.indirect.scatter.add.f32 [tilespmem:s4], [sflag:$0x4], $0x80, s29, s7, $0xb8;
	[tilespmem:$0x1D000] =	vst v63  }
0x152: {  	_ =	swait.ge [sflag:s5], $0x4000  }
0x153: {  	[sflag:s5] =	ssyncset.done $0x0  }
0x154: {  	[sflag:s5] =	ssyncadd.s32 $0xFFFFC000  }
0x155: {  	_ =	swait.ge [sflag:s12], $0x4000  }
0x156: {  	[sflag:s12] =	ssyncset.done $0x0  }
0x157: {  	s22 =	simm.s32 $0x900;
	[sflag:s12] =	ssyncadd.s32 $0xFFFFC000  }
0x158: {  	[tilespmem:s4], [sflag:$0x1] =	stream.indirect.gather [hbm4b:s0+s7], $0x80, s22, s7, $0xb8;
	[tilespmem:$0x1D000] =	vst v63  }
0x159: {  	s13 =	simm.s32 $0xC80  }
0x15a: {  	[spmem:s2] =	stream.indirect.scatter.add.f32 [tilespmem:s11], [sflag:$0x4], $0x80, s13, s7, $0xb8;
	[tilespmem:$0x1D000] =	vst v63  }
0x15b: {  	_ =	swait.ge [sflag:s5], $0x4000  }
0x15c: {  	[sflag:s5] =	ssyncset.done $0x0  }
0x15d: {  	[sflag:s5] =	ssyncadd.s32 $0xFFFFC000  }
0x15e: {  	_ =	swait.ge [sflag:s10], $0x4000  }
0x15f: {  	[sflag:s10] =	ssyncset.done $0x0  }
0x160: {  	s29 =	simm.s32 $0x980;
	[sflag:s10] =	ssyncadd.s32 $0xFFFFC000  }
0x161: {  	[tilespmem:s11], [sflag:$0x2] =	stream.indirect.gather [hbm4b:s0+s7], $0x80, s29, s7, $0xb8;
	[tilespmem:$0x1D000] =	vst v63  }
0x162: {  	s23 =	simm.s32 $0xD00  }
0x163: {  	[spmem:s2] =	stream.indirect.scatter.add.f32 [tilespmem:s4], [sflag:$0x4], $0x80, s23, s7, $0xb8;
	[tilespmem:$0x1D000] =	vst v63  }
0x164: {  	_ =	swait.ge [sflag:s5], $0x4000  }
0x165: {  	[sflag:s5] =	ssyncset.done $0x0  }
0x166: {  	[sflag:s5] =	ssyncadd.s32 $0xFFFFC000  }
0x167: {  	_ =	swait.ge [sflag:s12], $0x4000  }
0x168: {  	[sflag:s12] =	ssyncset.done $0x0  }
0x169: {  	s24 =	simm.s32 $0xA00;
	[sflag:s12] =	ssyncadd.s32 $0xFFFFC000  }
0x16a: {  	[tilespmem:s4], [sflag:$0x1] =	stream.indirect.gather [hbm4b:s0+s7], $0x80, s24, s7, $0xb8;
	[tilespmem:$0x1D000] =	vst v63  }
0x16b: {  	s26 =	simm.s32 $0xD80  }
0x16c: {  	[spmem:s2] =	stream.indirect.scatter.add.f32 [tilespmem:s11], [sflag:$0x4], $0x80, s26, s7, $0xb8;
	[tilespmem:$0x1D000] =	vst v63  }
0x16d: {  	_ =	swait.ge [sflag:s5], $0x4000  }
0x16e: {  	[sflag:s5] =	ssyncset.done $0x0  }
0x16f: {  	[sflag:s5] =	ssyncadd.s32 $0xFFFFC000  }
0x170: {  	_ =	swait.ge [sflag:s10], $0x4000  }
0x171: {  	[sflag:s10] =	ssyncset.done $0x0  }
0x172: {  	s13 =	simm.s32 $0xA80;
	[sflag:s10] =	ssyncadd.s32 $0xFFFFC000  }
0x173: {  	[tilespmem:s11], [sflag:$0x2] =	stream.indirect.gather [hbm4b:s0+s7], $0x80, s13, s7, $0xb8;
	[tilespmem:$0x1D000] =	vst v63  }
0x174: {  	s28 =	simm.s32 $0xE00  }
0x175: {  	[spmem:s2] =	stream.indirect.scatter.add.f32 [tilespmem:s4], [sflag:$0x4], $0x80, s28, s7, $0xb8;
	[tilespmem:$0x1D000] =	vst v63  }
0x176: {  	_ =	swait.ge [sflag:s5], $0x4000  }
0x177: {  	[sflag:s5] =	ssyncset.done $0x0  }
0x178: {  	[sflag:s5] =	ssyncadd.s32 $0xFFFFC000  }
0x179: {  	_ =	swait.ge [sflag:s12], $0x4000  }
0x17a: {  	[sflag:s12] =	ssyncset.done $0x0  }
0x17b: {  	s23 =	simm.s32 $0xB00;
	[sflag:s12] =	ssyncadd.s32 $0xFFFFC000  }
0x17c: {  	[tilespmem:s4], [sflag:$0x1] =	stream.indirect.gather [hbm4b:s0+s7], $0x80, s23, s7, $0xb8;
	[tilespmem:$0x1D000] =	vst v63  }
0x17d: {  	s26 =	simm.s32 $0xE80  }
0x17e: {  	[spmem:s2] =	stream.indirect.scatter.add.f32 [tilespmem:s11], [sflag:$0x4], $0x80, s26, s7, $0xb8;
	[tilespmem:$0x1D000] =	vst v63  }
0x17f: {  	_ =	swait.ge [sflag:s5], $0x4000  }
0x180: {  	[sflag:s5] =	ssyncset.done $0x0  }
0x181: {  	[sflag:s5] =	ssyncadd.s32 $0xFFFFC000  }
0x182: {  	_ =	swait.ge [sflag:s10], $0x4000  }
0x183: {  	[sflag:s10] =	ssyncset.done $0x0  }
0x184: {  	s26 =	simm.s32 $0xB80;
	[sflag:s10] =	ssyncadd.s32 $0xFFFFC000  }
0x185: {  	[tilespmem:s11], [sflag:$0x2] =	stream.indirect.gather [hbm4b:s0+s7], $0x80, s26, s7, $0xb8;
	[tilespmem:$0x1D000] =	vst v63  }
0x186: {  	s24 =	simm.s32 $0xF00  }
0x187: {  	[spmem:s2] =	stream.indirect.scatter.add.f32 [tilespmem:s4], [sflag:$0x4], $0x80, s24, s7, $0xb8;
	[tilespmem:$0x1D000] =	vst v63  }
0x188: {  	_ =	swait.ge [sflag:s5], $0x4000  }
0x189: {  	[sflag:s5] =	ssyncset.done $0x0  }
0x18a: {  	[sflag:s5] =	ssyncadd.s32 $0xFFFFC000  }
0x18b: {  	_ =	swait.ge [sflag:s12], $0x4000  }
0x18c: {  	[sflag:s12] =	ssyncset.done $0x0  }
0x18d: {  	[sflag:s12] =	ssyncadd.s32 $0xFFFFC000  }
0x18e: {  	_ =	swait.ge [sflag:s6], $0x400  }
0x18f: {  	[sflag:s6] =	ssyncset.done $0x0  }
0x190: {  	[sflag:s6] =	ssyncadd.s32 $0xFFFFFC00  }
0x191: {  	_ =	swait.ge [sflag:s6], $0x400  }
0x192: {  	[sflag:s6] =	ssyncset.done $0x0  }
0x193: {  	[sflag:s6] =	ssyncadd.s32 $0xFFFFFC00  }
0x194: {  	[tilespmem:s4], [sflag:$0x1] =	stream.indirect.gather [hbm4b:s0+s7], $0x80, s3, s7, $0xb8;
	[tilespmem:$0x1D000] =	vst v63  }
0x195: {  	s24 =	simm.s32 $0xF80  }
0x196: {  	[spmem:s2] =	stream.indirect.scatter.add.f32 [tilespmem:s11], [sflag:$0x4], $0x80, s24, s7, $0xb8;
	[tilespmem:$0x1D000] =	vst v63  }
0x197: {  	_ =	swait.ge [sflag:s5], $0x4000  }
0x198: {  	[sflag:s5] =	ssyncset.done $0x0  }
0x199: {  	s9 =	simm.s32 $0x800;
	s24 =	rddreg [dreg:$0xf];
	[sflag:s5] =	ssyncadd.s32 $0xFFFFC000  }
0x19a: {  	[tilespmem:s9], [sflag:$0x3] =	stream.linear.gather [hbm4b:s24+s3], $0x400, $0x38;
	[tilespmem:$0x1D000] =	vst v63  }
0x19b: {  	s1 =	simm.s32 $0xC00;
	s24 =	rddreg [dreg:$0x10]  }
0x19c: {  	[tilespmem:s1], [sflag:$0x3] =	stream.linear.gather [hbm4b:s24+s3], $0x400, $0x38;
	[tilespmem:$0x1D000] =	vst v63  }
0x19d: {  	_ =	swait.ge [sflag:s10], $0x4000  }
0x19e: {  	[sflag:s10] =	ssyncset.done $0x0  }
0x19f: {  	[sflag:s10] =	ssyncadd.s32 $0xFFFFC000  }
0x1a0: {  	[tilespmem:s11], [sflag:$0x2] =	stream.indirect.gather [hbm4b:s0+s7], $0x80, s7, s7, $0xb8;
	[tilespmem:$0x1D000] =	vst v63  }
0x1a1: {  	_ = 	snop  }
0x1a2: {  	[spmem:s2] =	stream.indirect.scatter.add.f32 [tilespmem:s4], [sflag:$0x4], $0x80, s8, s7, $0xb8;
	[tilespmem:$0x1D000] =	vst v63  }
0x1a3: {  	_ =	swait.ge [sflag:s5], $0x4000  }
0x1a4: {  	[sflag:s5] =	ssyncset.done $0x0  }
0x1a5: {  	[sflag:s5] =	ssyncadd.s32 $0xFFFFC000  }
0x1a6: {  	_ =	swait.ge [sflag:s12], $0x4000  }
0x1a7: {  	[sflag:s12] =	ssyncset.done $0x0  }
0x1a8: {  	s24 =	simm.s32 $0x100;
	[sflag:s12] =	ssyncadd.s32 $0xFFFFC000  }
0x1a9: {  	[tilespmem:s4], [sflag:$0x1] =	stream.indirect.gather [hbm4b:s0+s7], $0x80, s24, s7, $0xb8;
	[tilespmem:$0x1D000] =	vst v63  }
0x1aa: {  	_ = 	snop  }
0x1ab: {  	[spmem:s2] =	stream.indirect.scatter.add.f32 [tilespmem:s11], [sflag:$0x4], $0x80, s17, s7, $0xb8;
	[tilespmem:$0x1D000] =	vst v63  }
0x1ac: {  	_ =	swait.ge [sflag:s5], $0x4000  }
0x1ad: {  	[sflag:s5] =	ssyncset.done $0x0  }
0x1ae: {  	[sflag:s5] =	ssyncadd.s32 $0xFFFFC000  }
0x1af: {  	_ =	swait.ge [sflag:s10], $0x4000  }
0x1b0: {  	[sflag:s10] =	ssyncset.done $0x0  }
0x1b1: {  	[sflag:s10] =	ssyncadd.s32 $0xFFFFC000  }
0x1b2: {  	[tilespmem:s11], [sflag:$0x2] =	stream.indirect.gather [hbm4b:s0+s7], $0x80, s16, s7, $0xb8;
	[tilespmem:$0x1D000] =	vst v63  }
0x1b3: {  	_ = 	snop  }
0x1b4: {  	[spmem:s2] =	stream.indirect.scatter.add.f32 [tilespmem:s4], [sflag:$0x4], $0x80, s25, s7, $0xb8;
	[tilespmem:$0x1D000] =	vst v63  }
0x1b5: {  	_ =	swait.ge [sflag:s5], $0x4000  }
0x1b6: {  	[sflag:s5] =	ssyncset.done $0x0  }
0x1b7: {  	[sflag:s5] =	ssyncadd.s32 $0xFFFFC000  }
0x1b8: {  	_ =	swait.ge [sflag:s12], $0x4000  }
0x1b9: {  	[sflag:s12] =	ssyncset.done $0x0  }
0x1ba: {  	[sflag:s12] =	ssyncadd.s32 $0xFFFFC000  }
0x1bb: {  	[tilespmem:s4], [sflag:$0x1] =	stream.indirect.gather [hbm4b:s0+s7], $0x80, s30, s7, $0xb8;
	[tilespmem:$0x1D000] =	vst v63  }
0x1bc: {  	_ = 	snop  }
0x1bd: {  	[spmem:s2] =	stream.indirect.scatter.add.f32 [tilespmem:s11], [sflag:$0x4], $0x80, s18, s7, $0xb8;
	[tilespmem:$0x1D000] =	vst v63  }
0x1be: {  	_ =	swait.ge [sflag:s5], $0x4000  }
0x1bf: {  	[sflag:s5] =	ssyncset.done $0x0  }
0x1c0: {  	[sflag:s5] =	ssyncadd.s32 $0xFFFFC000  }
0x1c1: {  	_ =	swait.ge [sflag:s10], $0x4000  }
0x1c2: {  	[sflag:s10] =	ssyncset.done $0x0  }
0x1c3: {  	[sflag:s10] =	ssyncadd.s32 $0xFFFFC000  }
0x1c4: {  	[tilespmem:s11], [sflag:$0x2] =	stream.indirect.gather [hbm4b:s0+s7], $0x80, s31, s7, $0xb8;
	[tilespmem:$0x1D000] =	vst v63  }
0x1c5: {  	_ = 	snop  }
0x1c6: {  	[spmem:s2] =	stream.indirect.scatter.add.f32 [tilespmem:s4], [sflag:$0x4], $0x80, s19, s7, $0xb8;
	[tilespmem:$0x1D000] =	vst v63  }
0x1c7: {  	_ =	swait.ge [sflag:s5], $0x4000  }
0x1c8: {  	[sflag:s5] =	ssyncset.done $0x0  }
0x1c9: {  	[sflag:s5] =	ssyncadd.s32 $0xFFFFC000  }
0x1ca: {  	_ =	swait.ge [sflag:s12], $0x4000  }
0x1cb: {  	[sflag:s12] =	ssyncset.done $0x0  }
0x1cc: {  	[sflag:s12] =	ssyncadd.s32 $0xFFFFC000  }
0x1cd: {  	[tilespmem:s4], [sflag:$0x1] =	stream.indirect.gather [hbm4b:s0+s7], $0x80, s14, s7, $0xb8;
	[tilespmem:$0x1D000] =	vst v63  }
0x1ce: {  	_ = 	snop  }
0x1cf: {  	[spmem:s2] =	stream.indirect.scatter.add.f32 [tilespmem:s11], [sflag:$0x4], $0x80, s20, s7, $0xb8;
	[tilespmem:$0x1D000] =	vst v63  }
0x1d0: {  	_ =	swait.ge [sflag:s5], $0x4000  }
0x1d1: {  	[sflag:s5] =	ssyncset.done $0x0  }
0x1d2: {  	[sflag:s5] =	ssyncadd.s32 $0xFFFFC000  }
0x1d3: {  	_ =	swait.ge [sflag:s10], $0x4000  }
0x1d4: {  	[sflag:s10] =	ssyncset.done $0x0  }
0x1d5: {  	[sflag:s10] =	ssyncadd.s32 $0xFFFFC000  }
0x1d6: {  	[tilespmem:s11], [sflag:$0x2] =	stream.indirect.gather [hbm4b:s0+s7], $0x80, s15, s7, $0xb8;
	[tilespmem:$0x1D000] =	vst v63  }
0x1d7: {  	_ = 	snop  }
0x1d8: {  	[spmem:s2] =	stream.indirect.scatter.add.f32 [tilespmem:s4], [sflag:$0x4], $0x80, s21, s7, $0xb8;
	[tilespmem:$0x1D000] =	vst v63  }
0x1d9: {  	_ =	swait.ge [sflag:s5], $0x4000  }
0x1da: {  	[sflag:s5] =	ssyncset.done $0x0  }
0x1db: {  	[sflag:s5] =	ssyncadd.s32 $0xFFFFC000  }
0x1dc: {  	_ =	swait.ge [sflag:s12], $0x4000  }
0x1dd: {  	[sflag:s12] =	ssyncset.done $0x0  }
0x1de: {  	[sflag:s12] =	ssyncadd.s32 $0xFFFFC000  }
0x1df: {  	_ =	swait.ge [sflag:s6], $0x400  }
0x1e0: {  	[sflag:s6] =	ssyncset.done $0x0  }
0x1e1: {  	[sflag:s6] =	ssyncadd.s32 $0xFFFFFC00  }
0x1e2: {  	_ =	swait.ge [sflag:s6], $0x400  }
0x1e3: {  	[sflag:s6] =	ssyncset.done $0x0  }
0x1e4: {  	s9 =	simm.s32 $0x800;
	[sflag:s6] =	ssyncadd.s32 $0xFFFFFC00  }
0x1e5: {  	[tilespmem:s4], [sflag:$0x1] =	stream.indirect.gather [hbm4b:s0+s7], $0x80, s9, s7, $0xb8;
	[tilespmem:$0x1D000] =	vst v63  }
0x1e6: {  	s14 =	simm.s32 $0x780  }
0x1e7: {  	[spmem:s2] =	stream.indirect.scatter.add.f32 [tilespmem:s11], [sflag:$0x4], $0x80, s14, s7, $0xb8;
	[tilespmem:$0x1D000] =	vst v63  }
0x1e8: {  	_ =	swait.ge [sflag:s5], $0x4000  }
0x1e9: {  	[sflag:s5] =	ssyncset.done $0x0  }
0x1ea: {  	s16 =	rddreg [dreg:$0x11];
	[sflag:s5] =	ssyncadd.s32 $0xFFFFC000  }
0x1eb: {  	[tilespmem:s3], [sflag:$0x3] =	stream.linear.gather [hbm4b:s16+s3], $0x400, $0x38;
	[tilespmem:$0x1D000] =	vst v63  }
0x1ec: {  	s21 =	simm.s32 $0x400;
	s18 =	rddreg [dreg:$0x12]  }
0x1ed: {  	[tilespmem:s21], [sflag:$0x3] =	stream.linear.gather [hbm4b:s18+s3], $0x400, $0x38;
	[tilespmem:$0x1D000] =	vst v63  }
0x1ee: {  	_ =	swait.ge [sflag:s10], $0x4000  }
0x1ef: {  	[sflag:s10] =	ssyncset.done $0x0  }
0x1f0: {  	s15 =	simm.s32 $0x880;
	[sflag:s10] =	ssyncadd.s32 $0xFFFFC000  }
0x1f1: {  	[tilespmem:s11], [sflag:$0x2] =	stream.indirect.gather [hbm4b:s0+s7], $0x80, s15, s7, $0xb8;
	[tilespmem:$0x1D000] =	vst v63  }
0x1f2: {  	s1 =	simm.s32 $0xC00  }
0x1f3: {  	[spmem:s2] =	stream.indirect.scatter.add.f32 [tilespmem:s4], [sflag:$0x4], $0x80, s1, s7, $0xb8;
	[tilespmem:$0x1D000] =	vst v63  }
0x1f4: {  	_ =	swait.ge [sflag:s5], $0x4000  }
0x1f5: {  	[sflag:s5] =	ssyncset.done $0x0  }
0x1f6: {  	[sflag:s5] =	ssyncadd.s32 $0xFFFFC000  }
0x1f7: {  	_ =	swait.ge [sflag:s12], $0x4000  }
0x1f8: {  	[sflag:s12] =	ssyncset.done $0x0  }
0x1f9: {  	[sflag:s12] =	ssyncadd.s32 $0xFFFFC000  }
0x1fa: {  	[tilespmem:s4], [sflag:$0x1] =	stream.indirect.gather [hbm4b:s0+s7], $0x80, s22, s7, $0xb8;
	[tilespmem:$0x1D000] =	vst v63  }
0x1fb: {  	s1 =	simm.s32 $0xC80  }
0x1fc: {  	[spmem:s2] =	stream.indirect.scatter.add.f32 [tilespmem:s11], [sflag:$0x4], $0x80, s1, s7, $0xb8;
	[tilespmem:$0x1D000] =	vst v63  }
0x1fd: {  	_ =	swait.ge [sflag:s5], $0x4000  }
0x1fe: {  	[sflag:s5] =	ssyncset.done $0x0  }
0x1ff: {  	[sflag:s5] =	ssyncadd.s32 $0xFFFFC000  }
0x200: {  	_ =	swait.ge [sflag:s10], $0x4000  }
0x201: {  	[sflag:s10] =	ssyncset.done $0x0  }
0x202: {  	[sflag:s10] =	ssyncadd.s32 $0xFFFFC000  }
0x203: {  	[tilespmem:s11], [sflag:$0x2] =	stream.indirect.gather [hbm4b:s0+s7], $0x80, s29, s7, $0xb8;
	[tilespmem:$0x1D000] =	vst v63  }
0x204: {  	s8 =	simm.s32 $0xD00  }
0x205: {  	[spmem:s2] =	stream.indirect.scatter.add.f32 [tilespmem:s4], [sflag:$0x4], $0x80, s8, s7, $0xb8;
	[tilespmem:$0x1D000] =	vst v63  }
0x206: {  	_ =	swait.ge [sflag:s5], $0x4000  }
0x207: {  	[sflag:s5] =	ssyncset.done $0x0  }
0x208: {  	[sflag:s5] =	ssyncadd.s32 $0xFFFFC000  }
0x209: {  	_ =	swait.ge [sflag:s12], $0x4000  }
0x20a: {  	[sflag:s12] =	ssyncset.done $0x0  }
0x20b: {  	s24 =	simm.s32 $0xA00;
	[sflag:s12] =	ssyncadd.s32 $0xFFFFC000  }
0x20c: {  	[tilespmem:s4], [sflag:$0x1] =	stream.indirect.gather [hbm4b:s0+s7], $0x80, s24, s7, $0xb8;
	[tilespmem:$0x1D000] =	vst v63  }
0x20d: {  	s9 =	simm.s32 $0xD80  }
0x20e: {  	[spmem:s2] =	stream.indirect.scatter.add.f32 [tilespmem:s11], [sflag:$0x4], $0x80, s9, s7, $0xb8;
	[tilespmem:$0x1D000] =	vst v63  }
0x20f: {  	_ =	swait.ge [sflag:s5], $0x4000  }
0x210: {  	[sflag:s5] =	ssyncset.done $0x0  }
0x211: {  	[sflag:s5] =	ssyncadd.s32 $0xFFFFC000  }
0x212: {  	_ =	swait.ge [sflag:s10], $0x4000  }
0x213: {  	[sflag:s10] =	ssyncset.done $0x0  }
0x214: {  	[sflag:s10] =	ssyncadd.s32 $0xFFFFC000  }
0x215: {  	[tilespmem:s11], [sflag:$0x2] =	stream.indirect.gather [hbm4b:s0+s7], $0x80, s13, s7, $0xb8;
	[tilespmem:$0x1D000] =	vst v63  }
0x216: {  	_ = 	snop  }
0x217: {  	[spmem:s2] =	stream.indirect.scatter.add.f32 [tilespmem:s4], [sflag:$0x4], $0x80, s28, s7, $0xb8;
	[tilespmem:$0x1D000] =	vst v63  }
0x218: {  	_ =	swait.ge [sflag:s5], $0x4000  }
0x219: {  	[sflag:s5] =	ssyncset.done $0x0  }
0x21a: {  	[sflag:s5] =	ssyncadd.s32 $0xFFFFC000  }
0x21b: {  	_ =	swait.ge [sflag:s12], $0x4000  }
0x21c: {  	[sflag:s12] =	ssyncset.done $0x0  }
0x21d: {  	[sflag:s12] =	ssyncadd.s32 $0xFFFFC000  }
0x21e: {  	[tilespmem:s4], [sflag:$0x1] =	stream.indirect.gather [hbm4b:s0+s7], $0x80, s23, s7, $0xb8;
	[tilespmem:$0x1D000] =	vst v63  }
0x21f: {  	s29 =	simm.s32 $0xE80  }
0x220: {  	[spmem:s2] =	stream.indirect.scatter.add.f32 [tilespmem:s11], [sflag:$0x4], $0x80, s29, s7, $0xb8;
	[tilespmem:$0x1D000] =	vst v63  }
0x221: {  	_ =	swait.ge [sflag:s5], $0x4000  }
0x222: {  	[sflag:s5] =	ssyncset.done $0x0  }
0x223: {  	[sflag:s5] =	ssyncadd.s32 $0xFFFFC000  }
0x224: {  	_ =	swait.ge [sflag:s10], $0x4000  }
0x225: {  	[sflag:s10] =	ssyncset.done $0x0  }
0x226: {  	[sflag:s10] =	ssyncadd.s32 $0xFFFFC000  }
0x227: {  	[tilespmem:s11], [sflag:$0x2] =	stream.indirect.gather [hbm4b:s0+s7], $0x80, s26, s7, $0xb8;
	[tilespmem:$0x1D000] =	vst v63  }
0x228: {  	s18 =	simm.s32 $0xF00  }
0x229: {  	[spmem:s2] =	stream.indirect.scatter.add.f32 [tilespmem:s4], [sflag:$0x4], $0x80, s18, s7, $0xb8;
	[tilespmem:$0x1D000] =	vst v63  }
0x22a: {  	_ =	swait.ge [sflag:s5], $0x4000  }
0x22b: {  	[sflag:s5] =	ssyncset.done $0x0  }
0x22c: {  	[sflag:s5] =	ssyncadd.s32 $0xFFFFC000  }
0x22d: {  	_ =	swait.ge [sflag:s12], $0x4000  }
0x22e: {  	[sflag:s12] =	ssyncset.done $0x0  }
0x22f: {  	[sflag:s12] =	ssyncadd.s32 $0xFFFFC000  }
0x230: {  	_ =	swait.ge [sflag:s6], $0x400  }
0x231: {  	[sflag:s6] =	ssyncset.done $0x0  }
0x232: {  	[sflag:s6] =	ssyncadd.s32 $0xFFFFFC00  }
0x233: {  	_ =	swait.ge [sflag:s6], $0x400  }
0x234: {  	[sflag:s6] =	ssyncset.done $0x0  }
0x235: {  	[sflag:s6] =	ssyncadd.s32 $0xFFFFFC00  }
0x236: {  	[tilespmem:s4], [sflag:$0x1] =	stream.indirect.gather [hbm4b:s0+s7], $0x80, s3, s7, $0xb8;
	[tilespmem:$0x1D000] =	vst v63  }
0x237: {  	s24 =	simm.s32 $0xF80  }
0x238: {  	[spmem:s2] =	stream.indirect.scatter.add.f32 [tilespmem:s11], [sflag:$0x4], $0x80, s24, s7, $0xb8;
	[tilespmem:$0x1D000] =	vst v63  }
0x239: {  	_ =	swait.ge [sflag:s5], $0x4000  }
0x23a: {  	[sflag:s5] =	ssyncset.done $0x0  }
0x23b: {  	s17 =	simm.s32 $0x800;
	s26 =	rddreg [dreg:$0x13];
	[sflag:s5] =	ssyncadd.s32 $0xFFFFC000  }
0x23c: {  	[tilespmem:s17], [sflag:$0x3] =	stream.linear.gather [hbm4b:s26+s3], $0x400, $0x38;
	[tilespmem:$0x1D000] =	vst v63  }
0x23d: {  	s16 =	simm.s32 $0xC00;
	s28 =	rddreg [dreg:$0x14]  }
0x23e: {  	[tilespmem:s16], [sflag:$0x3] =	stream.linear.gather [hbm4b:s28+s3], $0x400, $0x38;
	[tilespmem:$0x1D000] =	vst v63  }
0x23f: {  	_ =	swait.ge [sflag:s10], $0x4000  }
0x240: {  	[sflag:s10] =	ssyncset.done $0x0  }
0x241: {  	[sflag:s10] =	ssyncadd.s32 $0xFFFFC000  }
0x242: {  	[tilespmem:s11], [sflag:$0x2] =	stream.indirect.gather [hbm4b:s0+s7], $0x80, s7, s7, $0xb8;
	[tilespmem:$0x1D000] =	vst v63  }
0x243: {  	_ = 	snop  }
0x244: {  	[spmem:s2] =	stream.indirect.scatter.add.f32 [tilespmem:s4], [sflag:$0x4], $0x80, s21, s7, $0xb8;
	[tilespmem:$0x1D000] =	vst v63  }
0x245: {  	_ =	swait.ge [sflag:s5], $0x4000  }
0x246: {  	[sflag:s5] =	ssyncset.done $0x0  }
0x247: {  	[sflag:s5] =	ssyncadd.s32 $0xFFFFC000  }
0x248: {  	_ =	swait.ge [sflag:s12], $0x4000  }
0x249: {  	[sflag:s12] =	ssyncset.done $0x0  }
0x24a: {  	s29 =	simm.s32 $0x100;
	[sflag:s12] =	ssyncadd.s32 $0xFFFFC000  }
0x24b: {  	[tilespmem:s4], [sflag:$0x1] =	stream.indirect.gather [hbm4b:s0+s7], $0x80, s29, s7, $0xb8;
	[tilespmem:$0x1D000] =	vst v63  }
0x24c: {  	s18 =	simm.s32 $0x480  }
0x24d: {  	[spmem:s2] =	stream.indirect.scatter.add.f32 [tilespmem:s11], [sflag:$0x4], $0x80, s18, s7, $0xb8;
	[tilespmem:$0x1D000] =	vst v63  }
0x24e: {  	_ =	swait.ge [sflag:s5], $0x4000  }
0x24f: {  	[sflag:s5] =	ssyncset.done $0x0  }
0x250: {  	[sflag:s5] =	ssyncadd.s32 $0xFFFFC000  }
0x251: {  	_ =	swait.ge [sflag:s10], $0x4000  }
0x252: {  	[sflag:s10] =	ssyncset.done $0x0  }
0x253: {  	s13 =	simm.s32 $0x180;
	[sflag:s10] =	ssyncadd.s32 $0xFFFFC000  }
0x254: {  	[tilespmem:s11], [sflag:$0x2] =	stream.indirect.gather [hbm4b:s0+s7], $0x80, s13, s7, $0xb8;
	[tilespmem:$0x1D000] =	vst v63  }
0x255: {  	s24 =	simm.s32 $0x500  }
0x256: {  	[spmem:s2] =	stream.indirect.scatter.add.f32 [tilespmem:s4], [sflag:$0x4], $0x80, s24, s7, $0xb8;
	[tilespmem:$0x1D000] =	vst v63  }
0x257: {  	_ =	swait.ge [sflag:s5], $0x4000  }
0x258: {  	[sflag:s5] =	ssyncset.done $0x0  }
0x259: {  	[sflag:s5] =	ssyncadd.s32 $0xFFFFC000  }
0x25a: {  	_ =	swait.ge [sflag:s12], $0x4000  }
0x25b: {  	[sflag:s12] =	ssyncset.done $0x0  }
0x25c: {  	s25 =	simm.s32 $0x200;
	[sflag:s12] =	ssyncadd.s32 $0xFFFFC000  }
0x25d: {  	[tilespmem:s4], [sflag:$0x1] =	stream.indirect.gather [hbm4b:s0+s7], $0x80, s25, s7, $0xb8;
	[tilespmem:$0x1D000] =	vst v63  }
0x25e: {  	s26 =	simm.s32 $0x580  }
0x25f: {  	[spmem:s2] =	stream.indirect.scatter.add.f32 [tilespmem:s11], [sflag:$0x4], $0x80, s26, s7, $0xb8;
	[tilespmem:$0x1D000] =	vst v63  }
0x260: {  	_ =	swait.ge [sflag:s5], $0x4000  }
0x261: {  	[sflag:s5] =	ssyncset.done $0x0  }
0x262: {  	[sflag:s5] =	ssyncadd.s32 $0xFFFFC000  }
0x263: {  	_ =	swait.ge [sflag:s10], $0x4000  }
0x264: {  	[sflag:s10] =	ssyncset.done $0x0  }
0x265: {  	s30 =	simm.s32 $0x280;
	[sflag:s10] =	ssyncadd.s32 $0xFFFFC000  }
0x266: {  	[tilespmem:s11], [sflag:$0x2] =	stream.indirect.gather [hbm4b:s0+s7], $0x80, s30, s7, $0xb8;
	[tilespmem:$0x1D000] =	vst v63  }
0x267: {  	s31 =	simm.s32 $0x600  }
0x268: {  	[spmem:s2] =	stream.indirect.scatter.add.f32 [tilespmem:s4], [sflag:$0x4], $0x80, s31, s7, $0xb8;
	[tilespmem:$0x1D000] =	vst v63  }
0x269: {  	_ =	swait.ge [sflag:s5], $0x4000  }
0x26a: {  	[sflag:s5] =	ssyncset.done $0x0  }
0x26b: {  	[sflag:s5] =	ssyncadd.s32 $0xFFFFC000  }
0x26c: {  	_ =	swait.ge [sflag:s12], $0x4000  }
0x26d: {  	[sflag:s12] =	ssyncset.done $0x0  }
0x26e: {  	s19 =	simm.s32 $0x300;
	[sflag:s12] =	ssyncadd.s32 $0xFFFFC000  }
0x26f: {  	[tilespmem:s4], [sflag:$0x1] =	stream.indirect.gather [hbm4b:s0+s7], $0x80, s19, s7, $0xb8;
	[tilespmem:$0x1D000] =	vst v63  }
0x270: {  	s28 =	simm.s32 $0x680  }
0x271: {  	[spmem:s2] =	stream.indirect.scatter.add.f32 [tilespmem:s11], [sflag:$0x4], $0x80, s28, s7, $0xb8;
	[tilespmem:$0x1D000] =	vst v63  }
0x272: {  	_ =	swait.ge [sflag:s5], $0x4000  }
0x273: {  	[sflag:s5] =	ssyncset.done $0x0  }
0x274: {  	[sflag:s5] =	ssyncadd.s32 $0xFFFFC000  }
0x275: {  	_ =	swait.ge [sflag:s10], $0x4000  }
0x276: {  	[sflag:s10] =	ssyncset.done $0x0  }
0x277: {  	s20 =	simm.s32 $0x380;
	[sflag:s10] =	ssyncadd.s32 $0xFFFFC000  }
0x278: {  	[tilespmem:s11], [sflag:$0x2] =	stream.indirect.gather [hbm4b:s0+s7], $0x80, s20, s7, $0xb8;
	[tilespmem:$0x1D000] =	vst v63  }
0x279: {  	s29 =	simm.s32 $0x700  }
0x27a: {  	[spmem:s2] =	stream.indirect.scatter.add.f32 [tilespmem:s4], [sflag:$0x4], $0x80, s29, s7, $0xb8;
	[tilespmem:$0x1D000] =	vst v63  }
0x27b: {  	_ =	swait.ge [sflag:s5], $0x4000  }
0x27c: {  	[sflag:s5] =	ssyncset.done $0x0  }
0x27d: {  	[sflag:s5] =	ssyncadd.s32 $0xFFFFC000  }
0x27e: {  	_ =	swait.ge [sflag:s12], $0x4000  }
0x27f: {  	[sflag:s12] =	ssyncset.done $0x0  }
0x280: {  	[sflag:s12] =	ssyncadd.s32 $0xFFFFC000  }
0x281: {  	_ =	swait.ge [sflag:s6], $0x400  }
0x282: {  	[sflag:s6] =	ssyncset.done $0x0  }
0x283: {  	[sflag:s6] =	ssyncadd.s32 $0xFFFFFC00  }
0x284: {  	_ =	swait.ge [sflag:s6], $0x400  }
0x285: {  	[sflag:s6] =	ssyncset.done $0x0  }
0x286: {  	[sflag:s6] =	ssyncadd.s32 $0xFFFFFC00  }
0x287: {  	[tilespmem:s4], [sflag:$0x1] =	stream.indirect.gather [hbm4b:s0+s7], $0x80, s17, s7, $0xb8;
	[tilespmem:$0x1D000] =	vst v63  }
0x288: {  	_ = 	snop  }
0x289: {  	[spmem:s2] =	stream.indirect.scatter.add.f32 [tilespmem:s11], [sflag:$0x4], $0x80, s14, s7, $0xb8;
	[tilespmem:$0x1D000] =	vst v63  }
0x28a: {  	_ =	swait.ge [sflag:s5], $0x4000  }
0x28b: {  	[sflag:s5] =	ssyncset.done $0x0  }
0x28c: {  	s14 =	rddreg [dreg:$0x15];
	[sflag:s5] =	ssyncadd.s32 $0xFFFFC000  }
0x28d: {  	[tilespmem:s3], [sflag:$0x3] =	stream.linear.gather [hbm4b:s14+s3], $0x400, $0x38;
	[tilespmem:$0x1D000] =	vst v63  }
0x28e: {  	s18 =	rddreg [dreg:$0x16]  }
0x28f: {  	[tilespmem:s21], [sflag:$0x3] =	stream.linear.gather [hbm4b:s18+s3], $0x400, $0x38;
	[tilespmem:$0x1D000] =	vst v63  }
0x290: {  	_ =	swait.ge [sflag:s10], $0x4000  }
0x291: {  	[sflag:s10] =	ssyncset.done $0x0  }
0x292: {  	[sflag:s10] =	ssyncadd.s32 $0xFFFFC000  }
0x293: {  	[tilespmem:s11], [sflag:$0x2] =	stream.indirect.gather [hbm4b:s0+s7], $0x80, s15, s7, $0xb8;
	[tilespmem:$0x1D000] =	vst v63  }
0x294: {  	_ = 	snop  }
0x295: {  	[spmem:s2] =	stream.indirect.scatter.add.f32 [tilespmem:s4], [sflag:$0x4], $0x80, s16, s7, $0xb8;
	[tilespmem:$0x1D000] =	vst v63  }
0x296: {  	_ =	swait.ge [sflag:s5], $0x4000  }
0x297: {  	[sflag:s5] =	ssyncset.done $0x0  }
0x298: {  	[sflag:s5] =	ssyncadd.s32 $0xFFFFC000  }
0x299: {  	_ =	swait.ge [sflag:s12], $0x4000  }
0x29a: {  	[sflag:s12] =	ssyncset.done $0x0  }
0x29b: {  	s19 =	simm.s32 $0x900;
	[sflag:s12] =	ssyncadd.s32 $0xFFFFC000  }
0x29c: {  	[tilespmem:s4], [sflag:$0x1] =	stream.indirect.gather [hbm4b:s0+s7], $0x80, s19, s7, $0xb8;
	[tilespmem:$0x1D000] =	vst v63  }
0x29d: {  	_ = 	snop  }
0x29e: {  	[spmem:s2] =	stream.indirect.scatter.add.f32 [tilespmem:s11], [sflag:$0x4], $0x80, s1, s7, $0xb8;
	[tilespmem:$0x1D000] =	vst v63  }
0x29f: {  	_ =	swait.ge [sflag:s5], $0x4000  }
0x2a0: {  	[sflag:s5] =	ssyncset.done $0x0  }
0x2a1: {  	[sflag:s5] =	ssyncadd.s32 $0xFFFFC000  }
0x2a2: {  	_ =	swait.ge [sflag:s10], $0x4000  }
0x2a3: {  	[sflag:s10] =	ssyncset.done $0x0  }
0x2a4: {  	s20 =	simm.s32 $0x980;
	[sflag:s10] =	ssyncadd.s32 $0xFFFFC000  }
0x2a5: {  	[tilespmem:s11], [sflag:$0x2] =	stream.indirect.gather [hbm4b:s0+s7], $0x80, s20, s7, $0xb8;
	[tilespmem:$0x1D000] =	vst v63  }
0x2a6: {  	_ = 	snop  }
0x2a7: {  	[spmem:s2] =	stream.indirect.scatter.add.f32 [tilespmem:s4], [sflag:$0x4], $0x80, s8, s7, $0xb8;
	[tilespmem:$0x1D000] =	vst v63  }
0x2a8: {  	_ =	swait.ge [sflag:s5], $0x4000  }
0x2a9: {  	[sflag:s5] =	ssyncset.done $0x0  }
0x2aa: {  	[sflag:s5] =	ssyncadd.s32 $0xFFFFC000  }
0x2ab: {  	_ =	swait.ge [sflag:s12], $0x4000  }
0x2ac: {  	[sflag:s12] =	ssyncset.done $0x0  }
0x2ad: {  	s24 =	simm.s32 $0xA00;
	[sflag:s12] =	ssyncadd.s32 $0xFFFFC000  }
0x2ae: {  	[tilespmem:s4], [sflag:$0x1] =	stream.indirect.gather [hbm4b:s0+s7], $0x80, s24, s7, $0xb8;
	[tilespmem:$0x1D000] =	vst v63  }
0x2af: {  	_ = 	snop  }
0x2b0: {  	[spmem:s2] =	stream.indirect.scatter.add.f32 [tilespmem:s11], [sflag:$0x4], $0x80, s9, s7, $0xb8;
	[tilespmem:$0x1D000] =	vst v63  }
0x2b1: {  	_ =	swait.ge [sflag:s5], $0x4000  }
0x2b2: {  	[sflag:s5] =	ssyncset.done $0x0  }
0x2b3: {  	[sflag:s5] =	ssyncadd.s32 $0xFFFFC000  }
0x2b4: {  	_ =	swait.ge [sflag:s10], $0x4000  }
0x2b5: {  	[sflag:s10] =	ssyncset.done $0x0  }
0x2b6: {  	s25 =	simm.s32 $0xA80;
	[sflag:s10] =	ssyncadd.s32 $0xFFFFC000  }
0x2b7: {  	[tilespmem:s11], [sflag:$0x2] =	stream.indirect.gather [hbm4b:s0+s7], $0x80, s25, s7, $0xb8;
	[tilespmem:$0x1D000] =	vst v63  }
0x2b8: {  	s22 =	simm.s32 $0xE00  }
0x2b9: {  	[spmem:s2] =	stream.indirect.scatter.add.f32 [tilespmem:s4], [sflag:$0x4], $0x80, s22, s7, $0xb8;
	[tilespmem:$0x1D000] =	vst v63  }
0x2ba: {  	_ =	swait.ge [sflag:s5], $0x4000  }
0x2bb: {  	[sflag:s5] =	ssyncset.done $0x0  }
0x2bc: {  	[sflag:s5] =	ssyncadd.s32 $0xFFFFC000  }
0x2bd: {  	_ =	swait.ge [sflag:s12], $0x4000  }
0x2be: {  	[sflag:s12] =	ssyncset.done $0x0  }
0x2bf: {  	s26 =	simm.s32 $0xB00;
	[sflag:s12] =	ssyncadd.s32 $0xFFFFC000  }
0x2c0: {  	[tilespmem:s4], [sflag:$0x1] =	stream.indirect.gather [hbm4b:s0+s7], $0x80, s26, s7, $0xb8;
	[tilespmem:$0x1D000] =	vst v63  }
0x2c1: {  	s23 =	simm.s32 $0xE80  }
0x2c2: {  	[spmem:s2] =	stream.indirect.scatter.add.f32 [tilespmem:s11], [sflag:$0x4], $0x80, s23, s7, $0xb8;
	[tilespmem:$0x1D000] =	vst v63  }
0x2c3: {  	_ =	swait.ge [sflag:s5], $0x4000  }
0x2c4: {  	[sflag:s5] =	ssyncset.done $0x0  }
0x2c5: {  	[sflag:s5] =	ssyncadd.s32 $0xFFFFC000  }
0x2c6: {  	_ =	swait.ge [sflag:s10], $0x4000  }
0x2c7: {  	[sflag:s10] =	ssyncset.done $0x0  }
0x2c8: {  	s28 =	simm.s32 $0xB80;
	[sflag:s10] =	ssyncadd.s32 $0xFFFFC000  }
0x2c9: {  	[tilespmem:s11], [sflag:$0x2] =	stream.indirect.gather [hbm4b:s0+s7], $0x80, s28, s7, $0xb8;
	[tilespmem:$0x1D000] =	vst v63  }
0x2ca: {  	s1 =	simm.s32 $0xF00  }
0x2cb: {  	[spmem:s2] =	stream.indirect.scatter.add.f32 [tilespmem:s4], [sflag:$0x4], $0x80, s1, s7, $0xb8;
	[tilespmem:$0x1D000] =	vst v63  }
0x2cc: {  	_ =	swait.ge [sflag:s5], $0x4000  }
0x2cd: {  	[sflag:s5] =	ssyncset.done $0x0  }
0x2ce: {  	[sflag:s5] =	ssyncadd.s32 $0xFFFFC000  }
0x2cf: {  	_ =	swait.ge [sflag:s12], $0x4000  }
0x2d0: {  	[sflag:s12] =	ssyncset.done $0x0  }
0x2d1: {  	[sflag:s12] =	ssyncadd.s32 $0xFFFFC000  }
0x2d2: {  	_ =	swait.ge [sflag:s6], $0x400  }
0x2d3: {  	[sflag:s6] =	ssyncset.done $0x0  }
0x2d4: {  	[sflag:s6] =	ssyncadd.s32 $0xFFFFFC00  }
0x2d5: {  	_ =	swait.ge [sflag:s6], $0x400  }
0x2d6: {  	[sflag:s6] =	ssyncset.done $0x0  }
0x2d7: {  	[sflag:s6] =	ssyncadd.s32 $0xFFFFFC00  }
0x2d8: {  	[tilespmem:s4], [sflag:$0x1] =	stream.indirect.gather [hbm4b:s0+s7], $0x80, s3, s7, $0xb8;
	[tilespmem:$0x1D000] =	vst v63  }
0x2d9: {  	s1 =	simm.s32 $0xF80  }
0x2da: {  	[spmem:s2] =	stream.indirect.scatter.add.f32 [tilespmem:s11], [sflag:$0x4], $0x80, s1, s7, $0xb8;
	[tilespmem:$0x1D000] =	vst v63  }
0x2db: {  	_ =	swait.ge [sflag:s5], $0x4000  }
0x2dc: {  	[sflag:s5] =	ssyncset.done $0x0  }
0x2dd: {  	s24 =	rddreg [dreg:$0x17];
	[sflag:s5] =	ssyncadd.s32 $0xFFFFC000  }
0x2de: {  	[tilespmem:s17], [sflag:$0x3] =	stream.linear.gather [hbm4b:s24+s3], $0x400, $0x38;
	[tilespmem:$0x1D000] =	vst v63  }
0x2df: {  	s24 =	rddreg [dreg:$0x18]  }
0x2e0: {  	[tilespmem:s16], [sflag:$0x3] =	stream.linear.gather [hbm4b:s24+s3], $0x400, $0x38;
	[tilespmem:$0x1D000] =	vst v63  }
0x2e1: {  	_ =	swait.ge [sflag:s10], $0x4000  }
0x2e2: {  	[sflag:s10] =	ssyncset.done $0x0  }
0x2e3: {  	[sflag:s10] =	ssyncadd.s32 $0xFFFFC000  }
0x2e4: {  	[tilespmem:s11], [sflag:$0x2] =	stream.indirect.gather [hbm4b:s0+s7], $0x80, s7, s7, $0xb8;
	[tilespmem:$0x1D000] =	vst v63  }
0x2e5: {  	_ = 	snop  }
0x2e6: {  	[spmem:s2] =	stream.indirect.scatter.add.f32 [tilespmem:s4], [sflag:$0x4], $0x80, s21, s7, $0xb8;
	[tilespmem:$0x1D000] =	vst v63  }
0x2e7: {  	_ =	swait.ge [sflag:s5], $0x4000  }
0x2e8: {  	[sflag:s5] =	ssyncset.done $0x0  }
0x2e9: {  	[sflag:s5] =	ssyncadd.s32 $0xFFFFC000  }
0x2ea: {  	_ =	swait.ge [sflag:s12], $0x4000  }
0x2eb: {  	[sflag:s12] =	ssyncset.done $0x0  }
0x2ec: {  	s24 =	simm.s32 $0x100;
	[sflag:s12] =	ssyncadd.s32 $0xFFFFC000  }
0x2ed: {  	[tilespmem:s4], [sflag:$0x1] =	stream.indirect.gather [hbm4b:s0+s7], $0x80, s24, s7, $0xb8;
	[tilespmem:$0x1D000] =	vst v63  }
0x2ee: {  	s24 =	simm.s32 $0x480  }
0x2ef: {  	[spmem:s2] =	stream.indirect.scatter.add.f32 [tilespmem:s11], [sflag:$0x4], $0x80, s24, s7, $0xb8;
	[tilespmem:$0x1D000] =	vst v63  }
0x2f0: {  	_ =	swait.ge [sflag:s5], $0x4000  }
0x2f1: {  	[sflag:s5] =	ssyncset.done $0x0  }
0x2f2: {  	[sflag:s5] =	ssyncadd.s32 $0xFFFFC000  }
0x2f3: {  	_ =	swait.ge [sflag:s10], $0x4000  }
0x2f4: {  	[sflag:s10] =	ssyncset.done $0x0  }
0x2f5: {  	[sflag:s10] =	ssyncadd.s32 $0xFFFFC000  }
0x2f6: {  	[tilespmem:s11], [sflag:$0x2] =	stream.indirect.gather [hbm4b:s0+s7], $0x80, s13, s7, $0xb8;
	[tilespmem:$0x1D000] =	vst v63  }
0x2f7: {  	s24 =	simm.s32 $0x500  }
0x2f8: {  	[spmem:s2] =	stream.indirect.scatter.add.f32 [tilespmem:s4], [sflag:$0x4], $0x80, s24, s7, $0xb8;
	[tilespmem:$0x1D000] =	vst v63  }
0x2f9: {  	_ =	swait.ge [sflag:s5], $0x4000  }
0x2fa: {  	[sflag:s5] =	ssyncset.done $0x0  }
0x2fb: {  	[sflag:s5] =	ssyncadd.s32 $0xFFFFC000  }
0x2fc: {  	_ =	swait.ge [sflag:s12], $0x4000  }
0x2fd: {  	[sflag:s12] =	ssyncset.done $0x0  }
0x2fe: {  	s24 =	simm.s32 $0x200;
	[sflag:s12] =	ssyncadd.s32 $0xFFFFC000  }
0x2ff: {  	[tilespmem:s4], [sflag:$0x1] =	stream.indirect.gather [hbm4b:s0+s7], $0x80, s24, s7, $0xb8;
	[tilespmem:$0x1D000] =	vst v63  }
0x300: {  	s24 =	simm.s32 $0x580  }
0x301: {  	[spmem:s2] =	stream.indirect.scatter.add.f32 [tilespmem:s11], [sflag:$0x4], $0x80, s24, s7, $0xb8;
	[tilespmem:$0x1D000] =	vst v63  }
0x302: {  	_ =	swait.ge [sflag:s5], $0x4000  }
0x303: {  	[sflag:s5] =	ssyncset.done $0x0  }
0x304: {  	[sflag:s5] =	ssyncadd.s32 $0xFFFFC000  }
0x305: {  	_ =	swait.ge [sflag:s10], $0x4000  }
0x306: {  	[sflag:s10] =	ssyncset.done $0x0  }
0x307: {  	s24 =	simm.s32 $0x280;
	[sflag:s10] =	ssyncadd.s32 $0xFFFFC000  }
0x308: {  	[tilespmem:s11], [sflag:$0x2] =	stream.indirect.gather [hbm4b:s0+s7], $0x80, s24, s7, $0xb8;
	[tilespmem:$0x1D000] =	vst v63  }
0x309: {  	s24 =	simm.s32 $0x600  }
0x30a: {  	[spmem:s2] =	stream.indirect.scatter.add.f32 [tilespmem:s4], [sflag:$0x4], $0x80, s24, s7, $0xb8;
	[tilespmem:$0x1D000] =	vst v63  }
0x30b: {  	_ =	swait.ge [sflag:s5], $0x4000  }
0x30c: {  	[sflag:s5] =	ssyncset.done $0x0  }
0x30d: {  	[sflag:s5] =	ssyncadd.s32 $0xFFFFC000  }
0x30e: {  	_ =	swait.ge [sflag:s12], $0x4000  }
0x30f: {  	[sflag:s12] =	ssyncset.done $0x0  }
0x310: {  	s30 =	simm.s32 $0x300;
	[sflag:s12] =	ssyncadd.s32 $0xFFFFC000  }
0x311: {  	[tilespmem:s4], [sflag:$0x1] =	stream.indirect.gather [hbm4b:s0+s7], $0x80, s30, s7, $0xb8;
	[tilespmem:$0x1D000] =	vst v63  }
0x312: {  	s31 =	simm.s32 $0x680  }
0x313: {  	[spmem:s2] =	stream.indirect.scatter.add.f32 [tilespmem:s11], [sflag:$0x4], $0x80, s31, s7, $0xb8;
	[tilespmem:$0x1D000] =	vst v63  }
0x314: {  	_ =	swait.ge [sflag:s5], $0x4000  }
0x315: {  	[sflag:s5] =	ssyncset.done $0x0  }
0x316: {  	[sflag:s5] =	ssyncadd.s32 $0xFFFFC000  }
0x317: {  	_ =	swait.ge [sflag:s10], $0x4000  }
0x318: {  	[sflag:s10] =	ssyncset.done $0x0  }
0x319: {  	s30 =	simm.s32 $0x380;
	[sflag:s10] =	ssyncadd.s32 $0xFFFFC000  }
0x31a: {  	[tilespmem:s11], [sflag:$0x2] =	stream.indirect.gather [hbm4b:s0+s7], $0x80, s30, s7, $0xb8;
	[tilespmem:$0x1D000] =	vst v63  }
0x31b: {  	s31 =	simm.s32 $0x700  }
0x31c: {  	[spmem:s2] =	stream.indirect.scatter.add.f32 [tilespmem:s4], [sflag:$0x4], $0x80, s31, s7, $0xb8;
	[tilespmem:$0x1D000] =	vst v63  }
0x31d: {  	_ =	swait.ge [sflag:s5], $0x4000  }
0x31e: {  	[sflag:s5] =	ssyncset.done $0x0  }
0x31f: {  	[sflag:s5] =	ssyncadd.s32 $0xFFFFC000  }
0x320: {  	_ =	swait.ge [sflag:s12], $0x4000  }
0x321: {  	[sflag:s12] =	ssyncset.done $0x0  }
0x322: {  	[sflag:s12] =	ssyncadd.s32 $0xFFFFC000  }
0x323: {  	_ =	swait.ge [sflag:s6], $0x400  }
0x324: {  	[sflag:s6] =	ssyncset.done $0x0  }
0x325: {  	[sflag:s6] =	ssyncadd.s32 $0xFFFFFC00  }
0x326: {  	_ =	swait.ge [sflag:s6], $0x400  }
0x327: {  	[sflag:s6] =	ssyncset.done $0x0  }
0x328: {  	[sflag:s6] =	ssyncadd.s32 $0xFFFFFC00  }
0x329: {  	[tilespmem:s4], [sflag:$0x1] =	stream.indirect.gather [hbm4b:s0+s7], $0x80, s17, s7, $0xb8;
	[tilespmem:$0x1D000] =	vst v63  }
0x32a: {  	s17 =	simm.s32 $0x780  }
0x32b: {  	[spmem:s2] =	stream.indirect.scatter.add.f32 [tilespmem:s11], [sflag:$0x4], $0x80, s17, s7, $0xb8;
	[tilespmem:$0x1D000] =	vst v63  }
0x32c: {  	_ =	swait.ge [sflag:s5], $0x4000  }
0x32d: {  	[sflag:s5] =	ssyncset.done $0x0  }
0x32e: {  	[sflag:s5] =	ssyncadd.s32 $0xFFFFC000  }
0x32f: {  	_ =	swait.ge [sflag:s10], $0x4000  }
0x330: {  	[sflag:s10] =	ssyncset.done $0x0  }
0x331: {  	s15 =	simm.s32 $0x880;
	[sflag:s10] =	ssyncadd.s32 $0xFFFFC000  }
0x332: {  	[tilespmem:s11], [sflag:$0x2] =	stream.indirect.gather [hbm4b:s0+s7], $0x80, s15, s7, $0xb8;
	[tilespmem:$0x1D000] =	vst v63  }
0x333: {  	_ = 	snop  }
0x334: {  	[spmem:s2] =	stream.indirect.scatter.add.f32 [tilespmem:s4], [sflag:$0x4], $0x80, s16, s7, $0xb8;
	[tilespmem:$0x1D000] =	vst v63  }
0x335: {  	_ =	swait.ge [sflag:s5], $0x4000  }
0x336: {  	[sflag:s5] =	ssyncset.done $0x0  }
0x337: {  	[sflag:s5] =	ssyncadd.s32 $0xFFFFC000  }
0x338: {  	_ =	swait.ge [sflag:s12], $0x4000  }
0x339: {  	[sflag:s12] =	ssyncset.done $0x0  }
0x33a: {  	s14 =	simm.s32 $0x900;
	[sflag:s12] =	ssyncadd.s32 $0xFFFFC000  }
0x33b: {  	[tilespmem:s4], [sflag:$0x1] =	stream.indirect.gather [hbm4b:s0+s7], $0x80, s14, s7, $0xb8;
	[tilespmem:$0x1D000] =	vst v63  }
0x33c: {  	s29 =	simm.s32 $0xC80  }
0x33d: {  	[spmem:s2] =	stream.indirect.scatter.add.f32 [tilespmem:s11], [sflag:$0x4], $0x80, s29, s7, $0xb8;
	[tilespmem:$0x1D000] =	vst v63  }
0x33e: {  	_ =	swait.ge [sflag:s5], $0x4000  }
0x33f: {  	[sflag:s5] =	ssyncset.done $0x0  }
0x340: {  	[sflag:s5] =	ssyncadd.s32 $0xFFFFC000  }
0x341: {  	_ =	swait.ge [sflag:s10], $0x4000  }
0x342: {  	[sflag:s10] =	ssyncset.done $0x0  }
0x343: {  	s18 =	simm.s32 $0x980;
	[sflag:s10] =	ssyncadd.s32 $0xFFFFC000  }
0x344: {  	[tilespmem:s11], [sflag:$0x2] =	stream.indirect.gather [hbm4b:s0+s7], $0x80, s18, s7, $0xb8;
	[tilespmem:$0x1D000] =	vst v63  }
0x345: {  	s8 =	simm.s32 $0xD00  }
0x346: {  	[spmem:s2] =	stream.indirect.scatter.add.f32 [tilespmem:s4], [sflag:$0x4], $0x80, s8, s7, $0xb8;
	[tilespmem:$0x1D000] =	vst v63  }
0x347: {  	_ =	swait.ge [sflag:s5], $0x4000  }
0x348: {  	[sflag:s5] =	ssyncset.done $0x0  }
0x349: {  	[sflag:s5] =	ssyncadd.s32 $0xFFFFC000  }
0x34a: {  	_ =	swait.ge [sflag:s12], $0x4000  }
0x34b: {  	[sflag:s12] =	ssyncset.done $0x0  }
0x34c: {  	s19 =	simm.s32 $0xA00;
	[sflag:s12] =	ssyncadd.s32 $0xFFFFC000  }
0x34d: {  	[tilespmem:s4], [sflag:$0x1] =	stream.indirect.gather [hbm4b:s0+s7], $0x80, s19, s7, $0xb8;
	[tilespmem:$0x1D000] =	vst v63  }
0x34e: {  	s9 =	simm.s32 $0xD80  }
0x34f: {  	[spmem:s2] =	stream.indirect.scatter.add.f32 [tilespmem:s11], [sflag:$0x4], $0x80, s9, s7, $0xb8;
	[tilespmem:$0x1D000] =	vst v63  }
0x350: {  	_ =	swait.ge [sflag:s5], $0x4000  }
0x351: {  	[sflag:s5] =	ssyncset.done $0x0  }
0x352: {  	[sflag:s5] =	ssyncadd.s32 $0xFFFFC000  }
0x353: {  	_ =	swait.ge [sflag:s10], $0x4000  }
0x354: {  	[sflag:s10] =	ssyncset.done $0x0  }
0x355: {  	s20 =	simm.s32 $0xA80;
	[sflag:s10] =	ssyncadd.s32 $0xFFFFC000  }
0x356: {  	[tilespmem:s11], [sflag:$0x2] =	stream.indirect.gather [hbm4b:s0+s7], $0x80, s20, s7, $0xb8;
	[tilespmem:$0x1D000] =	vst v63  }
0x357: {  	s25 =	simm.s32 $0xE00  }
0x358: {  	[spmem:s2] =	stream.indirect.scatter.add.f32 [tilespmem:s4], [sflag:$0x4], $0x80, s25, s7, $0xb8;
	[tilespmem:$0x1D000] =	vst v63  }
0x359: {  	_ =	swait.ge [sflag:s5], $0x4000  }
0x35a: {  	[sflag:s5] =	ssyncset.done $0x0  }
0x35b: {  	[sflag:s5] =	ssyncadd.s32 $0xFFFFC000  }
0x35c: {  	_ =	swait.ge [sflag:s12], $0x4000  }
0x35d: {  	[sflag:s12] =	ssyncset.done $0x0  }
0x35e: {  	s22 =	simm.s32 $0xB00;
	[sflag:s12] =	ssyncadd.s32 $0xFFFFC000  }
0x35f: {  	[tilespmem:s4], [sflag:$0x1] =	stream.indirect.gather [hbm4b:s0+s7], $0x80, s22, s7, $0xb8;
	[tilespmem:$0x1D000] =	vst v63  }
0x360: {  	s26 =	simm.s32 $0xE80  }
0x361: {  	[spmem:s2] =	stream.indirect.scatter.add.f32 [tilespmem:s11], [sflag:$0x4], $0x80, s26, s7, $0xb8;
	[tilespmem:$0x1D000] =	vst v63  }
0x362: {  	_ =	swait.ge [sflag:s5], $0x4000  }
0x363: {  	[sflag:s5] =	ssyncset.done $0x0  }
0x364: {  	[sflag:s5] =	ssyncadd.s32 $0xFFFFC000  }
0x365: {  	_ =	swait.ge [sflag:s10], $0x4000  }
0x366: {  	[sflag:s10] =	ssyncset.done $0x0  }
0x367: {  	s23 =	simm.s32 $0xB80;
	[sflag:s10] =	ssyncadd.s32 $0xFFFFC000  }
0x368: {  	[tilespmem:s11], [sflag:$0x2] =	stream.indirect.gather [hbm4b:s0+s7], $0x80, s23, s7, $0xb8;
	[tilespmem:$0x1D000] =	vst v63  }
0x369: {  	s28 =	simm.s32 $0xF00  }
0x36a: {  	[spmem:s2] =	stream.indirect.scatter.add.f32 [tilespmem:s4], [sflag:$0x4], $0x80, s28, s7, $0xb8;
	[tilespmem:$0x1D000] =	vst v63  }
0x36b: {  	_ =	swait.ge [sflag:s5], $0x4000  }
0x36c: {  	[sflag:s5] =	ssyncset.done $0x0  }
0x36d: {  	[sflag:s5] =	ssyncadd.s32 $0xFFFFC000  }
0x36e: {  	_ =	swait.ge [sflag:s12], $0x4000  }
0x36f: {  	[sflag:s12] =	ssyncset.done $0x0  }
0x370: {  	[sflag:s12] =	ssyncadd.s32 $0xFFFFC000  }
0x371: {  	[spmem:s2] =	stream.indirect.scatter.add.f32 [tilespmem:s11], [sflag:$0x4], $0x80, s1, s7, $0xb8;
	[tilespmem:$0x1D000] =	vst v63  }
0x372: {  	_ =	swait.ge [sflag:s5], $0x4000  }
0x373: {  	[sflag:s5] =	ssyncset.done $0x0  }
0x374: {  	[sflag:s5] =	ssyncadd.s32 $0xFFFFC000  }
0x375: {  	s22 =	stileid.u32;
	[bflag:$0x0] =	sbarrier.arrive $0xFFFF  }
0x376: {  	s24 =	sshll.u32 s22, $0x6;
	s23 =	rddreg [dreg:$0x19]  }
0x377: {  	s24 =	sor.u32 $0x1C04, s24;
	s29 =	rddreg [dreg:$0x1a];
	s25 =	sshrl.u32 s23, $0x3  }
0x378: {  	[hbm:s29], [sflag:s24] =	dma.local [spmem:s25], $0x2800  }
0x379: {  	_ =	swait.ge [sflag:s5], $0x2800  }
0x37a: {  	s30 =	sld [smem:$0x7FD];
	_ =	sdelay $0x2  }
0x37b: {  	s31 =	rddreg [dreg:$0x1b];
	s1 =	sadd.s32 $0x1, s30  }
0x37c: {  	p0 =	sne.s32 s1, s31  }
.Ltmp1:
0x37d: {  	_ = 	snop;
	(pc) =	sbr.rel @p0 .LBB2_1-.Ltmp1, $3  }
0x37e: {  	_ =	sdelay $0x1  }
0x37f: {  	[sflag:s5] =	ssyncset.done $0x0  }
0x380: {  	[sflag:s5] =	ssyncadd.s32 $0xFFFFD800  }
0x381: {  	_ =	sfence.sel $0x180000  }
0x382: {  	[bflag:$0x0] =	sbarrier.arrive $0xFFFF  }
0x383: {  	_ =	strace $0x9000004A  }
0x384: {  	s0 =	stileid.u32;
	[bflag:$0x2] =	sbarrier.arrive $0xFFFF  }
0x385: {  	p0 =	sne.s32 s0, $0x0;
	s0 =	rddreg [dreg:$0x4]  }
0x386: {  	s0 =	sadd.s32 @!p0 $0x100000, s0  }
0x387: {  	[sflag:s0] =	ssyncadd.tile.s32 @!p0 $0x1;
	_ =	shalt  }
.Lfunc_end2:
_tile_overlayer_lowered:
.L_overlay_start_2:
0x388: {  	(tag) =	ssettag $0x2  }
0x389: {  	s0 =	rddreg [dreg:$0x0];
	s2 =	stileid.u32  }
0x38a: {  	s1 =	rddreg [dreg:$0x1];
	p0 =	sne.s32 s2, $0x0  }
0x38b: {  	s3 =	rddreg [dreg:$0x2];
	[bflag:$0x3] =	sbarrier.arrive $0xFFFF;
	s2 =	simm.s32 @!p0 $0x1C04  }
0x38c: {  	[timem:s3], [sflag:s2] =	dma.local @!p0 [hbm:s0], s1  }
0x38d: {  	s0 =	simm.s32 @!p0 $0x4  }
0x38e: {  	_ =	swait.ge @!p0 [sflag:s0], s1  }
0x38f: {  	s1 =	ssub.s32 @!p0 $0x0, s1;
	[sflag:s0] =	ssyncset.done @!p0 $0x0  }
0x390: {  	[sflag:s0] =	ssyncadd.s32 @!p0 s1  }
0x391: {  	[bflag:$0x3] =	sbarrier.arrive $0xFFFF  }
0x392: {  	_ =	shalt  }

// kernel: kernel.8.cloned.1.call-start
scs
__scs_entry_jumppad:
0x0: {  	(pc) =	sbr.rel $0x88, $3  }
0x1: {  	(tag) =	ssettag $0x0;
	lr =	simm.s32 $0x1  }
0x2: {  	[smem:$0x3F9D] =	sst lr;
	_ =	strace $0xD0000000  }
0x3: {  	_ = 	snop  }
0x4: {  	_ = 	snop  }
0x5: {  	_ = 	snop  }
0x6: {  	_ = 	snop  }
0x7: {  	_ = 	snop  }
__scs_overlays_trampoline_lowered:
0x8: {  	[smem:$0x3FAC] =	sst s0  }
0x9: {  	[smem:$0x3FAD] =	sst s1  }
0xa: {  	[smem:$0x3FAE] =	sst s2  }
0xb: {  	[smem:$0x3FAF] =	sst s3  }
0xc: {  	[smem:$0x3FB0] =	sst s4  }
0xd: {  	[smem:$0x3FB1] =	sst s5  }
0xe: {  	[smem:$0x3FB2] =	sst s6  }
0xf: {  	[smem:$0x3FB3] =	sst s7  }
0x10: {  	[smem:$0x3FB4] =	sst s8  }
0x11: {  	[smem:$0x3FB5] =	sst s9;
	s0 =	simm.s32 @!p0 $0x0  }
0x12: {  	s1 =	sld [smem:$0x3F9B];
	s0 =	simm.s32 @p0 $0x1  }
0x13: {  	[smem:$0x3FB6] =	sst s0;
	s0 =	simm.s32 @!p1 $0x0  }
0x14: {  	s2 =	sld [smem:$0x3F9A];
	s0 =	simm.s32 @p1 $0x1  }
0x15: {  	[smem:$0x3FB7] =	sst s0;
	s0 =	simm.s32 @!p2 $0x0  }
0x16: {  	s3 =	sld [smem:$0x3FDB];
	s0 =	simm.s32 @p2 $0x1  }
0x17: {  	s4 =	simm.s32 $0x1BF5;
	[smem:$0x3FB9] =	sst s0  }
0x18: {  	s0 =	sld [smem:$0x3F9C];
	_ =	swait.ge [sflag:s4], $0x0  }
0x19: {  	s7 =	sld [smem:$0x3F9D]  }
0x1a: {  	s8 =	sadd.s32 $0xFFFFE003, lr  }
0x1b: {  	s9 =	sadd.s32 $0xFFFFFEF7, lr;
	s5 =	simm.s32 $0xFFFFFFFF;
	p2 =	slt.u32 s8, $0xFFFFF086  }
0x1c: {  	p1 =	slt.u32 s9, $0xF7A;
	s5 =	simm.s32 @!p2 $0x0  }
0x1d: {  	s5 =	simm.s32 @p1 $0x1;
	p0 =	seq.s32 s7, s2  }
0x1e: {  	s7 =	smul.u32 @!p0 $0xF7A, s2;
	p2 =	seq.s32 @!p0 s5, $0x0  }
0x1f: {  	s9 =	smul.u32 $0xF7A, s1;
	s8 =	simm.s32 @!p0 $0x1BF5;
	p2 =	por !p2, p0  }
0x20: {  	[sflag:s8] =	ssyncset.s32 @!p0 $0xFFFFF086;
	s6 =	sadd.s32 @!p0 s3, s7;
	s7 =	simm.s32 @!p0 $0x108  }
0x21: {  	s3 =	sadd.s32 s3, s9;
	s6 =	sadd.s32 @!p0 $0x88, s6;
	s7 =	simm.s32 @p2 $0x1082  }
0x22: {  	[simem:s7], [sflag:s8] =	dma.local @!p0 [hbm:s6], $0xF7A  }
0x23: {  	s9 =	sor.u32 $0xD0000000, s2;
	s6 =	simm.s32 $0x108;
	_ =	swait.ge @!p0 [sflag:s8], $0x0  }
0x24: {  	s3 =	sadd.s32 $0x88, s3;
	s6 =	simm.s32 @!p1 $0x1082;
	[sflag:s4] =	ssyncset.s32 $0xFFFFF086  }
0x25: {  	[simem:s6], [sflag:s4] =	dma.local [hbm:s3], $0xF7A  }
0x26: {  	[smem:$0x3F9D] =	sst s1;
	(tag) =	ssettag s2;
	_ =	strace s9  }
0x27: {  	s1 =	sld [smem:$0x3FAD]  }
0x28: {  	s2 =	sld [smem:$0x3FAE]  }
0x29: {  	s4 =	sld [smem:$0x3FB0]  }
0x2a: {  	p0 =	seq.s32 s5, $0x0;
	s5 =	sld [smem:$0x3FB1]  }
0x2b: {  	s6 =	sld [smem:$0x3FB2]  }
0x2c: {  	s7 =	sld [smem:$0x3FB3]  }
0x2d: {  	s3 =	simm.s32 $0x108;
	s8 =	sld [smem:$0x3FB4]  }
0x2e: {  	s3 =	simm.s32 @!p0 $0x1082;
	s9 =	sld [smem:$0x3FB5]  }
0x2f: {  	lr =	sadd.s32 s0, s3;
	s0 =	sld [smem:$0x3FAC]  }
0x30: {  	s3 =	sld [smem:$0x3FAF]  }
0x31: {  	[smem:$0x3FB8] =	sst s10  }
0x32: {  	s10 =	sld [smem:$0x3FB6];
	_ =	sdelay $0x3  }
0x33: {  	p0 =	seq.s32 s10, $0x1;
	s10 =	sld [smem:$0x3FB8];
	_ =	sdelay $0x3  }
0x34: {  	[smem:$0x3FB8] =	sst s10  }
0x35: {  	s10 =	sld [smem:$0x3FB7];
	_ =	sdelay $0x3  }
0x36: {  	p1 =	seq.s32 s10, $0x1;
	s10 =	sld [smem:$0x3FB8];
	_ =	sdelay $0x3  }
0x37: {  	[smem:$0x3FB8] =	sst s10  }
0x38: {  	s10 =	sld [smem:$0x3FB9]  }
0x39: {  	_ = 	snop;
	(pc) =	sbr.ind lr, $3  }
0x3a: {  	_ = 	snop  }
0x3b: {  	_ = 	snop  }
0x3c: {  	p2 =	seq.s32 s10, $0x1;
	s10 =	sld [smem:$0x3FB8]  }
0x3d: {  	_ =	shalt  }
0x3e: {  	_ =	shalt  }
0x3f: {  	_ =	shalt  }
0x40: {  	_ =	shalt  }
0x41: {  	_ =	shalt  }
0x42: {  	_ =	shalt  }
0x43: {  	_ =	shalt  }
0x44: {  	_ =	shalt  }
0x45: {  	_ =	shalt  }
0x46: {  	_ =	shalt  }
0x47: {  	_ =	shalt  }
0x48: {  	_ =	shalt  }
0x49: {  	_ =	shalt  }
0x4a: {  	_ =	shalt  }
0x4b: {  	_ =	shalt  }
0x4c: {  	_ =	shalt  }
0x4d: {  	_ =	shalt  }
0x4e: {  	_ =	shalt  }
0x4f: {  	_ =	shalt  }
0x50: {  	_ =	shalt  }
0x51: {  	_ =	shalt  }
0x52: {  	_ =	shalt  }
0x53: {  	_ =	shalt  }
0x54: {  	_ =	shalt  }
0x55: {  	_ =	shalt  }
0x56: {  	_ =	shalt  }
0x57: {  	_ =	shalt  }
0x58: {  	_ =	shalt  }
0x59: {  	_ =	shalt  }
0x5a: {  	_ =	shalt  }
0x5b: {  	_ =	shalt  }
0x5c: {  	_ =	shalt  }
0x5d: {  	_ =	shalt  }
0x5e: {  	_ =	shalt  }
0x5f: {  	_ =	shalt  }
0x60: {  	_ =	shalt  }
0x61: {  	_ =	shalt  }
0x62: {  	_ =	shalt  }
0x63: {  	_ =	shalt  }
0x64: {  	_ =	shalt  }
0x65: {  	_ =	shalt  }
0x66: {  	_ =	shalt  }
0x67: {  	_ =	shalt  }
0x68: {  	_ =	shalt  }
0x69: {  	_ =	shalt  }
0x6a: {  	_ =	shalt  }
0x6b: {  	_ =	shalt  }
0x6c: {  	_ =	shalt  }
0x6d: {  	_ =	shalt  }
0x6e: {  	_ =	shalt  }
0x6f: {  	_ =	shalt  }
0x70: {  	_ =	shalt  }
0x71: {  	_ =	shalt  }
0x72: {  	_ =	shalt  }
0x73: {  	_ =	shalt  }
0x74: {  	_ =	shalt  }
0x75: {  	_ =	shalt  }
0x76: {  	_ =	shalt  }
0x77: {  	_ =	shalt  }
0x78: {  	_ =	shalt  }
0x79: {  	_ =	shalt  }
0x7a: {  	_ =	shalt  }
0x7b: {  	_ =	shalt  }
0x7c: {  	_ =	shalt  }
0x7d: {  	_ =	shalt  }
0x7e: {  	_ =	shalt  }
0x7f: {  	_ =	shalt  }
0x80: {  	_ =	shalt  }
0x81: {  	_ =	shalt  }
0x82: {  	_ =	shalt  }
0x83: {  	_ =	shalt  }
0x84: {  	_ =	shalt  }
0x85: {  	_ =	shalt  }
0x86: {  	_ =	shalt  }
0x87: {  	_ =	shalt  }
.Lfunc_end0:
.L_simem_size_0:
called_computation.1_lowered:
.L_overlay_start_0:
0x88: {  	s2 =	sld [smem:$0x3FD9]  }
0x89: {  	s3 =	sld [smem:$0x3FFE];
	_ =	sdelay $0x1  }
0x8a: {  	s1 =	srdreg.scid  }
0x8b: {  	s0 =	sand.u32 $0x1, s1  }
0x8c: {  	s16 =	sshll.u32 s0, $0xA;
	s2 =	sadd.s32 s3, s2  }
0x8d: {  	s2 =	sadd.s32 s2, s16  }
0x8e: {  	[smem:$0x3FC4] =	sst s2  }
0x8f: {  	_ = 	snop  }
0x90: {  	(tm) =	ssettm $0x1  }
0x91: {  	s17 =	sld [smem:$0x3FFB];
	_ =	sdelay $0x3  }
0x92: {  	_ =	strace s17  }
0x93: {  	s2 =	sld [smem:$0x3FFC];
	_ =	sdelay $0x3  }
0x94: {  	_ =	strace s2  }
0x95: {  	s2 =	sld [smem:$0x3FFD];
	_ =	sdelay $0x3  }
0x96: {  	_ =	strace s2  }
0x97: {  	_ =	strace $0x8FFFFFFF  }
0x98: {  	s18 =	sld [smem:$0x3FDB];
	_ =	sdelay $0x1  }
0x99: {  	s19 =	simm.s32 $_scs_section_size  }
0x9a: {  	s4 =	simm.s32 $_size__tile_overlayer_lowered;
	s5 =	simm.s32 $_tile_overlayer_lowered  }
0x9b: {  	s22 =	simm.s32 $0x1BFF;
	s21 =	sshll.u32 s5, $0x1;
	s2 =	sadd.s32 s19, s18  }
0x9c: {  	s6 =	simm.s32 $0x0;
	s20 =	sshll.u32 s4, $0x1;
	s4 =	sadd.s32 s21, s2  }
0x9d: {  	[timem:s6], [sflag:s22] =	dma.local [hbm:s4], s20  }
0x9e: {  	_ =	swait.ge [sflag:s22], s20  }
0x9f: {  	s3 =	ssub.s32 $0x0, s20;
	[sflag:s22] =	ssyncset.done $0x0  }
0xa0: {  	[sflag:s22] =	ssyncadd.s32 s3;
	_ =	sdelay $0x1  }
0xa1: {  	s23 =	simm.s32 $0x1B8B  }
0xa2: {  	_ =	swait.ge [sflag:s23], $0x1  }
0xa3: {  	[sflag:s23] =	ssyncset.done $0x0  }
0xa4: {  	s25 =	simm.s32 $0x1B8E;
	s24 =	sld [smem:$0x3FFE];
	[sflag:s23] =	ssyncadd.s32 $0xFFFFFFFF  }
0xa5: {  	s26 =	simm.s32 $execute0_lowered;
	[smem:$0x3FD2] =	sst s25  }
0xa6: {  	s4 =	sshll.u32 s26, $0x1;
	_ =	strace $0x80000046;
	[dreg:$0x1] =	wrdreg $0xFFFFFFFF  }
0xa7: {  	s28 =	simm.s32 $_size_execute0_lowered;
	s2 =	sadd.s32 s2, s4;
	[dreg:$0x0] =	wrdreg $0x0  }
0xa8: {  	s4 =	sshll.u32 s28, $0x1;
	[dreg:$0x2] =	wrdreg s2  }
0xa9: {  	[dreg:$0x3] =	wrdreg s4  }
0xaa: {  	[dreg:$0x4] =	wrdreg $0xC0  }
0xab: {  	_ =	task [dreg:s6], $0x5FFFF  }
0xac: {  	[dreg:$0x1] =	wrdreg $0xFFFFFFFF  }
0xad: {  	[dreg:$0x0] =	wrdreg $0x60  }
0xae: {  	[dreg:$0x2] =	wrdreg s24  }
0xaf: {  	[dreg:$0x3] =	wrdreg $0x38000  }
0xb0: {  	[dreg:$0x4] =	wrdreg $0xA  }
0xb1: {  	_ =	task.clear_ibuf [dreg:s6], $0x5FFFF;
	_ =	strace $0x90000046  }
0xb2: {  	s29 =	simm.s32 $0xA;
	_ =	strace $0x80000048  }
0xb3: {  	_ =	swait.ge [sflag:s29], $0x1  }
0xb4: {  	[sflag:s29] =	ssyncadd.s32 $0xFFFFFFFF  }
0xb5: {  	_ =	strace $0x90000048  }
0xb6: {  	_ =	sfence  }
0xb7: {  	s30 =	sld [smem:$0x0];
	_ =	sdelay $0x2  }
0xb8: {  	s31 =	sshll.u32 s1, $0xD;
	s1 =	sshrl.u32 s1, $0x2  }
0xb9: {  	s3 =	sand.u32 $0x4000, s31;
	s1 =	sadd.s32 s1, s30  }
0xba: {  	s0 =	sor.u32 s3, s0;
	s1 =	sshll.u32 s1, $0x11  }
0xbb: {  	s0 =	sor.u32 s1, s0  }
0xbc: {  	s0 =	sadd.s32 $0x8F2B, s0  }
0xbd: {  	[sflag:s0] =	ssyncadd.remote.s32 $0x1  }
0xbe: {  	_ =	sfence.sel $0xFFFF  }
0xbf: {  	[dreg:$0x0] =	wrdreg $0xFFFFFFFF;
	(pc) =	sbr.abs _section_cstart, $3  }
0xc0: {  	[dreg:$0x1] =	wrdreg $0xFFFFFFFF  }
0xc1: {  	_ =	task.clear_ibuf [dreg:s6], $0x2FFFF;
	_ =	strace $0x9FFFFFFF  }
0xc2: {  	(tm) =	ssettm $0x7FFFFFFF  }
0xc3: {  	_ =	shalt  }
tec
execute0_lowered:
.L_overlay_start_1:
0x0: {  	(tag) =	ssettag $0x1  }
0x1: {  	s5 =	rddreg [dreg:$0x0]  }
0x2: {  	s0 =	srdreg.scid;
	s2 =	rddreg [dreg:$0x1]  }
0x3: {  	s3 =	simm.s32 $0x0;
	s4 =	sand.u32 $0x1, s0;
	s0 =	stileid.u32  }
0x4: {  	s13 =	simm.s32 $0x1;
	s14 =	simm.s32 $0x80;
	s7 =	smul.u32 $0x2800, s0  }
0x5: {  	s15 =	simm.s32 $0x2800;
	[smem:$0x7FF] =	sst s3;
	s8 =	smul.u32 $0x28000, s4  }
0x6: {  	s1 =	sshll.u32 s4, $0x4;
	s9 =	smul.u32 $0xA000, s0;
	s4 =	ssub.s32 $0x2, s4  }
0x7: {  	s16 =	sshll.u32 s0, $0x6;
	s1 =	sor.u32 s0, s1;
	s30 =	sshrl.u32 s4, $0x1  }
0x8: {  	s16 =	sor.u32 $0x1C01, s16;
	s6 =	smul.u32 $0x500, s1;
	s1 =	rddreg [dreg:$0x2]  }
0x9: {  	_ =	strace $0x80000047;
	s29 =	sadd.s32 s7, s8;
	s9 =	sshrl.u32 s9, $0x2  }
0xa: {  	s12 =	ssub.s32 s4, s30;
	s4 =	sadd.s32 s7, s2;
	s31 =	sadd.s32 s9, s2  }
0xb: {  	s17 =	sshrl.u32 s4, $0x3;
	s10 =	sadd.s32 s6, s5;
	s6 =	sshrl.u32 s29, $0x3  }
0xc: {  	s7 =	sadd.s32 $0x1800, s31;
	s8 =	sadd.s32 $0x2000, s31;
	s11 =	sadd.s32 s6, s5  }
0xd: {  	s5 =	sadd.s32 $0x800, s31;
	s6 =	sadd.s32 $0x1000, s31;
	s9 =	sadd.s32 $0x1000, s10  }
0xe: {  	v0 =	vimm.f32 $1.000000000e+00;
	v1 =	vimm.f32 $0.0e+00;
	s10 =	sadd.s32 $0xB000, s11;
	s11 =	smax.u32 s12, $0x1;
	s12 =	simm.s32 $0x3000  }
.LBB2_1:
0xf: {  	s18 =	simm.s32 $0x40;
	s19 =	simm.s32 $0x0  }
.LBB2_2:
0x10: {  	p0 =	sne.s32 s18, $0x1FC0;
	[tilespmem:s19+$0x2800] =	vst v0;
	s20 =	smov.u32 s18;
	s18 =	sadd.s32 $0x40, s18  }
.Ltmp0:
0x11: {  	[tilespmem:s19+$0x3000] =	vst v1;
	(pc) =	sbr.rel @p0 .LBB2_2-.Ltmp0, $2  }
0x12: {  	_ =	sdelay $0x2  }
0x13: {  	s19 =	sshra.s32 s20, $0x2  }
0x14: {  	[tilespmem:s19+$0x2800] =	vst v0  }
0x15: {  	[tilespmem:s19+$0x3000] =	vst v1  }
0x16: {  	[spmem:s4] =	stream.linear.scatter [tilespmem:s12], [sflag:$0x1], $0x800, $0x38;
	[tilespmem:$0x6000] =	vst v63  }
0x17: {  	_ =	swait.ge [sflag:s13], $0x800  }
0x18: {  	[sflag:s13] =	ssyncset.done $0x0  }
0x19: {  	[sflag:s13] =	ssyncadd.s32 $0xFFFFF800  }
0x1a: {  	[spmem:s5] =	stream.linear.scatter [tilespmem:s12], [sflag:$0x1], $0x800, $0x38;
	[tilespmem:$0x6000] =	vst v63  }
0x1b: {  	_ =	swait.ge [sflag:s13], $0x800  }
0x1c: {  	[sflag:s13] =	ssyncset.done $0x0  }
0x1d: {  	[sflag:s13] =	ssyncadd.s32 $0xFFFFF800  }
0x1e: {  	[spmem:s6] =	stream.linear.scatter [tilespmem:s12], [sflag:$0x1], $0x800, $0x38;
	[tilespmem:$0x6000] =	vst v63  }
0x1f: {  	_ =	swait.ge [sflag:s13], $0x800  }
0x20: {  	[sflag:s13] =	ssyncset.done $0x0  }
0x21: {  	[sflag:s13] =	ssyncadd.s32 $0xFFFFF800  }
0x22: {  	[spmem:s7] =	stream.linear.scatter [tilespmem:s12], [sflag:$0x1], $0x800, $0x38;
	[tilespmem:$0x6000] =	vst v63  }
0x23: {  	_ =	swait.ge [sflag:s13], $0x800  }
0x24: {  	[sflag:s13] =	ssyncset.done $0x0  }
0x25: {  	[sflag:s13] =	ssyncadd.s32 $0xFFFFF800  }
0x26: {  	[spmem:s8] =	stream.linear.scatter [tilespmem:s12], [sflag:$0x1], $0x800, $0x38;
	[tilespmem:$0x6000] =	vst v63  }
0x27: {  	_ =	swait.ge [sflag:s13], $0x800  }
0x28: {  	[sflag:s13] =	ssyncset.done $0x0  }
0x29: {  	s18 =	simm.s32 $0x0;
	[sflag:s13] =	ssyncadd.s32 $0xFFFFF800  }
0x2a: {  	[tilespmem:s18], [sflag:$0x1] =	stream.linear.gather [hbm4b:s9+s18], $0x2800, $0x38;
	[tilespmem:$0x6000] =	vst v63  }
0x2b: {  	_ =	swait.ge [sflag:s13], $0x2800  }
0x2c: {  	[sflag:s13] =	ssyncset.done $0x0  }
0x2d: {  	[sflag:s13] =	ssyncadd.s32 $0xFFFFD800  }
0x2e: {  	s31 =	simm.s32 $0x0;
	[bflag:$0x0] =	sbarrier.arrive $0xFFFF  }
0x2f: {  	[spmem:s2] =	stream.indirect.scatter.add.f32 [tilespmem:s15], [sflag:$0x1], $0x10, s31, s14, $0xb8;
	[tilespmem:$0x6000] =	vst v63  }
0x30: {  	_ =	swait.ge [sflag:s13], $0x800  }
0x31: {  	s18 =	simm.s32 $0x200;
	[sflag:s13] =	ssyncset.done $0x0  }
.LBB2_4:
0x32: {  	s19 =	sshra.s32 s18, $0x2;
	[sflag:s13] =	ssyncadd.s32 $0xFFFFF800;
	p0 =	sne.s32 s18, $0x9E00  }
0x33: {  	[spmem:s2] =	stream.indirect.scatter.add.f32 [tilespmem:s15], [sflag:$0x1], $0x10, s19, s14, $0xb8;
	[tilespmem:$0x6000] =	vst v63  }
.Ltmp1:
0x34: {  	_ = 	snop;
	(pc) =	sbr.rel @p0 .LBB2_4-.Ltmp1, $4  }
0x35: {  	_ = 	snop  }
0x36: {  	s18 =	sadd.s32 $0x200, s18  }
0x37: {  	_ =	swait.ge [sflag:s13], $0x800  }
0x38: {  	[sflag:s13] =	ssyncset.done $0x0  }
0x39: {  	s3 =	sadd.s32 $0x1, s3  }
0x3a: {  	[sflag:s13] =	ssyncadd.s32 $0xFFFFF800;
	p0 =	sne.s32 s3, s11  }
.Ltmp2:
0x3b: {  	[bflag:$0x0] =	sbarrier.arrive $0xFFFF;
	(pc) =	sbr.rel @p0 .LBB2_1-.Ltmp2, $4  }
0x3c: {  	[hbm:s10], [sflag:s16] =	dma.local [spmem:s17], $0x500  }
0x3d: {  	_ =	swait.ge [sflag:s13], $0x500  }
0x3e: {  	[sflag:s13] =	ssyncset.done $0x0  }
0x3f: {  	[sflag:s13] =	ssyncadd.s32 $0xFFFFFB00  }
0x40: {  	_ =	sfence.sel $0x180000  }
0x41: {  	[bflag:$0x0] =	sbarrier.arrive $0xFFFF  }
0x42: {  	p0 =	sne.s32 s0, $0x0;
	_ =	strace $0x90000047  }
0x43: {  	s0 =	sadd.s32 @!p0 $0x100000, s1;
	[bflag:$0x2] =	sbarrier.arrive $0xFFFF  }
0x44: {  	[sflag:s0] =	ssyncadd.tile.s32 @!p0 $0x1;
	_ =	shalt  }
.Lfunc_end2:
_tile_overlayer_lowered:
.L_overlay_start_2:
0x45: {  	(tag) =	ssettag $0x2  }
0x46: {  	s0 =	rddreg [dreg:$0x0];
	s2 =	stileid.u32  }
0x47: {  	s1 =	rddreg [dreg:$0x1];
	p0 =	sne.s32 s2, $0x0  }
0x48: {  	s3 =	rddreg [dreg:$0x2];
	[bflag:$0x3] =	sbarrier.arrive $0xFFFF;
	s2 =	simm.s32 @!p0 $0x1C01  }
0x49: {  	[timem:s3], [sflag:s2] =	dma.local @!p0 [hbm:s0], s1  }
0x4a: {  	s0 =	simm.s32 @!p0 $0x1  }
0x4b: {  	_ =	swait.ge @!p0 [sflag:s0], s1  }
0x4c: {  	s1 =	ssub.s32 @!p0 $0x0, s1;
	[sflag:s0] =	ssyncset.done @!p0 $0x0  }
0x4d: {  	[sflag:s0] =	ssyncadd.s32 @!p0 s1  }
0x4e: {  	[bflag:$0x3] =	sbarrier.arrive $0xFFFF  }
0x4f: {  	_ =	shalt  }

</sc_bundles>
